<compile_context>
chip_gen: v7x
topology: tpu7x:2x2x1
jax: 0.10.2.dev20260603
libtpu: 0.0.44.dev20260713+nightly
codegen_flags: <defaults>
</compile_context>

<pallas_src>
import functools

import jax
import jax.numpy as jnp
from jax import lax
from jax.experimental import pallas as pl
from jax.experimental.pallas import tpu as pltpu
from jax.experimental.pallas import tpu_sc as plsc

N = 10000
E = 320000
EPS = 1e-5
_S = (1.0 + EPS) ** -0.5

NC = 2
NS = 16
NW = NC * NS
CHUNK = 128
NCHUNKS = 80
EPW = NCHUNKS * CHUNK
E_PAD = EPW * NW
N_ACC = 10112
RPT = N_ACC // NS
DEG_W = 16

_mesh = plsc.VectorSubcoreMesh(
    core_axis_name="c", subcore_axis_name="s", num_cores=NC, num_subcores=NS
)
_sc_params = pltpu.CompilerParams(use_tc_tiling_on_sc=False)
_sc_params_nl = pltpu.CompilerParams(use_tc_tiling_on_sc=False,
                                     needs_layout_passes=False)



@functools.partial(
    pl.kernel,
    out_type=jax.ShapeDtypeStruct((NC, N_ACC, DEG_W), jnp.float32),
    mesh=_mesh,
    compiler_params=_sc_params,
    scratch_types=[
        pltpu.VMEM((NCHUNKS, CHUNK), jnp.int32),
        pltpu.VMEM((CHUNK, DEG_W), jnp.float32),
        pltpu.VMEM_SHARED((N_ACC, DEG_W), jnp.float32),
    ],
)
def _deg_kernel(dst_hbm, zeros_hbm, out_hbm, dstv, ones_v, acc):
    cid = lax.axis_index("c")
    sid = lax.axis_index("s")
    wid = sid * NC + cid
    pltpu.sync_copy(zeros_hbm.at[pl.ds(sid * RPT, RPT)],
                    acc.at[pl.ds(sid * RPT, RPT)])
    pltpu.sync_copy(dst_hbm.at[wid], dstv)

    def fill(i, carry):
        ones_v[i, :] = jnp.ones((16,), jnp.float32)
        return carry

    lax.fori_loop(0, CHUNK, fill, 0)
    plsc.subcore_barrier()

    def body(j, carry):
        pltpu.sync_copy(ones_v, acc.at[dstv.at[j]], add=True)
        return carry

    lax.fori_loop(0, NCHUNKS, body, 0)
    plsc.subcore_barrier()
    pltpu.sync_copy(acc.at[pl.ds(sid * RPT, RPT)],
                    out_hbm.at[cid, pl.ds(sid * RPT, RPT)])


NBUF = 4
LOOK = 2


def _make_scatter(W, chunk, nphase):
    nchunks = EPW // chunk
    pchunks = nchunks // nphase
    ng = pchunks // NBUF

    @functools.partial(
        pl.kernel,
        out_type=jax.ShapeDtypeStruct((NC, N_ACC, W), jnp.float32),
        mesh=_mesh,
        compiler_params=_sc_params_nl,
        scratch_types=[
            pltpu.VMEM((pchunks, chunk), jnp.int32),
            pltpu.VMEM((pchunks, chunk), jnp.int32),
            [pltpu.VMEM((chunk, W), jnp.float32) for _ in range(NBUF)],
            pltpu.VMEM_SHARED((N_ACC, W), jnp.float32),
            [pltpu.SemaphoreType.DMA for _ in range(NBUF)],
            [pltpu.SemaphoreType.DMA for _ in range(NBUF)],
        ],
    )
    def _scatter(xs_hbm, src_hbm, dst_hbm, zeros_hbm, out_hbm,
                 srcv, dstv, rows, acc, gsems, ssems):
        cid = lax.axis_index("c")
        sid = lax.axis_index("s")
        wid = sid * NC + cid
        pltpu.sync_copy(zeros_hbm.at[pl.ds(sid * RPT, RPT)],
                        acc.at[pl.ds(sid * RPT, RPT)])
        plsc.subcore_barrier()

        for p in range(nphase):
            pltpu.sync_copy(src_hbm.at[wid, pl.ds(p * pchunks, pchunks)],
                            srcv)
            pltpu.sync_copy(dst_hbm.at[wid, pl.ds(p * pchunks, pchunks)],
                            dstv)

            for b in range(LOOK):
                pltpu.async_copy(xs_hbm.at[srcv.at[b]], rows[b], gsems[b])

            def step(j, b, first_group):
                ob = (b - LOOK) % NBUF
                if not (first_group and b < LOOK):
                    pltpu.make_async_copy(
                        rows[ob], acc.at[dstv.at[j - LOOK]],
                        ssems[ob]).wait()
                nj = j + LOOK

                @pl.when(nj < pchunks)
                def _():
                    pltpu.async_copy(
                        xs_hbm.at[srcv.at[nj]], rows[(b + LOOK) % NBUF],
                        gsems[(b + LOOK) % NBUF])

                pltpu.make_async_copy(
                    xs_hbm.at[srcv.at[j]], rows[b], gsems[b]).wait()
                pltpu.async_copy(rows[b], acc.at[dstv.at[j]], ssems[b],
                                 add=True)

            for b in range(NBUF):
                step(b, b, True)

            def body(g, carry):
                jbase = g * NBUF
                for b in range(NBUF):
                    step(jbase + b, b, False)
                return carry

            lax.fori_loop(1, ng, body, 0)

            for b in range(LOOK):
                j = pchunks - LOOK + b
                pltpu.make_async_copy(
                    rows[j % NBUF], acc.at[dstv.at[j]],
                    ssems[j % NBUF]).wait()

        plsc.subcore_barrier()
        pltpu.sync_copy(acc.at[pl.ds(sid * RPT, RPT)],
                        out_hbm.at[cid, pl.ds(sid * RPT, RPT)])

    return _scatter


_scatter128 = _make_scatter(128, 64, 2)
_scatter64 = _make_scatter(64, 128, 1)
_scatter32 = _make_scatter(32, 128, 1)



R = 1000
G = N // R


def _refdot(a, b):
    return jnp.dot(a.astype(jnp.bfloat16), b.astype(jnp.bfloat16),
                   preferred_element_type=jnp.float32)


def _row_spec(w):
    return pl.BlockSpec((R, w), lambda i: (i, 0))


def _full_spec(shape):
    return pl.BlockSpec(shape, lambda i: tuple(0 for _ in shape))


def _tca_body(p0, p1, x, W1r, dinv_o, u1_o):
    deg = 1.0 + p0[:, 0:1] + p1[:, 0:1]
    dinv = 1.0 / jnp.sqrt(deg)
    dinv_o[...] = dinv
    u1_o[...] = _refdot(x[...], W1r[...]) * dinv


_tc_a = pl.pallas_call(
    _tca_body,
    grid=(G,),
    in_specs=[_row_spec(DEG_W), _row_spec(DEG_W), _row_spec(128),
              _full_spec((128, 128))],
    out_specs=[_row_spec(1), _row_spec(128)],
    out_shape=[
        jax.ShapeDtypeStruct((N, 1), jnp.float32),
        jax.ShapeDtypeStruct((N, 128), jnp.float32),
    ],
)


def _tcb_body(dinv, p1a, p1b, u1, b1r, g1r, bt1r, W2r, u2_o):
    di = dinv[...]
    agg = (p1a[...] + p1b[...] + u1[...]) * di
    h1 = jnp.maximum(
        (agg + b1r[...]) * (g1r[...] * _S) + bt1r[...], 0.0)
    u2_o[...] = _refdot(h1, W2r[...]) * di


_tc_b = pl.pallas_call(
    _tcb_body,
    grid=(G,),
    in_specs=[
        _row_spec(1), _row_spec(128), _row_spec(128), _row_spec(128),
        _full_spec((1, 128)), _full_spec((1, 128)), _full_spec((1, 128)),
        _full_spec((128, 64)),
    ],
    out_specs=_row_spec(64),
    out_shape=jax.ShapeDtypeStruct((N, 64), jnp.float32),
)


def _tcc_body(dinv, p2a, p2b, u2, b2r, g2r, bt2r, W3r, u3_o):
    di = dinv[...]
    agg = (p2a[...] + p2b[...] + u2[...]) * di
    h2 = jnp.maximum(
        (agg + b2r[...]) * (g2r[...] * _S) + bt2r[...], 0.0)
    u3_o[...] = _refdot(h2, W3r[...]) * di


_tc_c = pl.pallas_call(
    _tcc_body,
    grid=(G,),
    in_specs=[
        _row_spec(1), _row_spec(64), _row_spec(64), _row_spec(64),
        _full_spec((1, 64)), _full_spec((1, 64)), _full_spec((1, 64)),
        _full_spec((64, 32)),
    ],
    out_specs=_row_spec(32),
    out_shape=jax.ShapeDtypeStruct((N, 32), jnp.float32),
)


def _tcd_body(dinv, p3a, p3b, u3, b3r, g3r, bt3r, fcWr, fcbr, out_o):
    di = dinv[...]
    agg = (p3a[...] + p3b[...] + u3[...]) * di
    h3 = jnp.maximum(
        (agg + b3r[...]) * (g3r[...] * _S) + bt3r[...], 0.0)
    out_o[...] = _refdot(h3, fcWr[...]) + fcbr[...]


_tc_d = pl.pallas_call(
    _tcd_body,
    grid=(G,),
    in_specs=[
        _row_spec(1), _row_spec(32), _row_spec(32), _row_spec(32),
        _full_spec((1, 32)), _full_spec((1, 32)), _full_spec((1, 32)),
        _full_spec((32, 1)), _full_spec((1, 1)),
    ],
    out_specs=_row_spec(1),
    out_shape=jax.ShapeDtypeStruct((N, 1), jnp.float32),
)



def kernel(x, edge_index, W1, b1, g1, bt1, W2, b2, g2, bt2,
           W3, b3, g3, bt3, fcW, fcb):
    src = edge_index[0].astype(jnp.int32)
    dst = edge_index[1].astype(jnp.int32)
    npad = E_PAD - E
    src_p = jnp.concatenate([src, jnp.zeros((npad,), jnp.int32)])
    dst_p = jnp.concatenate([dst, jnp.full((npad,), N, jnp.int32)])
    src3 = src_p.reshape(NW, NCHUNKS, CHUNK)
    dst3 = dst_p.reshape(NW, NCHUNKS, CHUNK)
    src3a = src_p.reshape(NW, 2 * NCHUNKS, CHUNK // 2)
    dst3a = dst_p.reshape(NW, 2 * NCHUNKS, CHUNK // 2)
    z16 = jnp.zeros((N_ACC, DEG_W), jnp.float32)
    z128 = jnp.zeros((N_ACC, 128), jnp.float32)
    z64 = jnp.zeros((N_ACC, 64), jnp.float32)
    z32 = jnp.zeros((N_ACC, 32), jnp.float32)

    degP = _deg_kernel(dst3, z16)
    dinv, u1 = _tc_a(degP[0, :N], degP[1, :N], x, W1)
    p1 = _scatter128(u1, src3a, dst3a, z128)
    u2 = _tc_b(dinv, p1[0, :N], p1[1, :N], u1,
               b1.reshape(1, 128), g1.reshape(1, 128), bt1.reshape(1, 128),
               W2)
    p2 = _scatter64(u2, src3, dst3, z64)
    u3 = _tc_c(dinv, p2[0, :N], p2[1, :N], u2,
               b2.reshape(1, 64), g2.reshape(1, 64), bt2.reshape(1, 64),
               W3)
    p3 = _scatter32(u3, src3, dst3, z32)
    out = _tc_d(dinv, p3[0, :N], p3[1, :N], u3,
                b3.reshape(1, 32), g3.reshape(1, 32), bt3.reshape(1, 32),
                fcW, fcb.reshape(1, 1))
    return out

# --- scband reference (transcript-rebuilt; emitter-appended) ---
"""Pipeline reference for scband-gcn-69191923138874 (READ-ONLY COPY).

The authoritative reference and input builder live on the scoring server;
editing this copy changes nothing except your own understanding.
"""

import jax, jax.numpy as jnp
import numpy as np

N_NODES = 10000
N_EDGES = 320000
EPS = 1e-5


def setup_inputs(seed: int = 0) -> dict:
    key = jax.random.key(seed)
    ks = jax.random.split(key, 20)
    x = jax.random.normal(ks[0], (N_NODES, 128), dtype=jnp.float32)
    edge_index = jax.random.randint(ks[1], (2, N_EDGES), 0, N_NODES, dtype=jnp.int64)
    W1 = jax.random.normal(ks[2], (128, 128), dtype=jnp.float32) * 0.05
    b1 = jnp.zeros((128,), dtype=jnp.float32)
    g1 = jnp.ones((128,), dtype=jnp.float32)
    bt1 = jnp.zeros((128,), dtype=jnp.float32)
    W2 = jax.random.normal(ks[3], (128, 64), dtype=jnp.float32) * 0.05
    b2 = jnp.zeros((64,), dtype=jnp.float32)
    g2 = jnp.ones((64,), dtype=jnp.float32)
    bt2 = jnp.zeros((64,), dtype=jnp.float32)
    W3 = jax.random.normal(ks[4], (64, 32), dtype=jnp.float32) * 0.05
    b3 = jnp.zeros((32,), dtype=jnp.float32)
    g3 = jnp.ones((32,), dtype=jnp.float32)
    bt3 = jnp.zeros((32,), dtype=jnp.float32)
    fcW = jax.random.normal(ks[5], (32, 1), dtype=jnp.float32) * 0.05
    fcb = jnp.zeros((1,), dtype=jnp.float32)
    return {"x": x, "edge_index": edge_index, "W1": W1, "b1": b1, "g1": g1, "bt1": bt1,
            "W2": W2, "b2": b2, "g2": g2, "bt2": bt2, "W3": W3, "b3": b3, "g3": g3, "bt3": bt3,
            "fcW": fcW, "fcb": fcb}


def _gcn_norm(edge_index, n_nodes):
    # add self-loops (PyG GCNConv default)
    loops = jnp.arange(n_nodes, dtype=edge_index.dtype)
    src = jnp.concatenate([edge_index[0], loops])
    dst = jnp.concatenate([edge_index[1], loops])
    deg = jax.ops.segment_sum(jnp.ones_like(dst, dtype=jnp.float32), dst, num_segments=n_nodes)
    dinv = jnp.where(deg > 0, 1.0 / jnp.sqrt(deg), 0.0)
    norm = dinv[src] * dinv[dst]
    return src, dst, norm


def _gcn_conv(h, src, dst, norm, W, b, n_nodes):
    h = h @ W
    msg = h[src] * norm[:, None]
    out = jax.ops.segment_sum(msg, dst, num_segments=n_nodes)
    return out + b


def _bn_eval(h, g, bt):
    # eval-mode BatchNorm1d with running_mean=0, running_var=1
    return g * (h / jnp.sqrt(1.0 + EPS)) + bt


def reference(x, edge_index, W1, b1, g1, bt1, W2, b2, g2, bt2, W3, b3, g3, bt3, fcW, fcb):
    src, dst, norm = _gcn_norm(edge_index, N_NODES)
    h = _gcn_conv(x, src, dst, norm, W1, b1, N_NODES)
    h = jax.nn.relu(_bn_eval(h, g1, bt1))
    h = _gcn_conv(h, src, dst, norm, W2, b2, N_NODES)
    h = jax.nn.relu(_bn_eval(h, g2, bt2))
    h = _gcn_conv(h, src, dst, norm, W3, b3, N_NODES)
    h = jax.nn.relu(_bn_eval(h, g3, bt3))
    return h @ fcW + fcb

if __name__ == "__main__":
    import jax
    _d = setup_inputs()
    print(jax.jit(kernel)(*tuple(_d.values())))

</pallas_src>

<mosaic_0001>
#map = affine_map<(d0, d1) -> (0, 0)>
#map1 = affine_map<(d0, d1) -> (0, 0, 0)>
module attributes {stable_mosaic.version = 14 : i64} {
  func.func @_scatter(%arg0: i32, %arg1: i32, %arg2: memref<10000x128xf32, #tpu.memory_space<hbm>>, %arg3: memref<32x160x64xi32, #tpu.memory_space<hbm>>, %arg4: memref<32x160x64xi32, #tpu.memory_space<hbm>>, %arg5: memref<10112x128xf32, #tpu.memory_space<hbm>>, %arg6: memref<2x10112x128xf32, #tpu.memory_space<hbm>>, %arg7: memref<80x64xi32, #tpu.memory_space<vmem>>, %arg8: memref<80x64xi32, #tpu.memory_space<vmem>>, %arg9: memref<64x128xf32, #tpu.memory_space<vmem>>, %arg10: memref<64x128xf32, #tpu.memory_space<vmem>>, %arg11: memref<64x128xf32, #tpu.memory_space<vmem>>, %arg12: memref<64x128xf32, #tpu.memory_space<vmem>>, %arg13: memref<10112x128xf32, #tpu.memory_space<vmem_shared>>, %arg14: memref<!tpu.dma_semaphore, #tpu.memory_space<semaphore_mem>>, %arg15: memref<!tpu.dma_semaphore, #tpu.memory_space<semaphore_mem>>, %arg16: memref<!tpu.dma_semaphore, #tpu.memory_space<semaphore_mem>>, %arg17: memref<!tpu.dma_semaphore, #tpu.memory_space<semaphore_mem>>, %arg18: memref<!tpu.dma_semaphore, #tpu.memory_space<semaphore_mem>>, %arg19: memref<!tpu.dma_semaphore, #tpu.memory_space<semaphore_mem>>, %arg20: memref<!tpu.dma_semaphore, #tpu.memory_space<semaphore_mem>>, %arg21: memref<!tpu.dma_semaphore, #tpu.memory_space<semaphore_mem>>) attributes {dimension_semantics = [#tpu.dimension_semantics<core_parallel>, #tpu.dimension_semantics<subcore_parallel>], iteration_bounds = array<i64: 2, 16>, scalar_prefetch = 0 : i64, scratch_operands = 15 : i64, tpu.core_type = #tpu.core_type<sc_vector_subcore>, window_params = [{transform_indices = #map}, {transform_indices = #map1}, {transform_indices = #map1}, {transform_indices = #map}, {transform_indices = #map1}]} {
    %mul3A = arith.constant 2 : i32
    %mul3A_0 = arith.muli %arg1, %mul3A : i32
    %add3A = arith.addi %mul3A_0, %arg0 : i32
    %mul3A_1 = arith.constant 632 : i32
    %mul3A_2 = arith.muli %arg1, %mul3A_1 : i32
    %mul3A_3 = arith.constant 632 : i32
    %mul3A_4 = arith.muli %arg1, %mul3A_3 : i32
    "tpu.region"() ({
      %run_scoped3A = tpu.sem_alloc : memref<!tpu.dma_semaphore, #tpu.memory_space<semaphore_mem>>
      %dma_start3A_271 = arith.constant 0 : i32
      %dma_start3A_272 = tpu.memref_slice %arg13[%mul3A_4, %dma_start3A_271] : memref<10112x128xf32, #tpu.memory_space<vmem_shared>> -> memref<632x128xf32, #tpu.memory_space<vmem_shared>>
      %dma_start3A_273 = arith.constant 0 : i32
      %dma_start3A_274 = tpu.memref_slice %arg5[%mul3A_2, %dma_start3A_273] : memref<10112x128xf32, #tpu.memory_space<hbm>> -> memref<632x128xf32, #tpu.memory_space<hbm>>
      tpu.enqueue_dma source(%dma_start3A_274 : memref<632x128xf32, #tpu.memory_space<hbm>>) target(%dma_start3A_272 : memref<632x128xf32, #tpu.memory_space<vmem_shared>>) target_semaphore(%run_scoped3A : memref<!tpu.dma_semaphore, #tpu.memory_space<semaphore_mem>>)
      %dma_wait3A_275 = arith.constant 0 : i32
      %dma_wait3A_276 = tpu.memref_slice %arg13[%mul3A_4, %dma_wait3A_275] : memref<10112x128xf32, #tpu.memory_space<vmem_shared>> -> memref<632x128xf32, #tpu.memory_space<vmem_shared>>
      %dma_wait3A_277 = arith.constant 0 : i32
      %dma_wait3A_278 = tpu.memref_slice %arg5[%mul3A_2, %dma_wait3A_277] : memref<10112x128xf32, #tpu.memory_space<hbm>> -> memref<632x128xf32, #tpu.memory_space<hbm>>
      tpu.wait_dma2 semaphore(%run_scoped3A : memref<!tpu.dma_semaphore, #tpu.memory_space<semaphore_mem>>) src(%dma_wait3A_278 : memref<632x128xf32, #tpu.memory_space<hbm>>) dst(%dma_wait3A_276 : memref<632x128xf32, #tpu.memory_space<vmem_shared>>)
      tpu.yield
    }) : () -> ()
    %barrier3A = arith.constant 0 : index
    tpu.barrier barrier_id(%barrier3A)
    "tpu.region"() ({
      %run_scoped3A = tpu.sem_alloc : memref<!tpu.dma_semaphore, #tpu.memory_space<semaphore_mem>>
      %dma_start3A_271 = arith.constant 0 : i32
      %dma_start3A_272 = arith.constant 0 : i32
      %dma_start3A_273 = tpu.memref_slice %arg3[%add3A, %dma_start3A_271, %dma_start3A_272] : memref<32x160x64xi32, #tpu.memory_space<hbm>> -> memref<1x80x64xi32, #tpu.memory_space<hbm>>
      %dma_start3A_274 = tpu.memref_squeeze %dma_start3A_273 : memref<1x80x64xi32, #tpu.memory_space<hbm>> -> memref<80x64xi32, #tpu.memory_space<hbm>>
      %dma_start3A_275 = arith.constant 0 : i32
      %dma_start3A_276 = arith.constant 0 : i32
      %dma_start3A_277 = tpu.memref_slice %arg3[%add3A, %dma_start3A_275, %dma_start3A_276] : memref<32x160x64xi32, #tpu.memory_space<hbm>> -> memref<1x80x64xi32, #tpu.memory_space<hbm>>
      %dma_start3A_278 = tpu.memref_squeeze %dma_start3A_277 : memref<1x80x64xi32, #tpu.memory_space<hbm>> -> memref<80x64xi32, #tpu.memory_space<hbm>>
      tpu.enqueue_dma source(%dma_start3A_278 : memref<80x64xi32, #tpu.memory_space<hbm>>) target(%arg7 : memref<80x64xi32, #tpu.memory_space<vmem>>) target_semaphore(%run_scoped3A : memref<!tpu.dma_semaphore, #tpu.memory_space<semaphore_mem>>)
      %dma_wait3A_279 = arith.constant 0 : i32
      %dma_wait3A_280 = arith.constant 0 : i32
      %dma_wait3A_281 = tpu.memref_slice %arg3[%add3A, %dma_wait3A_279, %dma_wait3A_280] : memref<32x160x64xi32, #tpu.memory_space<hbm>> -> memref<1x80x64xi32, #tpu.memory_space<hbm>>
      %dma_wait3A_282 = tpu.memref_squeeze %dma_wait3A_281 : memref<1x80x64xi32, #tpu.memory_space<hbm>> -> memref<80x64xi32, #tpu.memory_space<hbm>>
      %dma_wait3A_283 = arith.constant 0 : i32
      %dma_wait3A_284 = arith.constant 0 : i32
      %dma_wait3A_285 = tpu.memref_slice %arg3[%add3A, %dma_wait3A_283, %dma_wait3A_284] : memref<32x160x64xi32, #tpu.memory_space<hbm>> -> memref<1x80x64xi32, #tpu.memory_space<hbm>>
      %dma_wait3A_286 = tpu.memref_squeeze %dma_wait3A_285 : memref<1x80x64xi32, #tpu.memory_space<hbm>> -> memref<80x64xi32, #tpu.memory_space<hbm>>
      tpu.wait_dma2 semaphore(%run_scoped3A : memref<!tpu.dma_semaphore, #tpu.memory_space<semaphore_mem>>) src(%dma_wait3A_286 : memref<80x64xi32, #tpu.memory_space<hbm>>) dst(%arg7 : memref<80x64xi32, #tpu.memory_space<vmem>>)
      tpu.yield
    }) : () -> ()
    "tpu.region"() ({
      %run_scoped3A = tpu.sem_alloc : memref<!tpu.dma_semaphore, #tpu.memory_space<semaphore_mem>>
      %dma_start3A_271 = arith.constant 0 : i32
      %dma_start3A_272 = arith.constant 0 : i32
      %dma_start3A_273 = tpu.memref_slice %arg4[%add3A, %dma_start3A_271, %dma_start3A_272] : memref<32x160x64xi32, #tpu.memory_space<hbm>> -> memref<1x80x64xi32, #tpu.memory_space<hbm>>
      %dma_start3A_274 = tpu.memref_squeeze %dma_start3A_273 : memref<1x80x64xi32, #tpu.memory_space<hbm>> -> memref<80x64xi32, #tpu.memory_space<hbm>>
      %dma_start3A_275 = arith.constant 0 : i32
      %dma_start3A_276 = arith.constant 0 : i32
      %dma_start3A_277 = tpu.memref_slice %arg4[%add3A, %dma_start3A_275, %dma_start3A_276] : memref<32x160x64xi32, #tpu.memory_space<hbm>> -> memref<1x80x64xi32, #tpu.memory_space<hbm>>
      %dma_start3A_278 = tpu.memref_squeeze %dma_start3A_277 : memref<1x80x64xi32, #tpu.memory_space<hbm>> -> memref<80x64xi32, #tpu.memory_space<hbm>>
      tpu.enqueue_dma source(%dma_start3A_278 : memref<80x64xi32, #tpu.memory_space<hbm>>) target(%arg8 : memref<80x64xi32, #tpu.memory_space<vmem>>) target_semaphore(%run_scoped3A : memref<!tpu.dma_semaphore, #tpu.memory_space<semaphore_mem>>)
      %dma_wait3A_279 = arith.constant 0 : i32
      %dma_wait3A_280 = arith.constant 0 : i32
      %dma_wait3A_281 = tpu.memref_slice %arg4[%add3A, %dma_wait3A_279, %dma_wait3A_280] : memref<32x160x64xi32, #tpu.memory_space<hbm>> -> memref<1x80x64xi32, #tpu.memory_space<hbm>>
      %dma_wait3A_282 = tpu.memref_squeeze %dma_wait3A_281 : memref<1x80x64xi32, #tpu.memory_space<hbm>> -> memref<80x64xi32, #tpu.memory_space<hbm>>
      %dma_wait3A_283 = arith.constant 0 : i32
      %dma_wait3A_284 = arith.constant 0 : i32
      %dma_wait3A_285 = tpu.memref_slice %arg4[%add3A, %dma_wait3A_283, %dma_wait3A_284] : memref<32x160x64xi32, #tpu.memory_space<hbm>> -> memref<1x80x64xi32, #tpu.memory_space<hbm>>
      %dma_wait3A_286 = tpu.memref_squeeze %dma_wait3A_285 : memref<1x80x64xi32, #tpu.memory_space<hbm>> -> memref<80x64xi32, #tpu.memory_space<hbm>>
      tpu.wait_dma2 semaphore(%run_scoped3A : memref<!tpu.dma_semaphore, #tpu.memory_space<semaphore_mem>>) src(%dma_wait3A_286 : memref<80x64xi32, #tpu.memory_space<hbm>>) dst(%arg8 : memref<80x64xi32, #tpu.memory_space<vmem>>)
      tpu.yield
    }) : () -> ()
    %dma_start3A = arith.constant 0 : i32
    %dma_start3A_5 = arith.constant 0 : i32
    %dma_start3A_6 = tpu.memref_slice %arg7[%dma_start3A, %dma_start3A_5] : memref<80x64xi32, #tpu.memory_space<vmem>> -> memref<1x64xi32, #tpu.memory_space<vmem>>
    %dma_start3A_7 = tpu.memref_squeeze %dma_start3A_6 : memref<1x64xi32, #tpu.memory_space<vmem>> -> memref<64xi32, #tpu.memory_space<vmem>>
    %dma_start3A_8 = arith.constant 0 : i32
    %dma_start3A_9 = arith.constant 0 : i32
    %dma_start3A_10 = tpu.memref_slice %arg2[%dma_start3A_8, %dma_start3A_9] : memref<10000x128xf32, #tpu.memory_space<hbm>> -> memref<10000x128xf32, #tpu.memory_space<hbm>>
    tpu.enqueue_indirect_dma source(%dma_start3A_10 : memref<10000x128xf32, #tpu.memory_space<hbm>>) target(%arg9 : memref<64x128xf32, #tpu.memory_space<vmem>>) offsets(%dma_start3A_7 : memref<64xi32, #tpu.memory_space<vmem>>) semaphore(%arg14 : memref<!tpu.dma_semaphore, #tpu.memory_space<semaphore_mem>>)
    %dma_start3A_11 = arith.constant 1 : i32
    %dma_start3A_12 = arith.constant 0 : i32
    %dma_start3A_13 = tpu.memref_slice %arg7[%dma_start3A_11, %dma_start3A_12] : memref<80x64xi32, #tpu.memory_space<vmem>> -> memref<1x64xi32, #tpu.memory_space<vmem>>
    %dma_start3A_14 = tpu.memref_squeeze %dma_start3A_13 : memref<1x64xi32, #tpu.memory_space<vmem>> -> memref<64xi32, #tpu.memory_space<vmem>>
    %dma_start3A_15 = arith.constant 0 : i32
    %dma_start3A_16 = arith.constant 0 : i32
    %dma_start3A_17 = tpu.memref_slice %arg2[%dma_start3A_15, %dma_start3A_16] : memref<10000x128xf32, #tpu.memory_space<hbm>> -> memref<10000x128xf32, #tpu.memory_space<hbm>>
    tpu.enqueue_indirect_dma source(%dma_start3A_17 : memref<10000x128xf32, #tpu.memory_space<hbm>>) target(%arg10 : memref<64x128xf32, #tpu.memory_space<vmem>>) offsets(%dma_start3A_14 : memref<64xi32, #tpu.memory_space<vmem>>) semaphore(%arg15 : memref<!tpu.dma_semaphore, #tpu.memory_space<semaphore_mem>>)
    %dma_start3A_18 = arith.constant 2 : i32
    %dma_start3A_19 = arith.constant 0 : i32
    %dma_start3A_20 = tpu.memref_slice %arg7[%dma_start3A_18, %dma_start3A_19] : memref<80x64xi32, #tpu.memory_space<vmem>> -> memref<1x64xi32, #tpu.memory_space<vmem>>
    %dma_start3A_21 = tpu.memref_squeeze %dma_start3A_20 : memref<1x64xi32, #tpu.memory_space<vmem>> -> memref<64xi32, #tpu.memory_space<vmem>>
    %dma_start3A_22 = arith.constant 0 : i32
    %dma_start3A_23 = arith.constant 0 : i32
    %dma_start3A_24 = tpu.memref_slice %arg2[%dma_start3A_22, %dma_start3A_23] : memref<10000x128xf32, #tpu.memory_space<hbm>> -> memref<10000x128xf32, #tpu.memory_space<hbm>>
    tpu.enqueue_indirect_dma source(%dma_start3A_24 : memref<10000x128xf32, #tpu.memory_space<hbm>>) target(%arg11 : memref<64x128xf32, #tpu.memory_space<vmem>>) offsets(%dma_start3A_21 : memref<64xi32, #tpu.memory_space<vmem>>) semaphore(%arg16 : memref<!tpu.dma_semaphore, #tpu.memory_space<semaphore_mem>>)
    %dma_wait3A = arith.constant 0 : i32
    %dma_wait3A_25 = arith.constant 0 : i32
    %dma_wait3A_26 = tpu.memref_slice %arg7[%dma_wait3A, %dma_wait3A_25] : memref<80x64xi32, #tpu.memory_space<vmem>> -> memref<1x64xi32, #tpu.memory_space<vmem>>
    %dma_wait3A_27 = tpu.memref_squeeze %dma_wait3A_26 : memref<1x64xi32, #tpu.memory_space<vmem>> -> memref<64xi32, #tpu.memory_space<vmem>>
    %dma_wait3A_28 = arith.constant 0 : i32
    %dma_wait3A_29 = arith.constant 0 : i32
    %dma_wait3A_30 = tpu.memref_slice %arg2[%dma_wait3A_28, %dma_wait3A_29] : memref<10000x128xf32, #tpu.memory_space<hbm>> -> memref<10000x128xf32, #tpu.memory_space<hbm>>
    tpu.wait_indirect_dma semaphore(%arg14 : memref<!tpu.dma_semaphore, #tpu.memory_space<semaphore_mem>>) src(%dma_wait3A_30 : memref<10000x128xf32, #tpu.memory_space<hbm>>) dst(%arg9 : memref<64x128xf32, #tpu.memory_space<vmem>>)
    %dma_start3A_31 = arith.constant 0 : i32
    %dma_start3A_32 = arith.constant 0 : i32
    %dma_start3A_33 = tpu.memref_slice %arg8[%dma_start3A_31, %dma_start3A_32] : memref<80x64xi32, #tpu.memory_space<vmem>> -> memref<1x64xi32, #tpu.memory_space<vmem>>
    %dma_start3A_34 = tpu.memref_squeeze %dma_start3A_33 : memref<1x64xi32, #tpu.memory_space<vmem>> -> memref<64xi32, #tpu.memory_space<vmem>>
    %dma_start3A_35 = arith.constant 0 : i32
    %dma_start3A_36 = arith.constant 0 : i32
    %dma_start3A_37 = tpu.memref_slice %arg13[%dma_start3A_35, %dma_start3A_36] : memref<10112x128xf32, #tpu.memory_space<vmem_shared>> -> memref<10112x128xf32, #tpu.memory_space<vmem_shared>>
    tpu.enqueue_indirect_dma source(%arg9 : memref<64x128xf32, #tpu.memory_space<vmem>>) target(%dma_start3A_37 : memref<10112x128xf32, #tpu.memory_space<vmem_shared>>) offsets(%dma_start3A_34 : memref<64xi32, #tpu.memory_space<vmem>>) semaphore(%arg18 : memref<!tpu.dma_semaphore, #tpu.memory_space<semaphore_mem>>) {add = true}
    %dma_start3A_38 = arith.constant 3 : i32
    %dma_start3A_39 = arith.constant 0 : i32
    %dma_start3A_40 = tpu.memref_slice %arg7[%dma_start3A_38, %dma_start3A_39] : memref<80x64xi32, #tpu.memory_space<vmem>> -> memref<1x64xi32, #tpu.memory_space<vmem>>
    %dma_start3A_41 = tpu.memref_squeeze %dma_start3A_40 : memref<1x64xi32, #tpu.memory_space<vmem>> -> memref<64xi32, #tpu.memory_space<vmem>>
    %dma_start3A_42 = arith.constant 0 : i32
    %dma_start3A_43 = arith.constant 0 : i32
    %dma_start3A_44 = tpu.memref_slice %arg2[%dma_start3A_42, %dma_start3A_43] : memref<10000x128xf32, #tpu.memory_space<hbm>> -> memref<10000x128xf32, #tpu.memory_space<hbm>>
    tpu.enqueue_indirect_dma source(%dma_start3A_44 : memref<10000x128xf32, #tpu.memory_space<hbm>>) target(%arg12 : memref<64x128xf32, #tpu.memory_space<vmem>>) offsets(%dma_start3A_41 : memref<64xi32, #tpu.memory_space<vmem>>) semaphore(%arg17 : memref<!tpu.dma_semaphore, #tpu.memory_space<semaphore_mem>>)
    %dma_wait3A_45 = arith.constant 1 : i32
    %dma_wait3A_46 = arith.constant 0 : i32
    %dma_wait3A_47 = tpu.memref_slice %arg7[%dma_wait3A_45, %dma_wait3A_46] : memref<80x64xi32, #tpu.memory_space<vmem>> -> memref<1x64xi32, #tpu.memory_space<vmem>>
    %dma_wait3A_48 = tpu.memref_squeeze %dma_wait3A_47 : memref<1x64xi32, #tpu.memory_space<vmem>> -> memref<64xi32, #tpu.memory_space<vmem>>
    %dma_wait3A_49 = arith.constant 0 : i32
    %dma_wait3A_50 = arith.constant 0 : i32
    %dma_wait3A_51 = tpu.memref_slice %arg2[%dma_wait3A_49, %dma_wait3A_50] : memref<10000x128xf32, #tpu.memory_space<hbm>> -> memref<10000x128xf32, #tpu.memory_space<hbm>>
    tpu.wait_indirect_dma semaphore(%arg15 : memref<!tpu.dma_semaphore, #tpu.memory_space<semaphore_mem>>) src(%dma_wait3A_51 : memref<10000x128xf32, #tpu.memory_space<hbm>>) dst(%arg10 : memref<64x128xf32, #tpu.memory_space<vmem>>)
    %dma_start3A_52 = arith.constant 1 : i32
    %dma_start3A_53 = arith.constant 0 : i32
    %dma_start3A_54 = tpu.memref_slice %arg8[%dma_start3A_52, %dma_start3A_53] : memref<80x64xi32, #tpu.memory_space<vmem>> -> memref<1x64xi32, #tpu.memory_space<vmem>>
    %dma_start3A_55 = tpu.memref_squeeze %dma_start3A_54 : memref<1x64xi32, #tpu.memory_space<vmem>> -> memref<64xi32, #tpu.memory_space<vmem>>
    %dma_start3A_56 = arith.constant 0 : i32
    %dma_start3A_57 = arith.constant 0 : i32
    %dma_start3A_58 = tpu.memref_slice %arg13[%dma_start3A_56, %dma_start3A_57] : memref<10112x128xf32, #tpu.memory_space<vmem_shared>> -> memref<10112x128xf32, #tpu.memory_space<vmem_shared>>
    tpu.enqueue_indirect_dma source(%arg10 : memref<64x128xf32, #tpu.memory_space<vmem>>) target(%dma_start3A_58 : memref<10112x128xf32, #tpu.memory_space<vmem_shared>>) offsets(%dma_start3A_55 : memref<64xi32, #tpu.memory_space<vmem>>) semaphore(%arg19 : memref<!tpu.dma_semaphore, #tpu.memory_space<semaphore_mem>>) {add = true}
    %dma_wait3A_59 = arith.constant 0 : i32
    %dma_wait3A_60 = arith.constant 0 : i32
    %dma_wait3A_61 = tpu.memref_slice %arg8[%dma_wait3A_59, %dma_wait3A_60] : memref<80x64xi32, #tpu.memory_space<vmem>> -> memref<1x64xi32, #tpu.memory_space<vmem>>
    %dma_wait3A_62 = tpu.memref_squeeze %dma_wait3A_61 : memref<1x64xi32, #tpu.memory_space<vmem>> -> memref<64xi32, #tpu.memory_space<vmem>>
    %dma_wait3A_63 = arith.constant 0 : i32
    %dma_wait3A_64 = arith.constant 0 : i32
    %dma_wait3A_65 = tpu.memref_slice %arg13[%dma_wait3A_63, %dma_wait3A_64] : memref<10112x128xf32, #tpu.memory_space<vmem_shared>> -> memref<10112x128xf32, #tpu.memory_space<vmem_shared>>
    tpu.wait_indirect_dma semaphore(%arg18 : memref<!tpu.dma_semaphore, #tpu.memory_space<semaphore_mem>>) src(%arg9 : memref<64x128xf32, #tpu.memory_space<vmem>>) dst(%dma_wait3A_65 : memref<10112x128xf32, #tpu.memory_space<vmem_shared>>)
    %dma_start3A_66 = arith.constant 4 : i32
    %dma_start3A_67 = arith.constant 0 : i32
    %dma_start3A_68 = tpu.memref_slice %arg7[%dma_start3A_66, %dma_start3A_67] : memref<80x64xi32, #tpu.memory_space<vmem>> -> memref<1x64xi32, #tpu.memory_space<vmem>>
    %dma_start3A_69 = tpu.memref_squeeze %dma_start3A_68 : memref<1x64xi32, #tpu.memory_space<vmem>> -> memref<64xi32, #tpu.memory_space<vmem>>
    %dma_start3A_70 = arith.constant 0 : i32
    %dma_start3A_71 = arith.constant 0 : i32
    %dma_start3A_72 = tpu.memref_slice %arg2[%dma_start3A_70, %dma_start3A_71] : memref<10000x128xf32, #tpu.memory_space<hbm>> -> memref<10000x128xf32, #tpu.memory_space<hbm>>
    tpu.enqueue_indirect_dma source(%dma_start3A_72 : memref<10000x128xf32, #tpu.memory_space<hbm>>) target(%arg9 : memref<64x128xf32, #tpu.memory_space<vmem>>) offsets(%dma_start3A_69 : memref<64xi32, #tpu.memory_space<vmem>>) semaphore(%arg14 : memref<!tpu.dma_semaphore, #tpu.memory_space<semaphore_mem>>)
    %dma_wait3A_73 = arith.constant 2 : i32
    %dma_wait3A_74 = arith.constant 0 : i32
    %dma_wait3A_75 = tpu.memref_slice %arg7[%dma_wait3A_73, %dma_wait3A_74] : memref<80x64xi32, #tpu.memory_space<vmem>> -> memref<1x64xi32, #tpu.memory_space<vmem>>
    %dma_wait3A_76 = tpu.memref_squeeze %dma_wait3A_75 : memref<1x64xi32, #tpu.memory_space<vmem>> -> memref<64xi32, #tpu.memory_space<vmem>>
    %dma_wait3A_77 = arith.constant 0 : i32
    %dma_wait3A_78 = arith.constant 0 : i32
    %dma_wait3A_79 = tpu.memref_slice %arg2[%dma_wait3A_77, %dma_wait3A_78] : memref<10000x128xf32, #tpu.memory_space<hbm>> -> memref<10000x128xf32, #tpu.memory_space<hbm>>
    tpu.wait_indirect_dma semaphore(%arg16 : memref<!tpu.dma_semaphore, #tpu.memory_space<semaphore_mem>>) src(%dma_wait3A_79 : memref<10000x128xf32, #tpu.memory_space<hbm>>) dst(%arg11 : memref<64x128xf32, #tpu.memory_space<vmem>>)
    %dma_start3A_80 = arith.constant 2 : i32
    %dma_start3A_81 = arith.constant 0 : i32
    %dma_start3A_82 = tpu.memref_slice %arg8[%dma_start3A_80, %dma_start3A_81] : memref<80x64xi32, #tpu.memory_space<vmem>> -> memref<1x64xi32, #tpu.memory_space<vmem>>
    %dma_start3A_83 = tpu.memref_squeeze %dma_start3A_82 : memref<1x64xi32, #tpu.memory_space<vmem>> -> memref<64xi32, #tpu.memory_space<vmem>>
    %dma_start3A_84 = arith.constant 0 : i32
    %dma_start3A_85 = arith.constant 0 : i32
    %dma_start3A_86 = tpu.memref_slice %arg13[%dma_start3A_84, %dma_start3A_85] : memref<10112x128xf32, #tpu.memory_space<vmem_shared>> -> memref<10112x128xf32, #tpu.memory_space<vmem_shared>>
    tpu.enqueue_indirect_dma source(%arg11 : memref<64x128xf32, #tpu.memory_space<vmem>>) target(%dma_start3A_86 : memref<10112x128xf32, #tpu.memory_space<vmem_shared>>) offsets(%dma_start3A_83 : memref<64xi32, #tpu.memory_space<vmem>>) semaphore(%arg20 : memref<!tpu.dma_semaphore, #tpu.memory_space<semaphore_mem>>) {add = true}
    %dma_wait3A_87 = arith.constant 1 : i32
    %dma_wait3A_88 = arith.constant 0 : i32
    %dma_wait3A_89 = tpu.memref_slice %arg8[%dma_wait3A_87, %dma_wait3A_88] : memref<80x64xi32, #tpu.memory_space<vmem>> -> memref<1x64xi32, #tpu.memory_space<vmem>>
    %dma_wait3A_90 = tpu.memref_squeeze %dma_wait3A_89 : memref<1x64xi32, #tpu.memory_space<vmem>> -> memref<64xi32, #tpu.memory_space<vmem>>
    %dma_wait3A_91 = arith.constant 0 : i32
    %dma_wait3A_92 = arith.constant 0 : i32
    %dma_wait3A_93 = tpu.memref_slice %arg13[%dma_wait3A_91, %dma_wait3A_92] : memref<10112x128xf32, #tpu.memory_space<vmem_shared>> -> memref<10112x128xf32, #tpu.memory_space<vmem_shared>>
    tpu.wait_indirect_dma semaphore(%arg19 : memref<!tpu.dma_semaphore, #tpu.memory_space<semaphore_mem>>) src(%arg10 : memref<64x128xf32, #tpu.memory_space<vmem>>) dst(%dma_wait3A_93 : memref<10112x128xf32, #tpu.memory_space<vmem_shared>>)
    %dma_start3A_94 = arith.constant 5 : i32
    %dma_start3A_95 = arith.constant 0 : i32
    %dma_start3A_96 = tpu.memref_slice %arg7[%dma_start3A_94, %dma_start3A_95] : memref<80x64xi32, #tpu.memory_space<vmem>> -> memref<1x64xi32, #tpu.memory_space<vmem>>
    %dma_start3A_97 = tpu.memref_squeeze %dma_start3A_96 : memref<1x64xi32, #tpu.memory_space<vmem>> -> memref<64xi32, #tpu.memory_space<vmem>>
    %dma_start3A_98 = arith.constant 0 : i32
    %dma_start3A_99 = arith.constant 0 : i32
    %dma_start3A_100 = tpu.memref_slice %arg2[%dma_start3A_98, %dma_start3A_99] : memref<10000x128xf32, #tpu.memory_space<hbm>> -> memref<10000x128xf32, #tpu.memory_space<hbm>>
    tpu.enqueue_indirect_dma source(%dma_start3A_100 : memref<10000x128xf32, #tpu.memory_space<hbm>>) target(%arg10 : memref<64x128xf32, #tpu.memory_space<vmem>>) offsets(%dma_start3A_97 : memref<64xi32, #tpu.memory_space<vmem>>) semaphore(%arg15 : memref<!tpu.dma_semaphore, #tpu.memory_space<semaphore_mem>>)
    %dma_wait3A_101 = arith.constant 3 : i32
    %dma_wait3A_102 = arith.constant 0 : i32
    %dma_wait3A_103 = tpu.memref_slice %arg7[%dma_wait3A_101, %dma_wait3A_102] : memref<80x64xi32, #tpu.memory_space<vmem>> -> memref<1x64xi32, #tpu.memory_space<vmem>>
    %dma_wait3A_104 = tpu.memref_squeeze %dma_wait3A_103 : memref<1x64xi32, #tpu.memory_space<vmem>> -> memref<64xi32, #tpu.memory_space<vmem>>
    %dma_wait3A_105 = arith.constant 0 : i32
    %dma_wait3A_106 = arith.constant 0 : i32
    %dma_wait3A_107 = tpu.memref_slice %arg2[%dma_wait3A_105, %dma_wait3A_106] : memref<10000x128xf32, #tpu.memory_space<hbm>> -> memref<10000x128xf32, #tpu.memory_space<hbm>>
    tpu.wait_indirect_dma semaphore(%arg17 : memref<!tpu.dma_semaphore, #tpu.memory_space<semaphore_mem>>) src(%dma_wait3A_107 : memref<10000x128xf32, #tpu.memory_space<hbm>>) dst(%arg12 : memref<64x128xf32, #tpu.memory_space<vmem>>)
    %dma_start3A_108 = arith.constant 3 : i32
    %dma_start3A_109 = arith.constant 0 : i32
    %dma_start3A_110 = tpu.memref_slice %arg8[%dma_start3A_108, %dma_start3A_109] : memref<80x64xi32, #tpu.memory_space<vmem>> -> memref<1x64xi32, #tpu.memory_space<vmem>>
    %dma_start3A_111 = tpu.memref_squeeze %dma_start3A_110 : memref<1x64xi32, #tpu.memory_space<vmem>> -> memref<64xi32, #tpu.memory_space<vmem>>
    %dma_start3A_112 = arith.constant 0 : i32
    %dma_start3A_113 = arith.constant 0 : i32
    %dma_start3A_114 = tpu.memref_slice %arg13[%dma_start3A_112, %dma_start3A_113] : memref<10112x128xf32, #tpu.memory_space<vmem_shared>> -> memref<10112x128xf32, #tpu.memory_space<vmem_shared>>
    tpu.enqueue_indirect_dma source(%arg12 : memref<64x128xf32, #tpu.memory_space<vmem>>) target(%dma_start3A_114 : memref<10112x128xf32, #tpu.memory_space<vmem_shared>>) offsets(%dma_start3A_111 : memref<64xi32, #tpu.memory_space<vmem>>) semaphore(%arg21 : memref<!tpu.dma_semaphore, #tpu.memory_space<semaphore_mem>>) {add = true}
    %scan3A = arith.constant 0 : i32
    %scan3A_115 = arith.constant 1 : i32
    %scan3A_116 = arith.constant 19 : i32
    %scan3A_117 = arith.addi %scan3A_115, %scan3A_116 : i32
    %scan3A_118 = arith.constant 1 : i32
    scf.for %scan3A_271 = %scan3A_115 to %scan3A_117 step %scan3A_118  : i32 {
      %mul3A_272 = arith.constant 4 : i32
      %mul3A_273 = arith.muli %scan3A_271, %mul3A_272 : i32
      %add3A_274 = arith.constant 0 : i32
      %add3A_275 = arith.addi %mul3A_273, %add3A_274 : i32
      %sub3A = arith.constant 2 : i32
      %sub3A_276 = arith.subi %add3A_275, %sub3A : i32
      %dma_wait3A_277 = arith.constant 0 : i32
      %dma_wait3A_278 = tpu.memref_slice %arg8[%sub3A_276, %dma_wait3A_277] : memref<80x64xi32, #tpu.memory_space<vmem>> -> memref<1x64xi32, #tpu.memory_space<vmem>>
      %dma_wait3A_279 = tpu.memref_squeeze %dma_wait3A_278 : memref<1x64xi32, #tpu.memory_space<vmem>> -> memref<64xi32, #tpu.memory_space<vmem>>
      %dma_wait3A_280 = arith.constant 0 : i32
      %dma_wait3A_281 = arith.constant 0 : i32
      %dma_wait3A_282 = tpu.memref_slice %arg13[%dma_wait3A_280, %dma_wait3A_281] : memref<10112x128xf32, #tpu.memory_space<vmem_shared>> -> memref<10112x128xf32, #tpu.memory_space<vmem_shared>>
      tpu.wait_indirect_dma semaphore(%arg20 : memref<!tpu.dma_semaphore, #tpu.memory_space<semaphore_mem>>) src(%arg11 : memref<64x128xf32, #tpu.memory_space<vmem>>) dst(%dma_wait3A_282 : memref<10112x128xf32, #tpu.memory_space<vmem_shared>>)
      %add3A_283 = arith.constant 2 : i32
      %add3A_284 = arith.addi %add3A_275, %add3A_283 : i32
      %lt3A = arith.constant 80 : i32
      %lt3A_285 = arith.cmpi slt, %add3A_284, %lt3A : i32
      %convert_element_type3A = arith.extui %lt3A_285 : i1 to i32
      %cond3A = arith.constant 0 : i32
      %cond3A_286 = arith.cmpi ne, %convert_element_type3A, %cond3A : i32
      scf.if %cond3A_286 {
        %dma_start3A_386 = arith.constant 0 : i32
        %dma_start3A_387 = tpu.memref_slice %arg7[%add3A_284, %dma_start3A_386] : memref<80x64xi32, #tpu.memory_space<vmem>> -> memref<1x64xi32, #tpu.memory_space<vmem>>
        %dma_start3A_388 = tpu.memref_squeeze %dma_start3A_387 : memref<1x64xi32, #tpu.memory_space<vmem>> -> memref<64xi32, #tpu.memory_space<vmem>>
        %dma_start3A_389 = arith.constant 0 : i32
        %dma_start3A_390 = arith.constant 0 : i32
        %dma_start3A_391 = tpu.memref_slice %arg2[%dma_start3A_389, %dma_start3A_390] : memref<10000x128xf32, #tpu.memory_space<hbm>> -> memref<10000x128xf32, #tpu.memory_space<hbm>>
        tpu.enqueue_indirect_dma source(%dma_start3A_391 : memref<10000x128xf32, #tpu.memory_space<hbm>>) target(%arg11 : memref<64x128xf32, #tpu.memory_space<vmem>>) offsets(%dma_start3A_388 : memref<64xi32, #tpu.memory_space<vmem>>) semaphore(%arg16 : memref<!tpu.dma_semaphore, #tpu.memory_space<semaphore_mem>>)
      } else {
      }
      %dma_wait3A_287 = arith.constant 0 : i32
      %dma_wait3A_288 = tpu.memref_slice %arg7[%add3A_275, %dma_wait3A_287] : memref<80x64xi32, #tpu.memory_space<vmem>> -> memref<1x64xi32, #tpu.memory_space<vmem>>
      %dma_wait3A_289 = tpu.memref_squeeze %dma_wait3A_288 : memref<1x64xi32, #tpu.memory_space<vmem>> -> memref<64xi32, #tpu.memory_space<vmem>>
      %dma_wait3A_290 = arith.constant 0 : i32
      %dma_wait3A_291 = arith.constant 0 : i32
      %dma_wait3A_292 = tpu.memref_slice %arg2[%dma_wait3A_290, %dma_wait3A_291] : memref<10000x128xf32, #tpu.memory_space<hbm>> -> memref<10000x128xf32, #tpu.memory_space<hbm>>
      tpu.wait_indirect_dma semaphore(%arg14 : memref<!tpu.dma_semaphore, #tpu.memory_space<semaphore_mem>>) src(%dma_wait3A_292 : memref<10000x128xf32, #tpu.memory_space<hbm>>) dst(%arg9 : memref<64x128xf32, #tpu.memory_space<vmem>>)
      %dma_start3A_293 = arith.constant 0 : i32
      %dma_start3A_294 = tpu.memref_slice %arg8[%add3A_275, %dma_start3A_293] : memref<80x64xi32, #tpu.memory_space<vmem>> -> memref<1x64xi32, #tpu.memory_space<vmem>>
      %dma_start3A_295 = tpu.memref_squeeze %dma_start3A_294 : memref<1x64xi32, #tpu.memory_space<vmem>> -> memref<64xi32, #tpu.memory_space<vmem>>
      %dma_start3A_296 = arith.constant 0 : i32
      %dma_start3A_297 = arith.constant 0 : i32
      %dma_start3A_298 = tpu.memref_slice %arg13[%dma_start3A_296, %dma_start3A_297] : memref<10112x128xf32, #tpu.memory_space<vmem_shared>> -> memref<10112x128xf32, #tpu.memory_space<vmem_shared>>
      tpu.enqueue_indirect_dma source(%arg9 : memref<64x128xf32, #tpu.memory_space<vmem>>) target(%dma_start3A_298 : memref<10112x128xf32, #tpu.memory_space<vmem_shared>>) offsets(%dma_start3A_295 : memref<64xi32, #tpu.memory_space<vmem>>) semaphore(%arg18 : memref<!tpu.dma_semaphore, #tpu.memory_space<semaphore_mem>>) {add = true}
      %add3A_299 = arith.constant 1 : i32
      %add3A_300 = arith.addi %mul3A_273, %add3A_299 : i32
      %sub3A_301 = arith.constant 2 : i32
      %sub3A_302 = arith.subi %add3A_300, %sub3A_301 : i32
      %dma_wait3A_303 = arith.constant 0 : i32
      %dma_wait3A_304 = tpu.memref_slice %arg8[%sub3A_302, %dma_wait3A_303] : memref<80x64xi32, #tpu.memory_space<vmem>> -> memref<1x64xi32, #tpu.memory_space<vmem>>
      %dma_wait3A_305 = tpu.memref_squeeze %dma_wait3A_304 : memref<1x64xi32, #tpu.memory_space<vmem>> -> memref<64xi32, #tpu.memory_space<vmem>>
      %dma_wait3A_306 = arith.constant 0 : i32
      %dma_wait3A_307 = arith.constant 0 : i32
      %dma_wait3A_308 = tpu.memref_slice %arg13[%dma_wait3A_306, %dma_wait3A_307] : memref<10112x128xf32, #tpu.memory_space<vmem_shared>> -> memref<10112x128xf32, #tpu.memory_space<vmem_shared>>
      tpu.wait_indirect_dma semaphore(%arg21 : memref<!tpu.dma_semaphore, #tpu.memory_space<semaphore_mem>>) src(%arg12 : memref<64x128xf32, #tpu.memory_space<vmem>>) dst(%dma_wait3A_308 : memref<10112x128xf32, #tpu.memory_space<vmem_shared>>)
      %add3A_309 = arith.constant 2 : i32
      %add3A_310 = arith.addi %add3A_300, %add3A_309 : i32
      %lt3A_311 = arith.constant 80 : i32
      %lt3A_312 = arith.cmpi slt, %add3A_310, %lt3A_311 : i32
      %convert_element_type3A_313 = arith.extui %lt3A_312 : i1 to i32
      %cond3A_314 = arith.constant 0 : i32
      %cond3A_315 = arith.cmpi ne, %convert_element_type3A_313, %cond3A_314 : i32
      scf.if %cond3A_315 {
        %dma_start3A_386 = arith.constant 0 : i32
        %dma_start3A_387 = tpu.memref_slice %arg7[%add3A_310, %dma_start3A_386] : memref<80x64xi32, #tpu.memory_space<vmem>> -> memref<1x64xi32, #tpu.memory_space<vmem>>
        %dma_start3A_388 = tpu.memref_squeeze %dma_start3A_387 : memref<1x64xi32, #tpu.memory_space<vmem>> -> memref<64xi32, #tpu.memory_space<vmem>>
        %dma_start3A_389 = arith.constant 0 : i32
        %dma_start3A_390 = arith.constant 0 : i32
        %dma_start3A_391 = tpu.memref_slice %arg2[%dma_start3A_389, %dma_start3A_390] : memref<10000x128xf32, #tpu.memory_space<hbm>> -> memref<10000x128xf32, #tpu.memory_space<hbm>>
        tpu.enqueue_indirect_dma source(%dma_start3A_391 : memref<10000x128xf32, #tpu.memory_space<hbm>>) target(%arg12 : memref<64x128xf32, #tpu.memory_space<vmem>>) offsets(%dma_start3A_388 : memref<64xi32, #tpu.memory_space<vmem>>) semaphore(%arg17 : memref<!tpu.dma_semaphore, #tpu.memory_space<semaphore_mem>>)
      } else {
      }
      %dma_wait3A_316 = arith.constant 0 : i32
      %dma_wait3A_317 = tpu.memref_slice %arg7[%add3A_300, %dma_wait3A_316] : memref<80x64xi32, #tpu.memory_space<vmem>> -> memref<1x64xi32, #tpu.memory_space<vmem>>
      %dma_wait3A_318 = tpu.memref_squeeze %dma_wait3A_317 : memref<1x64xi32, #tpu.memory_space<vmem>> -> memref<64xi32, #tpu.memory_space<vmem>>
      %dma_wait3A_319 = arith.constant 0 : i32
      %dma_wait3A_320 = arith.constant 0 : i32
      %dma_wait3A_321 = tpu.memref_slice %arg2[%dma_wait3A_319, %dma_wait3A_320] : memref<10000x128xf32, #tpu.memory_space<hbm>> -> memref<10000x128xf32, #tpu.memory_space<hbm>>
      tpu.wait_indirect_dma semaphore(%arg15 : memref<!tpu.dma_semaphore, #tpu.memory_space<semaphore_mem>>) src(%dma_wait3A_321 : memref<10000x128xf32, #tpu.memory_space<hbm>>) dst(%arg10 : memref<64x128xf32, #tpu.memory_space<vmem>>)
      %dma_start3A_322 = arith.constant 0 : i32
      %dma_start3A_323 = tpu.memref_slice %arg8[%add3A_300, %dma_start3A_322] : memref<80x64xi32, #tpu.memory_space<vmem>> -> memref<1x64xi32, #tpu.memory_space<vmem>>
      %dma_start3A_324 = tpu.memref_squeeze %dma_start3A_323 : memref<1x64xi32, #tpu.memory_space<vmem>> -> memref<64xi32, #tpu.memory_space<vmem>>
      %dma_start3A_325 = arith.constant 0 : i32
      %dma_start3A_326 = arith.constant 0 : i32
      %dma_start3A_327 = tpu.memref_slice %arg13[%dma_start3A_325, %dma_start3A_326] : memref<10112x128xf32, #tpu.memory_space<vmem_shared>> -> memref<10112x128xf32, #tpu.memory_space<vmem_shared>>
      tpu.enqueue_indirect_dma source(%arg10 : memref<64x128xf32, #tpu.memory_space<vmem>>) target(%dma_start3A_327 : memref<10112x128xf32, #tpu.memory_space<vmem_shared>>) offsets(%dma_start3A_324 : memref<64xi32, #tpu.memory_space<vmem>>) semaphore(%arg19 : memref<!tpu.dma_semaphore, #tpu.memory_space<semaphore_mem>>) {add = true}
      %add3A_328 = arith.constant 2 : i32
      %add3A_329 = arith.addi %mul3A_273, %add3A_328 : i32
      %sub3A_330 = arith.constant 2 : i32
      %sub3A_331 = arith.subi %add3A_329, %sub3A_330 : i32
      %dma_wait3A_332 = arith.constant 0 : i32
      %dma_wait3A_333 = tpu.memref_slice %arg8[%sub3A_331, %dma_wait3A_332] : memref<80x64xi32, #tpu.memory_space<vmem>> -> memref<1x64xi32, #tpu.memory_space<vmem>>
      %dma_wait3A_334 = tpu.memref_squeeze %dma_wait3A_333 : memref<1x64xi32, #tpu.memory_space<vmem>> -> memref<64xi32, #tpu.memory_space<vmem>>
      %dma_wait3A_335 = arith.constant 0 : i32
      %dma_wait3A_336 = arith.constant 0 : i32
      %dma_wait3A_337 = tpu.memref_slice %arg13[%dma_wait3A_335, %dma_wait3A_336] : memref<10112x128xf32, #tpu.memory_space<vmem_shared>> -> memref<10112x128xf32, #tpu.memory_space<vmem_shared>>
      tpu.wait_indirect_dma semaphore(%arg18 : memref<!tpu.dma_semaphore, #tpu.memory_space<semaphore_mem>>) src(%arg9 : memref<64x128xf32, #tpu.memory_space<vmem>>) dst(%dma_wait3A_337 : memref<10112x128xf32, #tpu.memory_space<vmem_shared>>)
      %add3A_338 = arith.constant 2 : i32
      %add3A_339 = arith.addi %add3A_329, %add3A_338 : i32
      %lt3A_340 = arith.constant 80 : i32
      %lt3A_341 = arith.cmpi slt, %add3A_339, %lt3A_340 : i32
      %convert_element_type3A_342 = arith.extui %lt3A_341 : i1 to i32
      %cond3A_343 = arith.constant 0 : i32
      %cond3A_344 = arith.cmpi ne, %convert_element_type3A_342, %cond3A_343 : i32
      scf.if %cond3A_344 {
        %dma_start3A_386 = arith.constant 0 : i32
        %dma_start3A_387 = tpu.memref_slice %arg7[%add3A_339, %dma_start3A_386] : memref<80x64xi32, #tpu.memory_space<vmem>> -> memref<1x64xi32, #tpu.memory_space<vmem>>
        %dma_start3A_388 = tpu.memref_squeeze %dma_start3A_387 : memref<1x64xi32, #tpu.memory_space<vmem>> -> memref<64xi32, #tpu.memory_space<vmem>>
        %dma_start3A_389 = arith.constant 0 : i32
        %dma_start3A_390 = arith.constant 0 : i32
        %dma_start3A_391 = tpu.memref_slice %arg2[%dma_start3A_389, %dma_start3A_390] : memref<10000x128xf32, #tpu.memory_space<hbm>> -> memref<10000x128xf32, #tpu.memory_space<hbm>>
        tpu.enqueue_indirect_dma source(%dma_start3A_391 : memref<10000x128xf32, #tpu.memory_space<hbm>>) target(%arg9 : memref<64x128xf32, #tpu.memory_space<vmem>>) offsets(%dma_start3A_388 : memref<64xi32, #tpu.memory_space<vmem>>) semaphore(%arg14 : memref<!tpu.dma_semaphore, #tpu.memory_space<semaphore_mem>>)
      } else {
      }
      %dma_wait3A_345 = arith.constant 0 : i32
      %dma_wait3A_346 = tpu.memref_slice %arg7[%add3A_329, %dma_wait3A_345] : memref<80x64xi32, #tpu.memory_space<vmem>> -> memref<1x64xi32, #tpu.memory_space<vmem>>
      %dma_wait3A_347 = tpu.memref_squeeze %dma_wait3A_346 : memref<1x64xi32, #tpu.memory_space<vmem>> -> memref<64xi32, #tpu.memory_space<vmem>>
      %dma_wait3A_348 = arith.constant 0 : i32
      %dma_wait3A_349 = arith.constant 0 : i32
      %dma_wait3A_350 = tpu.memref_slice %arg2[%dma_wait3A_348, %dma_wait3A_349] : memref<10000x128xf32, #tpu.memory_space<hbm>> -> memref<10000x128xf32, #tpu.memory_space<hbm>>
      tpu.wait_indirect_dma semaphore(%arg16 : memref<!tpu.dma_semaphore, #tpu.memory_space<semaphore_mem>>) src(%dma_wait3A_350 : memref<10000x128xf32, #tpu.memory_space<hbm>>) dst(%arg11 : memref<64x128xf32, #tpu.memory_space<vmem>>)
      %dma_start3A_351 = arith.constant 0 : i32
      %dma_start3A_352 = tpu.memref_slice %arg8[%add3A_329, %dma_start3A_351] : memref<80x64xi32, #tpu.memory_space<vmem>> -> memref<1x64xi32, #tpu.memory_space<vmem>>
      %dma_start3A_353 = tpu.memref_squeeze %dma_start3A_352 : memref<1x64xi32, #tpu.memory_space<vmem>> -> memref<64xi32, #tpu.memory_space<vmem>>
      %dma_start3A_354 = arith.constant 0 : i32
      %dma_start3A_355 = arith.constant 0 : i32
      %dma_start3A_356 = tpu.memref_slice %arg13[%dma_start3A_354, %dma_start3A_355] : memref<10112x128xf32, #tpu.memory_space<vmem_shared>> -> memref<10112x128xf32, #tpu.memory_space<vmem_shared>>
      tpu.enqueue_indirect_dma source(%arg11 : memref<64x128xf32, #tpu.memory_space<vmem>>) target(%dma_start3A_356 : memref<10112x128xf32, #tpu.memory_space<vmem_shared>>) offsets(%dma_start3A_353 : memref<64xi32, #tpu.memory_space<vmem>>) semaphore(%arg20 : memref<!tpu.dma_semaphore, #tpu.memory_space<semaphore_mem>>) {add = true}
      %add3A_357 = arith.constant 3 : i32
      %add3A_358 = arith.addi %mul3A_273, %add3A_357 : i32
      %sub3A_359 = arith.constant 2 : i32
      %sub3A_360 = arith.subi %add3A_358, %sub3A_359 : i32
      %dma_wait3A_361 = arith.constant 0 : i32
      %dma_wait3A_362 = tpu.memref_slice %arg8[%sub3A_360, %dma_wait3A_361] : memref<80x64xi32, #tpu.memory_space<vmem>> -> memref<1x64xi32, #tpu.memory_space<vmem>>
      %dma_wait3A_363 = tpu.memref_squeeze %dma_wait3A_362 : memref<1x64xi32, #tpu.memory_space<vmem>> -> memref<64xi32, #tpu.memory_space<vmem>>
      %dma_wait3A_364 = arith.constant 0 : i32
      %dma_wait3A_365 = arith.constant 0 : i32
      %dma_wait3A_366 = tpu.memref_slice %arg13[%dma_wait3A_364, %dma_wait3A_365] : memref<10112x128xf32, #tpu.memory_space<vmem_shared>> -> memref<10112x128xf32, #tpu.memory_space<vmem_shared>>
      tpu.wait_indirect_dma semaphore(%arg19 : memref<!tpu.dma_semaphore, #tpu.memory_space<semaphore_mem>>) src(%arg10 : memref<64x128xf32, #tpu.memory_space<vmem>>) dst(%dma_wait3A_366 : memref<10112x128xf32, #tpu.memory_space<vmem_shared>>)
      %add3A_367 = arith.constant 2 : i32
      %add3A_368 = arith.addi %add3A_358, %add3A_367 : i32
      %lt3A_369 = arith.constant 80 : i32
      %lt3A_370 = arith.cmpi slt, %add3A_368, %lt3A_369 : i32
      %convert_element_type3A_371 = arith.extui %lt3A_370 : i1 to i32
      %cond3A_372 = arith.constant 0 : i32
      %cond3A_373 = arith.cmpi ne, %convert_element_type3A_371, %cond3A_372 : i32
      scf.if %cond3A_373 {
        %dma_start3A_386 = arith.constant 0 : i32
        %dma_start3A_387 = tpu.memref_slice %arg7[%add3A_368, %dma_start3A_386] : memref<80x64xi32, #tpu.memory_space<vmem>> -> memref<1x64xi32, #tpu.memory_space<vmem>>
        %dma_start3A_388 = tpu.memref_squeeze %dma_start3A_387 : memref<1x64xi32, #tpu.memory_space<vmem>> -> memref<64xi32, #tpu.memory_space<vmem>>
        %dma_start3A_389 = arith.constant 0 : i32
        %dma_start3A_390 = arith.constant 0 : i32
        %dma_start3A_391 = tpu.memref_slice %arg2[%dma_start3A_389, %dma_start3A_390] : memref<10000x128xf32, #tpu.memory_space<hbm>> -> memref<10000x128xf32, #tpu.memory_space<hbm>>
        tpu.enqueue_indirect_dma source(%dma_start3A_391 : memref<10000x128xf32, #tpu.memory_space<hbm>>) target(%arg10 : memref<64x128xf32, #tpu.memory_space<vmem>>) offsets(%dma_start3A_388 : memref<64xi32, #tpu.memory_space<vmem>>) semaphore(%arg15 : memref<!tpu.dma_semaphore, #tpu.memory_space<semaphore_mem>>)
      } else {
      }
      %dma_wait3A_374 = arith.constant 0 : i32
      %dma_wait3A_375 = tpu.memref_slice %arg7[%add3A_358, %dma_wait3A_374] : memref<80x64xi32, #tpu.memory_space<vmem>> -> memref<1x64xi32, #tpu.memory_space<vmem>>
      %dma_wait3A_376 = tpu.memref_squeeze %dma_wait3A_375 : memref<1x64xi32, #tpu.memory_space<vmem>> -> memref<64xi32, #tpu.memory_space<vmem>>
      %dma_wait3A_377 = arith.constant 0 : i32
      %dma_wait3A_378 = arith.constant 0 : i32
      %dma_wait3A_379 = tpu.memref_slice %arg2[%dma_wait3A_377, %dma_wait3A_378] : memref<10000x128xf32, #tpu.memory_space<hbm>> -> memref<10000x128xf32, #tpu.memory_space<hbm>>
      tpu.wait_indirect_dma semaphore(%arg17 : memref<!tpu.dma_semaphore, #tpu.memory_space<semaphore_mem>>) src(%dma_wait3A_379 : memref<10000x128xf32, #tpu.memory_space<hbm>>) dst(%arg12 : memref<64x128xf32, #tpu.memory_space<vmem>>)
      %dma_start3A_380 = arith.constant 0 : i32
      %dma_start3A_381 = tpu.memref_slice %arg8[%add3A_358, %dma_start3A_380] : memref<80x64xi32, #tpu.memory_space<vmem>> -> memref<1x64xi32, #tpu.memory_space<vmem>>
      %dma_start3A_382 = tpu.memref_squeeze %dma_start3A_381 : memref<1x64xi32, #tpu.memory_space<vmem>> -> memref<64xi32, #tpu.memory_space<vmem>>
      %dma_start3A_383 = arith.constant 0 : i32
      %dma_start3A_384 = arith.constant 0 : i32
      %dma_start3A_385 = tpu.memref_slice %arg13[%dma_start3A_383, %dma_start3A_384] : memref<10112x128xf32, #tpu.memory_space<vmem_shared>> -> memref<10112x128xf32, #tpu.memory_space<vmem_shared>>
      tpu.enqueue_indirect_dma source(%arg12 : memref<64x128xf32, #tpu.memory_space<vmem>>) target(%dma_start3A_385 : memref<10112x128xf32, #tpu.memory_space<vmem_shared>>) offsets(%dma_start3A_382 : memref<64xi32, #tpu.memory_space<vmem>>) semaphore(%arg21 : memref<!tpu.dma_semaphore, #tpu.memory_space<semaphore_mem>>) {add = true}
    }
    %scan3A_119 = arith.constant 19 : i32
    %dma_wait3A_120 = arith.constant 78 : i32
    %dma_wait3A_121 = arith.constant 0 : i32
    %dma_wait3A_122 = tpu.memref_slice %arg8[%dma_wait3A_120, %dma_wait3A_121] : memref<80x64xi32, #tpu.memory_space<vmem>> -> memref<1x64xi32, #tpu.memory_space<vmem>>
    %dma_wait3A_123 = tpu.memref_squeeze %dma_wait3A_122 : memref<1x64xi32, #tpu.memory_space<vmem>> -> memref<64xi32, #tpu.memory_space<vmem>>
    %dma_wait3A_124 = arith.constant 0 : i32
    %dma_wait3A_125 = arith.constant 0 : i32
    %dma_wait3A_126 = tpu.memref_slice %arg13[%dma_wait3A_124, %dma_wait3A_125] : memref<10112x128xf32, #tpu.memory_space<vmem_shared>> -> memref<10112x128xf32, #tpu.memory_space<vmem_shared>>
    tpu.wait_indirect_dma semaphore(%arg20 : memref<!tpu.dma_semaphore, #tpu.memory_space<semaphore_mem>>) src(%arg11 : memref<64x128xf32, #tpu.memory_space<vmem>>) dst(%dma_wait3A_126 : memref<10112x128xf32, #tpu.memory_space<vmem_shared>>)
    %dma_wait3A_127 = arith.constant 79 : i32
    %dma_wait3A_128 = arith.constant 0 : i32
    %dma_wait3A_129 = tpu.memref_slice %arg8[%dma_wait3A_127, %dma_wait3A_128] : memref<80x64xi32, #tpu.memory_space<vmem>> -> memref<1x64xi32, #tpu.memory_space<vmem>>
    %dma_wait3A_130 = tpu.memref_squeeze %dma_wait3A_129 : memref<1x64xi32, #tpu.memory_space<vmem>> -> memref<64xi32, #tpu.memory_space<vmem>>
    %dma_wait3A_131 = arith.constant 0 : i32
    %dma_wait3A_132 = arith.constant 0 : i32
    %dma_wait3A_133 = tpu.memref_slice %arg13[%dma_wait3A_131, %dma_wait3A_132] : memref<10112x128xf32, #tpu.memory_space<vmem_shared>> -> memref<10112x128xf32, #tpu.memory_space<vmem_shared>>
    tpu.wait_indirect_dma semaphore(%arg21 : memref<!tpu.dma_semaphore, #tpu.memory_space<semaphore_mem>>) src(%arg12 : memref<64x128xf32, #tpu.memory_space<vmem>>) dst(%dma_wait3A_133 : memref<10112x128xf32, #tpu.memory_space<vmem_shared>>)
    "tpu.region"() ({
      %run_scoped3A = tpu.sem_alloc : memref<!tpu.dma_semaphore, #tpu.memory_space<semaphore_mem>>
      %dma_start3A_271 = arith.constant 80 : i32
      %dma_start3A_272 = arith.constant 0 : i32
      %dma_start3A_273 = tpu.memref_slice %arg3[%add3A, %dma_start3A_271, %dma_start3A_272] : memref<32x160x64xi32, #tpu.memory_space<hbm>> -> memref<1x80x64xi32, #tpu.memory_space<hbm>>
      %dma_start3A_274 = tpu.memref_squeeze %dma_start3A_273 : memref<1x80x64xi32, #tpu.memory_space<hbm>> -> memref<80x64xi32, #tpu.memory_space<hbm>>
      %dma_start3A_275 = arith.constant 80 : i32
      %dma_start3A_276 = arith.constant 0 : i32
      %dma_start3A_277 = tpu.memref_slice %arg3[%add3A, %dma_start3A_275, %dma_start3A_276] : memref<32x160x64xi32, #tpu.memory_space<hbm>> -> memref<1x80x64xi32, #tpu.memory_space<hbm>>
      %dma_start3A_278 = tpu.memref_squeeze %dma_start3A_277 : memref<1x80x64xi32, #tpu.memory_space<hbm>> -> memref<80x64xi32, #tpu.memory_space<hbm>>
      tpu.enqueue_dma source(%dma_start3A_278 : memref<80x64xi32, #tpu.memory_space<hbm>>) target(%arg7 : memref<80x64xi32, #tpu.memory_space<vmem>>) target_semaphore(%run_scoped3A : memref<!tpu.dma_semaphore, #tpu.memory_space<semaphore_mem>>)
      %dma_wait3A_279 = arith.constant 80 : i32
      %dma_wait3A_280 = arith.constant 0 : i32
      %dma_wait3A_281 = tpu.memref_slice %arg3[%add3A, %dma_wait3A_279, %dma_wait3A_280] : memref<32x160x64xi32, #tpu.memory_space<hbm>> -> memref<1x80x64xi32, #tpu.memory_space<hbm>>
      %dma_wait3A_282 = tpu.memref_squeeze %dma_wait3A_281 : memref<1x80x64xi32, #tpu.memory_space<hbm>> -> memref<80x64xi32, #tpu.memory_space<hbm>>
      %dma_wait3A_283 = arith.constant 80 : i32
      %dma_wait3A_284 = arith.constant 0 : i32
      %dma_wait3A_285 = tpu.memref_slice %arg3[%add3A, %dma_wait3A_283, %dma_wait3A_284] : memref<32x160x64xi32, #tpu.memory_space<hbm>> -> memref<1x80x64xi32, #tpu.memory_space<hbm>>
      %dma_wait3A_286 = tpu.memref_squeeze %dma_wait3A_285 : memref<1x80x64xi32, #tpu.memory_space<hbm>> -> memref<80x64xi32, #tpu.memory_space<hbm>>
      tpu.wait_dma2 semaphore(%run_scoped3A : memref<!tpu.dma_semaphore, #tpu.memory_space<semaphore_mem>>) src(%dma_wait3A_286 : memref<80x64xi32, #tpu.memory_space<hbm>>) dst(%arg7 : memref<80x64xi32, #tpu.memory_space<vmem>>)
      tpu.yield
    }) : () -> ()
    "tpu.region"() ({
      %run_scoped3A = tpu.sem_alloc : memref<!tpu.dma_semaphore, #tpu.memory_space<semaphore_mem>>
      %dma_start3A_271 = arith.constant 80 : i32
      %dma_start3A_272 = arith.constant 0 : i32
      %dma_start3A_273 = tpu.memref_slice %arg4[%add3A, %dma_start3A_271, %dma_start3A_272] : memref<32x160x64xi32, #tpu.memory_space<hbm>> -> memref<1x80x64xi32, #tpu.memory_space<hbm>>
      %dma_start3A_274 = tpu.memref_squeeze %dma_start3A_273 : memref<1x80x64xi32, #tpu.memory_space<hbm>> -> memref<80x64xi32, #tpu.memory_space<hbm>>
      %dma_start3A_275 = arith.constant 80 : i32
      %dma_start3A_276 = arith.constant 0 : i32
      %dma_start3A_277 = tpu.memref_slice %arg4[%add3A, %dma_start3A_275, %dma_start3A_276] : memref<32x160x64xi32, #tpu.memory_space<hbm>> -> memref<1x80x64xi32, #tpu.memory_space<hbm>>
      %dma_start3A_278 = tpu.memref_squeeze %dma_start3A_277 : memref<1x80x64xi32, #tpu.memory_space<hbm>> -> memref<80x64xi32, #tpu.memory_space<hbm>>
      tpu.enqueue_dma source(%dma_start3A_278 : memref<80x64xi32, #tpu.memory_space<hbm>>) target(%arg8 : memref<80x64xi32, #tpu.memory_space<vmem>>) target_semaphore(%run_scoped3A : memref<!tpu.dma_semaphore, #tpu.memory_space<semaphore_mem>>)
      %dma_wait3A_279 = arith.constant 80 : i32
      %dma_wait3A_280 = arith.constant 0 : i32
      %dma_wait3A_281 = tpu.memref_slice %arg4[%add3A, %dma_wait3A_279, %dma_wait3A_280] : memref<32x160x64xi32, #tpu.memory_space<hbm>> -> memref<1x80x64xi32, #tpu.memory_space<hbm>>
      %dma_wait3A_282 = tpu.memref_squeeze %dma_wait3A_281 : memref<1x80x64xi32, #tpu.memory_space<hbm>> -> memref<80x64xi32, #tpu.memory_space<hbm>>
      %dma_wait3A_283 = arith.constant 80 : i32
      %dma_wait3A_284 = arith.constant 0 : i32
      %dma_wait3A_285 = tpu.memref_slice %arg4[%add3A, %dma_wait3A_283, %dma_wait3A_284] : memref<32x160x64xi32, #tpu.memory_space<hbm>> -> memref<1x80x64xi32, #tpu.memory_space<hbm>>
      %dma_wait3A_286 = tpu.memref_squeeze %dma_wait3A_285 : memref<1x80x64xi32, #tpu.memory_space<hbm>> -> memref<80x64xi32, #tpu.memory_space<hbm>>
      tpu.wait_dma2 semaphore(%run_scoped3A : memref<!tpu.dma_semaphore, #tpu.memory_space<semaphore_mem>>) src(%dma_wait3A_286 : memref<80x64xi32, #tpu.memory_space<hbm>>) dst(%arg8 : memref<80x64xi32, #tpu.memory_space<vmem>>)
      tpu.yield
    }) : () -> ()
    %dma_start3A_134 = arith.constant 0 : i32
    %dma_start3A_135 = arith.constant 0 : i32
    %dma_start3A_136 = tpu.memref_slice %arg7[%dma_start3A_134, %dma_start3A_135] : memref<80x64xi32, #tpu.memory_space<vmem>> -> memref<1x64xi32, #tpu.memory_space<vmem>>
    %dma_start3A_137 = tpu.memref_squeeze %dma_start3A_136 : memref<1x64xi32, #tpu.memory_space<vmem>> -> memref<64xi32, #tpu.memory_space<vmem>>
    %dma_start3A_138 = arith.constant 0 : i32
    %dma_start3A_139 = arith.constant 0 : i32
    %dma_start3A_140 = tpu.memref_slice %arg2[%dma_start3A_138, %dma_start3A_139] : memref<10000x128xf32, #tpu.memory_space<hbm>> -> memref<10000x128xf32, #tpu.memory_space<hbm>>
    tpu.enqueue_indirect_dma source(%dma_start3A_140 : memref<10000x128xf32, #tpu.memory_space<hbm>>) target(%arg9 : memref<64x128xf32, #tpu.memory_space<vmem>>) offsets(%dma_start3A_137 : memref<64xi32, #tpu.memory_space<vmem>>) semaphore(%arg14 : memref<!tpu.dma_semaphore, #tpu.memory_space<semaphore_mem>>)
    %dma_start3A_141 = arith.constant 1 : i32
    %dma_start3A_142 = arith.constant 0 : i32
    %dma_start3A_143 = tpu.memref_slice %arg7[%dma_start3A_141, %dma_start3A_142] : memref<80x64xi32, #tpu.memory_space<vmem>> -> memref<1x64xi32, #tpu.memory_space<vmem>>
    %dma_start3A_144 = tpu.memref_squeeze %dma_start3A_143 : memref<1x64xi32, #tpu.memory_space<vmem>> -> memref<64xi32, #tpu.memory_space<vmem>>
    %dma_start3A_145 = arith.constant 0 : i32
    %dma_start3A_146 = arith.constant 0 : i32
    %dma_start3A_147 = tpu.memref_slice %arg2[%dma_start3A_145, %dma_start3A_146] : memref<10000x128xf32, #tpu.memory_space<hbm>> -> memref<10000x128xf32, #tpu.memory_space<hbm>>
    tpu.enqueue_indirect_dma source(%dma_start3A_147 : memref<10000x128xf32, #tpu.memory_space<hbm>>) target(%arg10 : memref<64x128xf32, #tpu.memory_space<vmem>>) offsets(%dma_start3A_144 : memref<64xi32, #tpu.memory_space<vmem>>) semaphore(%arg15 : memref<!tpu.dma_semaphore, #tpu.memory_space<semaphore_mem>>)
    %dma_start3A_148 = arith.constant 2 : i32
    %dma_start3A_149 = arith.constant 0 : i32
    %dma_start3A_150 = tpu.memref_slice %arg7[%dma_start3A_148, %dma_start3A_149] : memref<80x64xi32, #tpu.memory_space<vmem>> -> memref<1x64xi32, #tpu.memory_space<vmem>>
    %dma_start3A_151 = tpu.memref_squeeze %dma_start3A_150 : memref<1x64xi32, #tpu.memory_space<vmem>> -> memref<64xi32, #tpu.memory_space<vmem>>
    %dma_start3A_152 = arith.constant 0 : i32
    %dma_start3A_153 = arith.constant 0 : i32
    %dma_start3A_154 = tpu.memref_slice %arg2[%dma_start3A_152, %dma_start3A_153] : memref<10000x128xf32, #tpu.memory_space<hbm>> -> memref<10000x128xf32, #tpu.memory_space<hbm>>
    tpu.enqueue_indirect_dma source(%dma_start3A_154 : memref<10000x128xf32, #tpu.memory_space<hbm>>) target(%arg11 : memref<64x128xf32, #tpu.memory_space<vmem>>) offsets(%dma_start3A_151 : memref<64xi32, #tpu.memory_space<vmem>>) semaphore(%arg16 : memref<!tpu.dma_semaphore, #tpu.memory_space<semaphore_mem>>)
    %dma_wait3A_155 = arith.constant 0 : i32
    %dma_wait3A_156 = arith.constant 0 : i32
    %dma_wait3A_157 = tpu.memref_slice %arg7[%dma_wait3A_155, %dma_wait3A_156] : memref<80x64xi32, #tpu.memory_space<vmem>> -> memref<1x64xi32, #tpu.memory_space<vmem>>
    %dma_wait3A_158 = tpu.memref_squeeze %dma_wait3A_157 : memref<1x64xi32, #tpu.memory_space<vmem>> -> memref<64xi32, #tpu.memory_space<vmem>>
    %dma_wait3A_159 = arith.constant 0 : i32
    %dma_wait3A_160 = arith.constant 0 : i32
    %dma_wait3A_161 = tpu.memref_slice %arg2[%dma_wait3A_159, %dma_wait3A_160] : memref<10000x128xf32, #tpu.memory_space<hbm>> -> memref<10000x128xf32, #tpu.memory_space<hbm>>
    tpu.wait_indirect_dma semaphore(%arg14 : memref<!tpu.dma_semaphore, #tpu.memory_space<semaphore_mem>>) src(%dma_wait3A_161 : memref<10000x128xf32, #tpu.memory_space<hbm>>) dst(%arg9 : memref<64x128xf32, #tpu.memory_space<vmem>>)
    %dma_start3A_162 = arith.constant 0 : i32
    %dma_start3A_163 = arith.constant 0 : i32
    %dma_start3A_164 = tpu.memref_slice %arg8[%dma_start3A_162, %dma_start3A_163] : memref<80x64xi32, #tpu.memory_space<vmem>> -> memref<1x64xi32, #tpu.memory_space<vmem>>
    %dma_start3A_165 = tpu.memref_squeeze %dma_start3A_164 : memref<1x64xi32, #tpu.memory_space<vmem>> -> memref<64xi32, #tpu.memory_space<vmem>>
    %dma_start3A_166 = arith.constant 0 : i32
    %dma_start3A_167 = arith.constant 0 : i32
    %dma_start3A_168 = tpu.memref_slice %arg13[%dma_start3A_166, %dma_start3A_167] : memref<10112x128xf32, #tpu.memory_space<vmem_shared>> -> memref<10112x128xf32, #tpu.memory_space<vmem_shared>>
    tpu.enqueue_indirect_dma source(%arg9 : memref<64x128xf32, #tpu.memory_space<vmem>>) target(%dma_start3A_168 : memref<10112x128xf32, #tpu.memory_space<vmem_shared>>) offsets(%dma_start3A_165 : memref<64xi32, #tpu.memory_space<vmem>>) semaphore(%arg18 : memref<!tpu.dma_semaphore, #tpu.memory_space<semaphore_mem>>) {add = true}
    %dma_start3A_169 = arith.constant 3 : i32
    %dma_start3A_170 = arith.constant 0 : i32
    %dma_start3A_171 = tpu.memref_slice %arg7[%dma_start3A_169, %dma_start3A_170] : memref<80x64xi32, #tpu.memory_space<vmem>> -> memref<1x64xi32, #tpu.memory_space<vmem>>
    %dma_start3A_172 = tpu.memref_squeeze %dma_start3A_171 : memref<1x64xi32, #tpu.memory_space<vmem>> -> memref<64xi32, #tpu.memory_space<vmem>>
    %dma_start3A_173 = arith.constant 0 : i32
    %dma_start3A_174 = arith.constant 0 : i32
    %dma_start3A_175 = tpu.memref_slice %arg2[%dma_start3A_173, %dma_start3A_174] : memref<10000x128xf32, #tpu.memory_space<hbm>> -> memref<10000x128xf32, #tpu.memory_space<hbm>>
    tpu.enqueue_indirect_dma source(%dma_start3A_175 : memref<10000x128xf32, #tpu.memory_space<hbm>>) target(%arg12 : memref<64x128xf32, #tpu.memory_space<vmem>>) offsets(%dma_start3A_172 : memref<64xi32, #tpu.memory_space<vmem>>) semaphore(%arg17 : memref<!tpu.dma_semaphore, #tpu.memory_space<semaphore_mem>>)
    %dma_wait3A_176 = arith.constant 1 : i32
    %dma_wait3A_177 = arith.constant 0 : i32
    %dma_wait3A_178 = tpu.memref_slice %arg7[%dma_wait3A_176, %dma_wait3A_177] : memref<80x64xi32, #tpu.memory_space<vmem>> -> memref<1x64xi32, #tpu.memory_space<vmem>>
    %dma_wait3A_179 = tpu.memref_squeeze %dma_wait3A_178 : memref<1x64xi32, #tpu.memory_space<vmem>> -> memref<64xi32, #tpu.memory_space<vmem>>
    %dma_wait3A_180 = arith.constant 0 : i32
    %dma_wait3A_181 = arith.constant 0 : i32
    %dma_wait3A_182 = tpu.memref_slice %arg2[%dma_wait3A_180, %dma_wait3A_181] : memref<10000x128xf32, #tpu.memory_space<hbm>> -> memref<10000x128xf32, #tpu.memory_space<hbm>>
    tpu.wait_indirect_dma semaphore(%arg15 : memref<!tpu.dma_semaphore, #tpu.memory_space<semaphore_mem>>) src(%dma_wait3A_182 : memref<10000x128xf32, #tpu.memory_space<hbm>>) dst(%arg10 : memref<64x128xf32, #tpu.memory_space<vmem>>)
    %dma_start3A_183 = arith.constant 1 : i32
    %dma_start3A_184 = arith.constant 0 : i32
    %dma_start3A_185 = tpu.memref_slice %arg8[%dma_start3A_183, %dma_start3A_184] : memref<80x64xi32, #tpu.memory_space<vmem>> -> memref<1x64xi32, #tpu.memory_space<vmem>>
    %dma_start3A_186 = tpu.memref_squeeze %dma_start3A_185 : memref<1x64xi32, #tpu.memory_space<vmem>> -> memref<64xi32, #tpu.memory_space<vmem>>
    %dma_start3A_187 = arith.constant 0 : i32
    %dma_start3A_188 = arith.constant 0 : i32
    %dma_start3A_189 = tpu.memref_slice %arg13[%dma_start3A_187, %dma_start3A_188] : memref<10112x128xf32, #tpu.memory_space<vmem_shared>> -> memref<10112x128xf32, #tpu.memory_space<vmem_shared>>
    tpu.enqueue_indirect_dma source(%arg10 : memref<64x128xf32, #tpu.memory_space<vmem>>) target(%dma_start3A_189 : memref<10112x128xf32, #tpu.memory_space<vmem_shared>>) offsets(%dma_start3A_186 : memref<64xi32, #tpu.memory_space<vmem>>) semaphore(%arg19 : memref<!tpu.dma_semaphore, #tpu.memory_space<semaphore_mem>>) {add = true}
    %dma_wait3A_190 = arith.constant 0 : i32
    %dma_wait3A_191 = arith.constant 0 : i32
    %dma_wait3A_192 = tpu.memref_slice %arg8[%dma_wait3A_190, %dma_wait3A_191] : memref<80x64xi32, #tpu.memory_space<vmem>> -> memref<1x64xi32, #tpu.memory_space<vmem>>
    %dma_wait3A_193 = tpu.memref_squeeze %dma_wait3A_192 : memref<1x64xi32, #tpu.memory_space<vmem>> -> memref<64xi32, #tpu.memory_space<vmem>>
    %dma_wait3A_194 = arith.constant 0 : i32
    %dma_wait3A_195 = arith.constant 0 : i32
    %dma_wait3A_196 = tpu.memref_slice %arg13[%dma_wait3A_194, %dma_wait3A_195] : memref<10112x128xf32, #tpu.memory_space<vmem_shared>> -> memref<10112x128xf32, #tpu.memory_space<vmem_shared>>
    tpu.wait_indirect_dma semaphore(%arg18 : memref<!tpu.dma_semaphore, #tpu.memory_space<semaphore_mem>>) src(%arg9 : memref<64x128xf32, #tpu.memory_space<vmem>>) dst(%dma_wait3A_196 : memref<10112x128xf32, #tpu.memory_space<vmem_shared>>)
    %dma_start3A_197 = arith.constant 4 : i32
    %dma_start3A_198 = arith.constant 0 : i32
    %dma_start3A_199 = tpu.memref_slice %arg7[%dma_start3A_197, %dma_start3A_198] : memref<80x64xi32, #tpu.memory_space<vmem>> -> memref<1x64xi32, #tpu.memory_space<vmem>>
    %dma_start3A_200 = tpu.memref_squeeze %dma_start3A_199 : memref<1x64xi32, #tpu.memory_space<vmem>> -> memref<64xi32, #tpu.memory_space<vmem>>
    %dma_start3A_201 = arith.constant 0 : i32
    %dma_start3A_202 = arith.constant 0 : i32
    %dma_start3A_203 = tpu.memref_slice %arg2[%dma_start3A_201, %dma_start3A_202] : memref<10000x128xf32, #tpu.memory_space<hbm>> -> memref<10000x128xf32, #tpu.memory_space<hbm>>
    tpu.enqueue_indirect_dma source(%dma_start3A_203 : memref<10000x128xf32, #tpu.memory_space<hbm>>) target(%arg9 : memref<64x128xf32, #tpu.memory_space<vmem>>) offsets(%dma_start3A_200 : memref<64xi32, #tpu.memory_space<vmem>>) semaphore(%arg14 : memref<!tpu.dma_semaphore, #tpu.memory_space<semaphore_mem>>)
    %dma_wait3A_204 = arith.constant 2 : i32
    %dma_wait3A_205 = arith.constant 0 : i32
    %dma_wait3A_206 = tpu.memref_slice %arg7[%dma_wait3A_204, %dma_wait3A_205] : memref<80x64xi32, #tpu.memory_space<vmem>> -> memref<1x64xi32, #tpu.memory_space<vmem>>
    %dma_wait3A_207 = tpu.memref_squeeze %dma_wait3A_206 : memref<1x64xi32, #tpu.memory_space<vmem>> -> memref<64xi32, #tpu.memory_space<vmem>>
    %dma_wait3A_208 = arith.constant 0 : i32
    %dma_wait3A_209 = arith.constant 0 : i32
    %dma_wait3A_210 = tpu.memref_slice %arg2[%dma_wait3A_208, %dma_wait3A_209] : memref<10000x128xf32, #tpu.memory_space<hbm>> -> memref<10000x128xf32, #tpu.memory_space<hbm>>
    tpu.wait_indirect_dma semaphore(%arg16 : memref<!tpu.dma_semaphore, #tpu.memory_space<semaphore_mem>>) src(%dma_wait3A_210 : memref<10000x128xf32, #tpu.memory_space<hbm>>) dst(%arg11 : memref<64x128xf32, #tpu.memory_space<vmem>>)
    %dma_start3A_211 = arith.constant 2 : i32
    %dma_start3A_212 = arith.constant 0 : i32
    %dma_start3A_213 = tpu.memref_slice %arg8[%dma_start3A_211, %dma_start3A_212] : memref<80x64xi32, #tpu.memory_space<vmem>> -> memref<1x64xi32, #tpu.memory_space<vmem>>
    %dma_start3A_214 = tpu.memref_squeeze %dma_start3A_213 : memref<1x64xi32, #tpu.memory_space<vmem>> -> memref<64xi32, #tpu.memory_space<vmem>>
    %dma_start3A_215 = arith.constant 0 : i32
    %dma_start3A_216 = arith.constant 0 : i32
    %dma_start3A_217 = tpu.memref_slice %arg13[%dma_start3A_215, %dma_start3A_216] : memref<10112x128xf32, #tpu.memory_space<vmem_shared>> -> memref<10112x128xf32, #tpu.memory_space<vmem_shared>>
    tpu.enqueue_indirect_dma source(%arg11 : memref<64x128xf32, #tpu.memory_space<vmem>>) target(%dma_start3A_217 : memref<10112x128xf32, #tpu.memory_space<vmem_shared>>) offsets(%dma_start3A_214 : memref<64xi32, #tpu.memory_space<vmem>>) semaphore(%arg20 : memref<!tpu.dma_semaphore, #tpu.memory_space<semaphore_mem>>) {add = true}
    %dma_wait3A_218 = arith.constant 1 : i32
    %dma_wait3A_219 = arith.constant 0 : i32
    %dma_wait3A_220 = tpu.memref_slice %arg8[%dma_wait3A_218, %dma_wait3A_219] : memref<80x64xi32, #tpu.memory_space<vmem>> -> memref<1x64xi32, #tpu.memory_space<vmem>>
    %dma_wait3A_221 = tpu.memref_squeeze %dma_wait3A_220 : memref<1x64xi32, #tpu.memory_space<vmem>> -> memref<64xi32, #tpu.memory_space<vmem>>
    %dma_wait3A_222 = arith.constant 0 : i32
    %dma_wait3A_223 = arith.constant 0 : i32
    %dma_wait3A_224 = tpu.memref_slice %arg13[%dma_wait3A_222, %dma_wait3A_223] : memref<10112x128xf32, #tpu.memory_space<vmem_shared>> -> memref<10112x128xf32, #tpu.memory_space<vmem_shared>>
    tpu.wait_indirect_dma semaphore(%arg19 : memref<!tpu.dma_semaphore, #tpu.memory_space<semaphore_mem>>) src(%arg10 : memref<64x128xf32, #tpu.memory_space<vmem>>) dst(%dma_wait3A_224 : memref<10112x128xf32, #tpu.memory_space<vmem_shared>>)
    %dma_start3A_225 = arith.constant 5 : i32
    %dma_start3A_226 = arith.constant 0 : i32
    %dma_start3A_227 = tpu.memref_slice %arg7[%dma_start3A_225, %dma_start3A_226] : memref<80x64xi32, #tpu.memory_space<vmem>> -> memref<1x64xi32, #tpu.memory_space<vmem>>
    %dma_start3A_228 = tpu.memref_squeeze %dma_start3A_227 : memref<1x64xi32, #tpu.memory_space<vmem>> -> memref<64xi32, #tpu.memory_space<vmem>>
    %dma_start3A_229 = arith.constant 0 : i32
    %dma_start3A_230 = arith.constant 0 : i32
    %dma_start3A_231 = tpu.memref_slice %arg2[%dma_start3A_229, %dma_start3A_230] : memref<10000x128xf32, #tpu.memory_space<hbm>> -> memref<10000x128xf32, #tpu.memory_space<hbm>>
    tpu.enqueue_indirect_dma source(%dma_start3A_231 : memref<10000x128xf32, #tpu.memory_space<hbm>>) target(%arg10 : memref<64x128xf32, #tpu.memory_space<vmem>>) offsets(%dma_start3A_228 : memref<64xi32, #tpu.memory_space<vmem>>) semaphore(%arg15 : memref<!tpu.dma_semaphore, #tpu.memory_space<semaphore_mem>>)
    %dma_wait3A_232 = arith.constant 3 : i32
    %dma_wait3A_233 = arith.constant 0 : i32
    %dma_wait3A_234 = tpu.memref_slice %arg7[%dma_wait3A_232, %dma_wait3A_233] : memref<80x64xi32, #tpu.memory_space<vmem>> -> memref<1x64xi32, #tpu.memory_space<vmem>>
    %dma_wait3A_235 = tpu.memref_squeeze %dma_wait3A_234 : memref<1x64xi32, #tpu.memory_space<vmem>> -> memref<64xi32, #tpu.memory_space<vmem>>
    %dma_wait3A_236 = arith.constant 0 : i32
    %dma_wait3A_237 = arith.constant 0 : i32
    %dma_wait3A_238 = tpu.memref_slice %arg2[%dma_wait3A_236, %dma_wait3A_237] : memref<10000x128xf32, #tpu.memory_space<hbm>> -> memref<10000x128xf32, #tpu.memory_space<hbm>>
    tpu.wait_indirect_dma semaphore(%arg17 : memref<!tpu.dma_semaphore, #tpu.memory_space<semaphore_mem>>) src(%dma_wait3A_238 : memref<10000x128xf32, #tpu.memory_space<hbm>>) dst(%arg12 : memref<64x128xf32, #tpu.memory_space<vmem>>)
    %dma_start3A_239 = arith.constant 3 : i32
    %dma_start3A_240 = arith.constant 0 : i32
    %dma_start3A_241 = tpu.memref_slice %arg8[%dma_start3A_239, %dma_start3A_240] : memref<80x64xi32, #tpu.memory_space<vmem>> -> memref<1x64xi32, #tpu.memory_space<vmem>>
    %dma_start3A_242 = tpu.memref_squeeze %dma_start3A_241 : memref<1x64xi32, #tpu.memory_space<vmem>> -> memref<64xi32, #tpu.memory_space<vmem>>
    %dma_start3A_243 = arith.constant 0 : i32
    %dma_start3A_244 = arith.constant 0 : i32
    %dma_start3A_245 = tpu.memref_slice %arg13[%dma_start3A_243, %dma_start3A_244] : memref<10112x128xf32, #tpu.memory_space<vmem_shared>> -> memref<10112x128xf32, #tpu.memory_space<vmem_shared>>
    tpu.enqueue_indirect_dma source(%arg12 : memref<64x128xf32, #tpu.memory_space<vmem>>) target(%dma_start3A_245 : memref<10112x128xf32, #tpu.memory_space<vmem_shared>>) offsets(%dma_start3A_242 : memref<64xi32, #tpu.memory_space<vmem>>) semaphore(%arg21 : memref<!tpu.dma_semaphore, #tpu.memory_space<semaphore_mem>>) {add = true}
    %scan3A_246 = arith.constant 0 : i32
    %scan3A_247 = arith.constant 1 : i32
    %scan3A_248 = arith.constant 19 : i32
    %scan3A_249 = arith.addi %scan3A_247, %scan3A_248 : i32
    %scan3A_250 = arith.constant 1 : i32
    scf.for %scan3A_271 = %scan3A_247 to %scan3A_249 step %scan3A_250  : i32 {
      %mul3A_272 = arith.constant 4 : i32
      %mul3A_273 = arith.muli %scan3A_271, %mul3A_272 : i32
      %add3A_274 = arith.constant 0 : i32
      %add3A_275 = arith.addi %mul3A_273, %add3A_274 : i32
      %sub3A = arith.constant 2 : i32
      %sub3A_276 = arith.subi %add3A_275, %sub3A : i32
      %dma_wait3A_277 = arith.constant 0 : i32
      %dma_wait3A_278 = tpu.memref_slice %arg8[%sub3A_276, %dma_wait3A_277] : memref<80x64xi32, #tpu.memory_space<vmem>> -> memref<1x64xi32, #tpu.memory_space<vmem>>
      %dma_wait3A_279 = tpu.memref_squeeze %dma_wait3A_278 : memref<1x64xi32, #tpu.memory_space<vmem>> -> memref<64xi32, #tpu.memory_space<vmem>>
      %dma_wait3A_280 = arith.constant 0 : i32
      %dma_wait3A_281 = arith.constant 0 : i32
      %dma_wait3A_282 = tpu.memref_slice %arg13[%dma_wait3A_280, %dma_wait3A_281] : memref<10112x128xf32, #tpu.memory_space<vmem_shared>> -> memref<10112x128xf32, #tpu.memory_space<vmem_shared>>
      tpu.wait_indirect_dma semaphore(%arg20 : memref<!tpu.dma_semaphore, #tpu.memory_space<semaphore_mem>>) src(%arg11 : memref<64x128xf32, #tpu.memory_space<vmem>>) dst(%dma_wait3A_282 : memref<10112x128xf32, #tpu.memory_space<vmem_shared>>)
      %add3A_283 = arith.constant 2 : i32
      %add3A_284 = arith.addi %add3A_275, %add3A_283 : i32
      %lt3A = arith.constant 80 : i32
      %lt3A_285 = arith.cmpi slt, %add3A_284, %lt3A : i32
      %convert_element_type3A = arith.extui %lt3A_285 : i1 to i32
      %cond3A = arith.constant 0 : i32
      %cond3A_286 = arith.cmpi ne, %convert_element_type3A, %cond3A : i32
      scf.if %cond3A_286 {
        %dma_start3A_386 = arith.constant 0 : i32
        %dma_start3A_387 = tpu.memref_slice %arg7[%add3A_284, %dma_start3A_386] : memref<80x64xi32, #tpu.memory_space<vmem>> -> memref<1x64xi32, #tpu.memory_space<vmem>>
        %dma_start3A_388 = tpu.memref_squeeze %dma_start3A_387 : memref<1x64xi32, #tpu.memory_space<vmem>> -> memref<64xi32, #tpu.memory_space<vmem>>
        %dma_start3A_389 = arith.constant 0 : i32
        %dma_start3A_390 = arith.constant 0 : i32
        %dma_start3A_391 = tpu.memref_slice %arg2[%dma_start3A_389, %dma_start3A_390] : memref<10000x128xf32, #tpu.memory_space<hbm>> -> memref<10000x128xf32, #tpu.memory_space<hbm>>
        tpu.enqueue_indirect_dma source(%dma_start3A_391 : memref<10000x128xf32, #tpu.memory_space<hbm>>) target(%arg11 : memref<64x128xf32, #tpu.memory_space<vmem>>) offsets(%dma_start3A_388 : memref<64xi32, #tpu.memory_space<vmem>>) semaphore(%arg16 : memref<!tpu.dma_semaphore, #tpu.memory_space<semaphore_mem>>)
      } else {
      }
      %dma_wait3A_287 = arith.constant 0 : i32
      %dma_wait3A_288 = tpu.memref_slice %arg7[%add3A_275, %dma_wait3A_287] : memref<80x64xi32, #tpu.memory_space<vmem>> -> memref<1x64xi32, #tpu.memory_space<vmem>>
      %dma_wait3A_289 = tpu.memref_squeeze %dma_wait3A_288 : memref<1x64xi32, #tpu.memory_space<vmem>> -> memref<64xi32, #tpu.memory_space<vmem>>
      %dma_wait3A_290 = arith.constant 0 : i32
      %dma_wait3A_291 = arith.constant 0 : i32
      %dma_wait3A_292 = tpu.memref_slice %arg2[%dma_wait3A_290, %dma_wait3A_291] : memref<10000x128xf32, #tpu.memory_space<hbm>> -> memref<10000x128xf32, #tpu.memory_space<hbm>>
      tpu.wait_indirect_dma semaphore(%arg14 : memref<!tpu.dma_semaphore, #tpu.memory_space<semaphore_mem>>) src(%dma_wait3A_292 : memref<10000x128xf32, #tpu.memory_space<hbm>>) dst(%arg9 : memref<64x128xf32, #tpu.memory_space<vmem>>)
      %dma_start3A_293 = arith.constant 0 : i32
      %dma_start3A_294 = tpu.memref_slice %arg8[%add3A_275, %dma_start3A_293] : memref<80x64xi32, #tpu.memory_space<vmem>> -> memref<1x64xi32, #tpu.memory_space<vmem>>
      %dma_start3A_295 = tpu.memref_squeeze %dma_start3A_294 : memref<1x64xi32, #tpu.memory_space<vmem>> -> memref<64xi32, #tpu.memory_space<vmem>>
      %dma_start3A_296 = arith.constant 0 : i32
      %dma_start3A_297 = arith.constant 0 : i32
      %dma_start3A_298 = tpu.memref_slice %arg13[%dma_start3A_296, %dma_start3A_297] : memref<10112x128xf32, #tpu.memory_space<vmem_shared>> -> memref<10112x128xf32, #tpu.memory_space<vmem_shared>>
      tpu.enqueue_indirect_dma source(%arg9 : memref<64x128xf32, #tpu.memory_space<vmem>>) target(%dma_start3A_298 : memref<10112x128xf32, #tpu.memory_space<vmem_shared>>) offsets(%dma_start3A_295 : memref<64xi32, #tpu.memory_space<vmem>>) semaphore(%arg18 : memref<!tpu.dma_semaphore, #tpu.memory_space<semaphore_mem>>) {add = true}
      %add3A_299 = arith.constant 1 : i32
      %add3A_300 = arith.addi %mul3A_273, %add3A_299 : i32
      %sub3A_301 = arith.constant 2 : i32
      %sub3A_302 = arith.subi %add3A_300, %sub3A_301 : i32
      %dma_wait3A_303 = arith.constant 0 : i32
      %dma_wait3A_304 = tpu.memref_slice %arg8[%sub3A_302, %dma_wait3A_303] : memref<80x64xi32, #tpu.memory_space<vmem>> -> memref<1x64xi32, #tpu.memory_space<vmem>>
      %dma_wait3A_305 = tpu.memref_squeeze %dma_wait3A_304 : memref<1x64xi32, #tpu.memory_space<vmem>> -> memref<64xi32, #tpu.memory_space<vmem>>
      %dma_wait3A_306 = arith.constant 0 : i32
      %dma_wait3A_307 = arith.constant 0 : i32
      %dma_wait3A_308 = tpu.memref_slice %arg13[%dma_wait3A_306, %dma_wait3A_307] : memref<10112x128xf32, #tpu.memory_space<vmem_shared>> -> memref<10112x128xf32, #tpu.memory_space<vmem_shared>>
      tpu.wait_indirect_dma semaphore(%arg21 : memref<!tpu.dma_semaphore, #tpu.memory_space<semaphore_mem>>) src(%arg12 : memref<64x128xf32, #tpu.memory_space<vmem>>) dst(%dma_wait3A_308 : memref<10112x128xf32, #tpu.memory_space<vmem_shared>>)
      %add3A_309 = arith.constant 2 : i32
      %add3A_310 = arith.addi %add3A_300, %add3A_309 : i32
      %lt3A_311 = arith.constant 80 : i32
      %lt3A_312 = arith.cmpi slt, %add3A_310, %lt3A_311 : i32
      %convert_element_type3A_313 = arith.extui %lt3A_312 : i1 to i32
      %cond3A_314 = arith.constant 0 : i32
      %cond3A_315 = arith.cmpi ne, %convert_element_type3A_313, %cond3A_314 : i32
      scf.if %cond3A_315 {
        %dma_start3A_386 = arith.constant 0 : i32
        %dma_start3A_387 = tpu.memref_slice %arg7[%add3A_310, %dma_start3A_386] : memref<80x64xi32, #tpu.memory_space<vmem>> -> memref<1x64xi32, #tpu.memory_space<vmem>>
        %dma_start3A_388 = tpu.memref_squeeze %dma_start3A_387 : memref<1x64xi32, #tpu.memory_space<vmem>> -> memref<64xi32, #tpu.memory_space<vmem>>
        %dma_start3A_389 = arith.constant 0 : i32
        %dma_start3A_390 = arith.constant 0 : i32
        %dma_start3A_391 = tpu.memref_slice %arg2[%dma_start3A_389, %dma_start3A_390] : memref<10000x128xf32, #tpu.memory_space<hbm>> -> memref<10000x128xf32, #tpu.memory_space<hbm>>
        tpu.enqueue_indirect_dma source(%dma_start3A_391 : memref<10000x128xf32, #tpu.memory_space<hbm>>) target(%arg12 : memref<64x128xf32, #tpu.memory_space<vmem>>) offsets(%dma_start3A_388 : memref<64xi32, #tpu.memory_space<vmem>>) semaphore(%arg17 : memref<!tpu.dma_semaphore, #tpu.memory_space<semaphore_mem>>)
      } else {
      }
      %dma_wait3A_316 = arith.constant 0 : i32
      %dma_wait3A_317 = tpu.memref_slice %arg7[%add3A_300, %dma_wait3A_316] : memref<80x64xi32, #tpu.memory_space<vmem>> -> memref<1x64xi32, #tpu.memory_space<vmem>>
      %dma_wait3A_318 = tpu.memref_squeeze %dma_wait3A_317 : memref<1x64xi32, #tpu.memory_space<vmem>> -> memref<64xi32, #tpu.memory_space<vmem>>
      %dma_wait3A_319 = arith.constant 0 : i32
      %dma_wait3A_320 = arith.constant 0 : i32
      %dma_wait3A_321 = tpu.memref_slice %arg2[%dma_wait3A_319, %dma_wait3A_320] : memref<10000x128xf32, #tpu.memory_space<hbm>> -> memref<10000x128xf32, #tpu.memory_space<hbm>>
      tpu.wait_indirect_dma semaphore(%arg15 : memref<!tpu.dma_semaphore, #tpu.memory_space<semaphore_mem>>) src(%dma_wait3A_321 : memref<10000x128xf32, #tpu.memory_space<hbm>>) dst(%arg10 : memref<64x128xf32, #tpu.memory_space<vmem>>)
      %dma_start3A_322 = arith.constant 0 : i32
      %dma_start3A_323 = tpu.memref_slice %arg8[%add3A_300, %dma_start3A_322] : memref<80x64xi32, #tpu.memory_space<vmem>> -> memref<1x64xi32, #tpu.memory_space<vmem>>
      %dma_start3A_324 = tpu.memref_squeeze %dma_start3A_323 : memref<1x64xi32, #tpu.memory_space<vmem>> -> memref<64xi32, #tpu.memory_space<vmem>>
      %dma_start3A_325 = arith.constant 0 : i32
      %dma_start3A_326 = arith.constant 0 : i32
      %dma_start3A_327 = tpu.memref_slice %arg13[%dma_start3A_325, %dma_start3A_326] : memref<10112x128xf32, #tpu.memory_space<vmem_shared>> -> memref<10112x128xf32, #tpu.memory_space<vmem_shared>>
      tpu.enqueue_indirect_dma source(%arg10 : memref<64x128xf32, #tpu.memory_space<vmem>>) target(%dma_start3A_327 : memref<10112x128xf32, #tpu.memory_space<vmem_shared>>) offsets(%dma_start3A_324 : memref<64xi32, #tpu.memory_space<vmem>>) semaphore(%arg19 : memref<!tpu.dma_semaphore, #tpu.memory_space<semaphore_mem>>) {add = true}
      %add3A_328 = arith.constant 2 : i32
      %add3A_329 = arith.addi %mul3A_273, %add3A_328 : i32
      %sub3A_330 = arith.constant 2 : i32
      %sub3A_331 = arith.subi %add3A_329, %sub3A_330 : i32
      %dma_wait3A_332 = arith.constant 0 : i32
      %dma_wait3A_333 = tpu.memref_slice %arg8[%sub3A_331, %dma_wait3A_332] : memref<80x64xi32, #tpu.memory_space<vmem>> -> memref<1x64xi32, #tpu.memory_space<vmem>>
      %dma_wait3A_334 = tpu.memref_squeeze %dma_wait3A_333 : memref<1x64xi32, #tpu.memory_space<vmem>> -> memref<64xi32, #tpu.memory_space<vmem>>
      %dma_wait3A_335 = arith.constant 0 : i32
      %dma_wait3A_336 = arith.constant 0 : i32
      %dma_wait3A_337 = tpu.memref_slice %arg13[%dma_wait3A_335, %dma_wait3A_336] : memref<10112x128xf32, #tpu.memory_space<vmem_shared>> -> memref<10112x128xf32, #tpu.memory_space<vmem_shared>>
      tpu.wait_indirect_dma semaphore(%arg18 : memref<!tpu.dma_semaphore, #tpu.memory_space<semaphore_mem>>) src(%arg9 : memref<64x128xf32, #tpu.memory_space<vmem>>) dst(%dma_wait3A_337 : memref<10112x128xf32, #tpu.memory_space<vmem_shared>>)
      %add3A_338 = arith.constant 2 : i32
      %add3A_339 = arith.addi %add3A_329, %add3A_338 : i32
      %lt3A_340 = arith.constant 80 : i32
      %lt3A_341 = arith.cmpi slt, %add3A_339, %lt3A_340 : i32
      %convert_element_type3A_342 = arith.extui %lt3A_341 : i1 to i32
      %cond3A_343 = arith.constant 0 : i32
      %cond3A_344 = arith.cmpi ne, %convert_element_type3A_342, %cond3A_343 : i32
      scf.if %cond3A_344 {
        %dma_start3A_386 = arith.constant 0 : i32
        %dma_start3A_387 = tpu.memref_slice %arg7[%add3A_339, %dma_start3A_386] : memref<80x64xi32, #tpu.memory_space<vmem>> -> memref<1x64xi32, #tpu.memory_space<vmem>>
        %dma_start3A_388 = tpu.memref_squeeze %dma_start3A_387 : memref<1x64xi32, #tpu.memory_space<vmem>> -> memref<64xi32, #tpu.memory_space<vmem>>
        %dma_start3A_389 = arith.constant 0 : i32
        %dma_start3A_390 = arith.constant 0 : i32
        %dma_start3A_391 = tpu.memref_slice %arg2[%dma_start3A_389, %dma_start3A_390] : memref<10000x128xf32, #tpu.memory_space<hbm>> -> memref<10000x128xf32, #tpu.memory_space<hbm>>
        tpu.enqueue_indirect_dma source(%dma_start3A_391 : memref<10000x128xf32, #tpu.memory_space<hbm>>) target(%arg9 : memref<64x128xf32, #tpu.memory_space<vmem>>) offsets(%dma_start3A_388 : memref<64xi32, #tpu.memory_space<vmem>>) semaphore(%arg14 : memref<!tpu.dma_semaphore, #tpu.memory_space<semaphore_mem>>)
      } else {
      }
      %dma_wait3A_345 = arith.constant 0 : i32
      %dma_wait3A_346 = tpu.memref_slice %arg7[%add3A_329, %dma_wait3A_345] : memref<80x64xi32, #tpu.memory_space<vmem>> -> memref<1x64xi32, #tpu.memory_space<vmem>>
      %dma_wait3A_347 = tpu.memref_squeeze %dma_wait3A_346 : memref<1x64xi32, #tpu.memory_space<vmem>> -> memref<64xi32, #tpu.memory_space<vmem>>
      %dma_wait3A_348 = arith.constant 0 : i32
      %dma_wait3A_349 = arith.constant 0 : i32
      %dma_wait3A_350 = tpu.memref_slice %arg2[%dma_wait3A_348, %dma_wait3A_349] : memref<10000x128xf32, #tpu.memory_space<hbm>> -> memref<10000x128xf32, #tpu.memory_space<hbm>>
      tpu.wait_indirect_dma semaphore(%arg16 : memref<!tpu.dma_semaphore, #tpu.memory_space<semaphore_mem>>) src(%dma_wait3A_350 : memref<10000x128xf32, #tpu.memory_space<hbm>>) dst(%arg11 : memref<64x128xf32, #tpu.memory_space<vmem>>)
      %dma_start3A_351 = arith.constant 0 : i32
      %dma_start3A_352 = tpu.memref_slice %arg8[%add3A_329, %dma_start3A_351] : memref<80x64xi32, #tpu.memory_space<vmem>> -> memref<1x64xi32, #tpu.memory_space<vmem>>
      %dma_start3A_353 = tpu.memref_squeeze %dma_start3A_352 : memref<1x64xi32, #tpu.memory_space<vmem>> -> memref<64xi32, #tpu.memory_space<vmem>>
      %dma_start3A_354 = arith.constant 0 : i32
      %dma_start3A_355 = arith.constant 0 : i32
      %dma_start3A_356 = tpu.memref_slice %arg13[%dma_start3A_354, %dma_start3A_355] : memref<10112x128xf32, #tpu.memory_space<vmem_shared>> -> memref<10112x128xf32, #tpu.memory_space<vmem_shared>>
      tpu.enqueue_indirect_dma source(%arg11 : memref<64x128xf32, #tpu.memory_space<vmem>>) target(%dma_start3A_356 : memref<10112x128xf32, #tpu.memory_space<vmem_shared>>) offsets(%dma_start3A_353 : memref<64xi32, #tpu.memory_space<vmem>>) semaphore(%arg20 : memref<!tpu.dma_semaphore, #tpu.memory_space<semaphore_mem>>) {add = true}
      %add3A_357 = arith.constant 3 : i32
      %add3A_358 = arith.addi %mul3A_273, %add3A_357 : i32
      %sub3A_359 = arith.constant 2 : i32
      %sub3A_360 = arith.subi %add3A_358, %sub3A_359 : i32
      %dma_wait3A_361 = arith.constant 0 : i32
      %dma_wait3A_362 = tpu.memref_slice %arg8[%sub3A_360, %dma_wait3A_361] : memref<80x64xi32, #tpu.memory_space<vmem>> -> memref<1x64xi32, #tpu.memory_space<vmem>>
      %dma_wait3A_363 = tpu.memref_squeeze %dma_wait3A_362 : memref<1x64xi32, #tpu.memory_space<vmem>> -> memref<64xi32, #tpu.memory_space<vmem>>
      %dma_wait3A_364 = arith.constant 0 : i32
      %dma_wait3A_365 = arith.constant 0 : i32
      %dma_wait3A_366 = tpu.memref_slice %arg13[%dma_wait3A_364, %dma_wait3A_365] : memref<10112x128xf32, #tpu.memory_space<vmem_shared>> -> memref<10112x128xf32, #tpu.memory_space<vmem_shared>>
      tpu.wait_indirect_dma semaphore(%arg19 : memref<!tpu.dma_semaphore, #tpu.memory_space<semaphore_mem>>) src(%arg10 : memref<64x128xf32, #tpu.memory_space<vmem>>) dst(%dma_wait3A_366 : memref<10112x128xf32, #tpu.memory_space<vmem_shared>>)
      %add3A_367 = arith.constant 2 : i32
      %add3A_368 = arith.addi %add3A_358, %add3A_367 : i32
      %lt3A_369 = arith.constant 80 : i32
      %lt3A_370 = arith.cmpi slt, %add3A_368, %lt3A_369 : i32
      %convert_element_type3A_371 = arith.extui %lt3A_370 : i1 to i32
      %cond3A_372 = arith.constant 0 : i32
      %cond3A_373 = arith.cmpi ne, %convert_element_type3A_371, %cond3A_372 : i32
      scf.if %cond3A_373 {
        %dma_start3A_386 = arith.constant 0 : i32
        %dma_start3A_387 = tpu.memref_slice %arg7[%add3A_368, %dma_start3A_386] : memref<80x64xi32, #tpu.memory_space<vmem>> -> memref<1x64xi32, #tpu.memory_space<vmem>>
        %dma_start3A_388 = tpu.memref_squeeze %dma_start3A_387 : memref<1x64xi32, #tpu.memory_space<vmem>> -> memref<64xi32, #tpu.memory_space<vmem>>
        %dma_start3A_389 = arith.constant 0 : i32
        %dma_start3A_390 = arith.constant 0 : i32
        %dma_start3A_391 = tpu.memref_slice %arg2[%dma_start3A_389, %dma_start3A_390] : memref<10000x128xf32, #tpu.memory_space<hbm>> -> memref<10000x128xf32, #tpu.memory_space<hbm>>
        tpu.enqueue_indirect_dma source(%dma_start3A_391 : memref<10000x128xf32, #tpu.memory_space<hbm>>) target(%arg10 : memref<64x128xf32, #tpu.memory_space<vmem>>) offsets(%dma_start3A_388 : memref<64xi32, #tpu.memory_space<vmem>>) semaphore(%arg15 : memref<!tpu.dma_semaphore, #tpu.memory_space<semaphore_mem>>)
      } else {
      }
      %dma_wait3A_374 = arith.constant 0 : i32
      %dma_wait3A_375 = tpu.memref_slice %arg7[%add3A_358, %dma_wait3A_374] : memref<80x64xi32, #tpu.memory_space<vmem>> -> memref<1x64xi32, #tpu.memory_space<vmem>>
      %dma_wait3A_376 = tpu.memref_squeeze %dma_wait3A_375 : memref<1x64xi32, #tpu.memory_space<vmem>> -> memref<64xi32, #tpu.memory_space<vmem>>
      %dma_wait3A_377 = arith.constant 0 : i32
      %dma_wait3A_378 = arith.constant 0 : i32
      %dma_wait3A_379 = tpu.memref_slice %arg2[%dma_wait3A_377, %dma_wait3A_378] : memref<10000x128xf32, #tpu.memory_space<hbm>> -> memref<10000x128xf32, #tpu.memory_space<hbm>>
      tpu.wait_indirect_dma semaphore(%arg17 : memref<!tpu.dma_semaphore, #tpu.memory_space<semaphore_mem>>) src(%dma_wait3A_379 : memref<10000x128xf32, #tpu.memory_space<hbm>>) dst(%arg12 : memref<64x128xf32, #tpu.memory_space<vmem>>)
      %dma_start3A_380 = arith.constant 0 : i32
      %dma_start3A_381 = tpu.memref_slice %arg8[%add3A_358, %dma_start3A_380] : memref<80x64xi32, #tpu.memory_space<vmem>> -> memref<1x64xi32, #tpu.memory_space<vmem>>
      %dma_start3A_382 = tpu.memref_squeeze %dma_start3A_381 : memref<1x64xi32, #tpu.memory_space<vmem>> -> memref<64xi32, #tpu.memory_space<vmem>>
      %dma_start3A_383 = arith.constant 0 : i32
      %dma_start3A_384 = arith.constant 0 : i32
      %dma_start3A_385 = tpu.memref_slice %arg13[%dma_start3A_383, %dma_start3A_384] : memref<10112x128xf32, #tpu.memory_space<vmem_shared>> -> memref<10112x128xf32, #tpu.memory_space<vmem_shared>>
      tpu.enqueue_indirect_dma source(%arg12 : memref<64x128xf32, #tpu.memory_space<vmem>>) target(%dma_start3A_385 : memref<10112x128xf32, #tpu.memory_space<vmem_shared>>) offsets(%dma_start3A_382 : memref<64xi32, #tpu.memory_space<vmem>>) semaphore(%arg21 : memref<!tpu.dma_semaphore, #tpu.memory_space<semaphore_mem>>) {add = true}
    }
    %scan3A_251 = arith.constant 19 : i32
    %dma_wait3A_252 = arith.constant 78 : i32
    %dma_wait3A_253 = arith.constant 0 : i32
    %dma_wait3A_254 = tpu.memref_slice %arg8[%dma_wait3A_252, %dma_wait3A_253] : memref<80x64xi32, #tpu.memory_space<vmem>> -> memref<1x64xi32, #tpu.memory_space<vmem>>
    %dma_wait3A_255 = tpu.memref_squeeze %dma_wait3A_254 : memref<1x64xi32, #tpu.memory_space<vmem>> -> memref<64xi32, #tpu.memory_space<vmem>>
    %dma_wait3A_256 = arith.constant 0 : i32
    %dma_wait3A_257 = arith.constant 0 : i32
    %dma_wait3A_258 = tpu.memref_slice %arg13[%dma_wait3A_256, %dma_wait3A_257] : memref<10112x128xf32, #tpu.memory_space<vmem_shared>> -> memref<10112x128xf32, #tpu.memory_space<vmem_shared>>
    tpu.wait_indirect_dma semaphore(%arg20 : memref<!tpu.dma_semaphore, #tpu.memory_space<semaphore_mem>>) src(%arg11 : memref<64x128xf32, #tpu.memory_space<vmem>>) dst(%dma_wait3A_258 : memref<10112x128xf32, #tpu.memory_space<vmem_shared>>)
    %dma_wait3A_259 = arith.constant 79 : i32
    %dma_wait3A_260 = arith.constant 0 : i32
    %dma_wait3A_261 = tpu.memref_slice %arg8[%dma_wait3A_259, %dma_wait3A_260] : memref<80x64xi32, #tpu.memory_space<vmem>> -> memref<1x64xi32, #tpu.memory_space<vmem>>
    %dma_wait3A_262 = tpu.memref_squeeze %dma_wait3A_261 : memref<1x64xi32, #tpu.memory_space<vmem>> -> memref<64xi32, #tpu.memory_space<vmem>>
    %dma_wait3A_263 = arith.constant 0 : i32
    %dma_wait3A_264 = arith.constant 0 : i32
    %dma_wait3A_265 = tpu.memref_slice %arg13[%dma_wait3A_263, %dma_wait3A_264] : memref<10112x128xf32, #tpu.memory_space<vmem_shared>> -> memref<10112x128xf32, #tpu.memory_space<vmem_shared>>
    tpu.wait_indirect_dma semaphore(%arg21 : memref<!tpu.dma_semaphore, #tpu.memory_space<semaphore_mem>>) src(%arg12 : memref<64x128xf32, #tpu.memory_space<vmem>>) dst(%dma_wait3A_265 : memref<10112x128xf32, #tpu.memory_space<vmem_shared>>)
    %barrier3A_266 = arith.constant 0 : index
    tpu.barrier barrier_id(%barrier3A_266)
    %mul3A_267 = arith.constant 632 : i32
    %mul3A_268 = arith.muli %arg1, %mul3A_267 : i32
    %mul3A_269 = arith.constant 632 : i32
    %mul3A_270 = arith.muli %arg1, %mul3A_269 : i32
    "tpu.region"() ({
      %run_scoped3A = tpu.sem_alloc : memref<!tpu.dma_semaphore, #tpu.memory_space<semaphore_mem>>
      %dma_start3A_271 = arith.constant 0 : i32
      %dma_start3A_272 = tpu.memref_slice %arg6[%arg0, %mul3A_270, %dma_start3A_271] : memref<2x10112x128xf32, #tpu.memory_space<hbm>> -> memref<1x632x128xf32, #tpu.memory_space<hbm>>
      %dma_start3A_273 = tpu.memref_squeeze %dma_start3A_272 : memref<1x632x128xf32, #tpu.memory_space<hbm>> -> memref<632x128xf32, #tpu.memory_space<hbm>>
      %dma_start3A_274 = arith.constant 0 : i32
      %dma_start3A_275 = tpu.memref_slice %arg13[%mul3A_268, %dma_start3A_274] : memref<10112x128xf32, #tpu.memory_space<vmem_shared>> -> memref<632x128xf32, #tpu.memory_space<vmem_shared>>
      tpu.enqueue_dma source(%dma_start3A_275 : memref<632x128xf32, #tpu.memory_space<vmem_shared>>) target(%dma_start3A_273 : memref<632x128xf32, #tpu.memory_space<hbm>>) target_semaphore(%run_scoped3A : memref<!tpu.dma_semaphore, #tpu.memory_space<semaphore_mem>>)
      %dma_wait3A_276 = arith.constant 0 : i32
      %dma_wait3A_277 = tpu.memref_slice %arg6[%arg0, %mul3A_270, %dma_wait3A_276] : memref<2x10112x128xf32, #tpu.memory_space<hbm>> -> memref<1x632x128xf32, #tpu.memory_space<hbm>>
      %dma_wait3A_278 = tpu.memref_squeeze %dma_wait3A_277 : memref<1x632x128xf32, #tpu.memory_space<hbm>> -> memref<632x128xf32, #tpu.memory_space<hbm>>
      %dma_wait3A_279 = arith.constant 0 : i32
      %dma_wait3A_280 = tpu.memref_slice %arg13[%mul3A_268, %dma_wait3A_279] : memref<10112x128xf32, #tpu.memory_space<vmem_shared>> -> memref<632x128xf32, #tpu.memory_space<vmem_shared>>
      tpu.wait_dma2 semaphore(%run_scoped3A : memref<!tpu.dma_semaphore, #tpu.memory_space<semaphore_mem>>) src(%dma_wait3A_280 : memref<632x128xf32, #tpu.memory_space<vmem_shared>>) dst(%dma_wait3A_278 : memref<632x128xf32, #tpu.memory_space<hbm>>)
      tpu.yield
    }) : () -> ()
    return
  }
}

#map = affine_map<(d0, d1) -> (0, 0)>
#map1 = affine_map<(d0, d1) -> (0, 0, 0)>
module attributes {stable_mosaic.version = 14 : i64} {
  func.func @_scatter(%arg0: i32, %arg1: i32, %arg2: memref<10000x64xf32, #tpu.memory_space<hbm>>, %arg3: memref<32x80x128xi32, #tpu.memory_space<hbm>>, %arg4: memref<32x80x128xi32, #tpu.memory_space<hbm>>, %arg5: memref<10112x64xf32, #tpu.memory_space<hbm>>, %arg6: memref<2x10112x64xf32, #tpu.memory_space<hbm>>, %arg7: memref<80x128xi32, #tpu.memory_space<vmem>>, %arg8: memref<80x128xi32, #tpu.memory_space<vmem>>, %arg9: memref<128x64xf32, #tpu.memory_space<vmem>>, %arg10: memref<128x64xf32, #tpu.memory_space<vmem>>, %arg11: memref<128x64xf32, #tpu.memory_space<vmem>>, %arg12: memref<128x64xf32, #tpu.memory_space<vmem>>, %arg13: memref<10112x64xf32, #tpu.memory_space<vmem_shared>>, %arg14: memref<!tpu.dma_semaphore, #tpu.memory_space<semaphore_mem>>, %arg15: memref<!tpu.dma_semaphore, #tpu.memory_space<semaphore_mem>>, %arg16: memref<!tpu.dma_semaphore, #tpu.memory_space<semaphore_mem>>, %arg17: memref<!tpu.dma_semaphore, #tpu.memory_space<semaphore_mem>>, %arg18: memref<!tpu.dma_semaphore, #tpu.memory_space<semaphore_mem>>, %arg19: memref<!tpu.dma_semaphore, #tpu.memory_space<semaphore_mem>>, %arg20: memref<!tpu.dma_semaphore, #tpu.memory_space<semaphore_mem>>, %arg21: memref<!tpu.dma_semaphore, #tpu.memory_space<semaphore_mem>>) attributes {dimension_semantics = [#tpu.dimension_semantics<core_parallel>, #tpu.dimension_semantics<subcore_parallel>], iteration_bounds = array<i64: 2, 16>, scalar_prefetch = 0 : i64, scratch_operands = 15 : i64, tpu.core_type = #tpu.core_type<sc_vector_subcore>, window_params = [{transform_indices = #map}, {transform_indices = #map1}, {transform_indices = #map1}, {transform_indices = #map}, {transform_indices = #map1}]} {
    %mul3A = arith.constant 2 : i32
    %mul3A_0 = arith.muli %arg1, %mul3A : i32
    %add3A = arith.addi %mul3A_0, %arg0 : i32
    %mul3A_1 = arith.constant 632 : i32
    %mul3A_2 = arith.muli %arg1, %mul3A_1 : i32
    %mul3A_3 = arith.constant 632 : i32
    %mul3A_4 = arith.muli %arg1, %mul3A_3 : i32
    "tpu.region"() ({
      %run_scoped3A = tpu.sem_alloc : memref<!tpu.dma_semaphore, #tpu.memory_space<semaphore_mem>>
      %dma_start3A_139 = arith.constant 0 : i32
      %dma_start3A_140 = tpu.memref_slice %arg13[%mul3A_4, %dma_start3A_139] : memref<10112x64xf32, #tpu.memory_space<vmem_shared>> -> memref<632x64xf32, #tpu.memory_space<vmem_shared>>
      %dma_start3A_141 = arith.constant 0 : i32
      %dma_start3A_142 = tpu.memref_slice %arg5[%mul3A_2, %dma_start3A_141] : memref<10112x64xf32, #tpu.memory_space<hbm>> -> memref<632x64xf32, #tpu.memory_space<hbm>>
      tpu.enqueue_dma source(%dma_start3A_142 : memref<632x64xf32, #tpu.memory_space<hbm>>) target(%dma_start3A_140 : memref<632x64xf32, #tpu.memory_space<vmem_shared>>) target_semaphore(%run_scoped3A : memref<!tpu.dma_semaphore, #tpu.memory_space<semaphore_mem>>)
      %dma_wait3A_143 = arith.constant 0 : i32
      %dma_wait3A_144 = tpu.memref_slice %arg13[%mul3A_4, %dma_wait3A_143] : memref<10112x64xf32, #tpu.memory_space<vmem_shared>> -> memref<632x64xf32, #tpu.memory_space<vmem_shared>>
      %dma_wait3A_145 = arith.constant 0 : i32
      %dma_wait3A_146 = tpu.memref_slice %arg5[%mul3A_2, %dma_wait3A_145] : memref<10112x64xf32, #tpu.memory_space<hbm>> -> memref<632x64xf32, #tpu.memory_space<hbm>>
      tpu.wait_dma2 semaphore(%run_scoped3A : memref<!tpu.dma_semaphore, #tpu.memory_space<semaphore_mem>>) src(%dma_wait3A_146 : memref<632x64xf32, #tpu.memory_space<hbm>>) dst(%dma_wait3A_144 : memref<632x64xf32, #tpu.memory_space<vmem_shared>>)
      tpu.yield
    }) : () -> ()
    %barrier3A = arith.constant 0 : index
    tpu.barrier barrier_id(%barrier3A)
    "tpu.region"() ({
      %run_scoped3A = tpu.sem_alloc : memref<!tpu.dma_semaphore, #tpu.memory_space<semaphore_mem>>
      %dma_start3A_139 = arith.constant 0 : i32
      %dma_start3A_140 = arith.constant 0 : i32
      %dma_start3A_141 = tpu.memref_slice %arg3[%add3A, %dma_start3A_139, %dma_start3A_140] : memref<32x80x128xi32, #tpu.memory_space<hbm>> -> memref<1x80x128xi32, #tpu.memory_space<hbm>>
      %dma_start3A_142 = tpu.memref_squeeze %dma_start3A_141 : memref<1x80x128xi32, #tpu.memory_space<hbm>> -> memref<80x128xi32, #tpu.memory_space<hbm>>
      %dma_start3A_143 = arith.constant 0 : i32
      %dma_start3A_144 = arith.constant 0 : i32
      %dma_start3A_145 = tpu.memref_slice %arg3[%add3A, %dma_start3A_143, %dma_start3A_144] : memref<32x80x128xi32, #tpu.memory_space<hbm>> -> memref<1x80x128xi32, #tpu.memory_space<hbm>>
      %dma_start3A_146 = tpu.memref_squeeze %dma_start3A_145 : memref<1x80x128xi32, #tpu.memory_space<hbm>> -> memref<80x128xi32, #tpu.memory_space<hbm>>
      tpu.enqueue_dma source(%dma_start3A_146 : memref<80x128xi32, #tpu.memory_space<hbm>>) target(%arg7 : memref<80x128xi32, #tpu.memory_space<vmem>>) target_semaphore(%run_scoped3A : memref<!tpu.dma_semaphore, #tpu.memory_space<semaphore_mem>>)
      %dma_wait3A_147 = arith.constant 0 : i32
      %dma_wait3A_148 = arith.constant 0 : i32
      %dma_wait3A_149 = tpu.memref_slice %arg3[%add3A, %dma_wait3A_147, %dma_wait3A_148] : memref<32x80x128xi32, #tpu.memory_space<hbm>> -> memref<1x80x128xi32, #tpu.memory_space<hbm>>
      %dma_wait3A_150 = tpu.memref_squeeze %dma_wait3A_149 : memref<1x80x128xi32, #tpu.memory_space<hbm>> -> memref<80x128xi32, #tpu.memory_space<hbm>>
      %dma_wait3A_151 = arith.constant 0 : i32
      %dma_wait3A_152 = arith.constant 0 : i32
      %dma_wait3A_153 = tpu.memref_slice %arg3[%add3A, %dma_wait3A_151, %dma_wait3A_152] : memref<32x80x128xi32, #tpu.memory_space<hbm>> -> memref<1x80x128xi32, #tpu.memory_space<hbm>>
      %dma_wait3A_154 = tpu.memref_squeeze %dma_wait3A_153 : memref<1x80x128xi32, #tpu.memory_space<hbm>> -> memref<80x128xi32, #tpu.memory_space<hbm>>
      tpu.wait_dma2 semaphore(%run_scoped3A : memref<!tpu.dma_semaphore, #tpu.memory_space<semaphore_mem>>) src(%dma_wait3A_154 : memref<80x128xi32, #tpu.memory_space<hbm>>) dst(%arg7 : memref<80x128xi32, #tpu.memory_space<vmem>>)
      tpu.yield
    }) : () -> ()
    "tpu.region"() ({
      %run_scoped3A = tpu.sem_alloc : memref<!tpu.dma_semaphore, #tpu.memory_space<semaphore_mem>>
      %dma_start3A_139 = arith.constant 0 : i32
      %dma_start3A_140 = arith.constant 0 : i32
      %dma_start3A_141 = tpu.memref_slice %arg4[%add3A, %dma_start3A_139, %dma_start3A_140] : memref<32x80x128xi32, #tpu.memory_space<hbm>> -> memref<1x80x128xi32, #tpu.memory_space<hbm>>
      %dma_start3A_142 = tpu.memref_squeeze %dma_start3A_141 : memref<1x80x128xi32, #tpu.memory_space<hbm>> -> memref<80x128xi32, #tpu.memory_space<hbm>>
      %dma_start3A_143 = arith.constant 0 : i32
      %dma_start3A_144 = arith.constant 0 : i32
      %dma_start3A_145 = tpu.memref_slice %arg4[%add3A, %dma_start3A_143, %dma_start3A_144] : memref<32x80x128xi32, #tpu.memory_space<hbm>> -> memref<1x80x128xi32, #tpu.memory_space<hbm>>
      %dma_start3A_146 = tpu.memref_squeeze %dma_start3A_145 : memref<1x80x128xi32, #tpu.memory_space<hbm>> -> memref<80x128xi32, #tpu.memory_space<hbm>>
      tpu.enqueue_dma source(%dma_start3A_146 : memref<80x128xi32, #tpu.memory_space<hbm>>) target(%arg8 : memref<80x128xi32, #tpu.memory_space<vmem>>) target_semaphore(%run_scoped3A : memref<!tpu.dma_semaphore, #tpu.memory_space<semaphore_mem>>)
      %dma_wait3A_147 = arith.constant 0 : i32
      %dma_wait3A_148 = arith.constant 0 : i32
      %dma_wait3A_149 = tpu.memref_slice %arg4[%add3A, %dma_wait3A_147, %dma_wait3A_148] : memref<32x80x128xi32, #tpu.memory_space<hbm>> -> memref<1x80x128xi32, #tpu.memory_space<hbm>>
      %dma_wait3A_150 = tpu.memref_squeeze %dma_wait3A_149 : memref<1x80x128xi32, #tpu.memory_space<hbm>> -> memref<80x128xi32, #tpu.memory_space<hbm>>
      %dma_wait3A_151 = arith.constant 0 : i32
      %dma_wait3A_152 = arith.constant 0 : i32
      %dma_wait3A_153 = tpu.memref_slice %arg4[%add3A, %dma_wait3A_151, %dma_wait3A_152] : memref<32x80x128xi32, #tpu.memory_space<hbm>> -> memref<1x80x128xi32, #tpu.memory_space<hbm>>
      %dma_wait3A_154 = tpu.memref_squeeze %dma_wait3A_153 : memref<1x80x128xi32, #tpu.memory_space<hbm>> -> memref<80x128xi32, #tpu.memory_space<hbm>>
      tpu.wait_dma2 semaphore(%run_scoped3A : memref<!tpu.dma_semaphore, #tpu.memory_space<semaphore_mem>>) src(%dma_wait3A_154 : memref<80x128xi32, #tpu.memory_space<hbm>>) dst(%arg8 : memref<80x128xi32, #tpu.memory_space<vmem>>)
      tpu.yield
    }) : () -> ()
    %dma_start3A = arith.constant 0 : i32
    %dma_start3A_5 = arith.constant 0 : i32
    %dma_start3A_6 = tpu.memref_slice %arg7[%dma_start3A, %dma_start3A_5] : memref<80x128xi32, #tpu.memory_space<vmem>> -> memref<1x128xi32, #tpu.memory_space<vmem>>
    %dma_start3A_7 = tpu.memref_squeeze %dma_start3A_6 : memref<1x128xi32, #tpu.memory_space<vmem>> -> memref<128xi32, #tpu.memory_space<vmem>>
    %dma_start3A_8 = arith.constant 0 : i32
    %dma_start3A_9 = arith.constant 0 : i32
    %dma_start3A_10 = tpu.memref_slice %arg2[%dma_start3A_8, %dma_start3A_9] : memref<10000x64xf32, #tpu.memory_space<hbm>> -> memref<10000x64xf32, #tpu.memory_space<hbm>>
    tpu.enqueue_indirect_dma source(%dma_start3A_10 : memref<10000x64xf32, #tpu.memory_space<hbm>>) target(%arg9 : memref<128x64xf32, #tpu.memory_space<vmem>>) offsets(%dma_start3A_7 : memref<128xi32, #tpu.memory_space<vmem>>) semaphore(%arg14 : memref<!tpu.dma_semaphore, #tpu.memory_space<semaphore_mem>>)
    %dma_start3A_11 = arith.constant 1 : i32
    %dma_start3A_12 = arith.constant 0 : i32
    %dma_start3A_13 = tpu.memref_slice %arg7[%dma_start3A_11, %dma_start3A_12] : memref<80x128xi32, #tpu.memory_space<vmem>> -> memref<1x128xi32, #tpu.memory_space<vmem>>
    %dma_start3A_14 = tpu.memref_squeeze %dma_start3A_13 : memref<1x128xi32, #tpu.memory_space<vmem>> -> memref<128xi32, #tpu.memory_space<vmem>>
    %dma_start3A_15 = arith.constant 0 : i32
    %dma_start3A_16 = arith.constant 0 : i32
    %dma_start3A_17 = tpu.memref_slice %arg2[%dma_start3A_15, %dma_start3A_16] : memref<10000x64xf32, #tpu.memory_space<hbm>> -> memref<10000x64xf32, #tpu.memory_space<hbm>>
    tpu.enqueue_indirect_dma source(%dma_start3A_17 : memref<10000x64xf32, #tpu.memory_space<hbm>>) target(%arg10 : memref<128x64xf32, #tpu.memory_space<vmem>>) offsets(%dma_start3A_14 : memref<128xi32, #tpu.memory_space<vmem>>) semaphore(%arg15 : memref<!tpu.dma_semaphore, #tpu.memory_space<semaphore_mem>>)
    %dma_start3A_18 = arith.constant 2 : i32
    %dma_start3A_19 = arith.constant 0 : i32
    %dma_start3A_20 = tpu.memref_slice %arg7[%dma_start3A_18, %dma_start3A_19] : memref<80x128xi32, #tpu.memory_space<vmem>> -> memref<1x128xi32, #tpu.memory_space<vmem>>
    %dma_start3A_21 = tpu.memref_squeeze %dma_start3A_20 : memref<1x128xi32, #tpu.memory_space<vmem>> -> memref<128xi32, #tpu.memory_space<vmem>>
    %dma_start3A_22 = arith.constant 0 : i32
    %dma_start3A_23 = arith.constant 0 : i32
    %dma_start3A_24 = tpu.memref_slice %arg2[%dma_start3A_22, %dma_start3A_23] : memref<10000x64xf32, #tpu.memory_space<hbm>> -> memref<10000x64xf32, #tpu.memory_space<hbm>>
    tpu.enqueue_indirect_dma source(%dma_start3A_24 : memref<10000x64xf32, #tpu.memory_space<hbm>>) target(%arg11 : memref<128x64xf32, #tpu.memory_space<vmem>>) offsets(%dma_start3A_21 : memref<128xi32, #tpu.memory_space<vmem>>) semaphore(%arg16 : memref<!tpu.dma_semaphore, #tpu.memory_space<semaphore_mem>>)
    %dma_wait3A = arith.constant 0 : i32
    %dma_wait3A_25 = arith.constant 0 : i32
    %dma_wait3A_26 = tpu.memref_slice %arg7[%dma_wait3A, %dma_wait3A_25] : memref<80x128xi32, #tpu.memory_space<vmem>> -> memref<1x128xi32, #tpu.memory_space<vmem>>
    %dma_wait3A_27 = tpu.memref_squeeze %dma_wait3A_26 : memref<1x128xi32, #tpu.memory_space<vmem>> -> memref<128xi32, #tpu.memory_space<vmem>>
    %dma_wait3A_28 = arith.constant 0 : i32
    %dma_wait3A_29 = arith.constant 0 : i32
    %dma_wait3A_30 = tpu.memref_slice %arg2[%dma_wait3A_28, %dma_wait3A_29] : memref<10000x64xf32, #tpu.memory_space<hbm>> -> memref<10000x64xf32, #tpu.memory_space<hbm>>
    tpu.wait_indirect_dma semaphore(%arg14 : memref<!tpu.dma_semaphore, #tpu.memory_space<semaphore_mem>>) src(%dma_wait3A_30 : memref<10000x64xf32, #tpu.memory_space<hbm>>) dst(%arg9 : memref<128x64xf32, #tpu.memory_space<vmem>>)
    %dma_start3A_31 = arith.constant 0 : i32
    %dma_start3A_32 = arith.constant 0 : i32
    %dma_start3A_33 = tpu.memref_slice %arg8[%dma_start3A_31, %dma_start3A_32] : memref<80x128xi32, #tpu.memory_space<vmem>> -> memref<1x128xi32, #tpu.memory_space<vmem>>
    %dma_start3A_34 = tpu.memref_squeeze %dma_start3A_33 : memref<1x128xi32, #tpu.memory_space<vmem>> -> memref<128xi32, #tpu.memory_space<vmem>>
    %dma_start3A_35 = arith.constant 0 : i32
    %dma_start3A_36 = arith.constant 0 : i32
    %dma_start3A_37 = tpu.memref_slice %arg13[%dma_start3A_35, %dma_start3A_36] : memref<10112x64xf32, #tpu.memory_space<vmem_shared>> -> memref<10112x64xf32, #tpu.memory_space<vmem_shared>>
    tpu.enqueue_indirect_dma source(%arg9 : memref<128x64xf32, #tpu.memory_space<vmem>>) target(%dma_start3A_37 : memref<10112x64xf32, #tpu.memory_space<vmem_shared>>) offsets(%dma_start3A_34 : memref<128xi32, #tpu.memory_space<vmem>>) semaphore(%arg18 : memref<!tpu.dma_semaphore, #tpu.memory_space<semaphore_mem>>) {add = true}
    %dma_start3A_38 = arith.constant 3 : i32
    %dma_start3A_39 = arith.constant 0 : i32
    %dma_start3A_40 = tpu.memref_slice %arg7[%dma_start3A_38, %dma_start3A_39] : memref<80x128xi32, #tpu.memory_space<vmem>> -> memref<1x128xi32, #tpu.memory_space<vmem>>
    %dma_start3A_41 = tpu.memref_squeeze %dma_start3A_40 : memref<1x128xi32, #tpu.memory_space<vmem>> -> memref<128xi32, #tpu.memory_space<vmem>>
    %dma_start3A_42 = arith.constant 0 : i32
    %dma_start3A_43 = arith.constant 0 : i32
    %dma_start3A_44 = tpu.memref_slice %arg2[%dma_start3A_42, %dma_start3A_43] : memref<10000x64xf32, #tpu.memory_space<hbm>> -> memref<10000x64xf32, #tpu.memory_space<hbm>>
    tpu.enqueue_indirect_dma source(%dma_start3A_44 : memref<10000x64xf32, #tpu.memory_space<hbm>>) target(%arg12 : memref<128x64xf32, #tpu.memory_space<vmem>>) offsets(%dma_start3A_41 : memref<128xi32, #tpu.memory_space<vmem>>) semaphore(%arg17 : memref<!tpu.dma_semaphore, #tpu.memory_space<semaphore_mem>>)
    %dma_wait3A_45 = arith.constant 1 : i32
    %dma_wait3A_46 = arith.constant 0 : i32
    %dma_wait3A_47 = tpu.memref_slice %arg7[%dma_wait3A_45, %dma_wait3A_46] : memref<80x128xi32, #tpu.memory_space<vmem>> -> memref<1x128xi32, #tpu.memory_space<vmem>>
    %dma_wait3A_48 = tpu.memref_squeeze %dma_wait3A_47 : memref<1x128xi32, #tpu.memory_space<vmem>> -> memref<128xi32, #tpu.memory_space<vmem>>
    %dma_wait3A_49 = arith.constant 0 : i32
    %dma_wait3A_50 = arith.constant 0 : i32
    %dma_wait3A_51 = tpu.memref_slice %arg2[%dma_wait3A_49, %dma_wait3A_50] : memref<10000x64xf32, #tpu.memory_space<hbm>> -> memref<10000x64xf32, #tpu.memory_space<hbm>>
    tpu.wait_indirect_dma semaphore(%arg15 : memref<!tpu.dma_semaphore, #tpu.memory_space<semaphore_mem>>) src(%dma_wait3A_51 : memref<10000x64xf32, #tpu.memory_space<hbm>>) dst(%arg10 : memref<128x64xf32, #tpu.memory_space<vmem>>)
    %dma_start3A_52 = arith.constant 1 : i32
    %dma_start3A_53 = arith.constant 0 : i32
    %dma_start3A_54 = tpu.memref_slice %arg8[%dma_start3A_52, %dma_start3A_53] : memref<80x128xi32, #tpu.memory_space<vmem>> -> memref<1x128xi32, #tpu.memory_space<vmem>>
    %dma_start3A_55 = tpu.memref_squeeze %dma_start3A_54 : memref<1x128xi32, #tpu.memory_space<vmem>> -> memref<128xi32, #tpu.memory_space<vmem>>
    %dma_start3A_56 = arith.constant 0 : i32
    %dma_start3A_57 = arith.constant 0 : i32
    %dma_start3A_58 = tpu.memref_slice %arg13[%dma_start3A_56, %dma_start3A_57] : memref<10112x64xf32, #tpu.memory_space<vmem_shared>> -> memref<10112x64xf32, #tpu.memory_space<vmem_shared>>
    tpu.enqueue_indirect_dma source(%arg10 : memref<128x64xf32, #tpu.memory_space<vmem>>) target(%dma_start3A_58 : memref<10112x64xf32, #tpu.memory_space<vmem_shared>>) offsets(%dma_start3A_55 : memref<128xi32, #tpu.memory_space<vmem>>) semaphore(%arg19 : memref<!tpu.dma_semaphore, #tpu.memory_space<semaphore_mem>>) {add = true}
    %dma_wait3A_59 = arith.constant 0 : i32
    %dma_wait3A_60 = arith.constant 0 : i32
    %dma_wait3A_61 = tpu.memref_slice %arg8[%dma_wait3A_59, %dma_wait3A_60] : memref<80x128xi32, #tpu.memory_space<vmem>> -> memref<1x128xi32, #tpu.memory_space<vmem>>
    %dma_wait3A_62 = tpu.memref_squeeze %dma_wait3A_61 : memref<1x128xi32, #tpu.memory_space<vmem>> -> memref<128xi32, #tpu.memory_space<vmem>>
    %dma_wait3A_63 = arith.constant 0 : i32
    %dma_wait3A_64 = arith.constant 0 : i32
    %dma_wait3A_65 = tpu.memref_slice %arg13[%dma_wait3A_63, %dma_wait3A_64] : memref<10112x64xf32, #tpu.memory_space<vmem_shared>> -> memref<10112x64xf32, #tpu.memory_space<vmem_shared>>
    tpu.wait_indirect_dma semaphore(%arg18 : memref<!tpu.dma_semaphore, #tpu.memory_space<semaphore_mem>>) src(%arg9 : memref<128x64xf32, #tpu.memory_space<vmem>>) dst(%dma_wait3A_65 : memref<10112x64xf32, #tpu.memory_space<vmem_shared>>)
    %dma_start3A_66 = arith.constant 4 : i32
    %dma_start3A_67 = arith.constant 0 : i32
    %dma_start3A_68 = tpu.memref_slice %arg7[%dma_start3A_66, %dma_start3A_67] : memref<80x128xi32, #tpu.memory_space<vmem>> -> memref<1x128xi32, #tpu.memory_space<vmem>>
    %dma_start3A_69 = tpu.memref_squeeze %dma_start3A_68 : memref<1x128xi32, #tpu.memory_space<vmem>> -> memref<128xi32, #tpu.memory_space<vmem>>
    %dma_start3A_70 = arith.constant 0 : i32
    %dma_start3A_71 = arith.constant 0 : i32
    %dma_start3A_72 = tpu.memref_slice %arg2[%dma_start3A_70, %dma_start3A_71] : memref<10000x64xf32, #tpu.memory_space<hbm>> -> memref<10000x64xf32, #tpu.memory_space<hbm>>
    tpu.enqueue_indirect_dma source(%dma_start3A_72 : memref<10000x64xf32, #tpu.memory_space<hbm>>) target(%arg9 : memref<128x64xf32, #tpu.memory_space<vmem>>) offsets(%dma_start3A_69 : memref<128xi32, #tpu.memory_space<vmem>>) semaphore(%arg14 : memref<!tpu.dma_semaphore, #tpu.memory_space<semaphore_mem>>)
    %dma_wait3A_73 = arith.constant 2 : i32
    %dma_wait3A_74 = arith.constant 0 : i32
    %dma_wait3A_75 = tpu.memref_slice %arg7[%dma_wait3A_73, %dma_wait3A_74] : memref<80x128xi32, #tpu.memory_space<vmem>> -> memref<1x128xi32, #tpu.memory_space<vmem>>
    %dma_wait3A_76 = tpu.memref_squeeze %dma_wait3A_75 : memref<1x128xi32, #tpu.memory_space<vmem>> -> memref<128xi32, #tpu.memory_space<vmem>>
    %dma_wait3A_77 = arith.constant 0 : i32
    %dma_wait3A_78 = arith.constant 0 : i32
    %dma_wait3A_79 = tpu.memref_slice %arg2[%dma_wait3A_77, %dma_wait3A_78] : memref<10000x64xf32, #tpu.memory_space<hbm>> -> memref<10000x64xf32, #tpu.memory_space<hbm>>
    tpu.wait_indirect_dma semaphore(%arg16 : memref<!tpu.dma_semaphore, #tpu.memory_space<semaphore_mem>>) src(%dma_wait3A_79 : memref<10000x64xf32, #tpu.memory_space<hbm>>) dst(%arg11 : memref<128x64xf32, #tpu.memory_space<vmem>>)
    %dma_start3A_80 = arith.constant 2 : i32
    %dma_start3A_81 = arith.constant 0 : i32
    %dma_start3A_82 = tpu.memref_slice %arg8[%dma_start3A_80, %dma_start3A_81] : memref<80x128xi32, #tpu.memory_space<vmem>> -> memref<1x128xi32, #tpu.memory_space<vmem>>
    %dma_start3A_83 = tpu.memref_squeeze %dma_start3A_82 : memref<1x128xi32, #tpu.memory_space<vmem>> -> memref<128xi32, #tpu.memory_space<vmem>>
    %dma_start3A_84 = arith.constant 0 : i32
    %dma_start3A_85 = arith.constant 0 : i32
    %dma_start3A_86 = tpu.memref_slice %arg13[%dma_start3A_84, %dma_start3A_85] : memref<10112x64xf32, #tpu.memory_space<vmem_shared>> -> memref<10112x64xf32, #tpu.memory_space<vmem_shared>>
    tpu.enqueue_indirect_dma source(%arg11 : memref<128x64xf32, #tpu.memory_space<vmem>>) target(%dma_start3A_86 : memref<10112x64xf32, #tpu.memory_space<vmem_shared>>) offsets(%dma_start3A_83 : memref<128xi32, #tpu.memory_space<vmem>>) semaphore(%arg20 : memref<!tpu.dma_semaphore, #tpu.memory_space<semaphore_mem>>) {add = true}
    %dma_wait3A_87 = arith.constant 1 : i32
    %dma_wait3A_88 = arith.constant 0 : i32
    %dma_wait3A_89 = tpu.memref_slice %arg8[%dma_wait3A_87, %dma_wait3A_88] : memref<80x128xi32, #tpu.memory_space<vmem>> -> memref<1x128xi32, #tpu.memory_space<vmem>>
    %dma_wait3A_90 = tpu.memref_squeeze %dma_wait3A_89 : memref<1x128xi32, #tpu.memory_space<vmem>> -> memref<128xi32, #tpu.memory_space<vmem>>
    %dma_wait3A_91 = arith.constant 0 : i32
    %dma_wait3A_92 = arith.constant 0 : i32
    %dma_wait3A_93 = tpu.memref_slice %arg13[%dma_wait3A_91, %dma_wait3A_92] : memref<10112x64xf32, #tpu.memory_space<vmem_shared>> -> memref<10112x64xf32, #tpu.memory_space<vmem_shared>>
    tpu.wait_indirect_dma semaphore(%arg19 : memref<!tpu.dma_semaphore, #tpu.memory_space<semaphore_mem>>) src(%arg10 : memref<128x64xf32, #tpu.memory_space<vmem>>) dst(%dma_wait3A_93 : memref<10112x64xf32, #tpu.memory_space<vmem_shared>>)
    %dma_start3A_94 = arith.constant 5 : i32
    %dma_start3A_95 = arith.constant 0 : i32
    %dma_start3A_96 = tpu.memref_slice %arg7[%dma_start3A_94, %dma_start3A_95] : memref<80x128xi32, #tpu.memory_space<vmem>> -> memref<1x128xi32, #tpu.memory_space<vmem>>
    %dma_start3A_97 = tpu.memref_squeeze %dma_start3A_96 : memref<1x128xi32, #tpu.memory_space<vmem>> -> memref<128xi32, #tpu.memory_space<vmem>>
    %dma_start3A_98 = arith.constant 0 : i32
    %dma_start3A_99 = arith.constant 0 : i32
    %dma_start3A_100 = tpu.memref_slice %arg2[%dma_start3A_98, %dma_start3A_99] : memref<10000x64xf32, #tpu.memory_space<hbm>> -> memref<10000x64xf32, #tpu.memory_space<hbm>>
    tpu.enqueue_indirect_dma source(%dma_start3A_100 : memref<10000x64xf32, #tpu.memory_space<hbm>>) target(%arg10 : memref<128x64xf32, #tpu.memory_space<vmem>>) offsets(%dma_start3A_97 : memref<128xi32, #tpu.memory_space<vmem>>) semaphore(%arg15 : memref<!tpu.dma_semaphore, #tpu.memory_space<semaphore_mem>>)
    %dma_wait3A_101 = arith.constant 3 : i32
    %dma_wait3A_102 = arith.constant 0 : i32
    %dma_wait3A_103 = tpu.memref_slice %arg7[%dma_wait3A_101, %dma_wait3A_102] : memref<80x128xi32, #tpu.memory_space<vmem>> -> memref<1x128xi32, #tpu.memory_space<vmem>>
    %dma_wait3A_104 = tpu.memref_squeeze %dma_wait3A_103 : memref<1x128xi32, #tpu.memory_space<vmem>> -> memref<128xi32, #tpu.memory_space<vmem>>
    %dma_wait3A_105 = arith.constant 0 : i32
    %dma_wait3A_106 = arith.constant 0 : i32
    %dma_wait3A_107 = tpu.memref_slice %arg2[%dma_wait3A_105, %dma_wait3A_106] : memref<10000x64xf32, #tpu.memory_space<hbm>> -> memref<10000x64xf32, #tpu.memory_space<hbm>>
    tpu.wait_indirect_dma semaphore(%arg17 : memref<!tpu.dma_semaphore, #tpu.memory_space<semaphore_mem>>) src(%dma_wait3A_107 : memref<10000x64xf32, #tpu.memory_space<hbm>>) dst(%arg12 : memref<128x64xf32, #tpu.memory_space<vmem>>)
    %dma_start3A_108 = arith.constant 3 : i32
    %dma_start3A_109 = arith.constant 0 : i32
    %dma_start3A_110 = tpu.memref_slice %arg8[%dma_start3A_108, %dma_start3A_109] : memref<80x128xi32, #tpu.memory_space<vmem>> -> memref<1x128xi32, #tpu.memory_space<vmem>>
    %dma_start3A_111 = tpu.memref_squeeze %dma_start3A_110 : memref<1x128xi32, #tpu.memory_space<vmem>> -> memref<128xi32, #tpu.memory_space<vmem>>
    %dma_start3A_112 = arith.constant 0 : i32
    %dma_start3A_113 = arith.constant 0 : i32
    %dma_start3A_114 = tpu.memref_slice %arg13[%dma_start3A_112, %dma_start3A_113] : memref<10112x64xf32, #tpu.memory_space<vmem_shared>> -> memref<10112x64xf32, #tpu.memory_space<vmem_shared>>
    tpu.enqueue_indirect_dma source(%arg12 : memref<128x64xf32, #tpu.memory_space<vmem>>) target(%dma_start3A_114 : memref<10112x64xf32, #tpu.memory_space<vmem_shared>>) offsets(%dma_start3A_111 : memref<128xi32, #tpu.memory_space<vmem>>) semaphore(%arg21 : memref<!tpu.dma_semaphore, #tpu.memory_space<semaphore_mem>>) {add = true}
    %scan3A = arith.constant 0 : i32
    %scan3A_115 = arith.constant 1 : i32
    %scan3A_116 = arith.constant 19 : i32
    %scan3A_117 = arith.addi %scan3A_115, %scan3A_116 : i32
    %scan3A_118 = arith.constant 1 : i32
    scf.for %scan3A_139 = %scan3A_115 to %scan3A_117 step %scan3A_118  : i32 {
      %mul3A_140 = arith.constant 4 : i32
      %mul3A_141 = arith.muli %scan3A_139, %mul3A_140 : i32
      %add3A_142 = arith.constant 0 : i32
      %add3A_143 = arith.addi %mul3A_141, %add3A_142 : i32
      %sub3A = arith.constant 2 : i32
      %sub3A_144 = arith.subi %add3A_143, %sub3A : i32
      %dma_wait3A_145 = arith.constant 0 : i32
      %dma_wait3A_146 = tpu.memref_slice %arg8[%sub3A_144, %dma_wait3A_145] : memref<80x128xi32, #tpu.memory_space<vmem>> -> memref<1x128xi32, #tpu.memory_space<vmem>>
      %dma_wait3A_147 = tpu.memref_squeeze %dma_wait3A_146 : memref<1x128xi32, #tpu.memory_space<vmem>> -> memref<128xi32, #tpu.memory_space<vmem>>
      %dma_wait3A_148 = arith.constant 0 : i32
      %dma_wait3A_149 = arith.constant 0 : i32
      %dma_wait3A_150 = tpu.memref_slice %arg13[%dma_wait3A_148, %dma_wait3A_149] : memref<10112x64xf32, #tpu.memory_space<vmem_shared>> -> memref<10112x64xf32, #tpu.memory_space<vmem_shared>>
      tpu.wait_indirect_dma semaphore(%arg20 : memref<!tpu.dma_semaphore, #tpu.memory_space<semaphore_mem>>) src(%arg11 : memref<128x64xf32, #tpu.memory_space<vmem>>) dst(%dma_wait3A_150 : memref<10112x64xf32, #tpu.memory_space<vmem_shared>>)
      %add3A_151 = arith.constant 2 : i32
      %add3A_152 = arith.addi %add3A_143, %add3A_151 : i32
      %lt3A = arith.constant 80 : i32
      %lt3A_153 = arith.cmpi slt, %add3A_152, %lt3A : i32
      %convert_element_type3A = arith.extui %lt3A_153 : i1 to i32
      %cond3A = arith.constant 0 : i32
      %cond3A_154 = arith.cmpi ne, %convert_element_type3A, %cond3A : i32
      scf.if %cond3A_154 {
        %dma_start3A_254 = arith.constant 0 : i32
        %dma_start3A_255 = tpu.memref_slice %arg7[%add3A_152, %dma_start3A_254] : memref<80x128xi32, #tpu.memory_space<vmem>> -> memref<1x128xi32, #tpu.memory_space<vmem>>
        %dma_start3A_256 = tpu.memref_squeeze %dma_start3A_255 : memref<1x128xi32, #tpu.memory_space<vmem>> -> memref<128xi32, #tpu.memory_space<vmem>>
        %dma_start3A_257 = arith.constant 0 : i32
        %dma_start3A_258 = arith.constant 0 : i32
        %dma_start3A_259 = tpu.memref_slice %arg2[%dma_start3A_257, %dma_start3A_258] : memref<10000x64xf32, #tpu.memory_space<hbm>> -> memref<10000x64xf32, #tpu.memory_space<hbm>>
        tpu.enqueue_indirect_dma source(%dma_start3A_259 : memref<10000x64xf32, #tpu.memory_space<hbm>>) target(%arg11 : memref<128x64xf32, #tpu.memory_space<vmem>>) offsets(%dma_start3A_256 : memref<128xi32, #tpu.memory_space<vmem>>) semaphore(%arg16 : memref<!tpu.dma_semaphore, #tpu.memory_space<semaphore_mem>>)
      } else {
      }
      %dma_wait3A_155 = arith.constant 0 : i32
      %dma_wait3A_156 = tpu.memref_slice %arg7[%add3A_143, %dma_wait3A_155] : memref<80x128xi32, #tpu.memory_space<vmem>> -> memref<1x128xi32, #tpu.memory_space<vmem>>
      %dma_wait3A_157 = tpu.memref_squeeze %dma_wait3A_156 : memref<1x128xi32, #tpu.memory_space<vmem>> -> memref<128xi32, #tpu.memory_space<vmem>>
      %dma_wait3A_158 = arith.constant 0 : i32
      %dma_wait3A_159 = arith.constant 0 : i32
      %dma_wait3A_160 = tpu.memref_slice %arg2[%dma_wait3A_158, %dma_wait3A_159] : memref<10000x64xf32, #tpu.memory_space<hbm>> -> memref<10000x64xf32, #tpu.memory_space<hbm>>
      tpu.wait_indirect_dma semaphore(%arg14 : memref<!tpu.dma_semaphore, #tpu.memory_space<semaphore_mem>>) src(%dma_wait3A_160 : memref<10000x64xf32, #tpu.memory_space<hbm>>) dst(%arg9 : memref<128x64xf32, #tpu.memory_space<vmem>>)
      %dma_start3A_161 = arith.constant 0 : i32
      %dma_start3A_162 = tpu.memref_slice %arg8[%add3A_143, %dma_start3A_161] : memref<80x128xi32, #tpu.memory_space<vmem>> -> memref<1x128xi32, #tpu.memory_space<vmem>>
      %dma_start3A_163 = tpu.memref_squeeze %dma_start3A_162 : memref<1x128xi32, #tpu.memory_space<vmem>> -> memref<128xi32, #tpu.memory_space<vmem>>
      %dma_start3A_164 = arith.constant 0 : i32
      %dma_start3A_165 = arith.constant 0 : i32
      %dma_start3A_166 = tpu.memref_slice %arg13[%dma_start3A_164, %dma_start3A_165] : memref<10112x64xf32, #tpu.memory_space<vmem_shared>> -> memref<10112x64xf32, #tpu.memory_space<vmem_shared>>
      tpu.enqueue_indirect_dma source(%arg9 : memref<128x64xf32, #tpu.memory_space<vmem>>) target(%dma_start3A_166 : memref<10112x64xf32, #tpu.memory_space<vmem_shared>>) offsets(%dma_start3A_163 : memref<128xi32, #tpu.memory_space<vmem>>) semaphore(%arg18 : memref<!tpu.dma_semaphore, #tpu.memory_space<semaphore_mem>>) {add = true}
      %add3A_167 = arith.constant 1 : i32
      %add3A_168 = arith.addi %mul3A_141, %add3A_167 : i32
      %sub3A_169 = arith.constant 2 : i32
      %sub3A_170 = arith.subi %add3A_168, %sub3A_169 : i32
      %dma_wait3A_171 = arith.constant 0 : i32
      %dma_wait3A_172 = tpu.memref_slice %arg8[%sub3A_170, %dma_wait3A_171] : memref<80x128xi32, #tpu.memory_space<vmem>> -> memref<1x128xi32, #tpu.memory_space<vmem>>
      %dma_wait3A_173 = tpu.memref_squeeze %dma_wait3A_172 : memref<1x128xi32, #tpu.memory_space<vmem>> -> memref<128xi32, #tpu.memory_space<vmem>>
      %dma_wait3A_174 = arith.constant 0 : i32
      %dma_wait3A_175 = arith.constant 0 : i32
      %dma_wait3A_176 = tpu.memref_slice %arg13[%dma_wait3A_174, %dma_wait3A_175] : memref<10112x64xf32, #tpu.memory_space<vmem_shared>> -> memref<10112x64xf32, #tpu.memory_space<vmem_shared>>
      tpu.wait_indirect_dma semaphore(%arg21 : memref<!tpu.dma_semaphore, #tpu.memory_space<semaphore_mem>>) src(%arg12 : memref<128x64xf32, #tpu.memory_space<vmem>>) dst(%dma_wait3A_176 : memref<10112x64xf32, #tpu.memory_space<vmem_shared>>)
      %add3A_177 = arith.constant 2 : i32
      %add3A_178 = arith.addi %add3A_168, %add3A_177 : i32
      %lt3A_179 = arith.constant 80 : i32
      %lt3A_180 = arith.cmpi slt, %add3A_178, %lt3A_179 : i32
      %convert_element_type3A_181 = arith.extui %lt3A_180 : i1 to i32
      %cond3A_182 = arith.constant 0 : i32
      %cond3A_183 = arith.cmpi ne, %convert_element_type3A_181, %cond3A_182 : i32
      scf.if %cond3A_183 {
        %dma_start3A_254 = arith.constant 0 : i32
        %dma_start3A_255 = tpu.memref_slice %arg7[%add3A_178, %dma_start3A_254] : memref<80x128xi32, #tpu.memory_space<vmem>> -> memref<1x128xi32, #tpu.memory_space<vmem>>
        %dma_start3A_256 = tpu.memref_squeeze %dma_start3A_255 : memref<1x128xi32, #tpu.memory_space<vmem>> -> memref<128xi32, #tpu.memory_space<vmem>>
        %dma_start3A_257 = arith.constant 0 : i32
        %dma_start3A_258 = arith.constant 0 : i32
        %dma_start3A_259 = tpu.memref_slice %arg2[%dma_start3A_257, %dma_start3A_258] : memref<10000x64xf32, #tpu.memory_space<hbm>> -> memref<10000x64xf32, #tpu.memory_space<hbm>>
        tpu.enqueue_indirect_dma source(%dma_start3A_259 : memref<10000x64xf32, #tpu.memory_space<hbm>>) target(%arg12 : memref<128x64xf32, #tpu.memory_space<vmem>>) offsets(%dma_start3A_256 : memref<128xi32, #tpu.memory_space<vmem>>) semaphore(%arg17 : memref<!tpu.dma_semaphore, #tpu.memory_space<semaphore_mem>>)
      } else {
      }
      %dma_wait3A_184 = arith.constant 0 : i32
      %dma_wait3A_185 = tpu.memref_slice %arg7[%add3A_168, %dma_wait3A_184] : memref<80x128xi32, #tpu.memory_space<vmem>> -> memref<1x128xi32, #tpu.memory_space<vmem>>
      %dma_wait3A_186 = tpu.memref_squeeze %dma_wait3A_185 : memref<1x128xi32, #tpu.memory_space<vmem>> -> memref<128xi32, #tpu.memory_space<vmem>>
      %dma_wait3A_187 = arith.constant 0 : i32
      %dma_wait3A_188 = arith.constant 0 : i32
      %dma_wait3A_189 = tpu.memref_slice %arg2[%dma_wait3A_187, %dma_wait3A_188] : memref<10000x64xf32, #tpu.memory_space<hbm>> -> memref<10000x64xf32, #tpu.memory_space<hbm>>
      tpu.wait_indirect_dma semaphore(%arg15 : memref<!tpu.dma_semaphore, #tpu.memory_space<semaphore_mem>>) src(%dma_wait3A_189 : memref<10000x64xf32, #tpu.memory_space<hbm>>) dst(%arg10 : memref<128x64xf32, #tpu.memory_space<vmem>>)
      %dma_start3A_190 = arith.constant 0 : i32
      %dma_start3A_191 = tpu.memref_slice %arg8[%add3A_168, %dma_start3A_190] : memref<80x128xi32, #tpu.memory_space<vmem>> -> memref<1x128xi32, #tpu.memory_space<vmem>>
      %dma_start3A_192 = tpu.memref_squeeze %dma_start3A_191 : memref<1x128xi32, #tpu.memory_space<vmem>> -> memref<128xi32, #tpu.memory_space<vmem>>
      %dma_start3A_193 = arith.constant 0 : i32
      %dma_start3A_194 = arith.constant 0 : i32
      %dma_start3A_195 = tpu.memref_slice %arg13[%dma_start3A_193, %dma_start3A_194] : memref<10112x64xf32, #tpu.memory_space<vmem_shared>> -> memref<10112x64xf32, #tpu.memory_space<vmem_shared>>
      tpu.enqueue_indirect_dma source(%arg10 : memref<128x64xf32, #tpu.memory_space<vmem>>) target(%dma_start3A_195 : memref<10112x64xf32, #tpu.memory_space<vmem_shared>>) offsets(%dma_start3A_192 : memref<128xi32, #tpu.memory_space<vmem>>) semaphore(%arg19 : memref<!tpu.dma_semaphore, #tpu.memory_space<semaphore_mem>>) {add = true}
      %add3A_196 = arith.constant 2 : i32
      %add3A_197 = arith.addi %mul3A_141, %add3A_196 : i32
      %sub3A_198 = arith.constant 2 : i32
      %sub3A_199 = arith.subi %add3A_197, %sub3A_198 : i32
      %dma_wait3A_200 = arith.constant 0 : i32
      %dma_wait3A_201 = tpu.memref_slice %arg8[%sub3A_199, %dma_wait3A_200] : memref<80x128xi32, #tpu.memory_space<vmem>> -> memref<1x128xi32, #tpu.memory_space<vmem>>
      %dma_wait3A_202 = tpu.memref_squeeze %dma_wait3A_201 : memref<1x128xi32, #tpu.memory_space<vmem>> -> memref<128xi32, #tpu.memory_space<vmem>>
      %dma_wait3A_203 = arith.constant 0 : i32
      %dma_wait3A_204 = arith.constant 0 : i32
      %dma_wait3A_205 = tpu.memref_slice %arg13[%dma_wait3A_203, %dma_wait3A_204] : memref<10112x64xf32, #tpu.memory_space<vmem_shared>> -> memref<10112x64xf32, #tpu.memory_space<vmem_shared>>
      tpu.wait_indirect_dma semaphore(%arg18 : memref<!tpu.dma_semaphore, #tpu.memory_space<semaphore_mem>>) src(%arg9 : memref<128x64xf32, #tpu.memory_space<vmem>>) dst(%dma_wait3A_205 : memref<10112x64xf32, #tpu.memory_space<vmem_shared>>)
      %add3A_206 = arith.constant 2 : i32
      %add3A_207 = arith.addi %add3A_197, %add3A_206 : i32
      %lt3A_208 = arith.constant 80 : i32
      %lt3A_209 = arith.cmpi slt, %add3A_207, %lt3A_208 : i32
      %convert_element_type3A_210 = arith.extui %lt3A_209 : i1 to i32
      %cond3A_211 = arith.constant 0 : i32
      %cond3A_212 = arith.cmpi ne, %convert_element_type3A_210, %cond3A_211 : i32
      scf.if %cond3A_212 {
        %dma_start3A_254 = arith.constant 0 : i32
        %dma_start3A_255 = tpu.memref_slice %arg7[%add3A_207, %dma_start3A_254] : memref<80x128xi32, #tpu.memory_space<vmem>> -> memref<1x128xi32, #tpu.memory_space<vmem>>
        %dma_start3A_256 = tpu.memref_squeeze %dma_start3A_255 : memref<1x128xi32, #tpu.memory_space<vmem>> -> memref<128xi32, #tpu.memory_space<vmem>>
        %dma_start3A_257 = arith.constant 0 : i32
        %dma_start3A_258 = arith.constant 0 : i32
        %dma_start3A_259 = tpu.memref_slice %arg2[%dma_start3A_257, %dma_start3A_258] : memref<10000x64xf32, #tpu.memory_space<hbm>> -> memref<10000x64xf32, #tpu.memory_space<hbm>>
        tpu.enqueue_indirect_dma source(%dma_start3A_259 : memref<10000x64xf32, #tpu.memory_space<hbm>>) target(%arg9 : memref<128x64xf32, #tpu.memory_space<vmem>>) offsets(%dma_start3A_256 : memref<128xi32, #tpu.memory_space<vmem>>) semaphore(%arg14 : memref<!tpu.dma_semaphore, #tpu.memory_space<semaphore_mem>>)
      } else {
      }
      %dma_wait3A_213 = arith.constant 0 : i32
      %dma_wait3A_214 = tpu.memref_slice %arg7[%add3A_197, %dma_wait3A_213] : memref<80x128xi32, #tpu.memory_space<vmem>> -> memref<1x128xi32, #tpu.memory_space<vmem>>
      %dma_wait3A_215 = tpu.memref_squeeze %dma_wait3A_214 : memref<1x128xi32, #tpu.memory_space<vmem>> -> memref<128xi32, #tpu.memory_space<vmem>>
      %dma_wait3A_216 = arith.constant 0 : i32
      %dma_wait3A_217 = arith.constant 0 : i32
      %dma_wait3A_218 = tpu.memref_slice %arg2[%dma_wait3A_216, %dma_wait3A_217] : memref<10000x64xf32, #tpu.memory_space<hbm>> -> memref<10000x64xf32, #tpu.memory_space<hbm>>
      tpu.wait_indirect_dma semaphore(%arg16 : memref<!tpu.dma_semaphore, #tpu.memory_space<semaphore_mem>>) src(%dma_wait3A_218 : memref<10000x64xf32, #tpu.memory_space<hbm>>) dst(%arg11 : memref<128x64xf32, #tpu.memory_space<vmem>>)
      %dma_start3A_219 = arith.constant 0 : i32
      %dma_start3A_220 = tpu.memref_slice %arg8[%add3A_197, %dma_start3A_219] : memref<80x128xi32, #tpu.memory_space<vmem>> -> memref<1x128xi32, #tpu.memory_space<vmem>>
      %dma_start3A_221 = tpu.memref_squeeze %dma_start3A_220 : memref<1x128xi32, #tpu.memory_space<vmem>> -> memref<128xi32, #tpu.memory_space<vmem>>
      %dma_start3A_222 = arith.constant 0 : i32
      %dma_start3A_223 = arith.constant 0 : i32
      %dma_start3A_224 = tpu.memref_slice %arg13[%dma_start3A_222, %dma_start3A_223] : memref<10112x64xf32, #tpu.memory_space<vmem_shared>> -> memref<10112x64xf32, #tpu.memory_space<vmem_shared>>
      tpu.enqueue_indirect_dma source(%arg11 : memref<128x64xf32, #tpu.memory_space<vmem>>) target(%dma_start3A_224 : memref<10112x64xf32, #tpu.memory_space<vmem_shared>>) offsets(%dma_start3A_221 : memref<128xi32, #tpu.memory_space<vmem>>) semaphore(%arg20 : memref<!tpu.dma_semaphore, #tpu.memory_space<semaphore_mem>>) {add = true}
      %add3A_225 = arith.constant 3 : i32
      %add3A_226 = arith.addi %mul3A_141, %add3A_225 : i32
      %sub3A_227 = arith.constant 2 : i32
      %sub3A_228 = arith.subi %add3A_226, %sub3A_227 : i32
      %dma_wait3A_229 = arith.constant 0 : i32
      %dma_wait3A_230 = tpu.memref_slice %arg8[%sub3A_228, %dma_wait3A_229] : memref<80x128xi32, #tpu.memory_space<vmem>> -> memref<1x128xi32, #tpu.memory_space<vmem>>
      %dma_wait3A_231 = tpu.memref_squeeze %dma_wait3A_230 : memref<1x128xi32, #tpu.memory_space<vmem>> -> memref<128xi32, #tpu.memory_space<vmem>>
      %dma_wait3A_232 = arith.constant 0 : i32
      %dma_wait3A_233 = arith.constant 0 : i32
      %dma_wait3A_234 = tpu.memref_slice %arg13[%dma_wait3A_232, %dma_wait3A_233] : memref<10112x64xf32, #tpu.memory_space<vmem_shared>> -> memref<10112x64xf32, #tpu.memory_space<vmem_shared>>
      tpu.wait_indirect_dma semaphore(%arg19 : memref<!tpu.dma_semaphore, #tpu.memory_space<semaphore_mem>>) src(%arg10 : memref<128x64xf32, #tpu.memory_space<vmem>>) dst(%dma_wait3A_234 : memref<10112x64xf32, #tpu.memory_space<vmem_shared>>)
      %add3A_235 = arith.constant 2 : i32
      %add3A_236 = arith.addi %add3A_226, %add3A_235 : i32
      %lt3A_237 = arith.constant 80 : i32
      %lt3A_238 = arith.cmpi slt, %add3A_236, %lt3A_237 : i32
      %convert_element_type3A_239 = arith.extui %lt3A_238 : i1 to i32
      %cond3A_240 = arith.constant 0 : i32
      %cond3A_241 = arith.cmpi ne, %convert_element_type3A_239, %cond3A_240 : i32
      scf.if %cond3A_241 {
        %dma_start3A_254 = arith.constant 0 : i32
        %dma_start3A_255 = tpu.memref_slice %arg7[%add3A_236, %dma_start3A_254] : memref<80x128xi32, #tpu.memory_space<vmem>> -> memref<1x128xi32, #tpu.memory_space<vmem>>
        %dma_start3A_256 = tpu.memref_squeeze %dma_start3A_255 : memref<1x128xi32, #tpu.memory_space<vmem>> -> memref<128xi32, #tpu.memory_space<vmem>>
        %dma_start3A_257 = arith.constant 0 : i32
        %dma_start3A_258 = arith.constant 0 : i32
        %dma_start3A_259 = tpu.memref_slice %arg2[%dma_start3A_257, %dma_start3A_258] : memref<10000x64xf32, #tpu.memory_space<hbm>> -> memref<10000x64xf32, #tpu.memory_space<hbm>>
        tpu.enqueue_indirect_dma source(%dma_start3A_259 : memref<10000x64xf32, #tpu.memory_space<hbm>>) target(%arg10 : memref<128x64xf32, #tpu.memory_space<vmem>>) offsets(%dma_start3A_256 : memref<128xi32, #tpu.memory_space<vmem>>) semaphore(%arg15 : memref<!tpu.dma_semaphore, #tpu.memory_space<semaphore_mem>>)
      } else {
      }
      %dma_wait3A_242 = arith.constant 0 : i32
      %dma_wait3A_243 = tpu.memref_slice %arg7[%add3A_226, %dma_wait3A_242] : memref<80x128xi32, #tpu.memory_space<vmem>> -> memref<1x128xi32, #tpu.memory_space<vmem>>
      %dma_wait3A_244 = tpu.memref_squeeze %dma_wait3A_243 : memref<1x128xi32, #tpu.memory_space<vmem>> -> memref<128xi32, #tpu.memory_space<vmem>>
      %dma_wait3A_245 = arith.constant 0 : i32
      %dma_wait3A_246 = arith.constant 0 : i32
      %dma_wait3A_247 = tpu.memref_slice %arg2[%dma_wait3A_245, %dma_wait3A_246] : memref<10000x64xf32, #tpu.memory_space<hbm>> -> memref<10000x64xf32, #tpu.memory_space<hbm>>
      tpu.wait_indirect_dma semaphore(%arg17 : memref<!tpu.dma_semaphore, #tpu.memory_space<semaphore_mem>>) src(%dma_wait3A_247 : memref<10000x64xf32, #tpu.memory_space<hbm>>) dst(%arg12 : memref<128x64xf32, #tpu.memory_space<vmem>>)
      %dma_start3A_248 = arith.constant 0 : i32
      %dma_start3A_249 = tpu.memref_slice %arg8[%add3A_226, %dma_start3A_248] : memref<80x128xi32, #tpu.memory_space<vmem>> -> memref<1x128xi32, #tpu.memory_space<vmem>>
      %dma_start3A_250 = tpu.memref_squeeze %dma_start3A_249 : memref<1x128xi32, #tpu.memory_space<vmem>> -> memref<128xi32, #tpu.memory_space<vmem>>
      %dma_start3A_251 = arith.constant 0 : i32
      %dma_start3A_252 = arith.constant 0 : i32
      %dma_start3A_253 = tpu.memref_slice %arg13[%dma_start3A_251, %dma_start3A_252] : memref<10112x64xf32, #tpu.memory_space<vmem_shared>> -> memref<10112x64xf32, #tpu.memory_space<vmem_shared>>
      tpu.enqueue_indirect_dma source(%arg12 : memref<128x64xf32, #tpu.memory_space<vmem>>) target(%dma_start3A_253 : memref<10112x64xf32, #tpu.memory_space<vmem_shared>>) offsets(%dma_start3A_250 : memref<128xi32, #tpu.memory_space<vmem>>) semaphore(%arg21 : memref<!tpu.dma_semaphore, #tpu.memory_space<semaphore_mem>>) {add = true}
    }
    %scan3A_119 = arith.constant 19 : i32
    %dma_wait3A_120 = arith.constant 78 : i32
    %dma_wait3A_121 = arith.constant 0 : i32
    %dma_wait3A_122 = tpu.memref_slice %arg8[%dma_wait3A_120, %dma_wait3A_121] : memref<80x128xi32, #tpu.memory_space<vmem>> -> memref<1x128xi32, #tpu.memory_space<vmem>>
    %dma_wait3A_123 = tpu.memref_squeeze %dma_wait3A_122 : memref<1x128xi32, #tpu.memory_space<vmem>> -> memref<128xi32, #tpu.memory_space<vmem>>
    %dma_wait3A_124 = arith.constant 0 : i32
    %dma_wait3A_125 = arith.constant 0 : i32
    %dma_wait3A_126 = tpu.memref_slice %arg13[%dma_wait3A_124, %dma_wait3A_125] : memref<10112x64xf32, #tpu.memory_space<vmem_shared>> -> memref<10112x64xf32, #tpu.memory_space<vmem_shared>>
    tpu.wait_indirect_dma semaphore(%arg20 : memref<!tpu.dma_semaphore, #tpu.memory_space<semaphore_mem>>) src(%arg11 : memref<128x64xf32, #tpu.memory_space<vmem>>) dst(%dma_wait3A_126 : memref<10112x64xf32, #tpu.memory_space<vmem_shared>>)
    %dma_wait3A_127 = arith.constant 79 : i32
    %dma_wait3A_128 = arith.constant 0 : i32
    %dma_wait3A_129 = tpu.memref_slice %arg8[%dma_wait3A_127, %dma_wait3A_128] : memref<80x128xi32, #tpu.memory_space<vmem>> -> memref<1x128xi32, #tpu.memory_space<vmem>>
    %dma_wait3A_130 = tpu.memref_squeeze %dma_wait3A_129 : memref<1x128xi32, #tpu.memory_space<vmem>> -> memref<128xi32, #tpu.memory_space<vmem>>
    %dma_wait3A_131 = arith.constant 0 : i32
    %dma_wait3A_132 = arith.constant 0 : i32
    %dma_wait3A_133 = tpu.memref_slice %arg13[%dma_wait3A_131, %dma_wait3A_132] : memref<10112x64xf32, #tpu.memory_space<vmem_shared>> -> memref<10112x64xf32, #tpu.memory_space<vmem_shared>>
    tpu.wait_indirect_dma semaphore(%arg21 : memref<!tpu.dma_semaphore, #tpu.memory_space<semaphore_mem>>) src(%arg12 : memref<128x64xf32, #tpu.memory_space<vmem>>) dst(%dma_wait3A_133 : memref<10112x64xf32, #tpu.memory_space<vmem_shared>>)
    %barrier3A_134 = arith.constant 0 : index
    tpu.barrier barrier_id(%barrier3A_134)
    %mul3A_135 = arith.constant 632 : i32
    %mul3A_136 = arith.muli %arg1, %mul3A_135 : i32
    %mul3A_137 = arith.constant 632 : i32
    %mul3A_138 = arith.muli %arg1, %mul3A_137 : i32
    "tpu.region"() ({
      %run_scoped3A = tpu.sem_alloc : memref<!tpu.dma_semaphore, #tpu.memory_space<semaphore_mem>>
      %dma_start3A_139 = arith.constant 0 : i32
      %dma_start3A_140 = tpu.memref_slice %arg6[%arg0, %mul3A_138, %dma_start3A_139] : memref<2x10112x64xf32, #tpu.memory_space<hbm>> -> memref<1x632x64xf32, #tpu.memory_space<hbm>>
      %dma_start3A_141 = tpu.memref_squeeze %dma_start3A_140 : memref<1x632x64xf32, #tpu.memory_space<hbm>> -> memref<632x64xf32, #tpu.memory_space<hbm>>
      %dma_start3A_142 = arith.constant 0 : i32
      %dma_start3A_143 = tpu.memref_slice %arg13[%mul3A_136, %dma_start3A_142] : memref<10112x64xf32, #tpu.memory_space<vmem_shared>> -> memref<632x64xf32, #tpu.memory_space<vmem_shared>>
      tpu.enqueue_dma source(%dma_start3A_143 : memref<632x64xf32, #tpu.memory_space<vmem_shared>>) target(%dma_start3A_141 : memref<632x64xf32, #tpu.memory_space<hbm>>) target_semaphore(%run_scoped3A : memref<!tpu.dma_semaphore, #tpu.memory_space<semaphore_mem>>)
      %dma_wait3A_144 = arith.constant 0 : i32
      %dma_wait3A_145 = tpu.memref_slice %arg6[%arg0, %mul3A_138, %dma_wait3A_144] : memref<2x10112x64xf32, #tpu.memory_space<hbm>> -> memref<1x632x64xf32, #tpu.memory_space<hbm>>
      %dma_wait3A_146 = tpu.memref_squeeze %dma_wait3A_145 : memref<1x632x64xf32, #tpu.memory_space<hbm>> -> memref<632x64xf32, #tpu.memory_space<hbm>>
      %dma_wait3A_147 = arith.constant 0 : i32
      %dma_wait3A_148 = tpu.memref_slice %arg13[%mul3A_136, %dma_wait3A_147] : memref<10112x64xf32, #tpu.memory_space<vmem_shared>> -> memref<632x64xf32, #tpu.memory_space<vmem_shared>>
      tpu.wait_dma2 semaphore(%run_scoped3A : memref<!tpu.dma_semaphore, #tpu.memory_space<semaphore_mem>>) src(%dma_wait3A_148 : memref<632x64xf32, #tpu.memory_space<vmem_shared>>) dst(%dma_wait3A_146 : memref<632x64xf32, #tpu.memory_space<hbm>>)
      tpu.yield
    }) : () -> ()
    return
  }
}

#map = affine_map<(d0, d1) -> (0, 0, 0)>
#map1 = affine_map<(d0, d1) -> (0, 0)>
module attributes {stable_mosaic.version = 14 : i64} {
  func.func @_deg_kernel(%arg0: i32, %arg1: i32, %arg2: memref<32x80x128xi32, #tpu.memory_space<hbm>>, %arg3: memref<10112x16xf32, #tpu.memory_space<hbm>>, %arg4: memref<2x10112x16xf32, #tpu.memory_space<hbm>>, %arg5: memref<80x128xi32, #tpu.memory_space<vmem>>, %arg6: memref<128x16xf32, #tpu.memory_space<vmem>>, %arg7: memref<10112x16xf32, #tpu.memory_space<vmem_shared>>) attributes {dimension_semantics = [#tpu.dimension_semantics<core_parallel>, #tpu.dimension_semantics<subcore_parallel>], iteration_bounds = array<i64: 2, 16>, scalar_prefetch = 0 : i64, scratch_operands = 3 : i64, tpu.core_type = #tpu.core_type<sc_vector_subcore>, window_params = [{transform_indices = #map}, {transform_indices = #map1}, {transform_indices = #map}]} {
    %mul3A = arith.constant 2 : i32
    %mul3A_0 = arith.muli %arg1, %mul3A : i32
    %add3A = arith.addi %mul3A_0, %arg0 : i32
    %mul3A_1 = arith.constant 632 : i32
    %mul3A_2 = arith.muli %arg1, %mul3A_1 : i32
    %mul3A_3 = arith.constant 632 : i32
    %mul3A_4 = arith.muli %arg1, %mul3A_3 : i32
    "tpu.region"() ({
      %run_scoped3A = tpu.sem_alloc : memref<!tpu.dma_semaphore, #tpu.memory_space<semaphore_mem>>
      %dma_start3A = arith.constant 0 : i32
      %dma_start3A_21 = tpu.memref_slice %arg7[%mul3A_4, %dma_start3A] : memref<10112x16xf32, #tpu.memory_space<vmem_shared>> -> memref<632x16xf32, #tpu.memory_space<vmem_shared>>
      %dma_start3A_22 = arith.constant 0 : i32
      %dma_start3A_23 = tpu.memref_slice %arg3[%mul3A_2, %dma_start3A_22] : memref<10112x16xf32, #tpu.memory_space<hbm>> -> memref<632x16xf32, #tpu.memory_space<hbm>>
      tpu.enqueue_dma source(%dma_start3A_23 : memref<632x16xf32, #tpu.memory_space<hbm>>) target(%dma_start3A_21 : memref<632x16xf32, #tpu.memory_space<vmem_shared>>) target_semaphore(%run_scoped3A : memref<!tpu.dma_semaphore, #tpu.memory_space<semaphore_mem>>)
      %dma_wait3A = arith.constant 0 : i32
      %dma_wait3A_24 = tpu.memref_slice %arg7[%mul3A_4, %dma_wait3A] : memref<10112x16xf32, #tpu.memory_space<vmem_shared>> -> memref<632x16xf32, #tpu.memory_space<vmem_shared>>
      %dma_wait3A_25 = arith.constant 0 : i32
      %dma_wait3A_26 = tpu.memref_slice %arg3[%mul3A_2, %dma_wait3A_25] : memref<10112x16xf32, #tpu.memory_space<hbm>> -> memref<632x16xf32, #tpu.memory_space<hbm>>
      tpu.wait_dma2 semaphore(%run_scoped3A : memref<!tpu.dma_semaphore, #tpu.memory_space<semaphore_mem>>) src(%dma_wait3A_26 : memref<632x16xf32, #tpu.memory_space<hbm>>) dst(%dma_wait3A_24 : memref<632x16xf32, #tpu.memory_space<vmem_shared>>)
      tpu.yield
    }) : () -> ()
    "tpu.region"() ({
      %run_scoped3A = tpu.sem_alloc : memref<!tpu.dma_semaphore, #tpu.memory_space<semaphore_mem>>
      %dma_start3A = arith.constant 0 : i32
      %dma_start3A_21 = arith.constant 0 : i32
      %dma_start3A_22 = tpu.memref_slice %arg2[%add3A, %dma_start3A, %dma_start3A_21] : memref<32x80x128xi32, #tpu.memory_space<hbm>> -> memref<1x80x128xi32, #tpu.memory_space<hbm>>
      %dma_start3A_23 = tpu.memref_squeeze %dma_start3A_22 : memref<1x80x128xi32, #tpu.memory_space<hbm>> -> memref<80x128xi32, #tpu.memory_space<hbm>>
      %dma_start3A_24 = arith.constant 0 : i32
      %dma_start3A_25 = arith.constant 0 : i32
      %dma_start3A_26 = tpu.memref_slice %arg2[%add3A, %dma_start3A_24, %dma_start3A_25] : memref<32x80x128xi32, #tpu.memory_space<hbm>> -> memref<1x80x128xi32, #tpu.memory_space<hbm>>
      %dma_start3A_27 = tpu.memref_squeeze %dma_start3A_26 : memref<1x80x128xi32, #tpu.memory_space<hbm>> -> memref<80x128xi32, #tpu.memory_space<hbm>>
      tpu.enqueue_dma source(%dma_start3A_27 : memref<80x128xi32, #tpu.memory_space<hbm>>) target(%arg5 : memref<80x128xi32, #tpu.memory_space<vmem>>) target_semaphore(%run_scoped3A : memref<!tpu.dma_semaphore, #tpu.memory_space<semaphore_mem>>)
      %dma_wait3A = arith.constant 0 : i32
      %dma_wait3A_28 = arith.constant 0 : i32
      %dma_wait3A_29 = tpu.memref_slice %arg2[%add3A, %dma_wait3A, %dma_wait3A_28] : memref<32x80x128xi32, #tpu.memory_space<hbm>> -> memref<1x80x128xi32, #tpu.memory_space<hbm>>
      %dma_wait3A_30 = tpu.memref_squeeze %dma_wait3A_29 : memref<1x80x128xi32, #tpu.memory_space<hbm>> -> memref<80x128xi32, #tpu.memory_space<hbm>>
      %dma_wait3A_31 = arith.constant 0 : i32
      %dma_wait3A_32 = arith.constant 0 : i32
      %dma_wait3A_33 = tpu.memref_slice %arg2[%add3A, %dma_wait3A_31, %dma_wait3A_32] : memref<32x80x128xi32, #tpu.memory_space<hbm>> -> memref<1x80x128xi32, #tpu.memory_space<hbm>>
      %dma_wait3A_34 = tpu.memref_squeeze %dma_wait3A_33 : memref<1x80x128xi32, #tpu.memory_space<hbm>> -> memref<80x128xi32, #tpu.memory_space<hbm>>
      tpu.wait_dma2 semaphore(%run_scoped3A : memref<!tpu.dma_semaphore, #tpu.memory_space<semaphore_mem>>) src(%dma_wait3A_34 : memref<80x128xi32, #tpu.memory_space<hbm>>) dst(%arg5 : memref<80x128xi32, #tpu.memory_space<vmem>>)
      tpu.yield
    }) : () -> ()
    %scan3A = arith.constant 0 : i32
    %scan3A_5 = arith.constant 0 : i32
    %scan3A_6 = arith.constant 128 : i32
    %scan3A_7 = arith.addi %scan3A_5, %scan3A_6 : i32
    %scan3A_8 = arith.constant 1 : i32
    scf.for %scan3A_21 = %scan3A_5 to %scan3A_7 step %scan3A_8  : i32 {
      %broadcast_in_dim3A = arith.constant 1.000000e+00 : f32
      %broadcast_in_dim3A_22 = vector.broadcast %broadcast_in_dim3A : f32 to vector<16xf32>
      %swap3A = arith.index_cast %scan3A_21 : i32 to index
      %swap3A_23 = arith.constant 0 : index
      %swap3A_24 = tpu.vector_load %arg6[%swap3A, %swap3A_23] {strides = array<i32>} : memref<128x16xf32, #tpu.memory_space<vmem>>, vector<1x16xf32>,
      %swap3A_25 = vector.shape_cast %swap3A_24 : vector<1x16xf32> to vector<16xf32>
      %swap3A_26 = vector.shape_cast %broadcast_in_dim3A_22 : vector<16xf32> to vector<1x16xf32>
      tpu.vector_store %arg6[%swap3A, %swap3A_23], %swap3A_26 {strides = array<i32>} : memref<128x16xf32, #tpu.memory_space<vmem>>, vector<1x16xf32>,
    }
    %scan3A_9 = arith.constant 128 : i32
    %barrier3A = arith.constant 0 : index
    tpu.barrier barrier_id(%barrier3A)
    %scan3A_10 = arith.constant 0 : i32
    %scan3A_11 = arith.constant 0 : i32
    %scan3A_12 = arith.constant 80 : i32
    %scan3A_13 = arith.addi %scan3A_11, %scan3A_12 : i32
    %scan3A_14 = arith.constant 1 : i32
    scf.for %scan3A_21 = %scan3A_11 to %scan3A_13 step %scan3A_14  : i32 {
      "tpu.region"() ({
        %run_scoped3A = tpu.sem_alloc : memref<!tpu.dma_semaphore, #tpu.memory_space<semaphore_mem>>
        %dma_start3A = arith.constant 0 : i32
        %dma_start3A_22 = tpu.memref_slice %arg5[%scan3A_21, %dma_start3A] : memref<80x128xi32, #tpu.memory_space<vmem>> -> memref<1x128xi32, #tpu.memory_space<vmem>>
        %dma_start3A_23 = tpu.memref_squeeze %dma_start3A_22 : memref<1x128xi32, #tpu.memory_space<vmem>> -> memref<128xi32, #tpu.memory_space<vmem>>
        %dma_start3A_24 = arith.constant 0 : i32
        %dma_start3A_25 = arith.constant 0 : i32
        %dma_start3A_26 = tpu.memref_slice %arg7[%dma_start3A_24, %dma_start3A_25] : memref<10112x16xf32, #tpu.memory_space<vmem_shared>> -> memref<10112x16xf32, #tpu.memory_space<vmem_shared>>
        tpu.enqueue_indirect_dma source(%arg6 : memref<128x16xf32, #tpu.memory_space<vmem>>) target(%dma_start3A_26 : memref<10112x16xf32, #tpu.memory_space<vmem_shared>>) offsets(%dma_start3A_23 : memref<128xi32, #tpu.memory_space<vmem>>) semaphore(%run_scoped3A : memref<!tpu.dma_semaphore, #tpu.memory_space<semaphore_mem>>) {add = true}
        %dma_wait3A = arith.constant 0 : i32
        %dma_wait3A_27 = tpu.memref_slice %arg5[%scan3A_21, %dma_wait3A] : memref<80x128xi32, #tpu.memory_space<vmem>> -> memref<1x128xi32, #tpu.memory_space<vmem>>
        %dma_wait3A_28 = tpu.memref_squeeze %dma_wait3A_27 : memref<1x128xi32, #tpu.memory_space<vmem>> -> memref<128xi32, #tpu.memory_space<vmem>>
        %dma_wait3A_29 = arith.constant 0 : i32
        %dma_wait3A_30 = arith.constant 0 : i32
        %dma_wait3A_31 = tpu.memref_slice %arg7[%dma_wait3A_29, %dma_wait3A_30] : memref<10112x16xf32, #tpu.memory_space<vmem_shared>> -> memref<10112x16xf32, #tpu.memory_space<vmem_shared>>
        tpu.wait_indirect_dma semaphore(%run_scoped3A : memref<!tpu.dma_semaphore, #tpu.memory_space<semaphore_mem>>) src(%arg6 : memref<128x16xf32, #tpu.memory_space<vmem>>) dst(%dma_wait3A_31 : memref<10112x16xf32, #tpu.memory_space<vmem_shared>>)
        tpu.yield
      }) : () -> ()
    }
    %scan3A_15 = arith.constant 80 : i32
    %barrier3A_16 = arith.constant 0 : index
    tpu.barrier barrier_id(%barrier3A_16)
    %mul3A_17 = arith.constant 632 : i32
    %mul3A_18 = arith.muli %arg1, %mul3A_17 : i32
    %mul3A_19 = arith.constant 632 : i32
    %mul3A_20 = arith.muli %arg1, %mul3A_19 : i32
    "tpu.region"() ({
      %run_scoped3A = tpu.sem_alloc : memref<!tpu.dma_semaphore, #tpu.memory_space<semaphore_mem>>
      %dma_start3A = arith.constant 0 : i32
      %dma_start3A_21 = tpu.memref_slice %arg4[%arg0, %mul3A_20, %dma_start3A] : memref<2x10112x16xf32, #tpu.memory_space<hbm>> -> memref<1x632x16xf32, #tpu.memory_space<hbm>>
      %dma_start3A_22 = tpu.memref_squeeze %dma_start3A_21 : memref<1x632x16xf32, #tpu.memory_space<hbm>> -> memref<632x16xf32, #tpu.memory_space<hbm>>
      %dma_start3A_23 = arith.constant 0 : i32
      %dma_start3A_24 = tpu.memref_slice %arg7[%mul3A_18, %dma_start3A_23] : memref<10112x16xf32, #tpu.memory_space<vmem_shared>> -> memref<632x16xf32, #tpu.memory_space<vmem_shared>>
      tpu.enqueue_dma source(%dma_start3A_24 : memref<632x16xf32, #tpu.memory_space<vmem_shared>>) target(%dma_start3A_22 : memref<632x16xf32, #tpu.memory_space<hbm>>) target_semaphore(%run_scoped3A : memref<!tpu.dma_semaphore, #tpu.memory_space<semaphore_mem>>)
      %dma_wait3A = arith.constant 0 : i32
      %dma_wait3A_25 = tpu.memref_slice %arg4[%arg0, %mul3A_20, %dma_wait3A] : memref<2x10112x16xf32, #tpu.memory_space<hbm>> -> memref<1x632x16xf32, #tpu.memory_space<hbm>>
      %dma_wait3A_26 = tpu.memref_squeeze %dma_wait3A_25 : memref<1x632x16xf32, #tpu.memory_space<hbm>> -> memref<632x16xf32, #tpu.memory_space<hbm>>
      %dma_wait3A_27 = arith.constant 0 : i32
      %dma_wait3A_28 = tpu.memref_slice %arg7[%mul3A_18, %dma_wait3A_27] : memref<10112x16xf32, #tpu.memory_space<vmem_shared>> -> memref<632x16xf32, #tpu.memory_space<vmem_shared>>
      tpu.wait_dma2 semaphore(%run_scoped3A : memref<!tpu.dma_semaphore, #tpu.memory_space<semaphore_mem>>) src(%dma_wait3A_28 : memref<632x16xf32, #tpu.memory_space<vmem_shared>>) dst(%dma_wait3A_26 : memref<632x16xf32, #tpu.memory_space<hbm>>)
      tpu.yield
    }) : () -> ()
    return
  }
}

#map = affine_map<(d0, d1) -> (0, 0)>
#map1 = affine_map<(d0, d1) -> (0, 0, 0)>
module attributes {stable_mosaic.version = 14 : i64} {
  func.func @_scatter(%arg0: i32, %arg1: i32, %arg2: memref<10000x32xf32, #tpu.memory_space<hbm>>, %arg3: memref<32x80x128xi32, #tpu.memory_space<hbm>>, %arg4: memref<32x80x128xi32, #tpu.memory_space<hbm>>, %arg5: memref<10112x32xf32, #tpu.memory_space<hbm>>, %arg6: memref<2x10112x32xf32, #tpu.memory_space<hbm>>, %arg7: memref<80x128xi32, #tpu.memory_space<vmem>>, %arg8: memref<80x128xi32, #tpu.memory_space<vmem>>, %arg9: memref<128x32xf32, #tpu.memory_space<vmem>>, %arg10: memref<128x32xf32, #tpu.memory_space<vmem>>, %arg11: memref<128x32xf32, #tpu.memory_space<vmem>>, %arg12: memref<128x32xf32, #tpu.memory_space<vmem>>, %arg13: memref<10112x32xf32, #tpu.memory_space<vmem_shared>>, %arg14: memref<!tpu.dma_semaphore, #tpu.memory_space<semaphore_mem>>, %arg15: memref<!tpu.dma_semaphore, #tpu.memory_space<semaphore_mem>>, %arg16: memref<!tpu.dma_semaphore, #tpu.memory_space<semaphore_mem>>, %arg17: memref<!tpu.dma_semaphore, #tpu.memory_space<semaphore_mem>>, %arg18: memref<!tpu.dma_semaphore, #tpu.memory_space<semaphore_mem>>, %arg19: memref<!tpu.dma_semaphore, #tpu.memory_space<semaphore_mem>>, %arg20: memref<!tpu.dma_semaphore, #tpu.memory_space<semaphore_mem>>, %arg21: memref<!tpu.dma_semaphore, #tpu.memory_space<semaphore_mem>>) attributes {dimension_semantics = [#tpu.dimension_semantics<core_parallel>, #tpu.dimension_semantics<subcore_parallel>], iteration_bounds = array<i64: 2, 16>, scalar_prefetch = 0 : i64, scratch_operands = 15 : i64, tpu.core_type = #tpu.core_type<sc_vector_subcore>, window_params = [{transform_indices = #map}, {transform_indices = #map1}, {transform_indices = #map1}, {transform_indices = #map}, {transform_indices = #map1}]} {
    %mul3A = arith.constant 2 : i32
    %mul3A_0 = arith.muli %arg1, %mul3A : i32
    %add3A = arith.addi %mul3A_0, %arg0 : i32
    %mul3A_1 = arith.constant 632 : i32
    %mul3A_2 = arith.muli %arg1, %mul3A_1 : i32
    %mul3A_3 = arith.constant 632 : i32
    %mul3A_4 = arith.muli %arg1, %mul3A_3 : i32
    "tpu.region"() ({
      %run_scoped3A = tpu.sem_alloc : memref<!tpu.dma_semaphore, #tpu.memory_space<semaphore_mem>>
      %dma_start3A_139 = arith.constant 0 : i32
      %dma_start3A_140 = tpu.memref_slice %arg13[%mul3A_4, %dma_start3A_139] : memref<10112x32xf32, #tpu.memory_space<vmem_shared>> -> memref<632x32xf32, #tpu.memory_space<vmem_shared>>
      %dma_start3A_141 = arith.constant 0 : i32
      %dma_start3A_142 = tpu.memref_slice %arg5[%mul3A_2, %dma_start3A_141] : memref<10112x32xf32, #tpu.memory_space<hbm>> -> memref<632x32xf32, #tpu.memory_space<hbm>>
      tpu.enqueue_dma source(%dma_start3A_142 : memref<632x32xf32, #tpu.memory_space<hbm>>) target(%dma_start3A_140 : memref<632x32xf32, #tpu.memory_space<vmem_shared>>) target_semaphore(%run_scoped3A : memref<!tpu.dma_semaphore, #tpu.memory_space<semaphore_mem>>)
      %dma_wait3A_143 = arith.constant 0 : i32
      %dma_wait3A_144 = tpu.memref_slice %arg13[%mul3A_4, %dma_wait3A_143] : memref<10112x32xf32, #tpu.memory_space<vmem_shared>> -> memref<632x32xf32, #tpu.memory_space<vmem_shared>>
      %dma_wait3A_145 = arith.constant 0 : i32
      %dma_wait3A_146 = tpu.memref_slice %arg5[%mul3A_2, %dma_wait3A_145] : memref<10112x32xf32, #tpu.memory_space<hbm>> -> memref<632x32xf32, #tpu.memory_space<hbm>>
      tpu.wait_dma2 semaphore(%run_scoped3A : memref<!tpu.dma_semaphore, #tpu.memory_space<semaphore_mem>>) src(%dma_wait3A_146 : memref<632x32xf32, #tpu.memory_space<hbm>>) dst(%dma_wait3A_144 : memref<632x32xf32, #tpu.memory_space<vmem_shared>>)
      tpu.yield
    }) : () -> ()
    %barrier3A = arith.constant 0 : index
    tpu.barrier barrier_id(%barrier3A)
    "tpu.region"() ({
      %run_scoped3A = tpu.sem_alloc : memref<!tpu.dma_semaphore, #tpu.memory_space<semaphore_mem>>
      %dma_start3A_139 = arith.constant 0 : i32
      %dma_start3A_140 = arith.constant 0 : i32
      %dma_start3A_141 = tpu.memref_slice %arg3[%add3A, %dma_start3A_139, %dma_start3A_140] : memref<32x80x128xi32, #tpu.memory_space<hbm>> -> memref<1x80x128xi32, #tpu.memory_space<hbm>>
      %dma_start3A_142 = tpu.memref_squeeze %dma_start3A_141 : memref<1x80x128xi32, #tpu.memory_space<hbm>> -> memref<80x128xi32, #tpu.memory_space<hbm>>
      %dma_start3A_143 = arith.constant 0 : i32
      %dma_start3A_144 = arith.constant 0 : i32
      %dma_start3A_145 = tpu.memref_slice %arg3[%add3A, %dma_start3A_143, %dma_start3A_144] : memref<32x80x128xi32, #tpu.memory_space<hbm>> -> memref<1x80x128xi32, #tpu.memory_space<hbm>>
      %dma_start3A_146 = tpu.memref_squeeze %dma_start3A_145 : memref<1x80x128xi32, #tpu.memory_space<hbm>> -> memref<80x128xi32, #tpu.memory_space<hbm>>
      tpu.enqueue_dma source(%dma_start3A_146 : memref<80x128xi32, #tpu.memory_space<hbm>>) target(%arg7 : memref<80x128xi32, #tpu.memory_space<vmem>>) target_semaphore(%run_scoped3A : memref<!tpu.dma_semaphore, #tpu.memory_space<semaphore_mem>>)
      %dma_wait3A_147 = arith.constant 0 : i32
      %dma_wait3A_148 = arith.constant 0 : i32
      %dma_wait3A_149 = tpu.memref_slice %arg3[%add3A, %dma_wait3A_147, %dma_wait3A_148] : memref<32x80x128xi32, #tpu.memory_space<hbm>> -> memref<1x80x128xi32, #tpu.memory_space<hbm>>
      %dma_wait3A_150 = tpu.memref_squeeze %dma_wait3A_149 : memref<1x80x128xi32, #tpu.memory_space<hbm>> -> memref<80x128xi32, #tpu.memory_space<hbm>>
      %dma_wait3A_151 = arith.constant 0 : i32
      %dma_wait3A_152 = arith.constant 0 : i32
      %dma_wait3A_153 = tpu.memref_slice %arg3[%add3A, %dma_wait3A_151, %dma_wait3A_152] : memref<32x80x128xi32, #tpu.memory_space<hbm>> -> memref<1x80x128xi32, #tpu.memory_space<hbm>>
      %dma_wait3A_154 = tpu.memref_squeeze %dma_wait3A_153 : memref<1x80x128xi32, #tpu.memory_space<hbm>> -> memref<80x128xi32, #tpu.memory_space<hbm>>
      tpu.wait_dma2 semaphore(%run_scoped3A : memref<!tpu.dma_semaphore, #tpu.memory_space<semaphore_mem>>) src(%dma_wait3A_154 : memref<80x128xi32, #tpu.memory_space<hbm>>) dst(%arg7 : memref<80x128xi32, #tpu.memory_space<vmem>>)
      tpu.yield
    }) : () -> ()
    "tpu.region"() ({
      %run_scoped3A = tpu.sem_alloc : memref<!tpu.dma_semaphore, #tpu.memory_space<semaphore_mem>>
      %dma_start3A_139 = arith.constant 0 : i32
      %dma_start3A_140 = arith.constant 0 : i32
      %dma_start3A_141 = tpu.memref_slice %arg4[%add3A, %dma_start3A_139, %dma_start3A_140] : memref<32x80x128xi32, #tpu.memory_space<hbm>> -> memref<1x80x128xi32, #tpu.memory_space<hbm>>
      %dma_start3A_142 = tpu.memref_squeeze %dma_start3A_141 : memref<1x80x128xi32, #tpu.memory_space<hbm>> -> memref<80x128xi32, #tpu.memory_space<hbm>>
      %dma_start3A_143 = arith.constant 0 : i32
      %dma_start3A_144 = arith.constant 0 : i32
      %dma_start3A_145 = tpu.memref_slice %arg4[%add3A, %dma_start3A_143, %dma_start3A_144] : memref<32x80x128xi32, #tpu.memory_space<hbm>> -> memref<1x80x128xi32, #tpu.memory_space<hbm>>
      %dma_start3A_146 = tpu.memref_squeeze %dma_start3A_145 : memref<1x80x128xi32, #tpu.memory_space<hbm>> -> memref<80x128xi32, #tpu.memory_space<hbm>>
      tpu.enqueue_dma source(%dma_start3A_146 : memref<80x128xi32, #tpu.memory_space<hbm>>) target(%arg8 : memref<80x128xi32, #tpu.memory_space<vmem>>) target_semaphore(%run_scoped3A : memref<!tpu.dma_semaphore, #tpu.memory_space<semaphore_mem>>)
      %dma_wait3A_147 = arith.constant 0 : i32
      %dma_wait3A_148 = arith.constant 0 : i32
      %dma_wait3A_149 = tpu.memref_slice %arg4[%add3A, %dma_wait3A_147, %dma_wait3A_148] : memref<32x80x128xi32, #tpu.memory_space<hbm>> -> memref<1x80x128xi32, #tpu.memory_space<hbm>>
      %dma_wait3A_150 = tpu.memref_squeeze %dma_wait3A_149 : memref<1x80x128xi32, #tpu.memory_space<hbm>> -> memref<80x128xi32, #tpu.memory_space<hbm>>
      %dma_wait3A_151 = arith.constant 0 : i32
      %dma_wait3A_152 = arith.constant 0 : i32
      %dma_wait3A_153 = tpu.memref_slice %arg4[%add3A, %dma_wait3A_151, %dma_wait3A_152] : memref<32x80x128xi32, #tpu.memory_space<hbm>> -> memref<1x80x128xi32, #tpu.memory_space<hbm>>
      %dma_wait3A_154 = tpu.memref_squeeze %dma_wait3A_153 : memref<1x80x128xi32, #tpu.memory_space<hbm>> -> memref<80x128xi32, #tpu.memory_space<hbm>>
      tpu.wait_dma2 semaphore(%run_scoped3A : memref<!tpu.dma_semaphore, #tpu.memory_space<semaphore_mem>>) src(%dma_wait3A_154 : memref<80x128xi32, #tpu.memory_space<hbm>>) dst(%arg8 : memref<80x128xi32, #tpu.memory_space<vmem>>)
      tpu.yield
    }) : () -> ()
    %dma_start3A = arith.constant 0 : i32
    %dma_start3A_5 = arith.constant 0 : i32
    %dma_start3A_6 = tpu.memref_slice %arg7[%dma_start3A, %dma_start3A_5] : memref<80x128xi32, #tpu.memory_space<vmem>> -> memref<1x128xi32, #tpu.memory_space<vmem>>
    %dma_start3A_7 = tpu.memref_squeeze %dma_start3A_6 : memref<1x128xi32, #tpu.memory_space<vmem>> -> memref<128xi32, #tpu.memory_space<vmem>>
    %dma_start3A_8 = arith.constant 0 : i32
    %dma_start3A_9 = arith.constant 0 : i32
    %dma_start3A_10 = tpu.memref_slice %arg2[%dma_start3A_8, %dma_start3A_9] : memref<10000x32xf32, #tpu.memory_space<hbm>> -> memref<10000x32xf32, #tpu.memory_space<hbm>>
    tpu.enqueue_indirect_dma source(%dma_start3A_10 : memref<10000x32xf32, #tpu.memory_space<hbm>>) target(%arg9 : memref<128x32xf32, #tpu.memory_space<vmem>>) offsets(%dma_start3A_7 : memref<128xi32, #tpu.memory_space<vmem>>) semaphore(%arg14 : memref<!tpu.dma_semaphore, #tpu.memory_space<semaphore_mem>>)
    %dma_start3A_11 = arith.constant 1 : i32
    %dma_start3A_12 = arith.constant 0 : i32
    %dma_start3A_13 = tpu.memref_slice %arg7[%dma_start3A_11, %dma_start3A_12] : memref<80x128xi32, #tpu.memory_space<vmem>> -> memref<1x128xi32, #tpu.memory_space<vmem>>
    %dma_start3A_14 = tpu.memref_squeeze %dma_start3A_13 : memref<1x128xi32, #tpu.memory_space<vmem>> -> memref<128xi32, #tpu.memory_space<vmem>>
    %dma_start3A_15 = arith.constant 0 : i32
    %dma_start3A_16 = arith.constant 0 : i32
    %dma_start3A_17 = tpu.memref_slice %arg2[%dma_start3A_15, %dma_start3A_16] : memref<10000x32xf32, #tpu.memory_space<hbm>> -> memref<10000x32xf32, #tpu.memory_space<hbm>>
    tpu.enqueue_indirect_dma source(%dma_start3A_17 : memref<10000x32xf32, #tpu.memory_space<hbm>>) target(%arg10 : memref<128x32xf32, #tpu.memory_space<vmem>>) offsets(%dma_start3A_14 : memref<128xi32, #tpu.memory_space<vmem>>) semaphore(%arg15 : memref<!tpu.dma_semaphore, #tpu.memory_space<semaphore_mem>>)
    %dma_start3A_18 = arith.constant 2 : i32
    %dma_start3A_19 = arith.constant 0 : i32
    %dma_start3A_20 = tpu.memref_slice %arg7[%dma_start3A_18, %dma_start3A_19] : memref<80x128xi32, #tpu.memory_space<vmem>> -> memref<1x128xi32, #tpu.memory_space<vmem>>
    %dma_start3A_21 = tpu.memref_squeeze %dma_start3A_20 : memref<1x128xi32, #tpu.memory_space<vmem>> -> memref<128xi32, #tpu.memory_space<vmem>>
    %dma_start3A_22 = arith.constant 0 : i32
    %dma_start3A_23 = arith.constant 0 : i32
    %dma_start3A_24 = tpu.memref_slice %arg2[%dma_start3A_22, %dma_start3A_23] : memref<10000x32xf32, #tpu.memory_space<hbm>> -> memref<10000x32xf32, #tpu.memory_space<hbm>>
    tpu.enqueue_indirect_dma source(%dma_start3A_24 : memref<10000x32xf32, #tpu.memory_space<hbm>>) target(%arg11 : memref<128x32xf32, #tpu.memory_space<vmem>>) offsets(%dma_start3A_21 : memref<128xi32, #tpu.memory_space<vmem>>) semaphore(%arg16 : memref<!tpu.dma_semaphore, #tpu.memory_space<semaphore_mem>>)
    %dma_wait3A = arith.constant 0 : i32
    %dma_wait3A_25 = arith.constant 0 : i32
    %dma_wait3A_26 = tpu.memref_slice %arg7[%dma_wait3A, %dma_wait3A_25] : memref<80x128xi32, #tpu.memory_space<vmem>> -> memref<1x128xi32, #tpu.memory_space<vmem>>
    %dma_wait3A_27 = tpu.memref_squeeze %dma_wait3A_26 : memref<1x128xi32, #tpu.memory_space<vmem>> -> memref<128xi32, #tpu.memory_space<vmem>>
    %dma_wait3A_28 = arith.constant 0 : i32
    %dma_wait3A_29 = arith.constant 0 : i32
    %dma_wait3A_30 = tpu.memref_slice %arg2[%dma_wait3A_28, %dma_wait3A_29] : memref<10000x32xf32, #tpu.memory_space<hbm>> -> memref<10000x32xf32, #tpu.memory_space<hbm>>
    tpu.wait_indirect_dma semaphore(%arg14 : memref<!tpu.dma_semaphore, #tpu.memory_space<semaphore_mem>>) src(%dma_wait3A_30 : memref<10000x32xf32, #tpu.memory_space<hbm>>) dst(%arg9 : memref<128x32xf32, #tpu.memory_space<vmem>>)
    %dma_start3A_31 = arith.constant 0 : i32
    %dma_start3A_32 = arith.constant 0 : i32
    %dma_start3A_33 = tpu.memref_slice %arg8[%dma_start3A_31, %dma_start3A_32] : memref<80x128xi32, #tpu.memory_space<vmem>> -> memref<1x128xi32, #tpu.memory_space<vmem>>
    %dma_start3A_34 = tpu.memref_squeeze %dma_start3A_33 : memref<1x128xi32, #tpu.memory_space<vmem>> -> memref<128xi32, #tpu.memory_space<vmem>>
    %dma_start3A_35 = arith.constant 0 : i32
    %dma_start3A_36 = arith.constant 0 : i32
    %dma_start3A_37 = tpu.memref_slice %arg13[%dma_start3A_35, %dma_start3A_36] : memref<10112x32xf32, #tpu.memory_space<vmem_shared>> -> memref<10112x32xf32, #tpu.memory_space<vmem_shared>>
    tpu.enqueue_indirect_dma source(%arg9 : memref<128x32xf32, #tpu.memory_space<vmem>>) target(%dma_start3A_37 : memref<10112x32xf32, #tpu.memory_space<vmem_shared>>) offsets(%dma_start3A_34 : memref<128xi32, #tpu.memory_space<vmem>>) semaphore(%arg18 : memref<!tpu.dma_semaphore, #tpu.memory_space<semaphore_mem>>) {add = true}
    %dma_start3A_38 = arith.constant 3 : i32
    %dma_start3A_39 = arith.constant 0 : i32
    %dma_start3A_40 = tpu.memref_slice %arg7[%dma_start3A_38, %dma_start3A_39] : memref<80x128xi32, #tpu.memory_space<vmem>> -> memref<1x128xi32, #tpu.memory_space<vmem>>
    %dma_start3A_41 = tpu.memref_squeeze %dma_start3A_40 : memref<1x128xi32, #tpu.memory_space<vmem>> -> memref<128xi32, #tpu.memory_space<vmem>>
    %dma_start3A_42 = arith.constant 0 : i32
    %dma_start3A_43 = arith.constant 0 : i32
    %dma_start3A_44 = tpu.memref_slice %arg2[%dma_start3A_42, %dma_start3A_43] : memref<10000x32xf32, #tpu.memory_space<hbm>> -> memref<10000x32xf32, #tpu.memory_space<hbm>>
    tpu.enqueue_indirect_dma source(%dma_start3A_44 : memref<10000x32xf32, #tpu.memory_space<hbm>>) target(%arg12 : memref<128x32xf32, #tpu.memory_space<vmem>>) offsets(%dma_start3A_41 : memref<128xi32, #tpu.memory_space<vmem>>) semaphore(%arg17 : memref<!tpu.dma_semaphore, #tpu.memory_space<semaphore_mem>>)
    %dma_wait3A_45 = arith.constant 1 : i32
    %dma_wait3A_46 = arith.constant 0 : i32
    %dma_wait3A_47 = tpu.memref_slice %arg7[%dma_wait3A_45, %dma_wait3A_46] : memref<80x128xi32, #tpu.memory_space<vmem>> -> memref<1x128xi32, #tpu.memory_space<vmem>>
    %dma_wait3A_48 = tpu.memref_squeeze %dma_wait3A_47 : memref<1x128xi32, #tpu.memory_space<vmem>> -> memref<128xi32, #tpu.memory_space<vmem>>
    %dma_wait3A_49 = arith.constant 0 : i32
    %dma_wait3A_50 = arith.constant 0 : i32
    %dma_wait3A_51 = tpu.memref_slice %arg2[%dma_wait3A_49, %dma_wait3A_50] : memref<10000x32xf32, #tpu.memory_space<hbm>> -> memref<10000x32xf32, #tpu.memory_space<hbm>>
    tpu.wait_indirect_dma semaphore(%arg15 : memref<!tpu.dma_semaphore, #tpu.memory_space<semaphore_mem>>) src(%dma_wait3A_51 : memref<10000x32xf32, #tpu.memory_space<hbm>>) dst(%arg10 : memref<128x32xf32, #tpu.memory_space<vmem>>)
    %dma_start3A_52 = arith.constant 1 : i32
    %dma_start3A_53 = arith.constant 0 : i32
    %dma_start3A_54 = tpu.memref_slice %arg8[%dma_start3A_52, %dma_start3A_53] : memref<80x128xi32, #tpu.memory_space<vmem>> -> memref<1x128xi32, #tpu.memory_space<vmem>>
    %dma_start3A_55 = tpu.memref_squeeze %dma_start3A_54 : memref<1x128xi32, #tpu.memory_space<vmem>> -> memref<128xi32, #tpu.memory_space<vmem>>
    %dma_start3A_56 = arith.constant 0 : i32
    %dma_start3A_57 = arith.constant 0 : i32
    %dma_start3A_58 = tpu.memref_slice %arg13[%dma_start3A_56, %dma_start3A_57] : memref<10112x32xf32, #tpu.memory_space<vmem_shared>> -> memref<10112x32xf32, #tpu.memory_space<vmem_shared>>
    tpu.enqueue_indirect_dma source(%arg10 : memref<128x32xf32, #tpu.memory_space<vmem>>) target(%dma_start3A_58 : memref<10112x32xf32, #tpu.memory_space<vmem_shared>>) offsets(%dma_start3A_55 : memref<128xi32, #tpu.memory_space<vmem>>) semaphore(%arg19 : memref<!tpu.dma_semaphore, #tpu.memory_space<semaphore_mem>>) {add = true}
    %dma_wait3A_59 = arith.constant 0 : i32
    %dma_wait3A_60 = arith.constant 0 : i32
    %dma_wait3A_61 = tpu.memref_slice %arg8[%dma_wait3A_59, %dma_wait3A_60] : memref<80x128xi32, #tpu.memory_space<vmem>> -> memref<1x128xi32, #tpu.memory_space<vmem>>
    %dma_wait3A_62 = tpu.memref_squeeze %dma_wait3A_61 : memref<1x128xi32, #tpu.memory_space<vmem>> -> memref<128xi32, #tpu.memory_space<vmem>>
    %dma_wait3A_63 = arith.constant 0 : i32
    %dma_wait3A_64 = arith.constant 0 : i32
    %dma_wait3A_65 = tpu.memref_slice %arg13[%dma_wait3A_63, %dma_wait3A_64] : memref<10112x32xf32, #tpu.memory_space<vmem_shared>> -> memref<10112x32xf32, #tpu.memory_space<vmem_shared>>
    tpu.wait_indirect_dma semaphore(%arg18 : memref<!tpu.dma_semaphore, #tpu.memory_space<semaphore_mem>>) src(%arg9 : memref<128x32xf32, #tpu.memory_space<vmem>>) dst(%dma_wait3A_65 : memref<10112x32xf32, #tpu.memory_space<vmem_shared>>)
    %dma_start3A_66 = arith.constant 4 : i32
    %dma_start3A_67 = arith.constant 0 : i32
    %dma_start3A_68 = tpu.memref_slice %arg7[%dma_start3A_66, %dma_start3A_67] : memref<80x128xi32, #tpu.memory_space<vmem>> -> memref<1x128xi32, #tpu.memory_space<vmem>>
    %dma_start3A_69 = tpu.memref_squeeze %dma_start3A_68 : memref<1x128xi32, #tpu.memory_space<vmem>> -> memref<128xi32, #tpu.memory_space<vmem>>
    %dma_start3A_70 = arith.constant 0 : i32
    %dma_start3A_71 = arith.constant 0 : i32
    %dma_start3A_72 = tpu.memref_slice %arg2[%dma_start3A_70, %dma_start3A_71] : memref<10000x32xf32, #tpu.memory_space<hbm>> -> memref<10000x32xf32, #tpu.memory_space<hbm>>
    tpu.enqueue_indirect_dma source(%dma_start3A_72 : memref<10000x32xf32, #tpu.memory_space<hbm>>) target(%arg9 : memref<128x32xf32, #tpu.memory_space<vmem>>) offsets(%dma_start3A_69 : memref<128xi32, #tpu.memory_space<vmem>>) semaphore(%arg14 : memref<!tpu.dma_semaphore, #tpu.memory_space<semaphore_mem>>)
    %dma_wait3A_73 = arith.constant 2 : i32
    %dma_wait3A_74 = arith.constant 0 : i32
    %dma_wait3A_75 = tpu.memref_slice %arg7[%dma_wait3A_73, %dma_wait3A_74] : memref<80x128xi32, #tpu.memory_space<vmem>> -> memref<1x128xi32, #tpu.memory_space<vmem>>
    %dma_wait3A_76 = tpu.memref_squeeze %dma_wait3A_75 : memref<1x128xi32, #tpu.memory_space<vmem>> -> memref<128xi32, #tpu.memory_space<vmem>>
    %dma_wait3A_77 = arith.constant 0 : i32
    %dma_wait3A_78 = arith.constant 0 : i32
    %dma_wait3A_79 = tpu.memref_slice %arg2[%dma_wait3A_77, %dma_wait3A_78] : memref<10000x32xf32, #tpu.memory_space<hbm>> -> memref<10000x32xf32, #tpu.memory_space<hbm>>
    tpu.wait_indirect_dma semaphore(%arg16 : memref<!tpu.dma_semaphore, #tpu.memory_space<semaphore_mem>>) src(%dma_wait3A_79 : memref<10000x32xf32, #tpu.memory_space<hbm>>) dst(%arg11 : memref<128x32xf32, #tpu.memory_space<vmem>>)
    %dma_start3A_80 = arith.constant 2 : i32
    %dma_start3A_81 = arith.constant 0 : i32
    %dma_start3A_82 = tpu.memref_slice %arg8[%dma_start3A_80, %dma_start3A_81] : memref<80x128xi32, #tpu.memory_space<vmem>> -> memref<1x128xi32, #tpu.memory_space<vmem>>
    %dma_start3A_83 = tpu.memref_squeeze %dma_start3A_82 : memref<1x128xi32, #tpu.memory_space<vmem>> -> memref<128xi32, #tpu.memory_space<vmem>>
    %dma_start3A_84 = arith.constant 0 : i32
    %dma_start3A_85 = arith.constant 0 : i32
    %dma_start3A_86 = tpu.memref_slice %arg13[%dma_start3A_84, %dma_start3A_85] : memref<10112x32xf32, #tpu.memory_space<vmem_shared>> -> memref<10112x32xf32, #tpu.memory_space<vmem_shared>>
    tpu.enqueue_indirect_dma source(%arg11 : memref<128x32xf32, #tpu.memory_space<vmem>>) target(%dma_start3A_86 : memref<10112x32xf32, #tpu.memory_space<vmem_shared>>) offsets(%dma_start3A_83 : memref<128xi32, #tpu.memory_space<vmem>>) semaphore(%arg20 : memref<!tpu.dma_semaphore, #tpu.memory_space<semaphore_mem>>) {add = true}
    %dma_wait3A_87 = arith.constant 1 : i32
    %dma_wait3A_88 = arith.constant 0 : i32
    %dma_wait3A_89 = tpu.memref_slice %arg8[%dma_wait3A_87, %dma_wait3A_88] : memref<80x128xi32, #tpu.memory_space<vmem>> -> memref<1x128xi32, #tpu.memory_space<vmem>>
    %dma_wait3A_90 = tpu.memref_squeeze %dma_wait3A_89 : memref<1x128xi32, #tpu.memory_space<vmem>> -> memref<128xi32, #tpu.memory_space<vmem>>
    %dma_wait3A_91 = arith.constant 0 : i32
    %dma_wait3A_92 = arith.constant 0 : i32
    %dma_wait3A_93 = tpu.memref_slice %arg13[%dma_wait3A_91, %dma_wait3A_92] : memref<10112x32xf32, #tpu.memory_space<vmem_shared>> -> memref<10112x32xf32, #tpu.memory_space<vmem_shared>>
    tpu.wait_indirect_dma semaphore(%arg19 : memref<!tpu.dma_semaphore, #tpu.memory_space<semaphore_mem>>) src(%arg10 : memref<128x32xf32, #tpu.memory_space<vmem>>) dst(%dma_wait3A_93 : memref<10112x32xf32, #tpu.memory_space<vmem_shared>>)
    %dma_start3A_94 = arith.constant 5 : i32
    %dma_start3A_95 = arith.constant 0 : i32
    %dma_start3A_96 = tpu.memref_slice %arg7[%dma_start3A_94, %dma_start3A_95] : memref<80x128xi32, #tpu.memory_space<vmem>> -> memref<1x128xi32, #tpu.memory_space<vmem>>
    %dma_start3A_97 = tpu.memref_squeeze %dma_start3A_96 : memref<1x128xi32, #tpu.memory_space<vmem>> -> memref<128xi32, #tpu.memory_space<vmem>>
    %dma_start3A_98 = arith.constant 0 : i32
    %dma_start3A_99 = arith.constant 0 : i32
    %dma_start3A_100 = tpu.memref_slice %arg2[%dma_start3A_98, %dma_start3A_99] : memref<10000x32xf32, #tpu.memory_space<hbm>> -> memref<10000x32xf32, #tpu.memory_space<hbm>>
    tpu.enqueue_indirect_dma source(%dma_start3A_100 : memref<10000x32xf32, #tpu.memory_space<hbm>>) target(%arg10 : memref<128x32xf32, #tpu.memory_space<vmem>>) offsets(%dma_start3A_97 : memref<128xi32, #tpu.memory_space<vmem>>) semaphore(%arg15 : memref<!tpu.dma_semaphore, #tpu.memory_space<semaphore_mem>>)
    %dma_wait3A_101 = arith.constant 3 : i32
    %dma_wait3A_102 = arith.constant 0 : i32
    %dma_wait3A_103 = tpu.memref_slice %arg7[%dma_wait3A_101, %dma_wait3A_102] : memref<80x128xi32, #tpu.memory_space<vmem>> -> memref<1x128xi32, #tpu.memory_space<vmem>>
    %dma_wait3A_104 = tpu.memref_squeeze %dma_wait3A_103 : memref<1x128xi32, #tpu.memory_space<vmem>> -> memref<128xi32, #tpu.memory_space<vmem>>
    %dma_wait3A_105 = arith.constant 0 : i32
    %dma_wait3A_106 = arith.constant 0 : i32
    %dma_wait3A_107 = tpu.memref_slice %arg2[%dma_wait3A_105, %dma_wait3A_106] : memref<10000x32xf32, #tpu.memory_space<hbm>> -> memref<10000x32xf32, #tpu.memory_space<hbm>>
    tpu.wait_indirect_dma semaphore(%arg17 : memref<!tpu.dma_semaphore, #tpu.memory_space<semaphore_mem>>) src(%dma_wait3A_107 : memref<10000x32xf32, #tpu.memory_space<hbm>>) dst(%arg12 : memref<128x32xf32, #tpu.memory_space<vmem>>)
    %dma_start3A_108 = arith.constant 3 : i32
    %dma_start3A_109 = arith.constant 0 : i32
    %dma_start3A_110 = tpu.memref_slice %arg8[%dma_start3A_108, %dma_start3A_109] : memref<80x128xi32, #tpu.memory_space<vmem>> -> memref<1x128xi32, #tpu.memory_space<vmem>>
    %dma_start3A_111 = tpu.memref_squeeze %dma_start3A_110 : memref<1x128xi32, #tpu.memory_space<vmem>> -> memref<128xi32, #tpu.memory_space<vmem>>
    %dma_start3A_112 = arith.constant 0 : i32
    %dma_start3A_113 = arith.constant 0 : i32
    %dma_start3A_114 = tpu.memref_slice %arg13[%dma_start3A_112, %dma_start3A_113] : memref<10112x32xf32, #tpu.memory_space<vmem_shared>> -> memref<10112x32xf32, #tpu.memory_space<vmem_shared>>
    tpu.enqueue_indirect_dma source(%arg12 : memref<128x32xf32, #tpu.memory_space<vmem>>) target(%dma_start3A_114 : memref<10112x32xf32, #tpu.memory_space<vmem_shared>>) offsets(%dma_start3A_111 : memref<128xi32, #tpu.memory_space<vmem>>) semaphore(%arg21 : memref<!tpu.dma_semaphore, #tpu.memory_space<semaphore_mem>>) {add = true}
    %scan3A = arith.constant 0 : i32
    %scan3A_115 = arith.constant 1 : i32
    %scan3A_116 = arith.constant 19 : i32
    %scan3A_117 = arith.addi %scan3A_115, %scan3A_116 : i32
    %scan3A_118 = arith.constant 1 : i32
    scf.for %scan3A_139 = %scan3A_115 to %scan3A_117 step %scan3A_118  : i32 {
      %mul3A_140 = arith.constant 4 : i32
      %mul3A_141 = arith.muli %scan3A_139, %mul3A_140 : i32
      %add3A_142 = arith.constant 0 : i32
      %add3A_143 = arith.addi %mul3A_141, %add3A_142 : i32
      %sub3A = arith.constant 2 : i32
      %sub3A_144 = arith.subi %add3A_143, %sub3A : i32
      %dma_wait3A_145 = arith.constant 0 : i32
      %dma_wait3A_146 = tpu.memref_slice %arg8[%sub3A_144, %dma_wait3A_145] : memref<80x128xi32, #tpu.memory_space<vmem>> -> memref<1x128xi32, #tpu.memory_space<vmem>>
      %dma_wait3A_147 = tpu.memref_squeeze %dma_wait3A_146 : memref<1x128xi32, #tpu.memory_space<vmem>> -> memref<128xi32, #tpu.memory_space<vmem>>
      %dma_wait3A_148 = arith.constant 0 : i32
      %dma_wait3A_149 = arith.constant 0 : i32
      %dma_wait3A_150 = tpu.memref_slice %arg13[%dma_wait3A_148, %dma_wait3A_149] : memref<10112x32xf32, #tpu.memory_space<vmem_shared>> -> memref<10112x32xf32, #tpu.memory_space<vmem_shared>>
      tpu.wait_indirect_dma semaphore(%arg20 : memref<!tpu.dma_semaphore, #tpu.memory_space<semaphore_mem>>) src(%arg11 : memref<128x32xf32, #tpu.memory_space<vmem>>) dst(%dma_wait3A_150 : memref<10112x32xf32, #tpu.memory_space<vmem_shared>>)
      %add3A_151 = arith.constant 2 : i32
      %add3A_152 = arith.addi %add3A_143, %add3A_151 : i32
      %lt3A = arith.constant 80 : i32
      %lt3A_153 = arith.cmpi slt, %add3A_152, %lt3A : i32
      %convert_element_type3A = arith.extui %lt3A_153 : i1 to i32
      %cond3A = arith.constant 0 : i32
      %cond3A_154 = arith.cmpi ne, %convert_element_type3A, %cond3A : i32
      scf.if %cond3A_154 {
        %dma_start3A_254 = arith.constant 0 : i32
        %dma_start3A_255 = tpu.memref_slice %arg7[%add3A_152, %dma_start3A_254] : memref<80x128xi32, #tpu.memory_space<vmem>> -> memref<1x128xi32, #tpu.memory_space<vmem>>
        %dma_start3A_256 = tpu.memref_squeeze %dma_start3A_255 : memref<1x128xi32, #tpu.memory_space<vmem>> -> memref<128xi32, #tpu.memory_space<vmem>>
        %dma_start3A_257 = arith.constant 0 : i32
        %dma_start3A_258 = arith.constant 0 : i32
        %dma_start3A_259 = tpu.memref_slice %arg2[%dma_start3A_257, %dma_start3A_258] : memref<10000x32xf32, #tpu.memory_space<hbm>> -> memref<10000x32xf32, #tpu.memory_space<hbm>>
        tpu.enqueue_indirect_dma source(%dma_start3A_259 : memref<10000x32xf32, #tpu.memory_space<hbm>>) target(%arg11 : memref<128x32xf32, #tpu.memory_space<vmem>>) offsets(%dma_start3A_256 : memref<128xi32, #tpu.memory_space<vmem>>) semaphore(%arg16 : memref<!tpu.dma_semaphore, #tpu.memory_space<semaphore_mem>>)
      } else {
      }
      %dma_wait3A_155 = arith.constant 0 : i32
      %dma_wait3A_156 = tpu.memref_slice %arg7[%add3A_143, %dma_wait3A_155] : memref<80x128xi32, #tpu.memory_space<vmem>> -> memref<1x128xi32, #tpu.memory_space<vmem>>
      %dma_wait3A_157 = tpu.memref_squeeze %dma_wait3A_156 : memref<1x128xi32, #tpu.memory_space<vmem>> -> memref<128xi32, #tpu.memory_space<vmem>>
      %dma_wait3A_158 = arith.constant 0 : i32
      %dma_wait3A_159 = arith.constant 0 : i32
      %dma_wait3A_160 = tpu.memref_slice %arg2[%dma_wait3A_158, %dma_wait3A_159] : memref<10000x32xf32, #tpu.memory_space<hbm>> -> memref<10000x32xf32, #tpu.memory_space<hbm>>
      tpu.wait_indirect_dma semaphore(%arg14 : memref<!tpu.dma_semaphore, #tpu.memory_space<semaphore_mem>>) src(%dma_wait3A_160 : memref<10000x32xf32, #tpu.memory_space<hbm>>) dst(%arg9 : memref<128x32xf32, #tpu.memory_space<vmem>>)
      %dma_start3A_161 = arith.constant 0 : i32
      %dma_start3A_162 = tpu.memref_slice %arg8[%add3A_143, %dma_start3A_161] : memref<80x128xi32, #tpu.memory_space<vmem>> -> memref<1x128xi32, #tpu.memory_space<vmem>>
      %dma_start3A_163 = tpu.memref_squeeze %dma_start3A_162 : memref<1x128xi32, #tpu.memory_space<vmem>> -> memref<128xi32, #tpu.memory_space<vmem>>
      %dma_start3A_164 = arith.constant 0 : i32
      %dma_start3A_165 = arith.constant 0 : i32
      %dma_start3A_166 = tpu.memref_slice %arg13[%dma_start3A_164, %dma_start3A_165] : memref<10112x32xf32, #tpu.memory_space<vmem_shared>> -> memref<10112x32xf32, #tpu.memory_space<vmem_shared>>
      tpu.enqueue_indirect_dma source(%arg9 : memref<128x32xf32, #tpu.memory_space<vmem>>) target(%dma_start3A_166 : memref<10112x32xf32, #tpu.memory_space<vmem_shared>>) offsets(%dma_start3A_163 : memref<128xi32, #tpu.memory_space<vmem>>) semaphore(%arg18 : memref<!tpu.dma_semaphore, #tpu.memory_space<semaphore_mem>>) {add = true}
      %add3A_167 = arith.constant 1 : i32
      %add3A_168 = arith.addi %mul3A_141, %add3A_167 : i32
      %sub3A_169 = arith.constant 2 : i32
      %sub3A_170 = arith.subi %add3A_168, %sub3A_169 : i32
      %dma_wait3A_171 = arith.constant 0 : i32
      %dma_wait3A_172 = tpu.memref_slice %arg8[%sub3A_170, %dma_wait3A_171] : memref<80x128xi32, #tpu.memory_space<vmem>> -> memref<1x128xi32, #tpu.memory_space<vmem>>
      %dma_wait3A_173 = tpu.memref_squeeze %dma_wait3A_172 : memref<1x128xi32, #tpu.memory_space<vmem>> -> memref<128xi32, #tpu.memory_space<vmem>>
      %dma_wait3A_174 = arith.constant 0 : i32
      %dma_wait3A_175 = arith.constant 0 : i32
      %dma_wait3A_176 = tpu.memref_slice %arg13[%dma_wait3A_174, %dma_wait3A_175] : memref<10112x32xf32, #tpu.memory_space<vmem_shared>> -> memref<10112x32xf32, #tpu.memory_space<vmem_shared>>
      tpu.wait_indirect_dma semaphore(%arg21 : memref<!tpu.dma_semaphore, #tpu.memory_space<semaphore_mem>>) src(%arg12 : memref<128x32xf32, #tpu.memory_space<vmem>>) dst(%dma_wait3A_176 : memref<10112x32xf32, #tpu.memory_space<vmem_shared>>)
      %add3A_177 = arith.constant 2 : i32
      %add3A_178 = arith.addi %add3A_168, %add3A_177 : i32
      %lt3A_179 = arith.constant 80 : i32
      %lt3A_180 = arith.cmpi slt, %add3A_178, %lt3A_179 : i32
      %convert_element_type3A_181 = arith.extui %lt3A_180 : i1 to i32
      %cond3A_182 = arith.constant 0 : i32
      %cond3A_183 = arith.cmpi ne, %convert_element_type3A_181, %cond3A_182 : i32
      scf.if %cond3A_183 {
        %dma_start3A_254 = arith.constant 0 : i32
        %dma_start3A_255 = tpu.memref_slice %arg7[%add3A_178, %dma_start3A_254] : memref<80x128xi32, #tpu.memory_space<vmem>> -> memref<1x128xi32, #tpu.memory_space<vmem>>
        %dma_start3A_256 = tpu.memref_squeeze %dma_start3A_255 : memref<1x128xi32, #tpu.memory_space<vmem>> -> memref<128xi32, #tpu.memory_space<vmem>>
        %dma_start3A_257 = arith.constant 0 : i32
        %dma_start3A_258 = arith.constant 0 : i32
        %dma_start3A_259 = tpu.memref_slice %arg2[%dma_start3A_257, %dma_start3A_258] : memref<10000x32xf32, #tpu.memory_space<hbm>> -> memref<10000x32xf32, #tpu.memory_space<hbm>>
        tpu.enqueue_indirect_dma source(%dma_start3A_259 : memref<10000x32xf32, #tpu.memory_space<hbm>>) target(%arg12 : memref<128x32xf32, #tpu.memory_space<vmem>>) offsets(%dma_start3A_256 : memref<128xi32, #tpu.memory_space<vmem>>) semaphore(%arg17 : memref<!tpu.dma_semaphore, #tpu.memory_space<semaphore_mem>>)
      } else {
      }
      %dma_wait3A_184 = arith.constant 0 : i32
      %dma_wait3A_185 = tpu.memref_slice %arg7[%add3A_168, %dma_wait3A_184] : memref<80x128xi32, #tpu.memory_space<vmem>> -> memref<1x128xi32, #tpu.memory_space<vmem>>
      %dma_wait3A_186 = tpu.memref_squeeze %dma_wait3A_185 : memref<1x128xi32, #tpu.memory_space<vmem>> -> memref<128xi32, #tpu.memory_space<vmem>>
      %dma_wait3A_187 = arith.constant 0 : i32
      %dma_wait3A_188 = arith.constant 0 : i32
      %dma_wait3A_189 = tpu.memref_slice %arg2[%dma_wait3A_187, %dma_wait3A_188] : memref<10000x32xf32, #tpu.memory_space<hbm>> -> memref<10000x32xf32, #tpu.memory_space<hbm>>
      tpu.wait_indirect_dma semaphore(%arg15 : memref<!tpu.dma_semaphore, #tpu.memory_space<semaphore_mem>>) src(%dma_wait3A_189 : memref<10000x32xf32, #tpu.memory_space<hbm>>) dst(%arg10 : memref<128x32xf32, #tpu.memory_space<vmem>>)
      %dma_start3A_190 = arith.constant 0 : i32
      %dma_start3A_191 = tpu.memref_slice %arg8[%add3A_168, %dma_start3A_190] : memref<80x128xi32, #tpu.memory_space<vmem>> -> memref<1x128xi32, #tpu.memory_space<vmem>>
      %dma_start3A_192 = tpu.memref_squeeze %dma_start3A_191 : memref<1x128xi32, #tpu.memory_space<vmem>> -> memref<128xi32, #tpu.memory_space<vmem>>
      %dma_start3A_193 = arith.constant 0 : i32
      %dma_start3A_194 = arith.constant 0 : i32
      %dma_start3A_195 = tpu.memref_slice %arg13[%dma_start3A_193, %dma_start3A_194] : memref<10112x32xf32, #tpu.memory_space<vmem_shared>> -> memref<10112x32xf32, #tpu.memory_space<vmem_shared>>
      tpu.enqueue_indirect_dma source(%arg10 : memref<128x32xf32, #tpu.memory_space<vmem>>) target(%dma_start3A_195 : memref<10112x32xf32, #tpu.memory_space<vmem_shared>>) offsets(%dma_start3A_192 : memref<128xi32, #tpu.memory_space<vmem>>) semaphore(%arg19 : memref<!tpu.dma_semaphore, #tpu.memory_space<semaphore_mem>>) {add = true}
      %add3A_196 = arith.constant 2 : i32
      %add3A_197 = arith.addi %mul3A_141, %add3A_196 : i32
      %sub3A_198 = arith.constant 2 : i32
      %sub3A_199 = arith.subi %add3A_197, %sub3A_198 : i32
      %dma_wait3A_200 = arith.constant 0 : i32
      %dma_wait3A_201 = tpu.memref_slice %arg8[%sub3A_199, %dma_wait3A_200] : memref<80x128xi32, #tpu.memory_space<vmem>> -> memref<1x128xi32, #tpu.memory_space<vmem>>
      %dma_wait3A_202 = tpu.memref_squeeze %dma_wait3A_201 : memref<1x128xi32, #tpu.memory_space<vmem>> -> memref<128xi32, #tpu.memory_space<vmem>>
      %dma_wait3A_203 = arith.constant 0 : i32
      %dma_wait3A_204 = arith.constant 0 : i32
      %dma_wait3A_205 = tpu.memref_slice %arg13[%dma_wait3A_203, %dma_wait3A_204] : memref<10112x32xf32, #tpu.memory_space<vmem_shared>> -> memref<10112x32xf32, #tpu.memory_space<vmem_shared>>
      tpu.wait_indirect_dma semaphore(%arg18 : memref<!tpu.dma_semaphore, #tpu.memory_space<semaphore_mem>>) src(%arg9 : memref<128x32xf32, #tpu.memory_space<vmem>>) dst(%dma_wait3A_205 : memref<10112x32xf32, #tpu.memory_space<vmem_shared>>)
      %add3A_206 = arith.constant 2 : i32
      %add3A_207 = arith.addi %add3A_197, %add3A_206 : i32
      %lt3A_208 = arith.constant 80 : i32
      %lt3A_209 = arith.cmpi slt, %add3A_207, %lt3A_208 : i32
      %convert_element_type3A_210 = arith.extui %lt3A_209 : i1 to i32
      %cond3A_211 = arith.constant 0 : i32
      %cond3A_212 = arith.cmpi ne, %convert_element_type3A_210, %cond3A_211 : i32
      scf.if %cond3A_212 {
        %dma_start3A_254 = arith.constant 0 : i32
        %dma_start3A_255 = tpu.memref_slice %arg7[%add3A_207, %dma_start3A_254] : memref<80x128xi32, #tpu.memory_space<vmem>> -> memref<1x128xi32, #tpu.memory_space<vmem>>
        %dma_start3A_256 = tpu.memref_squeeze %dma_start3A_255 : memref<1x128xi32, #tpu.memory_space<vmem>> -> memref<128xi32, #tpu.memory_space<vmem>>
        %dma_start3A_257 = arith.constant 0 : i32
        %dma_start3A_258 = arith.constant 0 : i32
        %dma_start3A_259 = tpu.memref_slice %arg2[%dma_start3A_257, %dma_start3A_258] : memref<10000x32xf32, #tpu.memory_space<hbm>> -> memref<10000x32xf32, #tpu.memory_space<hbm>>
        tpu.enqueue_indirect_dma source(%dma_start3A_259 : memref<10000x32xf32, #tpu.memory_space<hbm>>) target(%arg9 : memref<128x32xf32, #tpu.memory_space<vmem>>) offsets(%dma_start3A_256 : memref<128xi32, #tpu.memory_space<vmem>>) semaphore(%arg14 : memref<!tpu.dma_semaphore, #tpu.memory_space<semaphore_mem>>)
      } else {
      }
      %dma_wait3A_213 = arith.constant 0 : i32
      %dma_wait3A_214 = tpu.memref_slice %arg7[%add3A_197, %dma_wait3A_213] : memref<80x128xi32, #tpu.memory_space<vmem>> -> memref<1x128xi32, #tpu.memory_space<vmem>>
      %dma_wait3A_215 = tpu.memref_squeeze %dma_wait3A_214 : memref<1x128xi32, #tpu.memory_space<vmem>> -> memref<128xi32, #tpu.memory_space<vmem>>
      %dma_wait3A_216 = arith.constant 0 : i32
      %dma_wait3A_217 = arith.constant 0 : i32
      %dma_wait3A_218 = tpu.memref_slice %arg2[%dma_wait3A_216, %dma_wait3A_217] : memref<10000x32xf32, #tpu.memory_space<hbm>> -> memref<10000x32xf32, #tpu.memory_space<hbm>>
      tpu.wait_indirect_dma semaphore(%arg16 : memref<!tpu.dma_semaphore, #tpu.memory_space<semaphore_mem>>) src(%dma_wait3A_218 : memref<10000x32xf32, #tpu.memory_space<hbm>>) dst(%arg11 : memref<128x32xf32, #tpu.memory_space<vmem>>)
      %dma_start3A_219 = arith.constant 0 : i32
      %dma_start3A_220 = tpu.memref_slice %arg8[%add3A_197, %dma_start3A_219] : memref<80x128xi32, #tpu.memory_space<vmem>> -> memref<1x128xi32, #tpu.memory_space<vmem>>
      %dma_start3A_221 = tpu.memref_squeeze %dma_start3A_220 : memref<1x128xi32, #tpu.memory_space<vmem>> -> memref<128xi32, #tpu.memory_space<vmem>>
      %dma_start3A_222 = arith.constant 0 : i32
      %dma_start3A_223 = arith.constant 0 : i32
      %dma_start3A_224 = tpu.memref_slice %arg13[%dma_start3A_222, %dma_start3A_223] : memref<10112x32xf32, #tpu.memory_space<vmem_shared>> -> memref<10112x32xf32, #tpu.memory_space<vmem_shared>>
      tpu.enqueue_indirect_dma source(%arg11 : memref<128x32xf32, #tpu.memory_space<vmem>>) target(%dma_start3A_224 : memref<10112x32xf32, #tpu.memory_space<vmem_shared>>) offsets(%dma_start3A_221 : memref<128xi32, #tpu.memory_space<vmem>>) semaphore(%arg20 : memref<!tpu.dma_semaphore, #tpu.memory_space<semaphore_mem>>) {add = true}
      %add3A_225 = arith.constant 3 : i32
      %add3A_226 = arith.addi %mul3A_141, %add3A_225 : i32
      %sub3A_227 = arith.constant 2 : i32
      %sub3A_228 = arith.subi %add3A_226, %sub3A_227 : i32
      %dma_wait3A_229 = arith.constant 0 : i32
      %dma_wait3A_230 = tpu.memref_slice %arg8[%sub3A_228, %dma_wait3A_229] : memref<80x128xi32, #tpu.memory_space<vmem>> -> memref<1x128xi32, #tpu.memory_space<vmem>>
      %dma_wait3A_231 = tpu.memref_squeeze %dma_wait3A_230 : memref<1x128xi32, #tpu.memory_space<vmem>> -> memref<128xi32, #tpu.memory_space<vmem>>
      %dma_wait3A_232 = arith.constant 0 : i32
      %dma_wait3A_233 = arith.constant 0 : i32
      %dma_wait3A_234 = tpu.memref_slice %arg13[%dma_wait3A_232, %dma_wait3A_233] : memref<10112x32xf32, #tpu.memory_space<vmem_shared>> -> memref<10112x32xf32, #tpu.memory_space<vmem_shared>>
      tpu.wait_indirect_dma semaphore(%arg19 : memref<!tpu.dma_semaphore, #tpu.memory_space<semaphore_mem>>) src(%arg10 : memref<128x32xf32, #tpu.memory_space<vmem>>) dst(%dma_wait3A_234 : memref<10112x32xf32, #tpu.memory_space<vmem_shared>>)
      %add3A_235 = arith.constant 2 : i32
      %add3A_236 = arith.addi %add3A_226, %add3A_235 : i32
      %lt3A_237 = arith.constant 80 : i32
      %lt3A_238 = arith.cmpi slt, %add3A_236, %lt3A_237 : i32
      %convert_element_type3A_239 = arith.extui %lt3A_238 : i1 to i32
      %cond3A_240 = arith.constant 0 : i32
      %cond3A_241 = arith.cmpi ne, %convert_element_type3A_239, %cond3A_240 : i32
      scf.if %cond3A_241 {
        %dma_start3A_254 = arith.constant 0 : i32
        %dma_start3A_255 = tpu.memref_slice %arg7[%add3A_236, %dma_start3A_254] : memref<80x128xi32, #tpu.memory_space<vmem>> -> memref<1x128xi32, #tpu.memory_space<vmem>>
        %dma_start3A_256 = tpu.memref_squeeze %dma_start3A_255 : memref<1x128xi32, #tpu.memory_space<vmem>> -> memref<128xi32, #tpu.memory_space<vmem>>
        %dma_start3A_257 = arith.constant 0 : i32
        %dma_start3A_258 = arith.constant 0 : i32
        %dma_start3A_259 = tpu.memref_slice %arg2[%dma_start3A_257, %dma_start3A_258] : memref<10000x32xf32, #tpu.memory_space<hbm>> -> memref<10000x32xf32, #tpu.memory_space<hbm>>
        tpu.enqueue_indirect_dma source(%dma_start3A_259 : memref<10000x32xf32, #tpu.memory_space<hbm>>) target(%arg10 : memref<128x32xf32, #tpu.memory_space<vmem>>) offsets(%dma_start3A_256 : memref<128xi32, #tpu.memory_space<vmem>>) semaphore(%arg15 : memref<!tpu.dma_semaphore, #tpu.memory_space<semaphore_mem>>)
      } else {
      }
      %dma_wait3A_242 = arith.constant 0 : i32
      %dma_wait3A_243 = tpu.memref_slice %arg7[%add3A_226, %dma_wait3A_242] : memref<80x128xi32, #tpu.memory_space<vmem>> -> memref<1x128xi32, #tpu.memory_space<vmem>>
      %dma_wait3A_244 = tpu.memref_squeeze %dma_wait3A_243 : memref<1x128xi32, #tpu.memory_space<vmem>> -> memref<128xi32, #tpu.memory_space<vmem>>
      %dma_wait3A_245 = arith.constant 0 : i32
      %dma_wait3A_246 = arith.constant 0 : i32
      %dma_wait3A_247 = tpu.memref_slice %arg2[%dma_wait3A_245, %dma_wait3A_246] : memref<10000x32xf32, #tpu.memory_space<hbm>> -> memref<10000x32xf32, #tpu.memory_space<hbm>>
      tpu.wait_indirect_dma semaphore(%arg17 : memref<!tpu.dma_semaphore, #tpu.memory_space<semaphore_mem>>) src(%dma_wait3A_247 : memref<10000x32xf32, #tpu.memory_space<hbm>>) dst(%arg12 : memref<128x32xf32, #tpu.memory_space<vmem>>)
      %dma_start3A_248 = arith.constant 0 : i32
      %dma_start3A_249 = tpu.memref_slice %arg8[%add3A_226, %dma_start3A_248] : memref<80x128xi32, #tpu.memory_space<vmem>> -> memref<1x128xi32, #tpu.memory_space<vmem>>
      %dma_start3A_250 = tpu.memref_squeeze %dma_start3A_249 : memref<1x128xi32, #tpu.memory_space<vmem>> -> memref<128xi32, #tpu.memory_space<vmem>>
      %dma_start3A_251 = arith.constant 0 : i32
      %dma_start3A_252 = arith.constant 0 : i32
      %dma_start3A_253 = tpu.memref_slice %arg13[%dma_start3A_251, %dma_start3A_252] : memref<10112x32xf32, #tpu.memory_space<vmem_shared>> -> memref<10112x32xf32, #tpu.memory_space<vmem_shared>>
      tpu.enqueue_indirect_dma source(%arg12 : memref<128x32xf32, #tpu.memory_space<vmem>>) target(%dma_start3A_253 : memref<10112x32xf32, #tpu.memory_space<vmem_shared>>) offsets(%dma_start3A_250 : memref<128xi32, #tpu.memory_space<vmem>>) semaphore(%arg21 : memref<!tpu.dma_semaphore, #tpu.memory_space<semaphore_mem>>) {add = true}
    }
    %scan3A_119 = arith.constant 19 : i32
    %dma_wait3A_120 = arith.constant 78 : i32
    %dma_wait3A_121 = arith.constant 0 : i32
    %dma_wait3A_122 = tpu.memref_slice %arg8[%dma_wait3A_120, %dma_wait3A_121] : memref<80x128xi32, #tpu.memory_space<vmem>> -> memref<1x128xi32, #tpu.memory_space<vmem>>
    %dma_wait3A_123 = tpu.memref_squeeze %dma_wait3A_122 : memref<1x128xi32, #tpu.memory_space<vmem>> -> memref<128xi32, #tpu.memory_space<vmem>>
    %dma_wait3A_124 = arith.constant 0 : i32
    %dma_wait3A_125 = arith.constant 0 : i32
    %dma_wait3A_126 = tpu.memref_slice %arg13[%dma_wait3A_124, %dma_wait3A_125] : memref<10112x32xf32, #tpu.memory_space<vmem_shared>> -> memref<10112x32xf32, #tpu.memory_space<vmem_shared>>
    tpu.wait_indirect_dma semaphore(%arg20 : memref<!tpu.dma_semaphore, #tpu.memory_space<semaphore_mem>>) src(%arg11 : memref<128x32xf32, #tpu.memory_space<vmem>>) dst(%dma_wait3A_126 : memref<10112x32xf32, #tpu.memory_space<vmem_shared>>)
    %dma_wait3A_127 = arith.constant 79 : i32
    %dma_wait3A_128 = arith.constant 0 : i32
    %dma_wait3A_129 = tpu.memref_slice %arg8[%dma_wait3A_127, %dma_wait3A_128] : memref<80x128xi32, #tpu.memory_space<vmem>> -> memref<1x128xi32, #tpu.memory_space<vmem>>
    %dma_wait3A_130 = tpu.memref_squeeze %dma_wait3A_129 : memref<1x128xi32, #tpu.memory_space<vmem>> -> memref<128xi32, #tpu.memory_space<vmem>>
    %dma_wait3A_131 = arith.constant 0 : i32
    %dma_wait3A_132 = arith.constant 0 : i32
    %dma_wait3A_133 = tpu.memref_slice %arg13[%dma_wait3A_131, %dma_wait3A_132] : memref<10112x32xf32, #tpu.memory_space<vmem_shared>> -> memref<10112x32xf32, #tpu.memory_space<vmem_shared>>
    tpu.wait_indirect_dma semaphore(%arg21 : memref<!tpu.dma_semaphore, #tpu.memory_space<semaphore_mem>>) src(%arg12 : memref<128x32xf32, #tpu.memory_space<vmem>>) dst(%dma_wait3A_133 : memref<10112x32xf32, #tpu.memory_space<vmem_shared>>)
    %barrier3A_134 = arith.constant 0 : index
    tpu.barrier barrier_id(%barrier3A_134)
    %mul3A_135 = arith.constant 632 : i32
    %mul3A_136 = arith.muli %arg1, %mul3A_135 : i32
    %mul3A_137 = arith.constant 632 : i32
    %mul3A_138 = arith.muli %arg1, %mul3A_137 : i32
    "tpu.region"() ({
      %run_scoped3A = tpu.sem_alloc : memref<!tpu.dma_semaphore, #tpu.memory_space<semaphore_mem>>
      %dma_start3A_139 = arith.constant 0 : i32
      %dma_start3A_140 = tpu.memref_slice %arg6[%arg0, %mul3A_138, %dma_start3A_139] : memref<2x10112x32xf32, #tpu.memory_space<hbm>> -> memref<1x632x32xf32, #tpu.memory_space<hbm>>
      %dma_start3A_141 = tpu.memref_squeeze %dma_start3A_140 : memref<1x632x32xf32, #tpu.memory_space<hbm>> -> memref<632x32xf32, #tpu.memory_space<hbm>>
      %dma_start3A_142 = arith.constant 0 : i32
      %dma_start3A_143 = tpu.memref_slice %arg13[%mul3A_136, %dma_start3A_142] : memref<10112x32xf32, #tpu.memory_space<vmem_shared>> -> memref<632x32xf32, #tpu.memory_space<vmem_shared>>
      tpu.enqueue_dma source(%dma_start3A_143 : memref<632x32xf32, #tpu.memory_space<vmem_shared>>) target(%dma_start3A_141 : memref<632x32xf32, #tpu.memory_space<hbm>>) target_semaphore(%run_scoped3A : memref<!tpu.dma_semaphore, #tpu.memory_space<semaphore_mem>>)
      %dma_wait3A_144 = arith.constant 0 : i32
      %dma_wait3A_145 = tpu.memref_slice %arg6[%arg0, %mul3A_138, %dma_wait3A_144] : memref<2x10112x32xf32, #tpu.memory_space<hbm>> -> memref<1x632x32xf32, #tpu.memory_space<hbm>>
      %dma_wait3A_146 = tpu.memref_squeeze %dma_wait3A_145 : memref<1x632x32xf32, #tpu.memory_space<hbm>> -> memref<632x32xf32, #tpu.memory_space<hbm>>
      %dma_wait3A_147 = arith.constant 0 : i32
      %dma_wait3A_148 = tpu.memref_slice %arg13[%mul3A_136, %dma_wait3A_147] : memref<10112x32xf32, #tpu.memory_space<vmem_shared>> -> memref<632x32xf32, #tpu.memory_space<vmem_shared>>
      tpu.wait_dma2 semaphore(%run_scoped3A : memref<!tpu.dma_semaphore, #tpu.memory_space<semaphore_mem>>) src(%dma_wait3A_148 : memref<632x32xf32, #tpu.memory_space<vmem_shared>>) dst(%dma_wait3A_146 : memref<632x32xf32, #tpu.memory_space<hbm>>)
      tpu.yield
    }) : () -> ()
    return
  }
}

module attributes {stable_mosaic.version = 14 : i64} {
  func.func @_tca_body(%arg0: i32, %arg1: memref<1000x16xf32, #tpu.memory_space<vmem>>, %arg2: memref<1000x16xf32, #tpu.memory_space<vmem>>, %arg3: memref<1000x128xf32, #tpu.memory_space<vmem>>, %arg4: memref<128x128xf32, #tpu.memory_space<vmem>>, %arg5: memref<1000x1xf32, #tpu.memory_space<vmem>>, %arg6: memref<1000x128xf32, #tpu.memory_space<vmem>>) attributes {dimension_semantics = [#tpu.dimension_semantics<arbitrary>], iteration_bounds = array<i64: 10>, scalar_prefetch = 0 : i64, scratch_operands = 0 : i64, tpu.core_type = #tpu.core_type<tc>, window_params = [{transform_indices = @transform_0, window_bounds = array<i64: 1000, 16>}, {transform_indices = @transform_1, window_bounds = array<i64: 1000, 16>}, {transform_indices = @transform_2, window_bounds = array<i64: 1000, 128>}, {pipeline_mode = #tpu.pipeline_mode<synchronous>, transform_indices = @transform_3, window_bounds = array<i64: 128, 128>}, {transform_indices = @transform_4, window_bounds = array<i64: 1000, 1>}, {transform_indices = @transform_5, window_bounds = array<i64: 1000, 128>}]} {
    %get3A = arith.constant 0 : index
    %get3A_0 = arith.constant 0 : index
    %get3A_1 = vector.load %arg1[%get3A, %get3A_0] : memref<1000x16xf32, #tpu.memory_space<vmem>>, vector<1000x1xf32>
    %add3A = arith.constant 1.000000e+00 : f32
    %add3A_2 = vector.broadcast %add3A : f32 to vector<1000x1xf32>
    %add3A_3 = arith.addf %add3A_2, %get3A_1 : vector<1000x1xf32>
    %get3A_4 = arith.constant 0 : index
    %get3A_5 = arith.constant 0 : index
    %get3A_6 = vector.load %arg2[%get3A_4, %get3A_5] : memref<1000x16xf32, #tpu.memory_space<vmem>>, vector<1000x1xf32>
    %add3A_7 = arith.addf %add3A_3, %get3A_6 : vector<1000x1xf32>
    %sqrt3A = math.sqrt %add3A_7 : vector<1000x1xf32>
    %div3A = arith.constant 1.000000e+00 : f32
    %div3A_8 = vector.broadcast %div3A : f32 to vector<1000x1xf32>
    %div3A_9 = arith.divf %div3A_8, %sqrt3A : vector<1000x1xf32>
    %swap3A = arith.constant 0 : index
    %swap3A_10 = arith.constant 0 : index
    %swap3A_11 = vector.load %arg5[%swap3A, %swap3A_10] : memref<1000x1xf32, #tpu.memory_space<vmem>>, vector<1000x1xf32>
    tpu.vector_store %arg5[%swap3A, %swap3A_10], %div3A_9 {strides = array<i32>} : memref<1000x1xf32, #tpu.memory_space<vmem>>, vector<1000x1xf32>,
    %get3A_12 = arith.constant 0 : index
    %get3A_13 = arith.constant 0 : index
    %get3A_14 = vector.load %arg3[%get3A_12, %get3A_13] : memref<1000x128xf32, #tpu.memory_space<vmem>>, vector<1000x128xf32>
    %get3A_15 = arith.constant 0 : index
    %get3A_16 = arith.constant 0 : index
    %get3A_17 = vector.load %arg4[%get3A_15, %get3A_16] : memref<128x128xf32, #tpu.memory_space<vmem>>, vector<128x128xf32>
    %convert_element_type3A = arith.truncf %get3A_14 : vector<1000x128xf32> to vector<1000x128xbf16>
    %convert_element_type3A_18 = arith.truncf %get3A_17 : vector<128x128xf32> to vector<128x128xbf16>
    %dot_general3A = arith.constant dense<0.000000e+00> : vector<1000x128xf32>
    %dot_general3A_19 = tpu.matmul %convert_element_type3A, %convert_element_type3A_18, %dot_general3A {dimension_numbers = #tpu.dot_dimension_numbers<[1], [0], [0], [1], [0, 0, 1, 1], [], []>, transpose_lhs_hint = false} : vector<1000x128xbf16>, vector<128x128xbf16>, vector<1000x128xf32> -> vector<1000x128xf32>
    %mul3A = vector.broadcast %div3A_9 : vector<1000x1xf32> to vector<1000x128xf32>
    %mul3A_20 = arith.mulf %dot_general3A_19, %mul3A : vector<1000x128xf32>
    %swap3A_21 = arith.constant 0 : index
    %swap3A_22 = arith.constant 0 : index
    %swap3A_23 = vector.load %arg6[%swap3A_21, %swap3A_22] : memref<1000x128xf32, #tpu.memory_space<vmem>>, vector<1000x128xf32>
    tpu.vector_store %arg6[%swap3A_21, %swap3A_22], %mul3A_20 {strides = array<i32>} : memref<1000x128xf32, #tpu.memory_space<vmem>>, vector<1000x128xf32>,
    return
  }
  func.func @transform_0(%arg0: i32) -> (i32, i32) {
    %c0_i32 = arith.constant 0 : i32
    %c0_i32_0 = arith.constant 0 : i32
    return %arg0, %c0_i32 : i32, i32
  }
  func.func @transform_1(%arg0: i32) -> (i32, i32) {
    %c0_i32 = arith.constant 0 : i32
    %c0_i32_0 = arith.constant 0 : i32
    return %arg0, %c0_i32 : i32, i32
  }
  func.func @transform_2(%arg0: i32) -> (i32, i32) {
    %c0_i32 = arith.constant 0 : i32
    %c0_i32_0 = arith.constant 0 : i32
    return %arg0, %c0_i32 : i32, i32
  }
  func.func @transform_3(%arg0: i32) -> (i32, i32) {
    %c0_i32 = arith.constant 0 : i32
    %c0_i32_0 = arith.constant 0 : i32
    %c0_i32_1 = arith.constant 0 : i32
    return %c0_i32, %c0_i32_0 : i32, i32
  }
  func.func @transform_4(%arg0: i32) -> (i32, i32) {
    %c0_i32 = arith.constant 0 : i32
    %c0_i32_0 = arith.constant 0 : i32
    return %arg0, %c0_i32 : i32, i32
  }
  func.func @transform_5(%arg0: i32) -> (i32, i32) {
    %c0_i32 = arith.constant 0 : i32
    %c0_i32_0 = arith.constant 0 : i32
    return %arg0, %c0_i32 : i32, i32
  }
}

module attributes {stable_mosaic.version = 14 : i64} {
  func.func @_tcb_body(%arg0: i32, %arg1: memref<1000x1xf32, #tpu.memory_space<vmem>>, %arg2: memref<1000x128xf32, #tpu.memory_space<vmem>>, %arg3: memref<1000x128xf32, #tpu.memory_space<vmem>>, %arg4: memref<1000x128xf32, #tpu.memory_space<vmem>>, %arg5: memref<1x128xf32, #tpu.memory_space<vmem>>, %arg6: memref<1x128xf32, #tpu.memory_space<vmem>>, %arg7: memref<1x128xf32, #tpu.memory_space<vmem>>, %arg8: memref<128x64xf32, #tpu.memory_space<vmem>>, %arg9: memref<1000x64xf32, #tpu.memory_space<vmem>>) attributes {dimension_semantics = [#tpu.dimension_semantics<arbitrary>], iteration_bounds = array<i64: 10>, scalar_prefetch = 0 : i64, scratch_operands = 0 : i64, tpu.core_type = #tpu.core_type<tc>, window_params = [{transform_indices = @transform_0, window_bounds = array<i64: 1000, 1>}, {transform_indices = @transform_1, window_bounds = array<i64: 1000, 128>}, {transform_indices = @transform_2, window_bounds = array<i64: 1000, 128>}, {transform_indices = @transform_3, window_bounds = array<i64: 1000, 128>}, {pipeline_mode = #tpu.pipeline_mode<synchronous>, transform_indices = @transform_4, window_bounds = array<i64: 1, 128>}, {pipeline_mode = #tpu.pipeline_mode<synchronous>, transform_indices = @transform_5, window_bounds = array<i64: 1, 128>}, {pipeline_mode = #tpu.pipeline_mode<synchronous>, transform_indices = @transform_6, window_bounds = array<i64: 1, 128>}, {pipeline_mode = #tpu.pipeline_mode<synchronous>, transform_indices = @transform_7, window_bounds = array<i64: 128, 64>}, {transform_indices = @transform_8, window_bounds = array<i64: 1000, 64>}]} {
    %get3A = arith.constant 0 : index
    %get3A_0 = arith.constant 0 : index
    %get3A_1 = vector.load %arg1[%get3A, %get3A_0] : memref<1000x1xf32, #tpu.memory_space<vmem>>, vector<1000x1xf32>
    %get3A_2 = arith.constant 0 : index
    %get3A_3 = arith.constant 0 : index
    %get3A_4 = vector.load %arg2[%get3A_2, %get3A_3] : memref<1000x128xf32, #tpu.memory_space<vmem>>, vector<1000x128xf32>
    %get3A_5 = arith.constant 0 : index
    %get3A_6 = arith.constant 0 : index
    %get3A_7 = vector.load %arg3[%get3A_5, %get3A_6] : memref<1000x128xf32, #tpu.memory_space<vmem>>, vector<1000x128xf32>
    %add3A = arith.addf %get3A_4, %get3A_7 : vector<1000x128xf32>
    %get3A_8 = arith.constant 0 : index
    %get3A_9 = arith.constant 0 : index
    %get3A_10 = vector.load %arg4[%get3A_8, %get3A_9] : memref<1000x128xf32, #tpu.memory_space<vmem>>, vector<1000x128xf32>
    %add3A_11 = arith.addf %add3A, %get3A_10 : vector<1000x128xf32>
    %mul3A = vector.broadcast %get3A_1 : vector<1000x1xf32> to vector<1000x128xf32>
    %mul3A_12 = arith.mulf %add3A_11, %mul3A : vector<1000x128xf32>
    %get3A_13 = arith.constant 0 : index
    %get3A_14 = arith.constant 0 : index
    %get3A_15 = vector.load %arg5[%get3A_13, %get3A_14] : memref<1x128xf32, #tpu.memory_space<vmem>>, vector<1x128xf32>
    %add3A_16 = vector.broadcast %get3A_15 : vector<1x128xf32> to vector<1000x128xf32>
    %add3A_17 = arith.addf %mul3A_12, %add3A_16 : vector<1000x128xf32>
    %get3A_18 = arith.constant 0 : index
    %get3A_19 = arith.constant 0 : index
    %get3A_20 = vector.load %arg6[%get3A_18, %get3A_19] : memref<1x128xf32, #tpu.memory_space<vmem>>, vector<1x128xf32>
    %mul3A_21 = arith.constant 0.999994993 : f32
    %mul3A_22 = vector.broadcast %mul3A_21 : f32 to vector<1x128xf32>
    %mul3A_23 = arith.mulf %get3A_20, %mul3A_22 : vector<1x128xf32>
    %mul3A_24 = vector.broadcast %mul3A_23 : vector<1x128xf32> to vector<1000x128xf32>
    %mul3A_25 = arith.mulf %add3A_17, %mul3A_24 : vector<1000x128xf32>
    %get3A_26 = arith.constant 0 : index
    %get3A_27 = arith.constant 0 : index
    %get3A_28 = vector.load %arg7[%get3A_26, %get3A_27] : memref<1x128xf32, #tpu.memory_space<vmem>>, vector<1x128xf32>
    %add3A_29 = vector.broadcast %get3A_28 : vector<1x128xf32> to vector<1000x128xf32>
    %add3A_30 = arith.addf %mul3A_25, %add3A_29 : vector<1000x128xf32>
    %max3A = arith.constant 0.000000e+00 : f32
    %max3A_31 = vector.broadcast %max3A : f32 to vector<1000x128xf32>
    %max3A_32 = arith.maximumf %add3A_30, %max3A_31 : vector<1000x128xf32>
    %get3A_33 = arith.constant 0 : index
    %get3A_34 = arith.constant 0 : index
    %get3A_35 = vector.load %arg8[%get3A_33, %get3A_34] : memref<128x64xf32, #tpu.memory_space<vmem>>, vector<128x64xf32>
    %convert_element_type3A = arith.truncf %max3A_32 : vector<1000x128xf32> to vector<1000x128xbf16>
    %convert_element_type3A_36 = arith.truncf %get3A_35 : vector<128x64xf32> to vector<128x64xbf16>
    %dot_general3A = arith.constant dense<0.000000e+00> : vector<1000x64xf32>
    %dot_general3A_37 = tpu.matmul %convert_element_type3A, %convert_element_type3A_36, %dot_general3A {dimension_numbers = #tpu.dot_dimension_numbers<[1], [0], [0], [1], [0, 0, 1, 1], [], []>, transpose_lhs_hint = false} : vector<1000x128xbf16>, vector<128x64xbf16>, vector<1000x64xf32> -> vector<1000x64xf32>
    %mul3A_38 = vector.broadcast %get3A_1 : vector<1000x1xf32> to vector<1000x64xf32>
    %mul3A_39 = arith.mulf %dot_general3A_37, %mul3A_38 : vector<1000x64xf32>
    %swap3A = arith.constant 0 : index
    %swap3A_40 = arith.constant 0 : index
    %swap3A_41 = vector.load %arg9[%swap3A, %swap3A_40] : memref<1000x64xf32, #tpu.memory_space<vmem>>, vector<1000x64xf32>
    tpu.vector_store %arg9[%swap3A, %swap3A_40], %mul3A_39 {strides = array<i32>} : memref<1000x64xf32, #tpu.memory_space<vmem>>, vector<1000x64xf32>,
    return
  }
  func.func @transform_0(%arg0: i32) -> (i32, i32) {
    %c0_i32 = arith.constant 0 : i32
    %c0_i32_0 = arith.constant 0 : i32
    return %arg0, %c0_i32 : i32, i32
  }
  func.func @transform_1(%arg0: i32) -> (i32, i32) {
    %c0_i32 = arith.constant 0 : i32
    %c0_i32_0 = arith.constant 0 : i32
    return %arg0, %c0_i32 : i32, i32
  }
  func.func @transform_2(%arg0: i32) -> (i32, i32) {
    %c0_i32 = arith.constant 0 : i32
    %c0_i32_0 = arith.constant 0 : i32
    return %arg0, %c0_i32 : i32, i32
  }
  func.func @transform_3(%arg0: i32) -> (i32, i32) {
    %c0_i32 = arith.constant 0 : i32
    %c0_i32_0 = arith.constant 0 : i32
    return %arg0, %c0_i32 : i32, i32
  }
  func.func @transform_4(%arg0: i32) -> (i32, i32) {
    %c0_i32 = arith.constant 0 : i32
    %c0_i32_0 = arith.constant 0 : i32
    %c0_i32_1 = arith.constant 0 : i32
    return %c0_i32, %c0_i32_0 : i32, i32
  }
  func.func @transform_5(%arg0: i32) -> (i32, i32) {
    %c0_i32 = arith.constant 0 : i32
    %c0_i32_0 = arith.constant 0 : i32
    %c0_i32_1 = arith.constant 0 : i32
    return %c0_i32, %c0_i32_0 : i32, i32
  }
  func.func @transform_6(%arg0: i32) -> (i32, i32) {
    %c0_i32 = arith.constant 0 : i32
    %c0_i32_0 = arith.constant 0 : i32
    %c0_i32_1 = arith.constant 0 : i32
    return %c0_i32, %c0_i32_0 : i32, i32
  }
  func.func @transform_7(%arg0: i32) -> (i32, i32) {
    %c0_i32 = arith.constant 0 : i32
    %c0_i32_0 = arith.constant 0 : i32
    %c0_i32_1 = arith.constant 0 : i32
    return %c0_i32, %c0_i32_0 : i32, i32
  }
  func.func @transform_8(%arg0: i32) -> (i32, i32) {
    %c0_i32 = arith.constant 0 : i32
    %c0_i32_0 = arith.constant 0 : i32
    return %arg0, %c0_i32 : i32, i32
  }
}

module attributes {stable_mosaic.version = 14 : i64} {
  func.func @_tcc_body(%arg0: i32, %arg1: memref<1000x1xf32, #tpu.memory_space<vmem>>, %arg2: memref<1000x64xf32, #tpu.memory_space<vmem>>, %arg3: memref<1000x64xf32, #tpu.memory_space<vmem>>, %arg4: memref<1000x64xf32, #tpu.memory_space<vmem>>, %arg5: memref<1x64xf32, #tpu.memory_space<vmem>>, %arg6: memref<1x64xf32, #tpu.memory_space<vmem>>, %arg7: memref<1x64xf32, #tpu.memory_space<vmem>>, %arg8: memref<64x32xf32, #tpu.memory_space<vmem>>, %arg9: memref<1000x32xf32, #tpu.memory_space<vmem>>) attributes {dimension_semantics = [#tpu.dimension_semantics<arbitrary>], iteration_bounds = array<i64: 10>, scalar_prefetch = 0 : i64, scratch_operands = 0 : i64, tpu.core_type = #tpu.core_type<tc>, window_params = [{transform_indices = @transform_0, window_bounds = array<i64: 1000, 1>}, {transform_indices = @transform_1, window_bounds = array<i64: 1000, 64>}, {transform_indices = @transform_2, window_bounds = array<i64: 1000, 64>}, {transform_indices = @transform_3, window_bounds = array<i64: 1000, 64>}, {pipeline_mode = #tpu.pipeline_mode<synchronous>, transform_indices = @transform_4, window_bounds = array<i64: 1, 64>}, {pipeline_mode = #tpu.pipeline_mode<synchronous>, transform_indices = @transform_5, window_bounds = array<i64: 1, 64>}, {pipeline_mode = #tpu.pipeline_mode<synchronous>, transform_indices = @transform_6, window_bounds = array<i64: 1, 64>}, {pipeline_mode = #tpu.pipeline_mode<synchronous>, transform_indices = @transform_7, window_bounds = array<i64: 64, 32>}, {transform_indices = @transform_8, window_bounds = array<i64: 1000, 32>}]} {
    %get3A = arith.constant 0 : index
    %get3A_0 = arith.constant 0 : index
    %get3A_1 = vector.load %arg1[%get3A, %get3A_0] : memref<1000x1xf32, #tpu.memory_space<vmem>>, vector<1000x1xf32>
    %get3A_2 = arith.constant 0 : index
    %get3A_3 = arith.constant 0 : index
    %get3A_4 = vector.load %arg2[%get3A_2, %get3A_3] : memref<1000x64xf32, #tpu.memory_space<vmem>>, vector<1000x64xf32>
    %get3A_5 = arith.constant 0 : index
    %get3A_6 = arith.constant 0 : index
    %get3A_7 = vector.load %arg3[%get3A_5, %get3A_6] : memref<1000x64xf32, #tpu.memory_space<vmem>>, vector<1000x64xf32>
    %add3A = arith.addf %get3A_4, %get3A_7 : vector<1000x64xf32>
    %get3A_8 = arith.constant 0 : index
    %get3A_9 = arith.constant 0 : index
    %get3A_10 = vector.load %arg4[%get3A_8, %get3A_9] : memref<1000x64xf32, #tpu.memory_space<vmem>>, vector<1000x64xf32>
    %add3A_11 = arith.addf %add3A, %get3A_10 : vector<1000x64xf32>
    %mul3A = vector.broadcast %get3A_1 : vector<1000x1xf32> to vector<1000x64xf32>
    %mul3A_12 = arith.mulf %add3A_11, %mul3A : vector<1000x64xf32>
    %get3A_13 = arith.constant 0 : index
    %get3A_14 = arith.constant 0 : index
    %get3A_15 = vector.load %arg5[%get3A_13, %get3A_14] : memref<1x64xf32, #tpu.memory_space<vmem>>, vector<1x64xf32>
    %add3A_16 = vector.broadcast %get3A_15 : vector<1x64xf32> to vector<1000x64xf32>
    %add3A_17 = arith.addf %mul3A_12, %add3A_16 : vector<1000x64xf32>
    %get3A_18 = arith.constant 0 : index
    %get3A_19 = arith.constant 0 : index
    %get3A_20 = vector.load %arg6[%get3A_18, %get3A_19] : memref<1x64xf32, #tpu.memory_space<vmem>>, vector<1x64xf32>
    %mul3A_21 = arith.constant 0.999994993 : f32
    %mul3A_22 = vector.broadcast %mul3A_21 : f32 to vector<1x64xf32>
    %mul3A_23 = arith.mulf %get3A_20, %mul3A_22 : vector<1x64xf32>
    %mul3A_24 = vector.broadcast %mul3A_23 : vector<1x64xf32> to vector<1000x64xf32>
    %mul3A_25 = arith.mulf %add3A_17, %mul3A_24 : vector<1000x64xf32>
    %get3A_26 = arith.constant 0 : index
    %get3A_27 = arith.constant 0 : index
    %get3A_28 = vector.load %arg7[%get3A_26, %get3A_27] : memref<1x64xf32, #tpu.memory_space<vmem>>, vector<1x64xf32>
    %add3A_29 = vector.broadcast %get3A_28 : vector<1x64xf32> to vector<1000x64xf32>
    %add3A_30 = arith.addf %mul3A_25, %add3A_29 : vector<1000x64xf32>
    %max3A = arith.constant 0.000000e+00 : f32
    %max3A_31 = vector.broadcast %max3A : f32 to vector<1000x64xf32>
    %max3A_32 = arith.maximumf %add3A_30, %max3A_31 : vector<1000x64xf32>
    %get3A_33 = arith.constant 0 : index
    %get3A_34 = arith.constant 0 : index
    %get3A_35 = vector.load %arg8[%get3A_33, %get3A_34] : memref<64x32xf32, #tpu.memory_space<vmem>>, vector<64x32xf32>
    %convert_element_type3A = arith.truncf %max3A_32 : vector<1000x64xf32> to vector<1000x64xbf16>
    %convert_element_type3A_36 = arith.truncf %get3A_35 : vector<64x32xf32> to vector<64x32xbf16>
    %dot_general3A = arith.constant dense<0.000000e+00> : vector<1000x32xf32>
    %dot_general3A_37 = tpu.matmul %convert_element_type3A, %convert_element_type3A_36, %dot_general3A {dimension_numbers = #tpu.dot_dimension_numbers<[1], [0], [0], [1], [0, 0, 1, 1], [], []>, transpose_lhs_hint = false} : vector<1000x64xbf16>, vector<64x32xbf16>, vector<1000x32xf32> -> vector<1000x32xf32>
    %mul3A_38 = vector.broadcast %get3A_1 : vector<1000x1xf32> to vector<1000x32xf32>
    %mul3A_39 = arith.mulf %dot_general3A_37, %mul3A_38 : vector<1000x32xf32>
    %swap3A = arith.constant 0 : index
    %swap3A_40 = arith.constant 0 : index
    %swap3A_41 = vector.load %arg9[%swap3A, %swap3A_40] : memref<1000x32xf32, #tpu.memory_space<vmem>>, vector<1000x32xf32>
    tpu.vector_store %arg9[%swap3A, %swap3A_40], %mul3A_39 {strides = array<i32>} : memref<1000x32xf32, #tpu.memory_space<vmem>>, vector<1000x32xf32>,
    return
  }
  func.func @transform_0(%arg0: i32) -> (i32, i32) {
    %c0_i32 = arith.constant 0 : i32
    %c0_i32_0 = arith.constant 0 : i32
    return %arg0, %c0_i32 : i32, i32
  }
  func.func @transform_1(%arg0: i32) -> (i32, i32) {
    %c0_i32 = arith.constant 0 : i32
    %c0_i32_0 = arith.constant 0 : i32
    return %arg0, %c0_i32 : i32, i32
  }
  func.func @transform_2(%arg0: i32) -> (i32, i32) {
    %c0_i32 = arith.constant 0 : i32
    %c0_i32_0 = arith.constant 0 : i32
    return %arg0, %c0_i32 : i32, i32
  }
  func.func @transform_3(%arg0: i32) -> (i32, i32) {
    %c0_i32 = arith.constant 0 : i32
    %c0_i32_0 = arith.constant 0 : i32
    return %arg0, %c0_i32 : i32, i32
  }
  func.func @transform_4(%arg0: i32) -> (i32, i32) {
    %c0_i32 = arith.constant 0 : i32
    %c0_i32_0 = arith.constant 0 : i32
    %c0_i32_1 = arith.constant 0 : i32
    return %c0_i32, %c0_i32_0 : i32, i32
  }
  func.func @transform_5(%arg0: i32) -> (i32, i32) {
    %c0_i32 = arith.constant 0 : i32
    %c0_i32_0 = arith.constant 0 : i32
    %c0_i32_1 = arith.constant 0 : i32
    return %c0_i32, %c0_i32_0 : i32, i32
  }
  func.func @transform_6(%arg0: i32) -> (i32, i32) {
    %c0_i32 = arith.constant 0 : i32
    %c0_i32_0 = arith.constant 0 : i32
    %c0_i32_1 = arith.constant 0 : i32
    return %c0_i32, %c0_i32_0 : i32, i32
  }
  func.func @transform_7(%arg0: i32) -> (i32, i32) {
    %c0_i32 = arith.constant 0 : i32
    %c0_i32_0 = arith.constant 0 : i32
    %c0_i32_1 = arith.constant 0 : i32
    return %c0_i32, %c0_i32_0 : i32, i32
  }
  func.func @transform_8(%arg0: i32) -> (i32, i32) {
    %c0_i32 = arith.constant 0 : i32
    %c0_i32_0 = arith.constant 0 : i32
    return %arg0, %c0_i32 : i32, i32
  }
}

module attributes {stable_mosaic.version = 14 : i64} {
  func.func @_tcd_body(%arg0: i32, %arg1: memref<1000x1xf32, #tpu.memory_space<vmem>>, %arg2: memref<1000x32xf32, #tpu.memory_space<vmem>>, %arg3: memref<1000x32xf32, #tpu.memory_space<vmem>>, %arg4: memref<1000x32xf32, #tpu.memory_space<vmem>>, %arg5: memref<1x32xf32, #tpu.memory_space<vmem>>, %arg6: memref<1x32xf32, #tpu.memory_space<vmem>>, %arg7: memref<1x32xf32, #tpu.memory_space<vmem>>, %arg8: memref<32x1xf32, #tpu.memory_space<vmem>>, %arg9: memref<1x1xf32, #tpu.memory_space<vmem>>, %arg10: memref<1000x1xf32, #tpu.memory_space<vmem>>) attributes {dimension_semantics = [#tpu.dimension_semantics<arbitrary>], iteration_bounds = array<i64: 10>, scalar_prefetch = 0 : i64, scratch_operands = 0 : i64, tpu.core_type = #tpu.core_type<tc>, window_params = [{transform_indices = @transform_0, window_bounds = array<i64: 1000, 1>}, {transform_indices = @transform_1, window_bounds = array<i64: 1000, 32>}, {transform_indices = @transform_2, window_bounds = array<i64: 1000, 32>}, {transform_indices = @transform_3, window_bounds = array<i64: 1000, 32>}, {pipeline_mode = #tpu.pipeline_mode<synchronous>, transform_indices = @transform_4, window_bounds = array<i64: 1, 32>}, {pipeline_mode = #tpu.pipeline_mode<synchronous>, transform_indices = @transform_5, window_bounds = array<i64: 1, 32>}, {pipeline_mode = #tpu.pipeline_mode<synchronous>, transform_indices = @transform_6, window_bounds = array<i64: 1, 32>}, {pipeline_mode = #tpu.pipeline_mode<synchronous>, transform_indices = @transform_7, window_bounds = array<i64: 32, 1>}, {pipeline_mode = #tpu.pipeline_mode<synchronous>, transform_indices = @transform_8, window_bounds = array<i64: 1, 1>}, {transform_indices = @transform_9, window_bounds = array<i64: 1000, 1>}]} {
    %get3A = arith.constant 0 : index
    %get3A_0 = arith.constant 0 : index
    %get3A_1 = vector.load %arg1[%get3A, %get3A_0] : memref<1000x1xf32, #tpu.memory_space<vmem>>, vector<1000x1xf32>
    %get3A_2 = arith.constant 0 : index
    %get3A_3 = arith.constant 0 : index
    %get3A_4 = vector.load %arg2[%get3A_2, %get3A_3] : memref<1000x32xf32, #tpu.memory_space<vmem>>, vector<1000x32xf32>
    %get3A_5 = arith.constant 0 : index
    %get3A_6 = arith.constant 0 : index
    %get3A_7 = vector.load %arg3[%get3A_5, %get3A_6] : memref<1000x32xf32, #tpu.memory_space<vmem>>, vector<1000x32xf32>
    %add3A = arith.addf %get3A_4, %get3A_7 : vector<1000x32xf32>
    %get3A_8 = arith.constant 0 : index
    %get3A_9 = arith.constant 0 : index
    %get3A_10 = vector.load %arg4[%get3A_8, %get3A_9] : memref<1000x32xf32, #tpu.memory_space<vmem>>, vector<1000x32xf32>
    %add3A_11 = arith.addf %add3A, %get3A_10 : vector<1000x32xf32>
    %mul3A = vector.broadcast %get3A_1 : vector<1000x1xf32> to vector<1000x32xf32>
    %mul3A_12 = arith.mulf %add3A_11, %mul3A : vector<1000x32xf32>
    %get3A_13 = arith.constant 0 : index
    %get3A_14 = arith.constant 0 : index
    %get3A_15 = vector.load %arg5[%get3A_13, %get3A_14] : memref<1x32xf32, #tpu.memory_space<vmem>>, vector<1x32xf32>
    %add3A_16 = vector.broadcast %get3A_15 : vector<1x32xf32> to vector<1000x32xf32>
    %add3A_17 = arith.addf %mul3A_12, %add3A_16 : vector<1000x32xf32>
    %get3A_18 = arith.constant 0 : index
    %get3A_19 = arith.constant 0 : index
    %get3A_20 = vector.load %arg6[%get3A_18, %get3A_19] : memref<1x32xf32, #tpu.memory_space<vmem>>, vector<1x32xf32>
    %mul3A_21 = arith.constant 0.999994993 : f32
    %mul3A_22 = vector.broadcast %mul3A_21 : f32 to vector<1x32xf32>
    %mul3A_23 = arith.mulf %get3A_20, %mul3A_22 : vector<1x32xf32>
    %mul3A_24 = vector.broadcast %mul3A_23 : vector<1x32xf32> to vector<1000x32xf32>
    %mul3A_25 = arith.mulf %add3A_17, %mul3A_24 : vector<1000x32xf32>
    %get3A_26 = arith.constant 0 : index
    %get3A_27 = arith.constant 0 : index
    %get3A_28 = vector.load %arg7[%get3A_26, %get3A_27] : memref<1x32xf32, #tpu.memory_space<vmem>>, vector<1x32xf32>
    %add3A_29 = vector.broadcast %get3A_28 : vector<1x32xf32> to vector<1000x32xf32>
    %add3A_30 = arith.addf %mul3A_25, %add3A_29 : vector<1000x32xf32>
    %max3A = arith.constant 0.000000e+00 : f32
    %max3A_31 = vector.broadcast %max3A : f32 to vector<1000x32xf32>
    %max3A_32 = arith.maximumf %add3A_30, %max3A_31 : vector<1000x32xf32>
    %get3A_33 = arith.constant 0 : index
    %get3A_34 = arith.constant 0 : index
    %get3A_35 = vector.load %arg8[%get3A_33, %get3A_34] : memref<32x1xf32, #tpu.memory_space<vmem>>, vector<32x1xf32>
    %convert_element_type3A = arith.truncf %max3A_32 : vector<1000x32xf32> to vector<1000x32xbf16>
    %convert_element_type3A_36 = arith.truncf %get3A_35 : vector<32x1xf32> to vector<32x1xbf16>
    %dot_general3A = arith.constant dense<0.000000e+00> : vector<1000x1xf32>
    %dot_general3A_37 = tpu.matmul %convert_element_type3A, %convert_element_type3A_36, %dot_general3A {dimension_numbers = #tpu.dot_dimension_numbers<[1], [0], [0], [1], [0, 0, 1, 1], [], []>, transpose_lhs_hint = false} : vector<1000x32xbf16>, vector<32x1xbf16>, vector<1000x1xf32> -> vector<1000x1xf32>
    %get3A_38 = arith.constant 0 : index
    %get3A_39 = arith.constant 0 : index
    %get3A_40 = vector.load %arg9[%get3A_38, %get3A_39] : memref<1x1xf32, #tpu.memory_space<vmem>>, vector<1x1xf32>
    %add3A_41 = vector.broadcast %get3A_40 : vector<1x1xf32> to vector<1000x1xf32>
    %add3A_42 = arith.addf %dot_general3A_37, %add3A_41 : vector<1000x1xf32>
    %swap3A = arith.constant 0 : index
    %swap3A_43 = arith.constant 0 : index
    %swap3A_44 = vector.load %arg10[%swap3A, %swap3A_43] : memref<1000x1xf32, #tpu.memory_space<vmem>>, vector<1000x1xf32>
    tpu.vector_store %arg10[%swap3A, %swap3A_43], %add3A_42 {strides = array<i32>} : memref<1000x1xf32, #tpu.memory_space<vmem>>, vector<1000x1xf32>,
    return
  }
  func.func @transform_0(%arg0: i32) -> (i32, i32) {
    %c0_i32 = arith.constant 0 : i32
    %c0_i32_0 = arith.constant 0 : i32
    return %arg0, %c0_i32 : i32, i32
  }
  func.func @transform_1(%arg0: i32) -> (i32, i32) {
    %c0_i32 = arith.constant 0 : i32
    %c0_i32_0 = arith.constant 0 : i32
    return %arg0, %c0_i32 : i32, i32
  }
  func.func @transform_2(%arg0: i32) -> (i32, i32) {
    %c0_i32 = arith.constant 0 : i32
    %c0_i32_0 = arith.constant 0 : i32
    return %arg0, %c0_i32 : i32, i32
  }
  func.func @transform_3(%arg0: i32) -> (i32, i32) {
    %c0_i32 = arith.constant 0 : i32
    %c0_i32_0 = arith.constant 0 : i32
    return %arg0, %c0_i32 : i32, i32
  }
  func.func @transform_4(%arg0: i32) -> (i32, i32) {
    %c0_i32 = arith.constant 0 : i32
    %c0_i32_0 = arith.constant 0 : i32
    %c0_i32_1 = arith.constant 0 : i32
    return %c0_i32, %c0_i32_0 : i32, i32
  }
  func.func @transform_5(%arg0: i32) -> (i32, i32) {
    %c0_i32 = arith.constant 0 : i32
    %c0_i32_0 = arith.constant 0 : i32
    %c0_i32_1 = arith.constant 0 : i32
    return %c0_i32, %c0_i32_0 : i32, i32
  }
  func.func @transform_6(%arg0: i32) -> (i32, i32) {
    %c0_i32 = arith.constant 0 : i32
    %c0_i32_0 = arith.constant 0 : i32
    %c0_i32_1 = arith.constant 0 : i32
    return %c0_i32, %c0_i32_0 : i32, i32
  }
  func.func @transform_7(%arg0: i32) -> (i32, i32) {
    %c0_i32 = arith.constant 0 : i32
    %c0_i32_0 = arith.constant 0 : i32
    %c0_i32_1 = arith.constant 0 : i32
    return %c0_i32, %c0_i32_0 : i32, i32
  }
  func.func @transform_8(%arg0: i32) -> (i32, i32) {
    %c0_i32 = arith.constant 0 : i32
    %c0_i32_0 = arith.constant 0 : i32
    %c0_i32_1 = arith.constant 0 : i32
    return %c0_i32, %c0_i32_0 : i32, i32
  }
  func.func @transform_9(%arg0: i32) -> (i32, i32) {
    %c0_i32 = arith.constant 0 : i32
    %c0_i32_0 = arith.constant 0 : i32
    return %arg0, %c0_i32 : i32, i32
  }
}

</mosaic_0001>

<sc_bundles>
// kernel: kernel.10.cloned.1.call-start
scs
__scs_entry_jumppad:
0x0: {  	(pc) =	sbr.rel $0x88, $3  }
0x1: {  	(tag) =	ssettag $0x0;
	lr =	simm.s32 $0x1  }
0x2: {  	[smem:$0x3F91] =	sst lr;
	_ =	strace $0xD0000000  }
0x3: {  	_ = 	snop  }
0x4: {  	_ = 	snop  }
0x5: {  	_ = 	snop  }
0x6: {  	_ = 	snop  }
0x7: {  	_ = 	snop  }
__scs_overlays_trampoline_lowered:
0x8: {  	[smem:$0x3FA0] =	sst s0  }
0x9: {  	[smem:$0x3FA1] =	sst s1  }
0xa: {  	[smem:$0x3FA2] =	sst s2  }
0xb: {  	[smem:$0x3FA3] =	sst s3  }
0xc: {  	[smem:$0x3FA4] =	sst s4  }
0xd: {  	[smem:$0x3FA5] =	sst s5  }
0xe: {  	[smem:$0x3FA6] =	sst s6  }
0xf: {  	[smem:$0x3FA7] =	sst s7  }
0x10: {  	[smem:$0x3FA8] =	sst s8  }
0x11: {  	[smem:$0x3FA9] =	sst s9;
	s0 =	simm.s32 @!p0 $0x0  }
0x12: {  	s1 =	sld [smem:$0x3F8F];
	s0 =	simm.s32 @p0 $0x1  }
0x13: {  	[smem:$0x3FAA] =	sst s0;
	s0 =	simm.s32 @!p1 $0x0  }
0x14: {  	s2 =	sld [smem:$0x3F8E];
	s0 =	simm.s32 @p1 $0x1  }
0x15: {  	[smem:$0x3FAB] =	sst s0;
	s0 =	simm.s32 @!p2 $0x0  }
0x16: {  	s3 =	sld [smem:$0x3FDB];
	s0 =	simm.s32 @p2 $0x1  }
0x17: {  	s4 =	simm.s32 $0x1BF5;
	[smem:$0x3FAD] =	sst s0  }
0x18: {  	s0 =	sld [smem:$0x3F90];
	_ =	swait.ge [sflag:s4], $0x0  }
0x19: {  	s7 =	sld [smem:$0x3F91]  }
0x1a: {  	s8 =	sadd.s32 $0xFFFFE003, lr  }
0x1b: {  	s9 =	sadd.s32 $0xFFFFFEF7, lr;
	s5 =	simm.s32 $0xFFFFFFFF;
	p2 =	slt.u32 s8, $0xFFFFF086  }
0x1c: {  	p1 =	slt.u32 s9, $0xF7A;
	s5 =	simm.s32 @!p2 $0x0  }
0x1d: {  	s5 =	simm.s32 @p1 $0x1;
	p0 =	seq.s32 s7, s2  }
0x1e: {  	s7 =	smul.u32 @!p0 $0xF7A, s2;
	p2 =	seq.s32 @!p0 s5, $0x0  }
0x1f: {  	s9 =	smul.u32 $0xF7A, s1;
	s8 =	simm.s32 @!p0 $0x1BF5;
	p2 =	por !p2, p0  }
0x20: {  	[sflag:s8] =	ssyncset.s32 @!p0 $0xFFFFF086;
	s6 =	sadd.s32 @!p0 s3, s7;
	s7 =	simm.s32 @!p0 $0x108  }
0x21: {  	s3 =	sadd.s32 s3, s9;
	s6 =	sadd.s32 @!p0 $0x88, s6;
	s7 =	simm.s32 @p2 $0x1082  }
0x22: {  	[simem:s7], [sflag:s8] =	dma.local @!p0 [hbm:s6], $0xF7A  }
0x23: {  	s9 =	sor.u32 $0xD0000000, s2;
	s6 =	simm.s32 $0x108;
	_ =	swait.ge @!p0 [sflag:s8], $0x0  }
0x24: {  	s3 =	sadd.s32 $0x88, s3;
	s6 =	simm.s32 @!p1 $0x1082;
	[sflag:s4] =	ssyncset.s32 $0xFFFFF086  }
0x25: {  	[simem:s6], [sflag:s4] =	dma.local [hbm:s3], $0xF7A  }
0x26: {  	[smem:$0x3F91] =	sst s1;
	(tag) =	ssettag s2;
	_ =	strace s9  }
0x27: {  	s1 =	sld [smem:$0x3FA1]  }
0x28: {  	s2 =	sld [smem:$0x3FA2]  }
0x29: {  	s4 =	sld [smem:$0x3FA4]  }
0x2a: {  	p0 =	seq.s32 s5, $0x0;
	s5 =	sld [smem:$0x3FA5]  }
0x2b: {  	s6 =	sld [smem:$0x3FA6]  }
0x2c: {  	s7 =	sld [smem:$0x3FA7]  }
0x2d: {  	s3 =	simm.s32 $0x108;
	s8 =	sld [smem:$0x3FA8]  }
0x2e: {  	s3 =	simm.s32 @!p0 $0x1082;
	s9 =	sld [smem:$0x3FA9]  }
0x2f: {  	lr =	sadd.s32 s0, s3;
	s0 =	sld [smem:$0x3FA0]  }
0x30: {  	s3 =	sld [smem:$0x3FA3]  }
0x31: {  	[smem:$0x3FAC] =	sst s10  }
0x32: {  	s10 =	sld [smem:$0x3FAA];
	_ =	sdelay $0x3  }
0x33: {  	p0 =	seq.s32 s10, $0x1;
	s10 =	sld [smem:$0x3FAC];
	_ =	sdelay $0x3  }
0x34: {  	[smem:$0x3FAC] =	sst s10  }
0x35: {  	s10 =	sld [smem:$0x3FAB];
	_ =	sdelay $0x3  }
0x36: {  	p1 =	seq.s32 s10, $0x1;
	s10 =	sld [smem:$0x3FAC];
	_ =	sdelay $0x3  }
0x37: {  	[smem:$0x3FAC] =	sst s10  }
0x38: {  	s10 =	sld [smem:$0x3FAD]  }
0x39: {  	_ = 	snop;
	(pc) =	sbr.ind lr, $3  }
0x3a: {  	_ = 	snop  }
0x3b: {  	_ = 	snop  }
0x3c: {  	p2 =	seq.s32 s10, $0x1;
	s10 =	sld [smem:$0x3FAC]  }
0x3d: {  	_ =	shalt  }
0x3e: {  	_ =	shalt  }
0x3f: {  	_ =	shalt  }
0x40: {  	_ =	shalt  }
0x41: {  	_ =	shalt  }
0x42: {  	_ =	shalt  }
0x43: {  	_ =	shalt  }
0x44: {  	_ =	shalt  }
0x45: {  	_ =	shalt  }
0x46: {  	_ =	shalt  }
0x47: {  	_ =	shalt  }
0x48: {  	_ =	shalt  }
0x49: {  	_ =	shalt  }
0x4a: {  	_ =	shalt  }
0x4b: {  	_ =	shalt  }
0x4c: {  	_ =	shalt  }
0x4d: {  	_ =	shalt  }
0x4e: {  	_ =	shalt  }
0x4f: {  	_ =	shalt  }
0x50: {  	_ =	shalt  }
0x51: {  	_ =	shalt  }
0x52: {  	_ =	shalt  }
0x53: {  	_ =	shalt  }
0x54: {  	_ =	shalt  }
0x55: {  	_ =	shalt  }
0x56: {  	_ =	shalt  }
0x57: {  	_ =	shalt  }
0x58: {  	_ =	shalt  }
0x59: {  	_ =	shalt  }
0x5a: {  	_ =	shalt  }
0x5b: {  	_ =	shalt  }
0x5c: {  	_ =	shalt  }
0x5d: {  	_ =	shalt  }
0x5e: {  	_ =	shalt  }
0x5f: {  	_ =	shalt  }
0x60: {  	_ =	shalt  }
0x61: {  	_ =	shalt  }
0x62: {  	_ =	shalt  }
0x63: {  	_ =	shalt  }
0x64: {  	_ =	shalt  }
0x65: {  	_ =	shalt  }
0x66: {  	_ =	shalt  }
0x67: {  	_ =	shalt  }
0x68: {  	_ =	shalt  }
0x69: {  	_ =	shalt  }
0x6a: {  	_ =	shalt  }
0x6b: {  	_ =	shalt  }
0x6c: {  	_ =	shalt  }
0x6d: {  	_ =	shalt  }
0x6e: {  	_ =	shalt  }
0x6f: {  	_ =	shalt  }
0x70: {  	_ =	shalt  }
0x71: {  	_ =	shalt  }
0x72: {  	_ =	shalt  }
0x73: {  	_ =	shalt  }
0x74: {  	_ =	shalt  }
0x75: {  	_ =	shalt  }
0x76: {  	_ =	shalt  }
0x77: {  	_ =	shalt  }
0x78: {  	_ =	shalt  }
0x79: {  	_ =	shalt  }
0x7a: {  	_ =	shalt  }
0x7b: {  	_ =	shalt  }
0x7c: {  	_ =	shalt  }
0x7d: {  	_ =	shalt  }
0x7e: {  	_ =	shalt  }
0x7f: {  	_ =	shalt  }
0x80: {  	_ =	shalt  }
0x81: {  	_ =	shalt  }
0x82: {  	_ =	shalt  }
0x83: {  	_ =	shalt  }
0x84: {  	_ =	shalt  }
0x85: {  	_ =	shalt  }
0x86: {  	_ =	shalt  }
0x87: {  	_ =	shalt  }
.Lfunc_end0:
.L_simem_size_0:
called_computation_lowered:
.L_overlay_start_0:
0x88: {  	s2 =	sld [smem:$0x3FD9]  }
0x89: {  	s3 =	sld [smem:$0x3FFE];
	_ =	sdelay $0x1  }
0x8a: {  	s1 =	srdreg.scid  }
0x8b: {  	s0 =	sand.u32 $0x1, s1  }
0x8c: {  	s16 =	sshll.u32 s0, $0xA;
	s2 =	sadd.s32 s3, s2  }
0x8d: {  	s2 =	sadd.s32 s2, s16  }
0x8e: {  	[smem:$0x3FB8] =	sst s2  }
0x8f: {  	_ = 	snop  }
0x90: {  	(tm) =	ssettm $0x1  }
0x91: {  	s17 =	sld [smem:$0x3FFB];
	_ =	sdelay $0x3  }
0x92: {  	_ =	strace s17  }
0x93: {  	s2 =	sld [smem:$0x3FFC];
	_ =	sdelay $0x3  }
0x94: {  	_ =	strace s2  }
0x95: {  	s2 =	sld [smem:$0x3FFD];
	_ =	sdelay $0x3  }
0x96: {  	_ =	strace s2  }
0x97: {  	_ =	strace $0x8FFFFFFF  }
0x98: {  	s18 =	sld [smem:$0x3FDB];
	_ =	sdelay $0x1  }
0x99: {  	s19 =	simm.s32 $_scs_section_size  }
0x9a: {  	s4 =	simm.s32 $_size__tile_overlayer_lowered;
	s5 =	simm.s32 $_tile_overlayer_lowered  }
0x9b: {  	s22 =	simm.s32 $0x1BFF;
	s21 =	sshll.u32 s5, $0x1;
	s2 =	sadd.s32 s19, s18  }
0x9c: {  	s6 =	simm.s32 $0x0;
	s20 =	sshll.u32 s4, $0x1;
	s4 =	sadd.s32 s21, s2  }
0x9d: {  	[timem:s6], [sflag:s22] =	dma.local [hbm:s4], s20  }
0x9e: {  	_ =	swait.ge [sflag:s22], s20  }
0x9f: {  	s3 =	ssub.s32 $0x0, s20;
	[sflag:s22] =	ssyncset.done $0x0  }
0xa0: {  	[sflag:s22] =	ssyncadd.s32 s3;
	_ =	sdelay $0x1  }
0xa1: {  	s23 =	simm.s32 $0x1B8B  }
0xa2: {  	_ =	swait.ge [sflag:s23], $0x1  }
0xa3: {  	[sflag:s23] =	ssyncset.done $0x0  }
0xa4: {  	s25 =	simm.s32 $0x1B8E;
	s24 =	sld [smem:$0x3FFE];
	[sflag:s23] =	ssyncadd.s32 $0xFFFFFFFF  }
0xa5: {  	s26 =	simm.s32 $execute0_lowered;
	[smem:$0x3FD2] =	sst s25  }
0xa6: {  	s4 =	sshll.u32 s26, $0x1;
	_ =	strace $0x80000046;
	[dreg:$0x1] =	wrdreg $0xFFFFFFFF  }
0xa7: {  	s28 =	simm.s32 $_size_execute0_lowered;
	s2 =	sadd.s32 s2, s4;
	[dreg:$0x0] =	wrdreg $0x0  }
0xa8: {  	s4 =	sshll.u32 s28, $0x1;
	[dreg:$0x2] =	wrdreg s2  }
0xa9: {  	[dreg:$0x3] =	wrdreg s4  }
0xaa: {  	[dreg:$0x4] =	wrdreg $0xC0  }
0xab: {  	_ =	task [dreg:s6], $0x5FFFF  }
0xac: {  	[dreg:$0x1] =	wrdreg $0xFFFFFFFF  }
0xad: {  	[dreg:$0x0] =	wrdreg $0x60  }
0xae: {  	[dreg:$0x2] =	wrdreg s24  }
0xaf: {  	[dreg:$0x3] =	wrdreg $0x30000  }
0xb0: {  	[dreg:$0x4] =	wrdreg $0x9  }
0xb1: {  	_ =	task.clear_ibuf [dreg:s6], $0x5FFFF;
	_ =	strace $0x90000046  }
0xb2: {  	s29 =	simm.s32 $0x9;
	_ =	strace $0x80000048  }
0xb3: {  	_ =	swait.ge [sflag:s29], $0x1  }
0xb4: {  	[sflag:s29] =	ssyncadd.s32 $0xFFFFFFFF  }
0xb5: {  	_ =	strace $0x90000048  }
0xb6: {  	_ =	sfence  }
0xb7: {  	s30 =	sld [smem:$0x0];
	_ =	sdelay $0x2  }
0xb8: {  	s31 =	sshll.u32 s1, $0xD;
	s1 =	sshrl.u32 s1, $0x2  }
0xb9: {  	s3 =	sand.u32 $0x4000, s31;
	s1 =	sadd.s32 s1, s30  }
0xba: {  	s0 =	sor.u32 s3, s0;
	s1 =	sshll.u32 s1, $0x11  }
0xbb: {  	s0 =	sor.u32 s1, s0  }
0xbc: {  	s0 =	sadd.s32 $0x8F2B, s0  }
0xbd: {  	[sflag:s0] =	ssyncadd.remote.s32 $0x1  }
0xbe: {  	_ =	sfence.sel $0xFFFF  }
0xbf: {  	[dreg:$0x0] =	wrdreg $0xFFFFFFFF;
	(pc) =	sbr.abs _section_cstart, $3  }
0xc0: {  	[dreg:$0x1] =	wrdreg $0xFFFFFFFF  }
0xc1: {  	_ =	task.clear_ibuf [dreg:s6], $0x2FFFF;
	_ =	strace $0x9FFFFFFF  }
0xc2: {  	(tm) =	ssettm $0x7FFFFFFF  }
0xc3: {  	_ =	shalt  }
tec
execute0_lowered:
.L_overlay_start_1:
0x0: {  	(tag) =	ssettag $0x1  }
0x1: {  	s1 =	srdreg.scid;
	s5 =	rddreg [dreg:$0x0]  }
0x2: {  	s0 =	stileid.u32;
	s2 =	rddreg [dreg:$0x1];
	s3 =	simm.s32 $0x0  }
0x3: {  	s12 =	simm.s32 $0x2800;
	s13 =	simm.s32 $0x0;
	s4 =	sand.u32 $0x1, s1  }
0x4: {  	s30 =	sshll.u32 s0, $0x1;
	s7 =	smul.u32 $0x2780, s0;
	[smem:$0x7FF] =	sst s3  }
0x5: {  	s31 =	sshll.u32 s0, $0x6;
	s1 =	sor.u32 s4, s30;
	s8 =	smul.u32 $0x27800, s4  }
0x6: {  	s4 =	ssub.s32 $0x2, s4;
	s6 =	smul.u32 $0x500, s1;
	s1 =	rddreg [dreg:$0x2]  }
0x7: {  	_ =	strace $0x80000047;
	s9 =	sshrl.u32 s7, $0x3;
	s10 =	sshrl.u32 s4, $0x1  }
0x8: {  	s11 =	sadd.s32 s7, s2;
	s8 =	sadd.s32 s7, s8;
	s9 =	sadd.s32 s9, s5  }
0x9: {  	s10 =	ssub.s32 s4, s10;
	s6 =	sadd.s32 s6, s5;
	s8 =	sshrl.u32 s8, $0x3  }
0xa: {  	s4 =	sadd.s32 $0xDC00, s9;
	s9 =	sshrl.u32 s11, $0x3;
	s11 =	simm.s32 $0x80  }
0xb: {  	s8 =	sadd.s32 s8, s5;
	s5 =	sor.u32 $0x1C01, s31;
	s6 =	sadd.s32 $0x3C00, s6  }
0xc: {  	v0 =	vimm.f32 $1.000000000e+00;
	s7 =	sadd.s32 $0x12C00, s8;
	s8 =	smax.u32 s10, $0x1;
	s10 =	simm.s32 $0x1  }
.LBB2_1:
0xd: {  	[spmem:s9], [sflag:s5] =	dma.local [hbm:s4], $0x4F0  }
0xe: {  	_ =	swait.ge [sflag:s10], $0x4F0  }
0xf: {  	[sflag:s10] =	ssyncset.done $0x0  }
0x10: {  	[sflag:s10] =	ssyncadd.s32 $0xFFFFFB10  }
0x11: {  	[tilespmem:s3], [sflag:$0x1] =	stream.linear.gather [hbm4b:s6+s3], $0x2800, $0x38;
	[tilespmem:$0x5780] =	vst v63  }
0x12: {  	_ =	swait.ge [sflag:s10], $0x2800  }
0x13: {  	[sflag:s10] =	ssyncset.done $0x0  }
0x14: {  	s14 =	simm.s32 $0x40;
	s15 =	simm.s32 $0x0;
	[sflag:s10] =	ssyncadd.s32 $0xFFFFD800  }
.LBB2_2:
0x15: {  	p0 =	sne.s32 s14, $0x1FC0;
	[tilespmem:s15+$0x2800] =	vst v0;
	s15 =	smov.u32 s14;
	s14 =	sadd.s32 $0x40, s14  }
.Ltmp0:
0x16: {  	(pc) =	sbr.rel @p0 .LBB2_2-.Ltmp0, $2  }
0x17: {  	_ =	sdelay $0x2  }
0x18: {  	s15 =	sshra.s32 s15, $0x2  }
0x19: {  	[tilespmem:s15+$0x2800] =	vst v0  }
0x1a: {  	s14 =	simm.s32 $0x0;
	[bflag:$0x0] =	sbarrier.arrive $0xFFFF  }
0x1b: {  	[spmem:s2] =	stream.indirect.scatter.add.f32 [tilespmem:s12], [sflag:$0x1], $0x10, s14, s11, $0xb8;
	[tilespmem:$0x5780] =	vst v63  }
0x1c: {  	_ =	swait.ge [sflag:s10], $0x800  }
0x1d: {  	s14 =	simm.s32 $0x200;
	[sflag:s10] =	ssyncset.done $0x0  }
.LBB2_4:
0x1e: {  	s15 =	sshra.s32 s14, $0x2;
	[sflag:s10] =	ssyncadd.s32 $0xFFFFF800;
	p0 =	sne.s32 s14, $0x9E00  }
0x1f: {  	[spmem:s2] =	stream.indirect.scatter.add.f32 [tilespmem:s12], [sflag:$0x1], $0x10, s15, s11, $0xb8;
	[tilespmem:$0x5780] =	vst v63  }
.Ltmp1:
0x20: {  	_ = 	snop;
	(pc) =	sbr.rel @p0 .LBB2_4-.Ltmp1, $4  }
0x21: {  	_ = 	snop  }
0x22: {  	s14 =	sadd.s32 $0x200, s14  }
0x23: {  	_ =	swait.ge [sflag:s10], $0x800  }
0x24: {  	[sflag:s10] =	ssyncset.done $0x0  }
0x25: {  	s13 =	sadd.s32 $0x1, s13  }
0x26: {  	[sflag:s10] =	ssyncadd.s32 $0xFFFFF800;
	p0 =	sne.s32 s13, s8  }
.Ltmp2:
0x27: {  	[bflag:$0x0] =	sbarrier.arrive $0xFFFF;
	(pc) =	sbr.rel @p0 .LBB2_1-.Ltmp2, $4  }
0x28: {  	[hbm:s7], [sflag:s5] =	dma.local [spmem:s9], $0x4F0  }
0x29: {  	_ =	swait.ge [sflag:s10], $0x4F0  }
0x2a: {  	[sflag:s10] =	ssyncset.done $0x0  }
0x2b: {  	[sflag:s10] =	ssyncadd.s32 $0xFFFFFB10  }
0x2c: {  	_ =	sfence.sel $0x180000  }
0x2d: {  	[bflag:$0x0] =	sbarrier.arrive $0xFFFF  }
0x2e: {  	p0 =	sne.s32 s0, $0x0;
	_ =	strace $0x90000047  }
0x2f: {  	s0 =	sadd.s32 @!p0 $0x100000, s1;
	[bflag:$0x2] =	sbarrier.arrive $0xFFFF  }
0x30: {  	[sflag:s0] =	ssyncadd.tile.s32 @!p0 $0x1;
	_ =	shalt  }
.Lfunc_end2:
_tile_overlayer_lowered:
.L_overlay_start_2:
0x31: {  	(tag) =	ssettag $0x2  }
0x32: {  	s0 =	rddreg [dreg:$0x0];
	s2 =	stileid.u32  }
0x33: {  	s1 =	rddreg [dreg:$0x1];
	p0 =	sne.s32 s2, $0x0  }
0x34: {  	s3 =	rddreg [dreg:$0x2];
	[bflag:$0x3] =	sbarrier.arrive $0xFFFF;
	s2 =	simm.s32 @!p0 $0x1C01  }
0x35: {  	[timem:s3], [sflag:s2] =	dma.local @!p0 [hbm:s0], s1  }
0x36: {  	s0 =	simm.s32 @!p0 $0x1  }
0x37: {  	_ =	swait.ge @!p0 [sflag:s0], s1  }
0x38: {  	s1 =	ssub.s32 @!p0 $0x0, s1;
	[sflag:s0] =	ssyncset.done @!p0 $0x0  }
0x39: {  	[sflag:s0] =	ssyncadd.s32 @!p0 s1  }
0x3a: {  	[bflag:$0x3] =	sbarrier.arrive $0xFFFF  }
0x3b: {  	_ =	shalt  }

// kernel: kernel.13.cloned.1.call-start
scs
__scs_entry_jumppad:
0x0: {  	(pc) =	sbr.rel $0x88, $3  }
0x1: {  	(tag) =	ssettag $0x0;
	lr =	simm.s32 $0x1  }
0x2: {  	[smem:$0x3F91] =	sst lr;
	_ =	strace $0xD0000000  }
0x3: {  	_ = 	snop  }
0x4: {  	_ = 	snop  }
0x5: {  	_ = 	snop  }
0x6: {  	_ = 	snop  }
0x7: {  	_ = 	snop  }
__scs_overlays_trampoline_lowered:
0x8: {  	[smem:$0x3FA0] =	sst s0  }
0x9: {  	[smem:$0x3FA1] =	sst s1  }
0xa: {  	[smem:$0x3FA2] =	sst s2  }
0xb: {  	[smem:$0x3FA3] =	sst s3  }
0xc: {  	[smem:$0x3FA4] =	sst s4  }
0xd: {  	[smem:$0x3FA5] =	sst s5  }
0xe: {  	[smem:$0x3FA6] =	sst s6  }
0xf: {  	[smem:$0x3FA7] =	sst s7  }
0x10: {  	[smem:$0x3FA8] =	sst s8  }
0x11: {  	[smem:$0x3FA9] =	sst s9;
	s0 =	simm.s32 @!p0 $0x0  }
0x12: {  	s1 =	sld [smem:$0x3F8F];
	s0 =	simm.s32 @p0 $0x1  }
0x13: {  	[smem:$0x3FAA] =	sst s0;
	s0 =	simm.s32 @!p1 $0x0  }
0x14: {  	s2 =	sld [smem:$0x3F8E];
	s0 =	simm.s32 @p1 $0x1  }
0x15: {  	[smem:$0x3FAB] =	sst s0;
	s0 =	simm.s32 @!p2 $0x0  }
0x16: {  	s3 =	sld [smem:$0x3FDB];
	s0 =	simm.s32 @p2 $0x1  }
0x17: {  	s4 =	simm.s32 $0x1BF5;
	[smem:$0x3FAD] =	sst s0  }
0x18: {  	s0 =	sld [smem:$0x3F90];
	_ =	swait.ge [sflag:s4], $0x0  }
0x19: {  	s7 =	sld [smem:$0x3F91]  }
0x1a: {  	s8 =	sadd.s32 $0xFFFFE003, lr  }
0x1b: {  	s9 =	sadd.s32 $0xFFFFFEF7, lr;
	s5 =	simm.s32 $0xFFFFFFFF;
	p2 =	slt.u32 s8, $0xFFFFF086  }
0x1c: {  	p1 =	slt.u32 s9, $0xF7A;
	s5 =	simm.s32 @!p2 $0x0  }
0x1d: {  	s5 =	simm.s32 @p1 $0x1;
	p0 =	seq.s32 s7, s2  }
0x1e: {  	s7 =	smul.u32 @!p0 $0xF7A, s2;
	p2 =	seq.s32 @!p0 s5, $0x0  }
0x1f: {  	s9 =	smul.u32 $0xF7A, s1;
	s8 =	simm.s32 @!p0 $0x1BF5;
	p2 =	por !p2, p0  }
0x20: {  	[sflag:s8] =	ssyncset.s32 @!p0 $0xFFFFF086;
	s6 =	sadd.s32 @!p0 s3, s7;
	s7 =	simm.s32 @!p0 $0x108  }
0x21: {  	s3 =	sadd.s32 s3, s9;
	s6 =	sadd.s32 @!p0 $0x88, s6;
	s7 =	simm.s32 @p2 $0x1082  }
0x22: {  	[simem:s7], [sflag:s8] =	dma.local @!p0 [hbm:s6], $0xF7A  }
0x23: {  	s9 =	sor.u32 $0xD0000000, s2;
	s6 =	simm.s32 $0x108;
	_ =	swait.ge @!p0 [sflag:s8], $0x0  }
0x24: {  	s3 =	sadd.s32 $0x88, s3;
	s6 =	simm.s32 @!p1 $0x1082;
	[sflag:s4] =	ssyncset.s32 $0xFFFFF086  }
0x25: {  	[simem:s6], [sflag:s4] =	dma.local [hbm:s3], $0xF7A  }
0x26: {  	[smem:$0x3F91] =	sst s1;
	(tag) =	ssettag s2;
	_ =	strace s9  }
0x27: {  	s1 =	sld [smem:$0x3FA1]  }
0x28: {  	s2 =	sld [smem:$0x3FA2]  }
0x29: {  	s4 =	sld [smem:$0x3FA4]  }
0x2a: {  	p0 =	seq.s32 s5, $0x0;
	s5 =	sld [smem:$0x3FA5]  }
0x2b: {  	s6 =	sld [smem:$0x3FA6]  }
0x2c: {  	s7 =	sld [smem:$0x3FA7]  }
0x2d: {  	s3 =	simm.s32 $0x108;
	s8 =	sld [smem:$0x3FA8]  }
0x2e: {  	s3 =	simm.s32 @!p0 $0x1082;
	s9 =	sld [smem:$0x3FA9]  }
0x2f: {  	lr =	sadd.s32 s0, s3;
	s0 =	sld [smem:$0x3FA0]  }
0x30: {  	s3 =	sld [smem:$0x3FA3]  }
0x31: {  	[smem:$0x3FAC] =	sst s10  }
0x32: {  	s10 =	sld [smem:$0x3FAA];
	_ =	sdelay $0x3  }
0x33: {  	p0 =	seq.s32 s10, $0x1;
	s10 =	sld [smem:$0x3FAC];
	_ =	sdelay $0x3  }
0x34: {  	[smem:$0x3FAC] =	sst s10  }
0x35: {  	s10 =	sld [smem:$0x3FAB];
	_ =	sdelay $0x3  }
0x36: {  	p1 =	seq.s32 s10, $0x1;
	s10 =	sld [smem:$0x3FAC];
	_ =	sdelay $0x3  }
0x37: {  	[smem:$0x3FAC] =	sst s10  }
0x38: {  	s10 =	sld [smem:$0x3FAD]  }
0x39: {  	_ = 	snop;
	(pc) =	sbr.ind lr, $3  }
0x3a: {  	_ = 	snop  }
0x3b: {  	_ = 	snop  }
0x3c: {  	p2 =	seq.s32 s10, $0x1;
	s10 =	sld [smem:$0x3FAC]  }
0x3d: {  	_ =	shalt  }
0x3e: {  	_ =	shalt  }
0x3f: {  	_ =	shalt  }
0x40: {  	_ =	shalt  }
0x41: {  	_ =	shalt  }
0x42: {  	_ =	shalt  }
0x43: {  	_ =	shalt  }
0x44: {  	_ =	shalt  }
0x45: {  	_ =	shalt  }
0x46: {  	_ =	shalt  }
0x47: {  	_ =	shalt  }
0x48: {  	_ =	shalt  }
0x49: {  	_ =	shalt  }
0x4a: {  	_ =	shalt  }
0x4b: {  	_ =	shalt  }
0x4c: {  	_ =	shalt  }
0x4d: {  	_ =	shalt  }
0x4e: {  	_ =	shalt  }
0x4f: {  	_ =	shalt  }
0x50: {  	_ =	shalt  }
0x51: {  	_ =	shalt  }
0x52: {  	_ =	shalt  }
0x53: {  	_ =	shalt  }
0x54: {  	_ =	shalt  }
0x55: {  	_ =	shalt  }
0x56: {  	_ =	shalt  }
0x57: {  	_ =	shalt  }
0x58: {  	_ =	shalt  }
0x59: {  	_ =	shalt  }
0x5a: {  	_ =	shalt  }
0x5b: {  	_ =	shalt  }
0x5c: {  	_ =	shalt  }
0x5d: {  	_ =	shalt  }
0x5e: {  	_ =	shalt  }
0x5f: {  	_ =	shalt  }
0x60: {  	_ =	shalt  }
0x61: {  	_ =	shalt  }
0x62: {  	_ =	shalt  }
0x63: {  	_ =	shalt  }
0x64: {  	_ =	shalt  }
0x65: {  	_ =	shalt  }
0x66: {  	_ =	shalt  }
0x67: {  	_ =	shalt  }
0x68: {  	_ =	shalt  }
0x69: {  	_ =	shalt  }
0x6a: {  	_ =	shalt  }
0x6b: {  	_ =	shalt  }
0x6c: {  	_ =	shalt  }
0x6d: {  	_ =	shalt  }
0x6e: {  	_ =	shalt  }
0x6f: {  	_ =	shalt  }
0x70: {  	_ =	shalt  }
0x71: {  	_ =	shalt  }
0x72: {  	_ =	shalt  }
0x73: {  	_ =	shalt  }
0x74: {  	_ =	shalt  }
0x75: {  	_ =	shalt  }
0x76: {  	_ =	shalt  }
0x77: {  	_ =	shalt  }
0x78: {  	_ =	shalt  }
0x79: {  	_ =	shalt  }
0x7a: {  	_ =	shalt  }
0x7b: {  	_ =	shalt  }
0x7c: {  	_ =	shalt  }
0x7d: {  	_ =	shalt  }
0x7e: {  	_ =	shalt  }
0x7f: {  	_ =	shalt  }
0x80: {  	_ =	shalt  }
0x81: {  	_ =	shalt  }
0x82: {  	_ =	shalt  }
0x83: {  	_ =	shalt  }
0x84: {  	_ =	shalt  }
0x85: {  	_ =	shalt  }
0x86: {  	_ =	shalt  }
0x87: {  	_ =	shalt  }
.Lfunc_end0:
.L_simem_size_0:
called_computation.1_lowered:
.L_overlay_start_0:
0x88: {  	s2 =	sld [smem:$0x3FD9]  }
0x89: {  	s3 =	sld [smem:$0x3FFE];
	_ =	sdelay $0x1  }
0x8a: {  	s1 =	srdreg.scid  }
0x8b: {  	s0 =	sand.u32 $0x1, s1  }
0x8c: {  	s16 =	sshll.u32 s0, $0xA;
	s2 =	sadd.s32 s3, s2  }
0x8d: {  	s2 =	sadd.s32 s2, s16  }
0x8e: {  	[smem:$0x3FB8] =	sst s2  }
0x8f: {  	_ = 	snop  }
0x90: {  	(tm) =	ssettm $0x1  }
0x91: {  	s17 =	sld [smem:$0x3FFB];
	_ =	sdelay $0x3  }
0x92: {  	_ =	strace s17  }
0x93: {  	s2 =	sld [smem:$0x3FFC];
	_ =	sdelay $0x3  }
0x94: {  	_ =	strace s2  }
0x95: {  	s2 =	sld [smem:$0x3FFD];
	_ =	sdelay $0x3  }
0x96: {  	_ =	strace s2  }
0x97: {  	_ =	strace $0x8FFFFFFF  }
0x98: {  	s18 =	sld [smem:$0x3FDB];
	_ =	sdelay $0x1  }
0x99: {  	s19 =	simm.s32 $_scs_section_size  }
0x9a: {  	s4 =	simm.s32 $_size__tile_overlayer_lowered;
	s5 =	simm.s32 $_tile_overlayer_lowered  }
0x9b: {  	s22 =	simm.s32 $0x1BFF;
	s21 =	sshll.u32 s5, $0x1;
	s2 =	sadd.s32 s19, s18  }
0x9c: {  	s6 =	simm.s32 $0x0;
	s20 =	sshll.u32 s4, $0x1;
	s4 =	sadd.s32 s21, s2  }
0x9d: {  	[timem:s6], [sflag:s22] =	dma.local [hbm:s4], s20  }
0x9e: {  	_ =	swait.ge [sflag:s22], s20  }
0x9f: {  	s3 =	ssub.s32 $0x0, s20;
	[sflag:s22] =	ssyncset.done $0x0  }
0xa0: {  	[sflag:s22] =	ssyncadd.s32 s3;
	_ =	sdelay $0x1  }
0xa1: {  	s23 =	simm.s32 $0x1B8B  }
0xa2: {  	_ =	swait.ge [sflag:s23], $0x1  }
0xa3: {  	[sflag:s23] =	ssyncset.done $0x0  }
0xa4: {  	s25 =	simm.s32 $0x1B8E;
	s24 =	sld [smem:$0x3FFE];
	[sflag:s23] =	ssyncadd.s32 $0xFFFFFFFF  }
0xa5: {  	s26 =	simm.s32 $execute0_lowered;
	[smem:$0x3FD2] =	sst s25  }
0xa6: {  	s4 =	sshll.u32 s26, $0x1;
	_ =	strace $0x80000049;
	[dreg:$0x1] =	wrdreg $0xFFFFFFFF  }
0xa7: {  	s28 =	simm.s32 $_size_execute0_lowered;
	s2 =	sadd.s32 s2, s4;
	[dreg:$0x0] =	wrdreg $0x0  }
0xa8: {  	s4 =	sshll.u32 s28, $0x1;
	[dreg:$0x2] =	wrdreg s2  }
0xa9: {  	[dreg:$0x3] =	wrdreg s4  }
0xaa: {  	[dreg:$0x4] =	wrdreg $0xC0  }
0xab: {  	_ =	task [dreg:s6], $0x5FFFF  }
0xac: {  	[dreg:$0x1] =	wrdreg $0xFFFFFFFF  }
0xad: {  	[dreg:$0x0] =	wrdreg $0x60  }
0xae: {  	[dreg:$0x2] =	wrdreg s24  }
0xaf: {  	[dreg:$0x3] =	wrdreg $0xA8000  }
0xb0: {  	[dreg:$0x4] =	wrdreg $0x9  }
0xb1: {  	_ =	task.clear_ibuf [dreg:s6], $0x5FFFF;
	_ =	strace $0x90000049  }
0xb2: {  	s29 =	simm.s32 $0x9;
	_ =	strace $0x8000004B  }
0xb3: {  	_ =	swait.ge [sflag:s29], $0x1  }
0xb4: {  	[sflag:s29] =	ssyncadd.s32 $0xFFFFFFFF  }
0xb5: {  	_ =	strace $0x9000004B  }
0xb6: {  	_ =	sfence  }
0xb7: {  	s30 =	sld [smem:$0x0];
	_ =	sdelay $0x2  }
0xb8: {  	s31 =	sshll.u32 s1, $0xD;
	s1 =	sshrl.u32 s1, $0x2  }
0xb9: {  	s3 =	sand.u32 $0x4000, s31;
	s1 =	sadd.s32 s1, s30  }
0xba: {  	s0 =	sor.u32 s3, s0;
	s1 =	sshll.u32 s1, $0x11  }
0xbb: {  	s0 =	sor.u32 s1, s0  }
0xbc: {  	s0 =	sadd.s32 $0x8F2B, s0  }
0xbd: {  	[sflag:s0] =	ssyncadd.remote.s32 $0x1  }
0xbe: {  	_ =	sfence.sel $0xFFFF  }
0xbf: {  	[dreg:$0x0] =	wrdreg $0xFFFFFFFF;
	(pc) =	sbr.abs _section_cstart, $3  }
0xc0: {  	[dreg:$0x1] =	wrdreg $0xFFFFFFFF  }
0xc1: {  	_ =	task.clear_ibuf [dreg:s6], $0x2FFFF;
	_ =	strace $0x9FFFFFFF  }
0xc2: {  	(tm) =	ssettm $0x7FFFFFFF  }
0xc3: {  	_ =	shalt  }
tec
execute0_lowered:
.L_overlay_start_1:
0x0: {  	(tag) =	ssettag $0x1  }
0x1: {  	s0 =	rddreg [dreg:$0x0]  }
0x2: {  	s2 =	rddreg [dreg:$0x1];
	s3 =	simm.s32 $0x0;
	s12 =	stileid.u32  }
0x3: {  	s1 =	srdreg.scid;
	s14 =	simm.s32 $0x9;
	s15 =	simm.s32 $0x1400  }
0x4: {  	s16 =	simm.s32 $0x40;
	s17 =	simm.s32 $0x2800;
	s18 =	simm.s32 $0x4800  }
0x5: {  	s20 =	simm.s32 $0x6800;
	s21 =	simm.s32 $0x1;
	s29 =	simm.s32 $0x3  }
0x6: {  	s31 =	simm.s32 $0x6;
	s19 =	simm.s32 $0x2780;
	[smem:$0x7FF] =	sst s3  }
0x7: {  	s5 =	smul.u32 $0x13C00, s12;
	s1 =	sand.u32 $0x1, s1;
	s4 =	sadd.s32 $0x26A00, s0  }
0x8: {  	s7 =	sadd.s32 $0x1CA00, s0;
	s8 =	sadd.s32 $0x3C00, s0;
	s10 =	sshll.u32 s12, $0x1  }
0x9: {  	s23 =	sshll.u32 s12, $0x6;
	s12 =	simm.s32 $0x2740;
	_ =	strace $0x8000004A  }
0xa: {  	s6 =	smul.u32 $0x13C000, s1;
	s11 =	ssub.s32 $0x2, s1;
	s1 =	sor.u32 s1, s10  }
0xb: {  	s9 =	sshrl.u32 s5, $0x3;
	s22 =	sshrl.u32 s11, $0x1;
	s1 =	smul.u32 $0x2800, s1  }
0xc: {  	s6 =	sadd.s32 s5, s6;
	s9 =	sadd.s32 s9, s0;
	s10 =	ssub.s32 s11, s22  }
0xd: {  	s5 =	sadd.s32 s5, s2;
	s11 =	simm.s32 $0x13C0;
	s22 =	simm.s32 $0x27C0  }
0xe: {  	s6 =	sshrl.u32 s6, $0x3;
	s1 =	sshrl.u32 s1, $0x3;
	s9 =	sadd.s32 $0x74E00, s9  }
0xf: {  	s30 =	smax.u32 s10, $0x1;
	s13 =	sshrl.u32 s5, $0x3;
	s5 =	simm.s32 $0x14C0  }
0x10: {  	s10 =	simm.s32 $0x2700;
	s0 =	sadd.s32 s6, s0;
	[dreg:$0x3] =	wrdreg s9  }
0x11: {  	s6 =	sor.u32 $0x1C09, s23;
	s25 =	sadd.s32 s7, s1;
	[dreg:$0x9] =	wrdreg s30  }
0x12: {  	s24 =	sadd.s32 $0x280, s1;
	s1 =	sadd.s32 s8, s1;
	[dreg:$0x4] =	wrdreg s25  }
0x13: {  	s23 =	simm.s32 $0x8800;
	s9 =	simm.s32 $0x1380;
	[dreg:$0x5] =	wrdreg s1  }
0x14: {  	s26 =	sadd.s32 s7, s24;
	s28 =	sadd.s32 s8, s24;
	s0 =	sadd.s32 $0x9C600, s0  }
0x15: {  	s24 =	simm.s32 $0x2;
	s1 =	simm.s32 $0x4;
	[dreg:$0x6] =	wrdreg s26  }
0x16: {  	s7 =	simm.s32 $0x7;
	s8 =	simm.s32 $0x8;
	[dreg:$0x7] =	wrdreg s28  }
0x17: {  	s25 =	simm.s32 $0x0;
	[dreg:$0x8] =	wrdreg s0;
	s26 =	simm.s32 $0x5  }
.LBB2_1:
0x18: {  	s0 =	rddreg [dreg:$0x3]  }
0x19: {  	[spmem:s13], [sflag:s6] =	dma.local [hbm:s0], $0x2780  }
0x1a: {  	_ =	swait.ge [sflag:s14], $0x2780  }
0x1b: {  	[sflag:s14] =	ssyncset.done $0x0  }
0x1c: {  	[sflag:s14] =	ssyncadd.s32 $0xFFFFD880  }
0x1d: {  	[bflag:$0x0] =	sbarrier.arrive $0xFFFF  }
0x1e: {  	s0 =	rddreg [dreg:$0x4]  }
0x1f: {  	[tilespmem:s3], [sflag:$0x9] =	stream.linear.gather [hbm4b:s0+s3], $0x1400, $0x38;
	[tilespmem:$0x1E400] =	vst v63  }
0x20: {  	_ =	swait.ge [sflag:s14], $0x1400  }
0x21: {  	[sflag:s14] =	ssyncset.done $0x0  }
0x22: {  	s0 =	rddreg [dreg:$0x5];
	[sflag:s14] =	ssyncadd.s32 $0xFFFFEC00  }
0x23: {  	[tilespmem:s15], [sflag:$0x9] =	stream.linear.gather [hbm4b:s0+s3], $0x1400, $0x38;
	[tilespmem:$0x1E400] =	vst v63  }
0x24: {  	_ =	swait.ge [sflag:s14], $0x1400  }
0x25: {  	[sflag:s14] =	ssyncset.done $0x0  }
0x26: {  	[sflag:s14] =	ssyncadd.s32 $0xFFFFEC00  }
0x27: {  	[tilespmem:s17], [sflag:$0x1] =	stream.indirect.gather [hbm4b:s4+s16], $0x80, s3, s16, $0xb8;
	[tilespmem:$0x1E400] =	vst v63  }
0x28: {  	_ = 	snop  }
0x29: {  	[tilespmem:s18], [sflag:$0x2] =	stream.indirect.gather [hbm4b:s4+s16], $0x80, s16, s16, $0xb8;
	[tilespmem:$0x1E400] =	vst v63  }
0x2a: {  	s0 =	simm.s32 $0x80  }
0x2b: {  	[tilespmem:s20], [sflag:$0x3] =	stream.indirect.gather [hbm4b:s4+s16], $0x80, s0, s16, $0xb8;
	[tilespmem:$0x1E400] =	vst v63  }
0x2c: {  	_ =	swait.ge [sflag:s21], $0x2000  }
0x2d: {  	[sflag:s21] =	ssyncset.done $0x0  }
0x2e: {  	[sflag:s21] =	ssyncadd.s32 $0xFFFFE000  }
0x2f: {  	[spmem:s2] =	stream.indirect.scatter.add.f32 [tilespmem:s17], [sflag:$0x5], $0x80, s15, s16, $0xb8;
	[tilespmem:$0x1E400] =	vst v63  }
0x30: {  	s0 =	simm.s32 $0xC0  }
0x31: {  	[tilespmem:s23], [sflag:$0x4] =	stream.indirect.gather [hbm4b:s4+s16], $0x80, s0, s16, $0xb8;
	[tilespmem:$0x1E400] =	vst v63  }
0x32: {  	_ =	swait.ge [sflag:s24], $0x2000  }
0x33: {  	[sflag:s24] =	ssyncset.done $0x0  }
0x34: {  	s0 =	simm.s32 $0x1440;
	[sflag:s24] =	ssyncadd.s32 $0xFFFFE000  }
0x35: {  	[spmem:s2] =	stream.indirect.scatter.add.f32 [tilespmem:s18], [sflag:$0x6], $0x80, s0, s16, $0xb8;
	[tilespmem:$0x1E400] =	vst v63  }
0x36: {  	_ =	swait.ge [sflag:s26], $0x2000  }
0x37: {  	[sflag:s26] =	ssyncset.done $0x0  }
0x38: {  	s0 =	simm.s32 $0x100;
	[sflag:s26] =	ssyncadd.s32 $0xFFFFE000  }
0x39: {  	[tilespmem:s17], [sflag:$0x1] =	stream.indirect.gather [hbm4b:s4+s16], $0x80, s0, s16, $0xb8;
	[tilespmem:$0x1E400] =	vst v63  }
0x3a: {  	_ =	swait.ge [sflag:s29], $0x2000  }
0x3b: {  	[sflag:s29] =	ssyncset.done $0x0  }
0x3c: {  	s0 =	simm.s32 $0x1480;
	[sflag:s29] =	ssyncadd.s32 $0xFFFFE000  }
0x3d: {  	[spmem:s2] =	stream.indirect.scatter.add.f32 [tilespmem:s20], [sflag:$0x7], $0x80, s0, s16, $0xb8;
	[tilespmem:$0x1E400] =	vst v63  }
0x3e: {  	_ =	swait.ge [sflag:s31], $0x2000  }
0x3f: {  	[sflag:s31] =	ssyncset.done $0x0  }
0x40: {  	s0 =	simm.s32 $0x140;
	[sflag:s31] =	ssyncadd.s32 $0xFFFFE000  }
0x41: {  	[tilespmem:s18], [sflag:$0x2] =	stream.indirect.gather [hbm4b:s4+s16], $0x80, s0, s16, $0xb8;
	[tilespmem:$0x1E400] =	vst v63  }
0x42: {  	_ =	swait.ge [sflag:s1], $0x2000  }
0x43: {  	[sflag:s1] =	ssyncset.done $0x0  }
0x44: {  	[sflag:s1] =	ssyncadd.s32 $0xFFFFE000  }
0x45: {  	[spmem:s2] =	stream.indirect.scatter.add.f32 [tilespmem:s23], [sflag:$0x8], $0x80, s5, s16, $0xb8;
	[tilespmem:$0x1E400] =	vst v63  }
0x46: {  	_ =	swait.ge [sflag:s7], $0x2000  }
0x47: {  	[sflag:s7] =	ssyncset.done $0x0  }
0x48: {  	s28 =	simm.s32 $0x180;
	[sflag:s7] =	ssyncadd.s32 $0xFFFFE000  }
0x49: {  	[tilespmem:s20], [sflag:$0x3] =	stream.indirect.gather [hbm4b:s4+s16], $0x80, s28, s16, $0xb8;
	[tilespmem:$0x1E400] =	vst v63  }
0x4a: {  	_ =	swait.ge [sflag:s21], $0x2000  }
0x4b: {  	[sflag:s21] =	ssyncset.done $0x0  }
0x4c: {  	s28 =	simm.s32 $0x1500;
	[sflag:s21] =	ssyncadd.s32 $0xFFFFE000  }
0x4d: {  	[spmem:s2] =	stream.indirect.scatter.add.f32 [tilespmem:s17], [sflag:$0x5], $0x80, s28, s16, $0xb8;
	[tilespmem:$0x1E400] =	vst v63  }
0x4e: {  	_ =	swait.ge [sflag:s8], $0x2000  }
0x4f: {  	[sflag:s8] =	ssyncset.done $0x0  }
0x50: {  	s28 =	simm.s32 $0x1C0;
	[sflag:s8] =	ssyncadd.s32 $0xFFFFE000  }
0x51: {  	[tilespmem:s23], [sflag:$0x4] =	stream.indirect.gather [hbm4b:s4+s16], $0x80, s28, s16, $0xb8;
	[tilespmem:$0x1E400] =	vst v63  }
0x52: {  	_ =	swait.ge [sflag:s24], $0x2000  }
0x53: {  	[sflag:s24] =	ssyncset.done $0x0  }
0x54: {  	s28 =	simm.s32 $0x1540;
	[sflag:s24] =	ssyncadd.s32 $0xFFFFE000  }
0x55: {  	[spmem:s2] =	stream.indirect.scatter.add.f32 [tilespmem:s18], [sflag:$0x6], $0x80, s28, s16, $0xb8;
	[tilespmem:$0x1E400] =	vst v63  }
0x56: {  	_ =	swait.ge [sflag:s26], $0x2000  }
0x57: {  	[sflag:s26] =	ssyncset.done $0x0  }
0x58: {  	s28 =	simm.s32 $0x200;
	[sflag:s26] =	ssyncadd.s32 $0xFFFFE000  }
0x59: {  	[tilespmem:s17], [sflag:$0x1] =	stream.indirect.gather [hbm4b:s4+s16], $0x80, s28, s16, $0xb8;
	[tilespmem:$0x1E400] =	vst v63  }
0x5a: {  	_ =	swait.ge [sflag:s29], $0x2000  }
0x5b: {  	[sflag:s29] =	ssyncset.done $0x0  }
0x5c: {  	s28 =	simm.s32 $0x1580;
	[sflag:s29] =	ssyncadd.s32 $0xFFFFE000  }
0x5d: {  	[spmem:s2] =	stream.indirect.scatter.add.f32 [tilespmem:s20], [sflag:$0x7], $0x80, s28, s16, $0xb8;
	[tilespmem:$0x1E400] =	vst v63  }
0x5e: {  	_ =	swait.ge [sflag:s31], $0x2000  }
0x5f: {  	[sflag:s31] =	ssyncset.done $0x0  }
0x60: {  	s28 =	simm.s32 $0x240;
	[sflag:s31] =	ssyncadd.s32 $0xFFFFE000  }
0x61: {  	[tilespmem:s18], [sflag:$0x2] =	stream.indirect.gather [hbm4b:s4+s16], $0x80, s28, s16, $0xb8;
	[tilespmem:$0x1E400] =	vst v63  }
0x62: {  	_ =	swait.ge [sflag:s1], $0x2000  }
0x63: {  	[sflag:s1] =	ssyncset.done $0x0  }
0x64: {  	s30 =	simm.s32 $0x15C0;
	s28 =	simm.s32 $0x400;
	[sflag:s1] =	ssyncadd.s32 $0xFFFFE000  }
.LBB2_2:
0x65: {  	[spmem:s2] =	stream.indirect.scatter.add.f32 [tilespmem:s23], [sflag:$0x8], $0x80, s30, s16, $0xb8;
	[tilespmem:$0x1E400] =	vst v63  }
0x66: {  	s30 =	smov.u32 s28  }
0x67: {  	p0 =	sne.s32 s28, $0x4400;
	s28 =	sadd.s32 $0x400, s28;
	_ =	swait.ge [sflag:s7], $0x2000  }
0x68: {  	s30 =	sshra.s32 s30, $0x2;
	[sflag:s7] =	ssyncset.done $0x0  }
0x69: {  	s0 =	sadd.s32 $0x180, s30;
	[sflag:s7] =	ssyncadd.s32 $0xFFFFE000  }
0x6a: {  	[tilespmem:s20], [sflag:$0x3] =	stream.indirect.gather [hbm4b:s4+s16], $0x80, s0, s16, $0xb8;
	[tilespmem:$0x1E400] =	vst v63  }
0x6b: {  	_ =	swait.ge [sflag:s21], $0x2000  }
0x6c: {  	[sflag:s21] =	ssyncset.done $0x0  }
0x6d: {  	s0 =	sadd.s32 $0x1500, s30;
	[sflag:s21] =	ssyncadd.s32 $0xFFFFE000  }
0x6e: {  	[spmem:s2] =	stream.indirect.scatter.add.f32 [tilespmem:s17], [sflag:$0x5], $0x80, s0, s16, $0xb8;
	[tilespmem:$0x1E400] =	vst v63  }
0x6f: {  	_ =	swait.ge [sflag:s8], $0x2000  }
0x70: {  	[sflag:s8] =	ssyncset.done $0x0  }
0x71: {  	s0 =	sadd.s32 $0x1C0, s30;
	[sflag:s8] =	ssyncadd.s32 $0xFFFFE000  }
0x72: {  	[tilespmem:s23], [sflag:$0x4] =	stream.indirect.gather [hbm4b:s4+s16], $0x80, s0, s16, $0xb8;
	[tilespmem:$0x1E400] =	vst v63  }
0x73: {  	_ =	swait.ge [sflag:s24], $0x2000  }
0x74: {  	[sflag:s24] =	ssyncset.done $0x0  }
0x75: {  	s0 =	sadd.s32 $0x1540, s30;
	[sflag:s24] =	ssyncadd.s32 $0xFFFFE000  }
0x76: {  	[spmem:s2] =	stream.indirect.scatter.add.f32 [tilespmem:s18], [sflag:$0x6], $0x80, s0, s16, $0xb8;
	[tilespmem:$0x1E400] =	vst v63  }
0x77: {  	_ =	swait.ge [sflag:s26], $0x2000  }
0x78: {  	[sflag:s26] =	ssyncset.done $0x0  }
0x79: {  	s0 =	sadd.s32 $0x200, s30;
	[sflag:s26] =	ssyncadd.s32 $0xFFFFE000  }
0x7a: {  	[tilespmem:s17], [sflag:$0x1] =	stream.indirect.gather [hbm4b:s4+s16], $0x80, s0, s16, $0xb8;
	[tilespmem:$0x1E400] =	vst v63  }
0x7b: {  	_ =	swait.ge [sflag:s29], $0x2000  }
0x7c: {  	[sflag:s29] =	ssyncset.done $0x0  }
0x7d: {  	s0 =	sadd.s32 $0x1580, s30;
	[sflag:s29] =	ssyncadd.s32 $0xFFFFE000  }
0x7e: {  	[spmem:s2] =	stream.indirect.scatter.add.f32 [tilespmem:s20], [sflag:$0x7], $0x80, s0, s16, $0xb8;
	[tilespmem:$0x1E400] =	vst v63  }
0x7f: {  	_ =	swait.ge [sflag:s31], $0x2000  }
0x80: {  	[sflag:s31] =	ssyncset.done $0x0  }
.Ltmp0:
0x81: {  	s0 =	sadd.s32 $0x240, s30;
	[sflag:s31] =	ssyncadd.s32 $0xFFFFE000;
	(pc) =	sbr.rel @p0 .LBB2_2-.Ltmp0, $4  }
0x82: {  	[tilespmem:s18], [sflag:$0x2] =	stream.indirect.gather [hbm4b:s4+s16], $0x80, s0, s16, $0xb8;
	[tilespmem:$0x1E400] =	vst v63  }
0x83: {  	_ =	swait.ge [sflag:s1], $0x2000  }
0x84: {  	[sflag:s1] =	ssyncset.done $0x0  }
0x85: {  	s30 =	sadd.s32 $0x15C0, s30;
	[sflag:s1] =	ssyncadd.s32 $0xFFFFE000  }
0x86: {  	[spmem:s2] =	stream.indirect.scatter.add.f32 [tilespmem:s23], [sflag:$0x8], $0x80, s30, s16, $0xb8;
	[tilespmem:$0x1E400] =	vst v63  }
0x87: {  	_ =	swait.ge [sflag:s7], $0x2000  }
0x88: {  	[sflag:s7] =	ssyncset.done $0x0  }
0x89: {  	[sflag:s7] =	ssyncadd.s32 $0xFFFFE000  }
0x8a: {  	[tilespmem:s20], [sflag:$0x3] =	stream.indirect.gather [hbm4b:s4+s16], $0x80, s9, s16, $0xb8;
	[tilespmem:$0x1E400] =	vst v63  }
0x8b: {  	_ =	swait.ge [sflag:s21], $0x2000  }
0x8c: {  	[sflag:s21] =	ssyncset.done $0x0  }
0x8d: {  	[sflag:s21] =	ssyncadd.s32 $0xFFFFE000  }
0x8e: {  	[spmem:s2] =	stream.indirect.scatter.add.f32 [tilespmem:s17], [sflag:$0x5], $0x80, s10, s16, $0xb8;
	[tilespmem:$0x1E400] =	vst v63  }
0x8f: {  	_ =	swait.ge [sflag:s8], $0x2000  }
0x90: {  	[sflag:s8] =	ssyncset.done $0x0  }
0x91: {  	[sflag:s8] =	ssyncadd.s32 $0xFFFFE000  }
0x92: {  	[tilespmem:s23], [sflag:$0x4] =	stream.indirect.gather [hbm4b:s4+s16], $0x80, s11, s16, $0xb8;
	[tilespmem:$0x1E400] =	vst v63  }
0x93: {  	_ =	swait.ge [sflag:s24], $0x2000  }
0x94: {  	[sflag:s24] =	ssyncset.done $0x0  }
0x95: {  	[sflag:s24] =	ssyncadd.s32 $0xFFFFE000  }
0x96: {  	[spmem:s2] =	stream.indirect.scatter.add.f32 [tilespmem:s18], [sflag:$0x6], $0x80, s12, s16, $0xb8;
	[tilespmem:$0x1E400] =	vst v63  }
0x97: {  	_ =	swait.ge [sflag:s26], $0x2000  }
0x98: {  	[sflag:s26] =	ssyncset.done $0x0  }
0x99: {  	[sflag:s26] =	ssyncadd.s32 $0xFFFFE000  }
0x9a: {  	_ =	swait.ge [sflag:s29], $0x2000  }
0x9b: {  	[sflag:s29] =	ssyncset.done $0x0  }
0x9c: {  	[sflag:s29] =	ssyncadd.s32 $0xFFFFE000  }
0x9d: {  	[spmem:s2] =	stream.indirect.scatter.add.f32 [tilespmem:s20], [sflag:$0x7], $0x80, s19, s16, $0xb8;
	[tilespmem:$0x1E400] =	vst v63  }
0x9e: {  	_ =	swait.ge [sflag:s31], $0x2000  }
0x9f: {  	[sflag:s31] =	ssyncset.done $0x0  }
0xa0: {  	[sflag:s31] =	ssyncadd.s32 $0xFFFFE000  }
0xa1: {  	_ =	swait.ge [sflag:s1], $0x2000  }
0xa2: {  	[sflag:s1] =	ssyncset.done $0x0  }
0xa3: {  	[sflag:s1] =	ssyncadd.s32 $0xFFFFE000  }
0xa4: {  	[spmem:s2] =	stream.indirect.scatter.add.f32 [tilespmem:s23], [sflag:$0x8], $0x80, s22, s16, $0xb8;
	[tilespmem:$0x1E400] =	vst v63  }
0xa5: {  	_ =	swait.ge [sflag:s7], $0x2000  }
0xa6: {  	[sflag:s7] =	ssyncset.done $0x0  }
0xa7: {  	[sflag:s7] =	ssyncadd.s32 $0xFFFFE000  }
0xa8: {  	_ =	swait.ge [sflag:s8], $0x2000  }
0xa9: {  	[sflag:s8] =	ssyncset.done $0x0  }
0xaa: {  	s0 =	simm.s32 $0x0;
	s28 =	rddreg [dreg:$0x6];
	[sflag:s8] =	ssyncadd.s32 $0xFFFFE000  }
0xab: {  	[tilespmem:s0], [sflag:$0x9] =	stream.linear.gather [hbm4b:s28+s0], $0x1400, $0x38;
	[tilespmem:$0x1E400] =	vst v63  }
0xac: {  	_ =	swait.ge [sflag:s14], $0x1400  }
0xad: {  	[sflag:s14] =	ssyncset.done $0x0  }
0xae: {  	s28 =	rddreg [dreg:$0x7];
	[sflag:s14] =	ssyncadd.s32 $0xFFFFEC00  }
0xaf: {  	[tilespmem:s15], [sflag:$0x9] =	stream.linear.gather [hbm4b:s28+s0], $0x1400, $0x38;
	[tilespmem:$0x1E400] =	vst v63  }
0xb0: {  	_ =	swait.ge [sflag:s14], $0x1400  }
0xb1: {  	[sflag:s14] =	ssyncset.done $0x0  }
0xb2: {  	[sflag:s14] =	ssyncadd.s32 $0xFFFFEC00  }
0xb3: {  	[tilespmem:s17], [sflag:$0x1] =	stream.indirect.gather [hbm4b:s4+s16], $0x80, s0, s16, $0xb8;
	[tilespmem:$0x1E400] =	vst v63  }
0xb4: {  	_ = 	snop  }
0xb5: {  	[tilespmem:s18], [sflag:$0x2] =	stream.indirect.gather [hbm4b:s4+s16], $0x80, s16, s16, $0xb8;
	[tilespmem:$0x1E400] =	vst v63  }
0xb6: {  	s0 =	simm.s32 $0x80  }
0xb7: {  	[tilespmem:s20], [sflag:$0x3] =	stream.indirect.gather [hbm4b:s4+s16], $0x80, s0, s16, $0xb8;
	[tilespmem:$0x1E400] =	vst v63  }
0xb8: {  	_ =	swait.ge [sflag:s21], $0x2000  }
0xb9: {  	[sflag:s21] =	ssyncset.done $0x0  }
0xba: {  	[sflag:s21] =	ssyncadd.s32 $0xFFFFE000  }
0xbb: {  	[spmem:s2] =	stream.indirect.scatter.add.f32 [tilespmem:s17], [sflag:$0x5], $0x80, s15, s16, $0xb8;
	[tilespmem:$0x1E400] =	vst v63  }
0xbc: {  	s0 =	simm.s32 $0xC0  }
0xbd: {  	[tilespmem:s23], [sflag:$0x4] =	stream.indirect.gather [hbm4b:s4+s16], $0x80, s0, s16, $0xb8;
	[tilespmem:$0x1E400] =	vst v63  }
0xbe: {  	_ =	swait.ge [sflag:s24], $0x2000  }
0xbf: {  	[sflag:s24] =	ssyncset.done $0x0  }
0xc0: {  	s0 =	simm.s32 $0x1440;
	[sflag:s24] =	ssyncadd.s32 $0xFFFFE000  }
0xc1: {  	[spmem:s2] =	stream.indirect.scatter.add.f32 [tilespmem:s18], [sflag:$0x6], $0x80, s0, s16, $0xb8;
	[tilespmem:$0x1E400] =	vst v63  }
0xc2: {  	_ =	swait.ge [sflag:s26], $0x2000  }
0xc3: {  	[sflag:s26] =	ssyncset.done $0x0  }
0xc4: {  	s0 =	simm.s32 $0x100;
	[sflag:s26] =	ssyncadd.s32 $0xFFFFE000  }
0xc5: {  	[tilespmem:s17], [sflag:$0x1] =	stream.indirect.gather [hbm4b:s4+s16], $0x80, s0, s16, $0xb8;
	[tilespmem:$0x1E400] =	vst v63  }
0xc6: {  	_ =	swait.ge [sflag:s29], $0x2000  }
0xc7: {  	[sflag:s29] =	ssyncset.done $0x0  }
0xc8: {  	s0 =	simm.s32 $0x1480;
	[sflag:s29] =	ssyncadd.s32 $0xFFFFE000  }
0xc9: {  	[spmem:s2] =	stream.indirect.scatter.add.f32 [tilespmem:s20], [sflag:$0x7], $0x80, s0, s16, $0xb8;
	[tilespmem:$0x1E400] =	vst v63  }
0xca: {  	_ =	swait.ge [sflag:s31], $0x2000  }
0xcb: {  	[sflag:s31] =	ssyncset.done $0x0  }
0xcc: {  	s0 =	simm.s32 $0x140;
	[sflag:s31] =	ssyncadd.s32 $0xFFFFE000  }
0xcd: {  	[tilespmem:s18], [sflag:$0x2] =	stream.indirect.gather [hbm4b:s4+s16], $0x80, s0, s16, $0xb8;
	[tilespmem:$0x1E400] =	vst v63  }
0xce: {  	_ =	swait.ge [sflag:s1], $0x2000  }
0xcf: {  	[sflag:s1] =	ssyncset.done $0x0  }
0xd0: {  	[sflag:s1] =	ssyncadd.s32 $0xFFFFE000  }
0xd1: {  	[spmem:s2] =	stream.indirect.scatter.add.f32 [tilespmem:s23], [sflag:$0x8], $0x80, s5, s16, $0xb8;
	[tilespmem:$0x1E400] =	vst v63  }
0xd2: {  	_ =	swait.ge [sflag:s7], $0x2000  }
0xd3: {  	[sflag:s7] =	ssyncset.done $0x0  }
0xd4: {  	s0 =	simm.s32 $0x180;
	[sflag:s7] =	ssyncadd.s32 $0xFFFFE000  }
0xd5: {  	[tilespmem:s20], [sflag:$0x3] =	stream.indirect.gather [hbm4b:s4+s16], $0x80, s0, s16, $0xb8;
	[tilespmem:$0x1E400] =	vst v63  }
0xd6: {  	_ =	swait.ge [sflag:s21], $0x2000  }
0xd7: {  	[sflag:s21] =	ssyncset.done $0x0  }
0xd8: {  	s0 =	simm.s32 $0x1500;
	[sflag:s21] =	ssyncadd.s32 $0xFFFFE000  }
0xd9: {  	[spmem:s2] =	stream.indirect.scatter.add.f32 [tilespmem:s17], [sflag:$0x5], $0x80, s0, s16, $0xb8;
	[tilespmem:$0x1E400] =	vst v63  }
0xda: {  	_ =	swait.ge [sflag:s8], $0x2000  }
0xdb: {  	[sflag:s8] =	ssyncset.done $0x0  }
0xdc: {  	s0 =	simm.s32 $0x1C0;
	[sflag:s8] =	ssyncadd.s32 $0xFFFFE000  }
0xdd: {  	[tilespmem:s23], [sflag:$0x4] =	stream.indirect.gather [hbm4b:s4+s16], $0x80, s0, s16, $0xb8;
	[tilespmem:$0x1E400] =	vst v63  }
0xde: {  	_ =	swait.ge [sflag:s24], $0x2000  }
0xdf: {  	[sflag:s24] =	ssyncset.done $0x0  }
0xe0: {  	s0 =	simm.s32 $0x1540;
	[sflag:s24] =	ssyncadd.s32 $0xFFFFE000  }
0xe1: {  	[spmem:s2] =	stream.indirect.scatter.add.f32 [tilespmem:s18], [sflag:$0x6], $0x80, s0, s16, $0xb8;
	[tilespmem:$0x1E400] =	vst v63  }
0xe2: {  	_ =	swait.ge [sflag:s26], $0x2000  }
0xe3: {  	[sflag:s26] =	ssyncset.done $0x0  }
0xe4: {  	s0 =	simm.s32 $0x200;
	[sflag:s26] =	ssyncadd.s32 $0xFFFFE000  }
0xe5: {  	[tilespmem:s17], [sflag:$0x1] =	stream.indirect.gather [hbm4b:s4+s16], $0x80, s0, s16, $0xb8;
	[tilespmem:$0x1E400] =	vst v63  }
0xe6: {  	_ =	swait.ge [sflag:s29], $0x2000  }
0xe7: {  	[sflag:s29] =	ssyncset.done $0x0  }
0xe8: {  	s0 =	simm.s32 $0x1580;
	[sflag:s29] =	ssyncadd.s32 $0xFFFFE000  }
0xe9: {  	[spmem:s2] =	stream.indirect.scatter.add.f32 [tilespmem:s20], [sflag:$0x7], $0x80, s0, s16, $0xb8;
	[tilespmem:$0x1E400] =	vst v63  }
0xea: {  	_ =	swait.ge [sflag:s31], $0x2000  }
0xeb: {  	[sflag:s31] =	ssyncset.done $0x0  }
0xec: {  	s0 =	simm.s32 $0x240;
	[sflag:s31] =	ssyncadd.s32 $0xFFFFE000  }
0xed: {  	[tilespmem:s18], [sflag:$0x2] =	stream.indirect.gather [hbm4b:s4+s16], $0x80, s0, s16, $0xb8;
	[tilespmem:$0x1E400] =	vst v63  }
0xee: {  	_ =	swait.ge [sflag:s1], $0x2000  }
0xef: {  	[sflag:s1] =	ssyncset.done $0x0  }
0xf0: {  	s30 =	simm.s32 $0x15C0;
	s28 =	simm.s32 $0x400;
	[sflag:s1] =	ssyncadd.s32 $0xFFFFE000  }
.LBB2_4:
0xf1: {  	[spmem:s2] =	stream.indirect.scatter.add.f32 [tilespmem:s23], [sflag:$0x8], $0x80, s30, s16, $0xb8;
	[tilespmem:$0x1E400] =	vst v63  }
0xf2: {  	s0 =	smov.u32 s28  }
0xf3: {  	p0 =	sne.s32 s28, $0x4400;
	s28 =	sadd.s32 $0x400, s28;
	_ =	swait.ge [sflag:s7], $0x2000  }
0xf4: {  	s30 =	sshra.s32 s0, $0x2;
	[sflag:s7] =	ssyncset.done $0x0  }
0xf5: {  	s0 =	sadd.s32 $0x180, s30;
	[sflag:s7] =	ssyncadd.s32 $0xFFFFE000  }
0xf6: {  	[tilespmem:s20], [sflag:$0x3] =	stream.indirect.gather [hbm4b:s4+s16], $0x80, s0, s16, $0xb8;
	[tilespmem:$0x1E400] =	vst v63  }
0xf7: {  	_ =	swait.ge [sflag:s21], $0x2000  }
0xf8: {  	[sflag:s21] =	ssyncset.done $0x0  }
0xf9: {  	s0 =	sadd.s32 $0x1500, s30;
	[sflag:s21] =	ssyncadd.s32 $0xFFFFE000  }
0xfa: {  	[spmem:s2] =	stream.indirect.scatter.add.f32 [tilespmem:s17], [sflag:$0x5], $0x80, s0, s16, $0xb8;
	[tilespmem:$0x1E400] =	vst v63  }
0xfb: {  	_ =	swait.ge [sflag:s8], $0x2000  }
0xfc: {  	[sflag:s8] =	ssyncset.done $0x0  }
0xfd: {  	s0 =	sadd.s32 $0x1C0, s30;
	[sflag:s8] =	ssyncadd.s32 $0xFFFFE000  }
0xfe: {  	[tilespmem:s23], [sflag:$0x4] =	stream.indirect.gather [hbm4b:s4+s16], $0x80, s0, s16, $0xb8;
	[tilespmem:$0x1E400] =	vst v63  }
0xff: {  	_ =	swait.ge [sflag:s24], $0x2000  }
0x100: {  	[sflag:s24] =	ssyncset.done $0x0  }
0x101: {  	s0 =	sadd.s32 $0x1540, s30;
	[sflag:s24] =	ssyncadd.s32 $0xFFFFE000  }
0x102: {  	[spmem:s2] =	stream.indirect.scatter.add.f32 [tilespmem:s18], [sflag:$0x6], $0x80, s0, s16, $0xb8;
	[tilespmem:$0x1E400] =	vst v63  }
0x103: {  	_ =	swait.ge [sflag:s26], $0x2000  }
0x104: {  	[sflag:s26] =	ssyncset.done $0x0  }
0x105: {  	s0 =	sadd.s32 $0x200, s30;
	[sflag:s26] =	ssyncadd.s32 $0xFFFFE000  }
0x106: {  	[tilespmem:s17], [sflag:$0x1] =	stream.indirect.gather [hbm4b:s4+s16], $0x80, s0, s16, $0xb8;
	[tilespmem:$0x1E400] =	vst v63  }
0x107: {  	_ =	swait.ge [sflag:s29], $0x2000  }
0x108: {  	[sflag:s29] =	ssyncset.done $0x0  }
0x109: {  	s0 =	sadd.s32 $0x1580, s30;
	[sflag:s29] =	ssyncadd.s32 $0xFFFFE000  }
0x10a: {  	[spmem:s2] =	stream.indirect.scatter.add.f32 [tilespmem:s20], [sflag:$0x7], $0x80, s0, s16, $0xb8;
	[tilespmem:$0x1E400] =	vst v63  }
0x10b: {  	_ =	swait.ge [sflag:s31], $0x2000  }
0x10c: {  	[sflag:s31] =	ssyncset.done $0x0  }
.Ltmp1:
0x10d: {  	s0 =	sadd.s32 $0x240, s30;
	[sflag:s31] =	ssyncadd.s32 $0xFFFFE000;
	(pc) =	sbr.rel @p0 .LBB2_4-.Ltmp1, $4  }
0x10e: {  	[tilespmem:s18], [sflag:$0x2] =	stream.indirect.gather [hbm4b:s4+s16], $0x80, s0, s16, $0xb8;
	[tilespmem:$0x1E400] =	vst v63  }
0x10f: {  	_ =	swait.ge [sflag:s1], $0x2000  }
0x110: {  	[sflag:s1] =	ssyncset.done $0x0  }
0x111: {  	s30 =	sadd.s32 $0x15C0, s30;
	[sflag:s1] =	ssyncadd.s32 $0xFFFFE000  }
0x112: {  	[spmem:s2] =	stream.indirect.scatter.add.f32 [tilespmem:s23], [sflag:$0x8], $0x80, s30, s16, $0xb8;
	[tilespmem:$0x1E400] =	vst v63  }
0x113: {  	_ =	swait.ge [sflag:s7], $0x2000  }
0x114: {  	[sflag:s7] =	ssyncset.done $0x0  }
0x115: {  	[sflag:s7] =	ssyncadd.s32 $0xFFFFE000  }
0x116: {  	[tilespmem:s20], [sflag:$0x3] =	stream.indirect.gather [hbm4b:s4+s16], $0x80, s9, s16, $0xb8;
	[tilespmem:$0x1E400] =	vst v63  }
0x117: {  	_ =	swait.ge [sflag:s21], $0x2000  }
0x118: {  	[sflag:s21] =	ssyncset.done $0x0  }
0x119: {  	[sflag:s21] =	ssyncadd.s32 $0xFFFFE000  }
0x11a: {  	[spmem:s2] =	stream.indirect.scatter.add.f32 [tilespmem:s17], [sflag:$0x5], $0x80, s10, s16, $0xb8;
	[tilespmem:$0x1E400] =	vst v63  }
0x11b: {  	_ =	swait.ge [sflag:s8], $0x2000  }
0x11c: {  	[sflag:s8] =	ssyncset.done $0x0  }
0x11d: {  	[sflag:s8] =	ssyncadd.s32 $0xFFFFE000  }
0x11e: {  	[tilespmem:s23], [sflag:$0x4] =	stream.indirect.gather [hbm4b:s4+s16], $0x80, s11, s16, $0xb8;
	[tilespmem:$0x1E400] =	vst v63  }
0x11f: {  	_ =	swait.ge [sflag:s24], $0x2000  }
0x120: {  	[sflag:s24] =	ssyncset.done $0x0  }
0x121: {  	[sflag:s24] =	ssyncadd.s32 $0xFFFFE000  }
0x122: {  	[spmem:s2] =	stream.indirect.scatter.add.f32 [tilespmem:s18], [sflag:$0x6], $0x80, s12, s16, $0xb8;
	[tilespmem:$0x1E400] =	vst v63  }
0x123: {  	_ =	swait.ge [sflag:s26], $0x2000  }
0x124: {  	[sflag:s26] =	ssyncset.done $0x0  }
0x125: {  	[sflag:s26] =	ssyncadd.s32 $0xFFFFE000  }
0x126: {  	_ =	swait.ge [sflag:s29], $0x2000  }
0x127: {  	[sflag:s29] =	ssyncset.done $0x0  }
0x128: {  	[sflag:s29] =	ssyncadd.s32 $0xFFFFE000  }
0x129: {  	[spmem:s2] =	stream.indirect.scatter.add.f32 [tilespmem:s20], [sflag:$0x7], $0x80, s19, s16, $0xb8;
	[tilespmem:$0x1E400] =	vst v63  }
0x12a: {  	_ =	swait.ge [sflag:s31], $0x2000  }
0x12b: {  	[sflag:s31] =	ssyncset.done $0x0  }
0x12c: {  	[sflag:s31] =	ssyncadd.s32 $0xFFFFE000  }
0x12d: {  	_ =	swait.ge [sflag:s1], $0x2000  }
0x12e: {  	[sflag:s1] =	ssyncset.done $0x0  }
0x12f: {  	[sflag:s1] =	ssyncadd.s32 $0xFFFFE000  }
0x130: {  	[spmem:s2] =	stream.indirect.scatter.add.f32 [tilespmem:s23], [sflag:$0x8], $0x80, s22, s16, $0xb8;
	[tilespmem:$0x1E400] =	vst v63  }
0x131: {  	_ =	swait.ge [sflag:s7], $0x2000  }
0x132: {  	[sflag:s7] =	ssyncset.done $0x0  }
0x133: {  	[sflag:s7] =	ssyncadd.s32 $0xFFFFE000  }
0x134: {  	_ =	swait.ge [sflag:s8], $0x2000  }
0x135: {  	[sflag:s8] =	ssyncset.done $0x0  }
0x136: {  	[sflag:s8] =	ssyncadd.s32 $0xFFFFE000  }
0x137: {  	[bflag:$0x0] =	sbarrier.arrive $0xFFFF  }
0x138: {  	s0 =	rddreg [dreg:$0x8]  }
0x139: {  	[hbm:s0], [sflag:s6] =	dma.local [spmem:s13], $0x2780  }
0x13a: {  	_ =	swait.ge [sflag:s14], $0x2780  }
0x13b: {  	s25 =	sadd.s32 $0x1, s25;
	s30 =	rddreg [dreg:$0x9]  }
0x13c: {  	p0 =	sne.s32 s25, s30  }
.Ltmp2:
0x13d: {  	_ = 	snop;
	(pc) =	sbr.rel @p0 .LBB2_1-.Ltmp2, $3  }
0x13e: {  	_ =	sdelay $0x1  }
0x13f: {  	[sflag:s14] =	ssyncset.done $0x0  }
0x140: {  	[sflag:s14] =	ssyncadd.s32 $0xFFFFD880  }
0x141: {  	_ =	sfence.sel $0x180000  }
0x142: {  	[bflag:$0x0] =	sbarrier.arrive $0xFFFF  }
0x143: {  	_ =	strace $0x9000004A  }
0x144: {  	s0 =	stileid.u32;
	[bflag:$0x2] =	sbarrier.arrive $0xFFFF  }
0x145: {  	p0 =	sne.s32 s0, $0x0;
	s0 =	rddreg [dreg:$0x2]  }
0x146: {  	s0 =	sadd.s32 @!p0 $0x100000, s0  }
0x147: {  	[sflag:s0] =	ssyncadd.tile.s32 @!p0 $0x1;
	_ =	shalt  }
.Lfunc_end2:
_tile_overlayer_lowered:
.L_overlay_start_2:
0x148: {  	(tag) =	ssettag $0x2  }
0x149: {  	s0 =	rddreg [dreg:$0x0];
	s2 =	stileid.u32  }
0x14a: {  	s1 =	rddreg [dreg:$0x1];
	p0 =	sne.s32 s2, $0x0  }
0x14b: {  	s3 =	rddreg [dreg:$0x2];
	[bflag:$0x3] =	sbarrier.arrive $0xFFFF;
	s2 =	simm.s32 @!p0 $0x1C09  }
0x14c: {  	[timem:s3], [sflag:s2] =	dma.local @!p0 [hbm:s0], s1  }
0x14d: {  	s0 =	simm.s32 @!p0 $0x9  }
0x14e: {  	_ =	swait.ge @!p0 [sflag:s0], s1  }
0x14f: {  	s1 =	ssub.s32 @!p0 $0x0, s1;
	[sflag:s0] =	ssyncset.done @!p0 $0x0  }
0x150: {  	[sflag:s0] =	ssyncadd.s32 @!p0 s1  }
0x151: {  	[bflag:$0x3] =	sbarrier.arrive $0xFFFF  }
0x152: {  	_ =	shalt  }

// kernel: kernel.16.cloned.1.call-start
scs
__scs_entry_jumppad:
0x0: {  	(pc) =	sbr.rel $0x88, $3  }
0x1: {  	(tag) =	ssettag $0x0;
	lr =	simm.s32 $0x1  }
0x2: {  	[smem:$0x3F91] =	sst lr;
	_ =	strace $0xD0000000  }
0x3: {  	_ = 	snop  }
0x4: {  	_ = 	snop  }
0x5: {  	_ = 	snop  }
0x6: {  	_ = 	snop  }
0x7: {  	_ = 	snop  }
__scs_overlays_trampoline_lowered:
0x8: {  	[smem:$0x3FA0] =	sst s0  }
0x9: {  	[smem:$0x3FA1] =	sst s1  }
0xa: {  	[smem:$0x3FA2] =	sst s2  }
0xb: {  	[smem:$0x3FA3] =	sst s3  }
0xc: {  	[smem:$0x3FA4] =	sst s4  }
0xd: {  	[smem:$0x3FA5] =	sst s5  }
0xe: {  	[smem:$0x3FA6] =	sst s6  }
0xf: {  	[smem:$0x3FA7] =	sst s7  }
0x10: {  	[smem:$0x3FA8] =	sst s8  }
0x11: {  	[smem:$0x3FA9] =	sst s9;
	s0 =	simm.s32 @!p0 $0x0  }
0x12: {  	s1 =	sld [smem:$0x3F8F];
	s0 =	simm.s32 @p0 $0x1  }
0x13: {  	[smem:$0x3FAA] =	sst s0;
	s0 =	simm.s32 @!p1 $0x0  }
0x14: {  	s2 =	sld [smem:$0x3F8E];
	s0 =	simm.s32 @p1 $0x1  }
0x15: {  	[smem:$0x3FAB] =	sst s0;
	s0 =	simm.s32 @!p2 $0x0  }
0x16: {  	s3 =	sld [smem:$0x3FDB];
	s0 =	simm.s32 @p2 $0x1  }
0x17: {  	s4 =	simm.s32 $0x1BF5;
	[smem:$0x3FAD] =	sst s0  }
0x18: {  	s0 =	sld [smem:$0x3F90];
	_ =	swait.ge [sflag:s4], $0x0  }
0x19: {  	s7 =	sld [smem:$0x3F91]  }
0x1a: {  	s8 =	sadd.s32 $0xFFFFE003, lr  }
0x1b: {  	s9 =	sadd.s32 $0xFFFFFEF7, lr;
	s5 =	simm.s32 $0xFFFFFFFF;
	p2 =	slt.u32 s8, $0xFFFFF086  }
0x1c: {  	p1 =	slt.u32 s9, $0xF7A;
	s5 =	simm.s32 @!p2 $0x0  }
0x1d: {  	s5 =	simm.s32 @p1 $0x1;
	p0 =	seq.s32 s7, s2  }
0x1e: {  	s7 =	smul.u32 @!p0 $0xF7A, s2;
	p2 =	seq.s32 @!p0 s5, $0x0  }
0x1f: {  	s9 =	smul.u32 $0xF7A, s1;
	s8 =	simm.s32 @!p0 $0x1BF5;
	p2 =	por !p2, p0  }
0x20: {  	[sflag:s8] =	ssyncset.s32 @!p0 $0xFFFFF086;
	s6 =	sadd.s32 @!p0 s3, s7;
	s7 =	simm.s32 @!p0 $0x108  }
0x21: {  	s3 =	sadd.s32 s3, s9;
	s6 =	sadd.s32 @!p0 $0x88, s6;
	s7 =	simm.s32 @p2 $0x1082  }
0x22: {  	[simem:s7], [sflag:s8] =	dma.local @!p0 [hbm:s6], $0xF7A  }
0x23: {  	s9 =	sor.u32 $0xD0000000, s2;
	s6 =	simm.s32 $0x108;
	_ =	swait.ge @!p0 [sflag:s8], $0x0  }
0x24: {  	s3 =	sadd.s32 $0x88, s3;
	s6 =	simm.s32 @!p1 $0x1082;
	[sflag:s4] =	ssyncset.s32 $0xFFFFF086  }
0x25: {  	[simem:s6], [sflag:s4] =	dma.local [hbm:s3], $0xF7A  }
0x26: {  	[smem:$0x3F91] =	sst s1;
	(tag) =	ssettag s2;
	_ =	strace s9  }
0x27: {  	s1 =	sld [smem:$0x3FA1]  }
0x28: {  	s2 =	sld [smem:$0x3FA2]  }
0x29: {  	s4 =	sld [smem:$0x3FA4]  }
0x2a: {  	p0 =	seq.s32 s5, $0x0;
	s5 =	sld [smem:$0x3FA5]  }
0x2b: {  	s6 =	sld [smem:$0x3FA6]  }
0x2c: {  	s7 =	sld [smem:$0x3FA7]  }
0x2d: {  	s3 =	simm.s32 $0x108;
	s8 =	sld [smem:$0x3FA8]  }
0x2e: {  	s3 =	simm.s32 @!p0 $0x1082;
	s9 =	sld [smem:$0x3FA9]  }
0x2f: {  	lr =	sadd.s32 s0, s3;
	s0 =	sld [smem:$0x3FA0]  }
0x30: {  	s3 =	sld [smem:$0x3FA3]  }
0x31: {  	[smem:$0x3FAC] =	sst s10  }
0x32: {  	s10 =	sld [smem:$0x3FAA];
	_ =	sdelay $0x3  }
0x33: {  	p0 =	seq.s32 s10, $0x1;
	s10 =	sld [smem:$0x3FAC];
	_ =	sdelay $0x3  }
0x34: {  	[smem:$0x3FAC] =	sst s10  }
0x35: {  	s10 =	sld [smem:$0x3FAB];
	_ =	sdelay $0x3  }
0x36: {  	p1 =	seq.s32 s10, $0x1;
	s10 =	sld [smem:$0x3FAC];
	_ =	sdelay $0x3  }
0x37: {  	[smem:$0x3FAC] =	sst s10  }
0x38: {  	s10 =	sld [smem:$0x3FAD]  }
0x39: {  	_ = 	snop;
	(pc) =	sbr.ind lr, $3  }
0x3a: {  	_ = 	snop  }
0x3b: {  	_ = 	snop  }
0x3c: {  	p2 =	seq.s32 s10, $0x1;
	s10 =	sld [smem:$0x3FAC]  }
0x3d: {  	_ =	shalt  }
0x3e: {  	_ =	shalt  }
0x3f: {  	_ =	shalt  }
0x40: {  	_ =	shalt  }
0x41: {  	_ =	shalt  }
0x42: {  	_ =	shalt  }
0x43: {  	_ =	shalt  }
0x44: {  	_ =	shalt  }
0x45: {  	_ =	shalt  }
0x46: {  	_ =	shalt  }
0x47: {  	_ =	shalt  }
0x48: {  	_ =	shalt  }
0x49: {  	_ =	shalt  }
0x4a: {  	_ =	shalt  }
0x4b: {  	_ =	shalt  }
0x4c: {  	_ =	shalt  }
0x4d: {  	_ =	shalt  }
0x4e: {  	_ =	shalt  }
0x4f: {  	_ =	shalt  }
0x50: {  	_ =	shalt  }
0x51: {  	_ =	shalt  }
0x52: {  	_ =	shalt  }
0x53: {  	_ =	shalt  }
0x54: {  	_ =	shalt  }
0x55: {  	_ =	shalt  }
0x56: {  	_ =	shalt  }
0x57: {  	_ =	shalt  }
0x58: {  	_ =	shalt  }
0x59: {  	_ =	shalt  }
0x5a: {  	_ =	shalt  }
0x5b: {  	_ =	shalt  }
0x5c: {  	_ =	shalt  }
0x5d: {  	_ =	shalt  }
0x5e: {  	_ =	shalt  }
0x5f: {  	_ =	shalt  }
0x60: {  	_ =	shalt  }
0x61: {  	_ =	shalt  }
0x62: {  	_ =	shalt  }
0x63: {  	_ =	shalt  }
0x64: {  	_ =	shalt  }
0x65: {  	_ =	shalt  }
0x66: {  	_ =	shalt  }
0x67: {  	_ =	shalt  }
0x68: {  	_ =	shalt  }
0x69: {  	_ =	shalt  }
0x6a: {  	_ =	shalt  }
0x6b: {  	_ =	shalt  }
0x6c: {  	_ =	shalt  }
0x6d: {  	_ =	shalt  }
0x6e: {  	_ =	shalt  }
0x6f: {  	_ =	shalt  }
0x70: {  	_ =	shalt  }
0x71: {  	_ =	shalt  }
0x72: {  	_ =	shalt  }
0x73: {  	_ =	shalt  }
0x74: {  	_ =	shalt  }
0x75: {  	_ =	shalt  }
0x76: {  	_ =	shalt  }
0x77: {  	_ =	shalt  }
0x78: {  	_ =	shalt  }
0x79: {  	_ =	shalt  }
0x7a: {  	_ =	shalt  }
0x7b: {  	_ =	shalt  }
0x7c: {  	_ =	shalt  }
0x7d: {  	_ =	shalt  }
0x7e: {  	_ =	shalt  }
0x7f: {  	_ =	shalt  }
0x80: {  	_ =	shalt  }
0x81: {  	_ =	shalt  }
0x82: {  	_ =	shalt  }
0x83: {  	_ =	shalt  }
0x84: {  	_ =	shalt  }
0x85: {  	_ =	shalt  }
0x86: {  	_ =	shalt  }
0x87: {  	_ =	shalt  }
.Lfunc_end0:
.L_simem_size_0:
called_computation.2_lowered:
.L_overlay_start_0:
0x88: {  	s2 =	sld [smem:$0x3FD9]  }
0x89: {  	s3 =	sld [smem:$0x3FFE];
	_ =	sdelay $0x1  }
0x8a: {  	s1 =	srdreg.scid  }
0x8b: {  	s0 =	sand.u32 $0x1, s1  }
0x8c: {  	s16 =	sshll.u32 s0, $0xA;
	s2 =	sadd.s32 s3, s2  }
0x8d: {  	s2 =	sadd.s32 s2, s16  }
0x8e: {  	[smem:$0x3FB8] =	sst s2  }
0x8f: {  	_ = 	snop  }
0x90: {  	(tm) =	ssettm $0x1  }
0x91: {  	s17 =	sld [smem:$0x3FFB];
	_ =	sdelay $0x3  }
0x92: {  	_ =	strace s17  }
0x93: {  	s2 =	sld [smem:$0x3FFC];
	_ =	sdelay $0x3  }
0x94: {  	_ =	strace s2  }
0x95: {  	s2 =	sld [smem:$0x3FFD];
	_ =	sdelay $0x3  }
0x96: {  	_ =	strace s2  }
0x97: {  	_ =	strace $0x8FFFFFFF  }
0x98: {  	s18 =	sld [smem:$0x3FDB];
	_ =	sdelay $0x1  }
0x99: {  	s19 =	simm.s32 $_scs_section_size  }
0x9a: {  	s4 =	simm.s32 $_size__tile_overlayer_lowered;
	s5 =	simm.s32 $_tile_overlayer_lowered  }
0x9b: {  	s22 =	simm.s32 $0x1BFF;
	s21 =	sshll.u32 s5, $0x1;
	s2 =	sadd.s32 s19, s18  }
0x9c: {  	s6 =	simm.s32 $0x0;
	s20 =	sshll.u32 s4, $0x1;
	s4 =	sadd.s32 s21, s2  }
0x9d: {  	[timem:s6], [sflag:s22] =	dma.local [hbm:s4], s20  }
0x9e: {  	_ =	swait.ge [sflag:s22], s20  }
0x9f: {  	s3 =	ssub.s32 $0x0, s20;
	[sflag:s22] =	ssyncset.done $0x0  }
0xa0: {  	[sflag:s22] =	ssyncadd.s32 s3;
	_ =	sdelay $0x1  }
0xa1: {  	s23 =	simm.s32 $0x1B8B  }
0xa2: {  	_ =	swait.ge [sflag:s23], $0x1  }
0xa3: {  	[sflag:s23] =	ssyncset.done $0x0  }
0xa4: {  	s25 =	simm.s32 $0x1B8E;
	s24 =	sld [smem:$0x3FFE];
	[sflag:s23] =	ssyncadd.s32 $0xFFFFFFFF  }
0xa5: {  	s26 =	simm.s32 $execute0_lowered;
	[smem:$0x3FD2] =	sst s25  }
0xa6: {  	s4 =	sshll.u32 s26, $0x1;
	_ =	strace $0x8000004C;
	[dreg:$0x1] =	wrdreg $0xFFFFFFFF  }
0xa7: {  	s28 =	simm.s32 $_size_execute0_lowered;
	s2 =	sadd.s32 s2, s4;
	[dreg:$0x0] =	wrdreg $0x0  }
0xa8: {  	s4 =	sshll.u32 s28, $0x1;
	[dreg:$0x2] =	wrdreg s2  }
0xa9: {  	[dreg:$0x3] =	wrdreg s4  }
0xaa: {  	[dreg:$0x4] =	wrdreg $0xC0  }
0xab: {  	_ =	task [dreg:s6], $0x5FFFF  }
0xac: {  	[dreg:$0x1] =	wrdreg $0xFFFFFFFF  }
0xad: {  	[dreg:$0x0] =	wrdreg $0x60  }
0xae: {  	[dreg:$0x2] =	wrdreg s24  }
0xaf: {  	[dreg:$0x3] =	wrdreg $0xD0000  }
0xb0: {  	[dreg:$0x4] =	wrdreg $0x9  }
0xb1: {  	_ =	task.clear_ibuf [dreg:s6], $0x5FFFF;
	_ =	strace $0x9000004C  }
0xb2: {  	s29 =	simm.s32 $0x9;
	_ =	strace $0x8000004E  }
0xb3: {  	_ =	swait.ge [sflag:s29], $0x1  }
0xb4: {  	[sflag:s29] =	ssyncadd.s32 $0xFFFFFFFF  }
0xb5: {  	_ =	strace $0x9000004E  }
0xb6: {  	_ =	sfence  }
0xb7: {  	s30 =	sld [smem:$0x0];
	_ =	sdelay $0x2  }
0xb8: {  	s31 =	sshll.u32 s1, $0xD;
	s1 =	sshrl.u32 s1, $0x2  }
0xb9: {  	s3 =	sand.u32 $0x4000, s31;
	s1 =	sadd.s32 s1, s30  }
0xba: {  	s0 =	sor.u32 s3, s0;
	s1 =	sshll.u32 s1, $0x11  }
0xbb: {  	s0 =	sor.u32 s1, s0  }
0xbc: {  	s0 =	sadd.s32 $0x8F2B, s0  }
0xbd: {  	[sflag:s0] =	ssyncadd.remote.s32 $0x1  }
0xbe: {  	_ =	sfence.sel $0xFFFF  }
0xbf: {  	[dreg:$0x0] =	wrdreg $0xFFFFFFFF;
	(pc) =	sbr.abs _section_cstart, $3  }
0xc0: {  	[dreg:$0x1] =	wrdreg $0xFFFFFFFF  }
0xc1: {  	_ =	task.clear_ibuf [dreg:s6], $0x2FFFF;
	_ =	strace $0x9FFFFFFF  }
0xc2: {  	(tm) =	ssettm $0x7FFFFFFF  }
0xc3: {  	_ =	shalt  }
tec
execute0_lowered:
.L_overlay_start_1:
0x0: {  	(tag) =	ssettag $0x1  }
0x1: {  	s0 =	srdreg.scid;
	s5 =	rddreg [dreg:$0x0]  }
0x2: {  	s10 =	stileid.u32;
	s2 =	rddreg [dreg:$0x1];
	s3 =	simm.s32 $0x0  }
0x3: {  	s12 =	simm.s32 $0x9;
	s13 =	simm.s32 $0x2800;
	s14 =	simm.s32 $0x80  }
0x4: {  	s15 =	simm.s32 $0x5000;
	s16 =	simm.s32 $0x7000;
	s18 =	simm.s32 $0x9000  }
0x5: {  	s19 =	simm.s32 $0x1;
	s21 =	simm.s32 $0xB000;
	s22 =	simm.s32 $0x2  }
0x6: {  	s24 =	simm.s32 $0x5;
	s29 =	simm.s32 $0x6;
	s31 =	simm.s32 $0x4  }
0x7: {  	s17 =	simm.s32 $0x8;
	s30 =	simm.s32 $0x4F00;
	s20 =	simm.s32 $0x0  }
0x8: {  	s0 =	sand.u32 $0x1, s0;
	s1 =	sshll.u32 s10, $0x1;
	s6 =	smul.u32 $0x9E00, s10  }
0x9: {  	[smem:$0x7FF] =	sst s3;
	s4 =	sadd.s32 $0x74E00, s5;
	s28 =	sshll.u32 s10, $0x6  }
0xa: {  	s1 =	sor.u32 s0, s1;
	s7 =	smul.u32 $0x9E000, s0;
	_ =	strace $0x8000004D  }
0xb: {  	s0 =	ssub.s32 $0x2, s0;
	s1 =	smul.u32 $0x500, s1;
	s8 =	sshrl.u32 s6, $0x3  }
0xc: {  	s26 =	sshrl.u32 s0, $0x1;
	s11 =	sadd.s32 s6, s2;
	s7 =	sadd.s32 s6, s7  }
0xd: {  	s8 =	sadd.s32 s8, s5;
	s0 =	ssub.s32 s0, s26;
	s6 =	sor.u32 $0x1C09, s28  }
0xe: {  	s11 =	sshrl.u32 s11, $0x3;
	s26 =	simm.s32 $0x3;
	s1 =	sadd.s32 s1, s5  }
0xf: {  	s7 =	sshrl.u32 s7, $0x3;
	s10 =	smax.u32 s0, $0x1;
	s0 =	simm.s32 $0x7  }
0x10: {  	s9 =	sadd.s32 s7, s5;
	s5 =	sadd.s32 $0x88800, s8;
	s7 =	sadd.s32 $0x1CA00, s1  }
0x11: {  	s8 =	sadd.s32 $0x3C00, s1;
	s1 =	simm.s32 $0x4F80;
	s9 =	sadd.s32 $0x9C400, s9  }
.LBB2_1:
0x12: {  	[spmem:s11], [sflag:s6] =	dma.local [hbm:s5], $0x13C0  }
0x13: {  	_ =	swait.ge [sflag:s12], $0x13C0  }
0x14: {  	[sflag:s12] =	ssyncset.done $0x0  }
0x15: {  	[sflag:s12] =	ssyncadd.s32 $0xFFFFEC40  }
0x16: {  	[bflag:$0x0] =	sbarrier.arrive $0xFFFF  }
0x17: {  	[tilespmem:s3], [sflag:$0x9] =	stream.linear.gather [hbm4b:s7+s3], $0x2800, $0x38;
	[tilespmem:$0x16E00] =	vst v63  }
0x18: {  	_ =	swait.ge [sflag:s12], $0x2800  }
0x19: {  	[sflag:s12] =	ssyncset.done $0x0  }
0x1a: {  	[sflag:s12] =	ssyncadd.s32 $0xFFFFD800  }
0x1b: {  	[tilespmem:s13], [sflag:$0x9] =	stream.linear.gather [hbm4b:s8+s3], $0x2800, $0x38;
	[tilespmem:$0x16E00] =	vst v63  }
0x1c: {  	_ =	swait.ge [sflag:s12], $0x2800  }
0x1d: {  	[sflag:s12] =	ssyncset.done $0x0  }
0x1e: {  	[sflag:s12] =	ssyncadd.s32 $0xFFFFD800  }
0x1f: {  	[tilespmem:s15], [sflag:$0x1] =	stream.indirect.gather [hbm4b:s4+s14], $0x40, s3, s14, $0xb8;
	[tilespmem:$0x16E00] =	vst v63  }
0x20: {  	_ = 	snop  }
0x21: {  	[tilespmem:s16], [sflag:$0x2] =	stream.indirect.gather [hbm4b:s4+s14], $0x40, s14, s14, $0xb8;
	[tilespmem:$0x16E00] =	vst v63  }
0x22: {  	s23 =	simm.s32 $0x100  }
0x23: {  	[tilespmem:s18], [sflag:$0x3] =	stream.indirect.gather [hbm4b:s4+s14], $0x40, s23, s14, $0xb8;
	[tilespmem:$0x16E00] =	vst v63  }
0x24: {  	_ =	swait.ge [sflag:s19], $0x2000  }
0x25: {  	[sflag:s19] =	ssyncset.done $0x0  }
0x26: {  	[sflag:s19] =	ssyncadd.s32 $0xFFFFE000  }
0x27: {  	[spmem:s2] =	stream.indirect.scatter.add.f32 [tilespmem:s15], [sflag:$0x5], $0x40, s13, s14, $0xb8;
	[tilespmem:$0x16E00] =	vst v63  }
0x28: {  	s28 =	simm.s32 $0x180  }
0x29: {  	[tilespmem:s21], [sflag:$0x4] =	stream.indirect.gather [hbm4b:s4+s14], $0x40, s28, s14, $0xb8;
	[tilespmem:$0x16E00] =	vst v63  }
0x2a: {  	_ =	swait.ge [sflag:s22], $0x2000  }
0x2b: {  	[sflag:s22] =	ssyncset.done $0x0  }
0x2c: {  	s25 =	simm.s32 $0x2880;
	[sflag:s22] =	ssyncadd.s32 $0xFFFFE000  }
0x2d: {  	[spmem:s2] =	stream.indirect.scatter.add.f32 [tilespmem:s16], [sflag:$0x6], $0x40, s25, s14, $0xb8;
	[tilespmem:$0x16E00] =	vst v63  }
0x2e: {  	_ =	swait.ge [sflag:s24], $0x2000  }
0x2f: {  	[sflag:s24] =	ssyncset.done $0x0  }
0x30: {  	s28 =	simm.s32 $0x200;
	[sflag:s24] =	ssyncadd.s32 $0xFFFFE000  }
0x31: {  	[tilespmem:s15], [sflag:$0x1] =	stream.indirect.gather [hbm4b:s4+s14], $0x40, s28, s14, $0xb8;
	[tilespmem:$0x16E00] =	vst v63  }
0x32: {  	_ =	swait.ge [sflag:s26], $0x2000  }
0x33: {  	[sflag:s26] =	ssyncset.done $0x0  }
0x34: {  	s25 =	simm.s32 $0x2900;
	[sflag:s26] =	ssyncadd.s32 $0xFFFFE000  }
0x35: {  	[spmem:s2] =	stream.indirect.scatter.add.f32 [tilespmem:s18], [sflag:$0x7], $0x40, s25, s14, $0xb8;
	[tilespmem:$0x16E00] =	vst v63  }
0x36: {  	_ =	swait.ge [sflag:s29], $0x2000  }
0x37: {  	[sflag:s29] =	ssyncset.done $0x0  }
0x38: {  	s28 =	simm.s32 $0x280;
	[sflag:s29] =	ssyncadd.s32 $0xFFFFE000  }
0x39: {  	[tilespmem:s16], [sflag:$0x2] =	stream.indirect.gather [hbm4b:s4+s14], $0x40, s28, s14, $0xb8;
	[tilespmem:$0x16E00] =	vst v63  }
0x3a: {  	_ =	swait.ge [sflag:s31], $0x2000  }
0x3b: {  	[sflag:s31] =	ssyncset.done $0x0  }
0x3c: {  	s25 =	simm.s32 $0x2980;
	[sflag:s31] =	ssyncadd.s32 $0xFFFFE000  }
0x3d: {  	[spmem:s2] =	stream.indirect.scatter.add.f32 [tilespmem:s21], [sflag:$0x8], $0x40, s25, s14, $0xb8;
	[tilespmem:$0x16E00] =	vst v63  }
0x3e: {  	_ =	swait.ge [sflag:s0], $0x2000  }
0x3f: {  	[sflag:s0] =	ssyncset.done $0x0  }
0x40: {  	s28 =	simm.s32 $0x300;
	[sflag:s0] =	ssyncadd.s32 $0xFFFFE000  }
0x41: {  	[tilespmem:s18], [sflag:$0x3] =	stream.indirect.gather [hbm4b:s4+s14], $0x40, s28, s14, $0xb8;
	[tilespmem:$0x16E00] =	vst v63  }
0x42: {  	_ =	swait.ge [sflag:s19], $0x2000  }
0x43: {  	[sflag:s19] =	ssyncset.done $0x0  }
0x44: {  	s25 =	simm.s32 $0x2A00;
	[sflag:s19] =	ssyncadd.s32 $0xFFFFE000  }
0x45: {  	[spmem:s2] =	stream.indirect.scatter.add.f32 [tilespmem:s15], [sflag:$0x5], $0x40, s25, s14, $0xb8;
	[tilespmem:$0x16E00] =	vst v63  }
0x46: {  	_ =	swait.ge [sflag:s17], $0x2000  }
0x47: {  	[sflag:s17] =	ssyncset.done $0x0  }
0x48: {  	s28 =	simm.s32 $0x380;
	[sflag:s17] =	ssyncadd.s32 $0xFFFFE000  }
0x49: {  	[tilespmem:s21], [sflag:$0x4] =	stream.indirect.gather [hbm4b:s4+s14], $0x40, s28, s14, $0xb8;
	[tilespmem:$0x16E00] =	vst v63  }
0x4a: {  	_ =	swait.ge [sflag:s22], $0x2000  }
0x4b: {  	[sflag:s22] =	ssyncset.done $0x0  }
0x4c: {  	s25 =	simm.s32 $0x2A80;
	[sflag:s22] =	ssyncadd.s32 $0xFFFFE000  }
0x4d: {  	[spmem:s2] =	stream.indirect.scatter.add.f32 [tilespmem:s16], [sflag:$0x6], $0x40, s25, s14, $0xb8;
	[tilespmem:$0x16E00] =	vst v63  }
0x4e: {  	_ =	swait.ge [sflag:s24], $0x2000  }
0x4f: {  	[sflag:s24] =	ssyncset.done $0x0  }
0x50: {  	s28 =	simm.s32 $0x400;
	[sflag:s24] =	ssyncadd.s32 $0xFFFFE000  }
0x51: {  	[tilespmem:s15], [sflag:$0x1] =	stream.indirect.gather [hbm4b:s4+s14], $0x40, s28, s14, $0xb8;
	[tilespmem:$0x16E00] =	vst v63  }
0x52: {  	_ =	swait.ge [sflag:s26], $0x2000  }
0x53: {  	[sflag:s26] =	ssyncset.done $0x0  }
0x54: {  	s25 =	simm.s32 $0x2B00;
	[sflag:s26] =	ssyncadd.s32 $0xFFFFE000  }
0x55: {  	[spmem:s2] =	stream.indirect.scatter.add.f32 [tilespmem:s18], [sflag:$0x7], $0x40, s25, s14, $0xb8;
	[tilespmem:$0x16E00] =	vst v63  }
0x56: {  	_ =	swait.ge [sflag:s29], $0x2000  }
0x57: {  	[sflag:s29] =	ssyncset.done $0x0  }
0x58: {  	s28 =	simm.s32 $0x480;
	[sflag:s29] =	ssyncadd.s32 $0xFFFFE000  }
0x59: {  	[tilespmem:s16], [sflag:$0x2] =	stream.indirect.gather [hbm4b:s4+s14], $0x40, s28, s14, $0xb8;
	[tilespmem:$0x16E00] =	vst v63  }
0x5a: {  	_ =	swait.ge [sflag:s31], $0x2000  }
0x5b: {  	[sflag:s31] =	ssyncset.done $0x0  }
0x5c: {  	s23 =	simm.s32 $0x800;
	s25 =	simm.s32 $0x2B80;
	[sflag:s31] =	ssyncadd.s32 $0xFFFFE000  }
.LBB2_2:
0x5d: {  	[spmem:s2] =	stream.indirect.scatter.add.f32 [tilespmem:s21], [sflag:$0x8], $0x40, s25, s14, $0xb8;
	[tilespmem:$0x16E00] =	vst v63  }
0x5e: {  	s25 =	smov.u32 s23  }
0x5f: {  	p0 =	sne.s32 s23, $0x8800;
	s23 =	sadd.s32 $0x800, s23;
	_ =	swait.ge [sflag:s0], $0x2000  }
0x60: {  	s25 =	sshra.s32 s25, $0x2;
	[sflag:s0] =	ssyncset.done $0x0  }
0x61: {  	s28 =	sadd.s32 $0x300, s25;
	[sflag:s0] =	ssyncadd.s32 $0xFFFFE000  }
0x62: {  	[tilespmem:s18], [sflag:$0x3] =	stream.indirect.gather [hbm4b:s4+s14], $0x40, s28, s14, $0xb8;
	[tilespmem:$0x16E00] =	vst v63  }
0x63: {  	_ =	swait.ge [sflag:s19], $0x2000  }
0x64: {  	[sflag:s19] =	ssyncset.done $0x0  }
0x65: {  	s28 =	sadd.s32 $0x2A00, s25;
	[sflag:s19] =	ssyncadd.s32 $0xFFFFE000  }
0x66: {  	[spmem:s2] =	stream.indirect.scatter.add.f32 [tilespmem:s15], [sflag:$0x5], $0x40, s28, s14, $0xb8;
	[tilespmem:$0x16E00] =	vst v63  }
0x67: {  	_ =	swait.ge [sflag:s17], $0x2000  }
0x68: {  	[sflag:s17] =	ssyncset.done $0x0  }
0x69: {  	s28 =	sadd.s32 $0x380, s25;
	[sflag:s17] =	ssyncadd.s32 $0xFFFFE000  }
0x6a: {  	[tilespmem:s21], [sflag:$0x4] =	stream.indirect.gather [hbm4b:s4+s14], $0x40, s28, s14, $0xb8;
	[tilespmem:$0x16E00] =	vst v63  }
0x6b: {  	_ =	swait.ge [sflag:s22], $0x2000  }
0x6c: {  	[sflag:s22] =	ssyncset.done $0x0  }
0x6d: {  	s28 =	sadd.s32 $0x2A80, s25;
	[sflag:s22] =	ssyncadd.s32 $0xFFFFE000  }
0x6e: {  	[spmem:s2] =	stream.indirect.scatter.add.f32 [tilespmem:s16], [sflag:$0x6], $0x40, s28, s14, $0xb8;
	[tilespmem:$0x16E00] =	vst v63  }
0x6f: {  	_ =	swait.ge [sflag:s24], $0x2000  }
0x70: {  	[sflag:s24] =	ssyncset.done $0x0  }
0x71: {  	s28 =	sadd.s32 $0x400, s25;
	[sflag:s24] =	ssyncadd.s32 $0xFFFFE000  }
0x72: {  	[tilespmem:s15], [sflag:$0x1] =	stream.indirect.gather [hbm4b:s4+s14], $0x40, s28, s14, $0xb8;
	[tilespmem:$0x16E00] =	vst v63  }
0x73: {  	_ =	swait.ge [sflag:s26], $0x2000  }
0x74: {  	[sflag:s26] =	ssyncset.done $0x0  }
0x75: {  	s28 =	sadd.s32 $0x2B00, s25;
	[sflag:s26] =	ssyncadd.s32 $0xFFFFE000  }
0x76: {  	[spmem:s2] =	stream.indirect.scatter.add.f32 [tilespmem:s18], [sflag:$0x7], $0x40, s28, s14, $0xb8;
	[tilespmem:$0x16E00] =	vst v63  }
0x77: {  	_ =	swait.ge [sflag:s29], $0x2000  }
0x78: {  	[sflag:s29] =	ssyncset.done $0x0  }
.Ltmp0:
0x79: {  	s28 =	sadd.s32 $0x480, s25;
	[sflag:s29] =	ssyncadd.s32 $0xFFFFE000;
	(pc) =	sbr.rel @p0 .LBB2_2-.Ltmp0, $4  }
0x7a: {  	[tilespmem:s16], [sflag:$0x2] =	stream.indirect.gather [hbm4b:s4+s14], $0x40, s28, s14, $0xb8;
	[tilespmem:$0x16E00] =	vst v63  }
0x7b: {  	_ =	swait.ge [sflag:s31], $0x2000  }
0x7c: {  	[sflag:s31] =	ssyncset.done $0x0  }
0x7d: {  	s25 =	sadd.s32 $0x2B80, s25;
	[sflag:s31] =	ssyncadd.s32 $0xFFFFE000  }
0x7e: {  	[spmem:s2] =	stream.indirect.scatter.add.f32 [tilespmem:s21], [sflag:$0x8], $0x40, s25, s14, $0xb8;
	[tilespmem:$0x16E00] =	vst v63  }
0x7f: {  	_ =	swait.ge [sflag:s0], $0x2000  }
0x80: {  	[sflag:s0] =	ssyncset.done $0x0  }
0x81: {  	s23 =	simm.s32 $0x2700;
	[sflag:s0] =	ssyncadd.s32 $0xFFFFE000  }
0x82: {  	[tilespmem:s18], [sflag:$0x3] =	stream.indirect.gather [hbm4b:s4+s14], $0x40, s23, s14, $0xb8;
	[tilespmem:$0x16E00] =	vst v63  }
0x83: {  	_ =	swait.ge [sflag:s19], $0x2000  }
0x84: {  	[sflag:s19] =	ssyncset.done $0x0  }
0x85: {  	s28 =	simm.s32 $0x4E00;
	[sflag:s19] =	ssyncadd.s32 $0xFFFFE000  }
0x86: {  	[spmem:s2] =	stream.indirect.scatter.add.f32 [tilespmem:s15], [sflag:$0x5], $0x40, s28, s14, $0xb8;
	[tilespmem:$0x16E00] =	vst v63  }
0x87: {  	_ =	swait.ge [sflag:s17], $0x2000  }
0x88: {  	[sflag:s17] =	ssyncset.done $0x0  }
0x89: {  	s25 =	simm.s32 $0x2780;
	[sflag:s17] =	ssyncadd.s32 $0xFFFFE000  }
0x8a: {  	[tilespmem:s21], [sflag:$0x4] =	stream.indirect.gather [hbm4b:s4+s14], $0x40, s25, s14, $0xb8;
	[tilespmem:$0x16E00] =	vst v63  }
0x8b: {  	_ =	swait.ge [sflag:s22], $0x2000  }
0x8c: {  	[sflag:s22] =	ssyncset.done $0x0  }
0x8d: {  	s28 =	simm.s32 $0x4E80;
	[sflag:s22] =	ssyncadd.s32 $0xFFFFE000  }
0x8e: {  	[spmem:s2] =	stream.indirect.scatter.add.f32 [tilespmem:s16], [sflag:$0x6], $0x40, s28, s14, $0xb8;
	[tilespmem:$0x16E00] =	vst v63  }
0x8f: {  	_ =	swait.ge [sflag:s24], $0x2000  }
0x90: {  	[sflag:s24] =	ssyncset.done $0x0  }
0x91: {  	[sflag:s24] =	ssyncadd.s32 $0xFFFFE000  }
0x92: {  	_ =	swait.ge [sflag:s26], $0x2000  }
0x93: {  	[sflag:s26] =	ssyncset.done $0x0  }
0x94: {  	[sflag:s26] =	ssyncadd.s32 $0xFFFFE000  }
0x95: {  	[spmem:s2] =	stream.indirect.scatter.add.f32 [tilespmem:s18], [sflag:$0x7], $0x40, s30, s14, $0xb8;
	[tilespmem:$0x16E00] =	vst v63  }
0x96: {  	_ =	swait.ge [sflag:s29], $0x2000  }
0x97: {  	[sflag:s29] =	ssyncset.done $0x0  }
0x98: {  	[sflag:s29] =	ssyncadd.s32 $0xFFFFE000  }
0x99: {  	_ =	swait.ge [sflag:s31], $0x2000  }
0x9a: {  	[sflag:s31] =	ssyncset.done $0x0  }
0x9b: {  	[sflag:s31] =	ssyncadd.s32 $0xFFFFE000  }
0x9c: {  	[spmem:s2] =	stream.indirect.scatter.add.f32 [tilespmem:s21], [sflag:$0x8], $0x40, s1, s14, $0xb8;
	[tilespmem:$0x16E00] =	vst v63  }
0x9d: {  	_ =	swait.ge [sflag:s0], $0x2000  }
0x9e: {  	[sflag:s0] =	ssyncset.done $0x0  }
0x9f: {  	[sflag:s0] =	ssyncadd.s32 $0xFFFFE000  }
0xa0: {  	_ =	swait.ge [sflag:s17], $0x2000  }
0xa1: {  	s20 =	sadd.s32 $0x1, s20;
	[sflag:s17] =	ssyncset.done $0x0  }
0xa2: {  	p0 =	sne.s32 s20, s10;
	[sflag:s17] =	ssyncadd.s32 $0xFFFFE000  }
.Ltmp1:
0xa3: {  	[bflag:$0x0] =	sbarrier.arrive $0xFFFF;
	(pc) =	sbr.rel @p0 .LBB2_1-.Ltmp1, $4  }
0xa4: {  	[hbm:s9], [sflag:s6] =	dma.local [spmem:s11], $0x13C0  }
0xa5: {  	_ =	swait.ge [sflag:s12], $0x13C0  }
0xa6: {  	[sflag:s12] =	ssyncset.done $0x0  }
0xa7: {  	[sflag:s12] =	ssyncadd.s32 $0xFFFFEC40  }
0xa8: {  	_ =	sfence.sel $0x180000  }
0xa9: {  	[bflag:$0x0] =	sbarrier.arrive $0xFFFF  }
0xaa: {  	_ =	strace $0x9000004D  }
0xab: {  	s0 =	stileid.u32;
	[bflag:$0x2] =	sbarrier.arrive $0xFFFF  }
0xac: {  	p0 =	sne.s32 s0, $0x0;
	s0 =	rddreg [dreg:$0x2]  }
0xad: {  	s0 =	sadd.s32 @!p0 $0x100000, s0  }
0xae: {  	[sflag:s0] =	ssyncadd.tile.s32 @!p0 $0x1;
	_ =	shalt  }
.Lfunc_end2:
_tile_overlayer_lowered:
.L_overlay_start_2:
0xaf: {  	(tag) =	ssettag $0x2  }
0xb0: {  	s0 =	rddreg [dreg:$0x0];
	s2 =	stileid.u32  }
0xb1: {  	s1 =	rddreg [dreg:$0x1];
	p0 =	sne.s32 s2, $0x0  }
0xb2: {  	s3 =	rddreg [dreg:$0x2];
	[bflag:$0x3] =	sbarrier.arrive $0xFFFF;
	s2 =	simm.s32 @!p0 $0x1C09  }
0xb3: {  	[timem:s3], [sflag:s2] =	dma.local @!p0 [hbm:s0], s1  }
0xb4: {  	s0 =	simm.s32 @!p0 $0x9  }
0xb5: {  	_ =	swait.ge @!p0 [sflag:s0], s1  }
0xb6: {  	s1 =	ssub.s32 @!p0 $0x0, s1;
	[sflag:s0] =	ssyncset.done @!p0 $0x0  }
0xb7: {  	[sflag:s0] =	ssyncadd.s32 @!p0 s1  }
0xb8: {  	[bflag:$0x3] =	sbarrier.arrive $0xFFFF  }
0xb9: {  	_ =	shalt  }

// kernel: kernel.19.cloned.1.call-start
scs
__scs_entry_jumppad:
0x0: {  	(pc) =	sbr.rel $0x88, $3  }
0x1: {  	(tag) =	ssettag $0x0;
	lr =	simm.s32 $0x1  }
0x2: {  	[smem:$0x3F91] =	sst lr;
	_ =	strace $0xD0000000  }
0x3: {  	_ = 	snop  }
0x4: {  	_ = 	snop  }
0x5: {  	_ = 	snop  }
0x6: {  	_ = 	snop  }
0x7: {  	_ = 	snop  }
__scs_overlays_trampoline_lowered:
0x8: {  	[smem:$0x3FA0] =	sst s0  }
0x9: {  	[smem:$0x3FA1] =	sst s1  }
0xa: {  	[smem:$0x3FA2] =	sst s2  }
0xb: {  	[smem:$0x3FA3] =	sst s3  }
0xc: {  	[smem:$0x3FA4] =	sst s4  }
0xd: {  	[smem:$0x3FA5] =	sst s5  }
0xe: {  	[smem:$0x3FA6] =	sst s6  }
0xf: {  	[smem:$0x3FA7] =	sst s7  }
0x10: {  	[smem:$0x3FA8] =	sst s8  }
0x11: {  	[smem:$0x3FA9] =	sst s9;
	s0 =	simm.s32 @!p0 $0x0  }
0x12: {  	s1 =	sld [smem:$0x3F8F];
	s0 =	simm.s32 @p0 $0x1  }
0x13: {  	[smem:$0x3FAA] =	sst s0;
	s0 =	simm.s32 @!p1 $0x0  }
0x14: {  	s2 =	sld [smem:$0x3F8E];
	s0 =	simm.s32 @p1 $0x1  }
0x15: {  	[smem:$0x3FAB] =	sst s0;
	s0 =	simm.s32 @!p2 $0x0  }
0x16: {  	s3 =	sld [smem:$0x3FDB];
	s0 =	simm.s32 @p2 $0x1  }
0x17: {  	s4 =	simm.s32 $0x1BF5;
	[smem:$0x3FAD] =	sst s0  }
0x18: {  	s0 =	sld [smem:$0x3F90];
	_ =	swait.ge [sflag:s4], $0x0  }
0x19: {  	s7 =	sld [smem:$0x3F91]  }
0x1a: {  	s8 =	sadd.s32 $0xFFFFE003, lr  }
0x1b: {  	s9 =	sadd.s32 $0xFFFFFEF7, lr;
	s5 =	simm.s32 $0xFFFFFFFF;
	p2 =	slt.u32 s8, $0xFFFFF086  }
0x1c: {  	p1 =	slt.u32 s9, $0xF7A;
	s5 =	simm.s32 @!p2 $0x0  }
0x1d: {  	s5 =	simm.s32 @p1 $0x1;
	p0 =	seq.s32 s7, s2  }
0x1e: {  	s7 =	smul.u32 @!p0 $0xF7A, s2;
	p2 =	seq.s32 @!p0 s5, $0x0  }
0x1f: {  	s9 =	smul.u32 $0xF7A, s1;
	s8 =	simm.s32 @!p0 $0x1BF5;
	p2 =	por !p2, p0  }
0x20: {  	[sflag:s8] =	ssyncset.s32 @!p0 $0xFFFFF086;
	s6 =	sadd.s32 @!p0 s3, s7;
	s7 =	simm.s32 @!p0 $0x108  }
0x21: {  	s3 =	sadd.s32 s3, s9;
	s6 =	sadd.s32 @!p0 $0x88, s6;
	s7 =	simm.s32 @p2 $0x1082  }
0x22: {  	[simem:s7], [sflag:s8] =	dma.local @!p0 [hbm:s6], $0xF7A  }
0x23: {  	s9 =	sor.u32 $0xD0000000, s2;
	s6 =	simm.s32 $0x108;
	_ =	swait.ge @!p0 [sflag:s8], $0x0  }
0x24: {  	s3 =	sadd.s32 $0x88, s3;
	s6 =	simm.s32 @!p1 $0x1082;
	[sflag:s4] =	ssyncset.s32 $0xFFFFF086  }
0x25: {  	[simem:s6], [sflag:s4] =	dma.local [hbm:s3], $0xF7A  }
0x26: {  	[smem:$0x3F91] =	sst s1;
	(tag) =	ssettag s2;
	_ =	strace s9  }
0x27: {  	s1 =	sld [smem:$0x3FA1]  }
0x28: {  	s2 =	sld [smem:$0x3FA2]  }
0x29: {  	s4 =	sld [smem:$0x3FA4]  }
0x2a: {  	p0 =	seq.s32 s5, $0x0;
	s5 =	sld [smem:$0x3FA5]  }
0x2b: {  	s6 =	sld [smem:$0x3FA6]  }
0x2c: {  	s7 =	sld [smem:$0x3FA7]  }
0x2d: {  	s3 =	simm.s32 $0x108;
	s8 =	sld [smem:$0x3FA8]  }
0x2e: {  	s3 =	simm.s32 @!p0 $0x1082;
	s9 =	sld [smem:$0x3FA9]  }
0x2f: {  	lr =	sadd.s32 s0, s3;
	s0 =	sld [smem:$0x3FA0]  }
0x30: {  	s3 =	sld [smem:$0x3FA3]  }
0x31: {  	[smem:$0x3FAC] =	sst s10  }
0x32: {  	s10 =	sld [smem:$0x3FAA];
	_ =	sdelay $0x3  }
0x33: {  	p0 =	seq.s32 s10, $0x1;
	s10 =	sld [smem:$0x3FAC];
	_ =	sdelay $0x3  }
0x34: {  	[smem:$0x3FAC] =	sst s10  }
0x35: {  	s10 =	sld [smem:$0x3FAB];
	_ =	sdelay $0x3  }
0x36: {  	p1 =	seq.s32 s10, $0x1;
	s10 =	sld [smem:$0x3FAC];
	_ =	sdelay $0x3  }
0x37: {  	[smem:$0x3FAC] =	sst s10  }
0x38: {  	s10 =	sld [smem:$0x3FAD]  }
0x39: {  	_ = 	snop;
	(pc) =	sbr.ind lr, $3  }
0x3a: {  	_ = 	snop  }
0x3b: {  	_ = 	snop  }
0x3c: {  	p2 =	seq.s32 s10, $0x1;
	s10 =	sld [smem:$0x3FAC]  }
0x3d: {  	_ =	shalt  }
0x3e: {  	_ =	shalt  }
0x3f: {  	_ =	shalt  }
0x40: {  	_ =	shalt  }
0x41: {  	_ =	shalt  }
0x42: {  	_ =	shalt  }
0x43: {  	_ =	shalt  }
0x44: {  	_ =	shalt  }
0x45: {  	_ =	shalt  }
0x46: {  	_ =	shalt  }
0x47: {  	_ =	shalt  }
0x48: {  	_ =	shalt  }
0x49: {  	_ =	shalt  }
0x4a: {  	_ =	shalt  }
0x4b: {  	_ =	shalt  }
0x4c: {  	_ =	shalt  }
0x4d: {  	_ =	shalt  }
0x4e: {  	_ =	shalt  }
0x4f: {  	_ =	shalt  }
0x50: {  	_ =	shalt  }
0x51: {  	_ =	shalt  }
0x52: {  	_ =	shalt  }
0x53: {  	_ =	shalt  }
0x54: {  	_ =	shalt  }
0x55: {  	_ =	shalt  }
0x56: {  	_ =	shalt  }
0x57: {  	_ =	shalt  }
0x58: {  	_ =	shalt  }
0x59: {  	_ =	shalt  }
0x5a: {  	_ =	shalt  }
0x5b: {  	_ =	shalt  }
0x5c: {  	_ =	shalt  }
0x5d: {  	_ =	shalt  }
0x5e: {  	_ =	shalt  }
0x5f: {  	_ =	shalt  }
0x60: {  	_ =	shalt  }
0x61: {  	_ =	shalt  }
0x62: {  	_ =	shalt  }
0x63: {  	_ =	shalt  }
0x64: {  	_ =	shalt  }
0x65: {  	_ =	shalt  }
0x66: {  	_ =	shalt  }
0x67: {  	_ =	shalt  }
0x68: {  	_ =	shalt  }
0x69: {  	_ =	shalt  }
0x6a: {  	_ =	shalt  }
0x6b: {  	_ =	shalt  }
0x6c: {  	_ =	shalt  }
0x6d: {  	_ =	shalt  }
0x6e: {  	_ =	shalt  }
0x6f: {  	_ =	shalt  }
0x70: {  	_ =	shalt  }
0x71: {  	_ =	shalt  }
0x72: {  	_ =	shalt  }
0x73: {  	_ =	shalt  }
0x74: {  	_ =	shalt  }
0x75: {  	_ =	shalt  }
0x76: {  	_ =	shalt  }
0x77: {  	_ =	shalt  }
0x78: {  	_ =	shalt  }
0x79: {  	_ =	shalt  }
0x7a: {  	_ =	shalt  }
0x7b: {  	_ =	shalt  }
0x7c: {  	_ =	shalt  }
0x7d: {  	_ =	shalt  }
0x7e: {  	_ =	shalt  }
0x7f: {  	_ =	shalt  }
0x80: {  	_ =	shalt  }
0x81: {  	_ =	shalt  }
0x82: {  	_ =	shalt  }
0x83: {  	_ =	shalt  }
0x84: {  	_ =	shalt  }
0x85: {  	_ =	shalt  }
0x86: {  	_ =	shalt  }
0x87: {  	_ =	shalt  }
.Lfunc_end0:
.L_simem_size_0:
called_computation.3_lowered:
.L_overlay_start_0:
0x88: {  	s2 =	sld [smem:$0x3FD9]  }
0x89: {  	s3 =	sld [smem:$0x3FFE];
	_ =	sdelay $0x1  }
0x8a: {  	s1 =	srdreg.scid  }
0x8b: {  	s0 =	sand.u32 $0x1, s1  }
0x8c: {  	s16 =	sshll.u32 s0, $0xA;
	s2 =	sadd.s32 s3, s2  }
0x8d: {  	s2 =	sadd.s32 s2, s16  }
0x8e: {  	[smem:$0x3FB8] =	sst s2  }
0x8f: {  	_ = 	snop  }
0x90: {  	(tm) =	ssettm $0x1  }
0x91: {  	s17 =	sld [smem:$0x3FFB];
	_ =	sdelay $0x3  }
0x92: {  	_ =	strace s17  }
0x93: {  	s2 =	sld [smem:$0x3FFC];
	_ =	sdelay $0x3  }
0x94: {  	_ =	strace s2  }
0x95: {  	s2 =	sld [smem:$0x3FFD];
	_ =	sdelay $0x3  }
0x96: {  	_ =	strace s2  }
0x97: {  	_ =	strace $0x8FFFFFFF  }
0x98: {  	s18 =	sld [smem:$0x3FDB];
	_ =	sdelay $0x1  }
0x99: {  	s19 =	simm.s32 $_scs_section_size  }
0x9a: {  	s4 =	simm.s32 $_size__tile_overlayer_lowered;
	s5 =	simm.s32 $_tile_overlayer_lowered  }
0x9b: {  	s22 =	simm.s32 $0x1BFF;
	s21 =	sshll.u32 s5, $0x1;
	s2 =	sadd.s32 s19, s18  }
0x9c: {  	s6 =	simm.s32 $0x0;
	s20 =	sshll.u32 s4, $0x1;
	s4 =	sadd.s32 s21, s2  }
0x9d: {  	[timem:s6], [sflag:s22] =	dma.local [hbm:s4], s20  }
0x9e: {  	_ =	swait.ge [sflag:s22], s20  }
0x9f: {  	s3 =	ssub.s32 $0x0, s20;
	[sflag:s22] =	ssyncset.done $0x0  }
0xa0: {  	[sflag:s22] =	ssyncadd.s32 s3;
	_ =	sdelay $0x1  }
0xa1: {  	s23 =	simm.s32 $0x1B8B  }
0xa2: {  	_ =	swait.ge [sflag:s23], $0x1  }
0xa3: {  	[sflag:s23] =	ssyncset.done $0x0  }
0xa4: {  	s25 =	simm.s32 $0x1B8E;
	s24 =	sld [smem:$0x3FFE];
	[sflag:s23] =	ssyncadd.s32 $0xFFFFFFFF  }
0xa5: {  	s26 =	simm.s32 $execute0_lowered;
	[smem:$0x3FD2] =	sst s25  }
0xa6: {  	s4 =	sshll.u32 s26, $0x1;
	_ =	strace $0x8000004F;
	[dreg:$0x1] =	wrdreg $0xFFFFFFFF  }
0xa7: {  	s28 =	simm.s32 $_size_execute0_lowered;
	s2 =	sadd.s32 s2, s4;
	[dreg:$0x0] =	wrdreg $0x0  }
0xa8: {  	s4 =	sshll.u32 s28, $0x1;
	[dreg:$0x2] =	wrdreg s2  }
0xa9: {  	[dreg:$0x3] =	wrdreg s4  }
0xaa: {  	[dreg:$0x4] =	wrdreg $0xC0  }
0xab: {  	_ =	task [dreg:s6], $0x5FFFF  }
0xac: {  	[dreg:$0x1] =	wrdreg $0xFFFFFFFF  }
0xad: {  	[dreg:$0x0] =	wrdreg $0x60  }
0xae: {  	[dreg:$0x2] =	wrdreg s24  }
0xaf: {  	[dreg:$0x3] =	wrdreg $0x90000  }
0xb0: {  	[dreg:$0x4] =	wrdreg $0x9  }
0xb1: {  	_ =	task.clear_ibuf [dreg:s6], $0x5FFFF;
	_ =	strace $0x9000004F  }
0xb2: {  	s29 =	simm.s32 $0x9;
	_ =	strace $0x80000051  }
0xb3: {  	_ =	swait.ge [sflag:s29], $0x1  }
0xb4: {  	[sflag:s29] =	ssyncadd.s32 $0xFFFFFFFF  }
0xb5: {  	_ =	strace $0x90000051  }
0xb6: {  	_ =	sfence  }
0xb7: {  	s30 =	sld [smem:$0x0];
	_ =	sdelay $0x2  }
0xb8: {  	s31 =	sshll.u32 s1, $0xD;
	s1 =	sshrl.u32 s1, $0x2  }
0xb9: {  	s3 =	sand.u32 $0x4000, s31;
	s1 =	sadd.s32 s1, s30  }
0xba: {  	s0 =	sor.u32 s3, s0;
	s1 =	sshll.u32 s1, $0x11  }
0xbb: {  	s0 =	sor.u32 s1, s0  }
0xbc: {  	s0 =	sadd.s32 $0x8F2B, s0  }
0xbd: {  	[sflag:s0] =	ssyncadd.remote.s32 $0x1  }
0xbe: {  	_ =	sfence.sel $0xFFFF  }
0xbf: {  	[dreg:$0x0] =	wrdreg $0xFFFFFFFF;
	(pc) =	sbr.abs _section_cstart, $3  }
0xc0: {  	[dreg:$0x1] =	wrdreg $0xFFFFFFFF  }
0xc1: {  	_ =	task.clear_ibuf [dreg:s6], $0x2FFFF;
	_ =	strace $0x9FFFFFFF  }
0xc2: {  	(tm) =	ssettm $0x7FFFFFFF  }
0xc3: {  	_ =	shalt  }
tec
execute0_lowered:
.L_overlay_start_1:
0x0: {  	(tag) =	ssettag $0x1  }
0x1: {  	s0 =	srdreg.scid;
	s5 =	rddreg [dreg:$0x0]  }
0x2: {  	s10 =	stileid.u32;
	s2 =	rddreg [dreg:$0x1];
	s3 =	simm.s32 $0x0  }
0x3: {  	s12 =	simm.s32 $0x9;
	s13 =	simm.s32 $0x2800;
	s14 =	simm.s32 $0x80  }
0x4: {  	s15 =	simm.s32 $0x5000;
	s16 =	simm.s32 $0x6000;
	s18 =	simm.s32 $0x7000  }
0x5: {  	s19 =	simm.s32 $0x1;
	s21 =	simm.s32 $0x8000;
	s22 =	simm.s32 $0x2  }
0x6: {  	s24 =	simm.s32 $0x5;
	s29 =	simm.s32 $0x6;
	s31 =	simm.s32 $0x4  }
0x7: {  	s17 =	simm.s32 $0x8;
	s30 =	simm.s32 $0x4F00;
	s20 =	simm.s32 $0x0  }
0x8: {  	s0 =	sand.u32 $0x1, s0;
	s1 =	sshll.u32 s10, $0x1;
	s6 =	smul.u32 $0x4F00, s10  }
0x9: {  	[smem:$0x7FF] =	sst s3;
	s4 =	sadd.s32 $0xDC00, s5;
	s28 =	sshll.u32 s10, $0x6  }
0xa: {  	s1 =	sor.u32 s0, s1;
	s7 =	smul.u32 $0x4F000, s0;
	_ =	strace $0x80000050  }
0xb: {  	s0 =	ssub.s32 $0x2, s0;
	s1 =	smul.u32 $0x500, s1;
	s8 =	sshrl.u32 s6, $0x3  }
0xc: {  	s26 =	sshrl.u32 s0, $0x1;
	s11 =	sadd.s32 s6, s2;
	s7 =	sadd.s32 s6, s7  }
0xd: {  	s8 =	sadd.s32 s8, s5;
	s0 =	ssub.s32 s0, s26;
	s6 =	sor.u32 $0x1C09, s28  }
0xe: {  	s11 =	sshrl.u32 s11, $0x3;
	s26 =	simm.s32 $0x3;
	s1 =	sadd.s32 s1, s5  }
0xf: {  	s7 =	sshrl.u32 s7, $0x3;
	s10 =	smax.u32 s0, $0x1;
	s0 =	simm.s32 $0x7  }
0x10: {  	s9 =	sadd.s32 s7, s5;
	s5 =	sadd.s32 $0x4DC00, s8;
	s7 =	sadd.s32 $0x1CA00, s1  }
0x11: {  	s8 =	sadd.s32 $0x3C00, s1;
	s1 =	simm.s32 $0x4F80;
	s9 =	sadd.s32 $0x57A00, s9  }
.LBB2_1:
0x12: {  	[spmem:s11], [sflag:s6] =	dma.local [hbm:s5], $0x9E0  }
0x13: {  	_ =	swait.ge [sflag:s12], $0x9E0  }
0x14: {  	[sflag:s12] =	ssyncset.done $0x0  }
0x15: {  	[sflag:s12] =	ssyncadd.s32 $0xFFFFF620  }
0x16: {  	[bflag:$0x0] =	sbarrier.arrive $0xFFFF  }
0x17: {  	[tilespmem:s3], [sflag:$0x9] =	stream.linear.gather [hbm4b:s7+s3], $0x2800, $0x38;
	[tilespmem:$0xDF00] =	vst v63  }
0x18: {  	_ =	swait.ge [sflag:s12], $0x2800  }
0x19: {  	[sflag:s12] =	ssyncset.done $0x0  }
0x1a: {  	[sflag:s12] =	ssyncadd.s32 $0xFFFFD800  }
0x1b: {  	[tilespmem:s13], [sflag:$0x9] =	stream.linear.gather [hbm4b:s8+s3], $0x2800, $0x38;
	[tilespmem:$0xDF00] =	vst v63  }
0x1c: {  	_ =	swait.ge [sflag:s12], $0x2800  }
0x1d: {  	[sflag:s12] =	ssyncset.done $0x0  }
0x1e: {  	[sflag:s12] =	ssyncadd.s32 $0xFFFFD800  }
0x1f: {  	[tilespmem:s15], [sflag:$0x1] =	stream.indirect.gather [hbm4b:s4+s14], $0x20, s3, s14, $0xb8;
	[tilespmem:$0xDF00] =	vst v63  }
0x20: {  	_ = 	snop  }
0x21: {  	[tilespmem:s16], [sflag:$0x2] =	stream.indirect.gather [hbm4b:s4+s14], $0x20, s14, s14, $0xb8;
	[tilespmem:$0xDF00] =	vst v63  }
0x22: {  	s23 =	simm.s32 $0x100  }
0x23: {  	[tilespmem:s18], [sflag:$0x3] =	stream.indirect.gather [hbm4b:s4+s14], $0x20, s23, s14, $0xb8;
	[tilespmem:$0xDF00] =	vst v63  }
0x24: {  	_ =	swait.ge [sflag:s19], $0x1000  }
0x25: {  	[sflag:s19] =	ssyncset.done $0x0  }
0x26: {  	[sflag:s19] =	ssyncadd.s32 $0xFFFFF000  }
0x27: {  	[spmem:s2] =	stream.indirect.scatter.add.f32 [tilespmem:s15], [sflag:$0x5], $0x20, s13, s14, $0xb8;
	[tilespmem:$0xDF00] =	vst v63  }
0x28: {  	s28 =	simm.s32 $0x180  }
0x29: {  	[tilespmem:s21], [sflag:$0x4] =	stream.indirect.gather [hbm4b:s4+s14], $0x20, s28, s14, $0xb8;
	[tilespmem:$0xDF00] =	vst v63  }
0x2a: {  	_ =	swait.ge [sflag:s22], $0x1000  }
0x2b: {  	[sflag:s22] =	ssyncset.done $0x0  }
0x2c: {  	s25 =	simm.s32 $0x2880;
	[sflag:s22] =	ssyncadd.s32 $0xFFFFF000  }
0x2d: {  	[spmem:s2] =	stream.indirect.scatter.add.f32 [tilespmem:s16], [sflag:$0x6], $0x20, s25, s14, $0xb8;
	[tilespmem:$0xDF00] =	vst v63  }
0x2e: {  	_ =	swait.ge [sflag:s24], $0x1000  }
0x2f: {  	[sflag:s24] =	ssyncset.done $0x0  }
0x30: {  	s28 =	simm.s32 $0x200;
	[sflag:s24] =	ssyncadd.s32 $0xFFFFF000  }
0x31: {  	[tilespmem:s15], [sflag:$0x1] =	stream.indirect.gather [hbm4b:s4+s14], $0x20, s28, s14, $0xb8;
	[tilespmem:$0xDF00] =	vst v63  }
0x32: {  	_ =	swait.ge [sflag:s26], $0x1000  }
0x33: {  	[sflag:s26] =	ssyncset.done $0x0  }
0x34: {  	s25 =	simm.s32 $0x2900;
	[sflag:s26] =	ssyncadd.s32 $0xFFFFF000  }
0x35: {  	[spmem:s2] =	stream.indirect.scatter.add.f32 [tilespmem:s18], [sflag:$0x7], $0x20, s25, s14, $0xb8;
	[tilespmem:$0xDF00] =	vst v63  }
0x36: {  	_ =	swait.ge [sflag:s29], $0x1000  }
0x37: {  	[sflag:s29] =	ssyncset.done $0x0  }
0x38: {  	s28 =	simm.s32 $0x280;
	[sflag:s29] =	ssyncadd.s32 $0xFFFFF000  }
0x39: {  	[tilespmem:s16], [sflag:$0x2] =	stream.indirect.gather [hbm4b:s4+s14], $0x20, s28, s14, $0xb8;
	[tilespmem:$0xDF00] =	vst v63  }
0x3a: {  	_ =	swait.ge [sflag:s31], $0x1000  }
0x3b: {  	[sflag:s31] =	ssyncset.done $0x0  }
0x3c: {  	s25 =	simm.s32 $0x2980;
	[sflag:s31] =	ssyncadd.s32 $0xFFFFF000  }
0x3d: {  	[spmem:s2] =	stream.indirect.scatter.add.f32 [tilespmem:s21], [sflag:$0x8], $0x20, s25, s14, $0xb8;
	[tilespmem:$0xDF00] =	vst v63  }
0x3e: {  	_ =	swait.ge [sflag:s0], $0x1000  }
0x3f: {  	[sflag:s0] =	ssyncset.done $0x0  }
0x40: {  	s28 =	simm.s32 $0x300;
	[sflag:s0] =	ssyncadd.s32 $0xFFFFF000  }
0x41: {  	[tilespmem:s18], [sflag:$0x3] =	stream.indirect.gather [hbm4b:s4+s14], $0x20, s28, s14, $0xb8;
	[tilespmem:$0xDF00] =	vst v63  }
0x42: {  	_ =	swait.ge [sflag:s19], $0x1000  }
0x43: {  	[sflag:s19] =	ssyncset.done $0x0  }
0x44: {  	s25 =	simm.s32 $0x2A00;
	[sflag:s19] =	ssyncadd.s32 $0xFFFFF000  }
0x45: {  	[spmem:s2] =	stream.indirect.scatter.add.f32 [tilespmem:s15], [sflag:$0x5], $0x20, s25, s14, $0xb8;
	[tilespmem:$0xDF00] =	vst v63  }
0x46: {  	_ =	swait.ge [sflag:s17], $0x1000  }
0x47: {  	[sflag:s17] =	ssyncset.done $0x0  }
0x48: {  	s28 =	simm.s32 $0x380;
	[sflag:s17] =	ssyncadd.s32 $0xFFFFF000  }
0x49: {  	[tilespmem:s21], [sflag:$0x4] =	stream.indirect.gather [hbm4b:s4+s14], $0x20, s28, s14, $0xb8;
	[tilespmem:$0xDF00] =	vst v63  }
0x4a: {  	_ =	swait.ge [sflag:s22], $0x1000  }
0x4b: {  	[sflag:s22] =	ssyncset.done $0x0  }
0x4c: {  	s25 =	simm.s32 $0x2A80;
	[sflag:s22] =	ssyncadd.s32 $0xFFFFF000  }
0x4d: {  	[spmem:s2] =	stream.indirect.scatter.add.f32 [tilespmem:s16], [sflag:$0x6], $0x20, s25, s14, $0xb8;
	[tilespmem:$0xDF00] =	vst v63  }
0x4e: {  	_ =	swait.ge [sflag:s24], $0x1000  }
0x4f: {  	[sflag:s24] =	ssyncset.done $0x0  }
0x50: {  	s28 =	simm.s32 $0x400;
	[sflag:s24] =	ssyncadd.s32 $0xFFFFF000  }
0x51: {  	[tilespmem:s15], [sflag:$0x1] =	stream.indirect.gather [hbm4b:s4+s14], $0x20, s28, s14, $0xb8;
	[tilespmem:$0xDF00] =	vst v63  }
0x52: {  	_ =	swait.ge [sflag:s26], $0x1000  }
0x53: {  	[sflag:s26] =	ssyncset.done $0x0  }
0x54: {  	s25 =	simm.s32 $0x2B00;
	[sflag:s26] =	ssyncadd.s32 $0xFFFFF000  }
0x55: {  	[spmem:s2] =	stream.indirect.scatter.add.f32 [tilespmem:s18], [sflag:$0x7], $0x20, s25, s14, $0xb8;
	[tilespmem:$0xDF00] =	vst v63  }
0x56: {  	_ =	swait.ge [sflag:s29], $0x1000  }
0x57: {  	[sflag:s29] =	ssyncset.done $0x0  }
0x58: {  	s28 =	simm.s32 $0x480;
	[sflag:s29] =	ssyncadd.s32 $0xFFFFF000  }
0x59: {  	[tilespmem:s16], [sflag:$0x2] =	stream.indirect.gather [hbm4b:s4+s14], $0x20, s28, s14, $0xb8;
	[tilespmem:$0xDF00] =	vst v63  }
0x5a: {  	_ =	swait.ge [sflag:s31], $0x1000  }
0x5b: {  	[sflag:s31] =	ssyncset.done $0x0  }
0x5c: {  	s23 =	simm.s32 $0x800;
	s25 =	simm.s32 $0x2B80;
	[sflag:s31] =	ssyncadd.s32 $0xFFFFF000  }
.LBB2_2:
0x5d: {  	[spmem:s2] =	stream.indirect.scatter.add.f32 [tilespmem:s21], [sflag:$0x8], $0x20, s25, s14, $0xb8;
	[tilespmem:$0xDF00] =	vst v63  }
0x5e: {  	s25 =	smov.u32 s23  }
0x5f: {  	p0 =	sne.s32 s23, $0x8800;
	s23 =	sadd.s32 $0x800, s23;
	_ =	swait.ge [sflag:s0], $0x1000  }
0x60: {  	s25 =	sshra.s32 s25, $0x2;
	[sflag:s0] =	ssyncset.done $0x0  }
0x61: {  	s28 =	sadd.s32 $0x300, s25;
	[sflag:s0] =	ssyncadd.s32 $0xFFFFF000  }
0x62: {  	[tilespmem:s18], [sflag:$0x3] =	stream.indirect.gather [hbm4b:s4+s14], $0x20, s28, s14, $0xb8;
	[tilespmem:$0xDF00] =	vst v63  }
0x63: {  	_ =	swait.ge [sflag:s19], $0x1000  }
0x64: {  	[sflag:s19] =	ssyncset.done $0x0  }
0x65: {  	s28 =	sadd.s32 $0x2A00, s25;
	[sflag:s19] =	ssyncadd.s32 $0xFFFFF000  }
0x66: {  	[spmem:s2] =	stream.indirect.scatter.add.f32 [tilespmem:s15], [sflag:$0x5], $0x20, s28, s14, $0xb8;
	[tilespmem:$0xDF00] =	vst v63  }
0x67: {  	_ =	swait.ge [sflag:s17], $0x1000  }
0x68: {  	[sflag:s17] =	ssyncset.done $0x0  }
0x69: {  	s28 =	sadd.s32 $0x380, s25;
	[sflag:s17] =	ssyncadd.s32 $0xFFFFF000  }
0x6a: {  	[tilespmem:s21], [sflag:$0x4] =	stream.indirect.gather [hbm4b:s4+s14], $0x20, s28, s14, $0xb8;
	[tilespmem:$0xDF00] =	vst v63  }
0x6b: {  	_ =	swait.ge [sflag:s22], $0x1000  }
0x6c: {  	[sflag:s22] =	ssyncset.done $0x0  }
0x6d: {  	s28 =	sadd.s32 $0x2A80, s25;
	[sflag:s22] =	ssyncadd.s32 $0xFFFFF000  }
0x6e: {  	[spmem:s2] =	stream.indirect.scatter.add.f32 [tilespmem:s16], [sflag:$0x6], $0x20, s28, s14, $0xb8;
	[tilespmem:$0xDF00] =	vst v63  }
0x6f: {  	_ =	swait.ge [sflag:s24], $0x1000  }
0x70: {  	[sflag:s24] =	ssyncset.done $0x0  }
0x71: {  	s28 =	sadd.s32 $0x400, s25;
	[sflag:s24] =	ssyncadd.s32 $0xFFFFF000  }
0x72: {  	[tilespmem:s15], [sflag:$0x1] =	stream.indirect.gather [hbm4b:s4+s14], $0x20, s28, s14, $0xb8;
	[tilespmem:$0xDF00] =	vst v63  }
0x73: {  	_ =	swait.ge [sflag:s26], $0x1000  }
0x74: {  	[sflag:s26] =	ssyncset.done $0x0  }
0x75: {  	s28 =	sadd.s32 $0x2B00, s25;
	[sflag:s26] =	ssyncadd.s32 $0xFFFFF000  }
0x76: {  	[spmem:s2] =	stream.indirect.scatter.add.f32 [tilespmem:s18], [sflag:$0x7], $0x20, s28, s14, $0xb8;
	[tilespmem:$0xDF00] =	vst v63  }
0x77: {  	_ =	swait.ge [sflag:s29], $0x1000  }
0x78: {  	[sflag:s29] =	ssyncset.done $0x0  }
.Ltmp0:
0x79: {  	s28 =	sadd.s32 $0x480, s25;
	[sflag:s29] =	ssyncadd.s32 $0xFFFFF000;
	(pc) =	sbr.rel @p0 .LBB2_2-.Ltmp0, $4  }
0x7a: {  	[tilespmem:s16], [sflag:$0x2] =	stream.indirect.gather [hbm4b:s4+s14], $0x20, s28, s14, $0xb8;
	[tilespmem:$0xDF00] =	vst v63  }
0x7b: {  	_ =	swait.ge [sflag:s31], $0x1000  }
0x7c: {  	[sflag:s31] =	ssyncset.done $0x0  }
0x7d: {  	s25 =	sadd.s32 $0x2B80, s25;
	[sflag:s31] =	ssyncadd.s32 $0xFFFFF000  }
0x7e: {  	[spmem:s2] =	stream.indirect.scatter.add.f32 [tilespmem:s21], [sflag:$0x8], $0x20, s25, s14, $0xb8;
	[tilespmem:$0xDF00] =	vst v63  }
0x7f: {  	_ =	swait.ge [sflag:s0], $0x1000  }
0x80: {  	[sflag:s0] =	ssyncset.done $0x0  }
0x81: {  	s23 =	simm.s32 $0x2700;
	[sflag:s0] =	ssyncadd.s32 $0xFFFFF000  }
0x82: {  	[tilespmem:s18], [sflag:$0x3] =	stream.indirect.gather [hbm4b:s4+s14], $0x20, s23, s14, $0xb8;
	[tilespmem:$0xDF00] =	vst v63  }
0x83: {  	_ =	swait.ge [sflag:s19], $0x1000  }
0x84: {  	[sflag:s19] =	ssyncset.done $0x0  }
0x85: {  	s28 =	simm.s32 $0x4E00;
	[sflag:s19] =	ssyncadd.s32 $0xFFFFF000  }
0x86: {  	[spmem:s2] =	stream.indirect.scatter.add.f32 [tilespmem:s15], [sflag:$0x5], $0x20, s28, s14, $0xb8;
	[tilespmem:$0xDF00] =	vst v63  }
0x87: {  	_ =	swait.ge [sflag:s17], $0x1000  }
0x88: {  	[sflag:s17] =	ssyncset.done $0x0  }
0x89: {  	s25 =	simm.s32 $0x2780;
	[sflag:s17] =	ssyncadd.s32 $0xFFFFF000  }
0x8a: {  	[tilespmem:s21], [sflag:$0x4] =	stream.indirect.gather [hbm4b:s4+s14], $0x20, s25, s14, $0xb8;
	[tilespmem:$0xDF00] =	vst v63  }
0x8b: {  	_ =	swait.ge [sflag:s22], $0x1000  }
0x8c: {  	[sflag:s22] =	ssyncset.done $0x0  }
0x8d: {  	s28 =	simm.s32 $0x4E80;
	[sflag:s22] =	ssyncadd.s32 $0xFFFFF000  }
0x8e: {  	[spmem:s2] =	stream.indirect.scatter.add.f32 [tilespmem:s16], [sflag:$0x6], $0x20, s28, s14, $0xb8;
	[tilespmem:$0xDF00] =	vst v63  }
0x8f: {  	_ =	swait.ge [sflag:s24], $0x1000  }
0x90: {  	[sflag:s24] =	ssyncset.done $0x0  }
0x91: {  	[sflag:s24] =	ssyncadd.s32 $0xFFFFF000  }
0x92: {  	_ =	swait.ge [sflag:s26], $0x1000  }
0x93: {  	[sflag:s26] =	ssyncset.done $0x0  }
0x94: {  	[sflag:s26] =	ssyncadd.s32 $0xFFFFF000  }
0x95: {  	[spmem:s2] =	stream.indirect.scatter.add.f32 [tilespmem:s18], [sflag:$0x7], $0x20, s30, s14, $0xb8;
	[tilespmem:$0xDF00] =	vst v63  }
0x96: {  	_ =	swait.ge [sflag:s29], $0x1000  }
0x97: {  	[sflag:s29] =	ssyncset.done $0x0  }
0x98: {  	[sflag:s29] =	ssyncadd.s32 $0xFFFFF000  }
0x99: {  	_ =	swait.ge [sflag:s31], $0x1000  }
0x9a: {  	[sflag:s31] =	ssyncset.done $0x0  }
0x9b: {  	[sflag:s31] =	ssyncadd.s32 $0xFFFFF000  }
0x9c: {  	[spmem:s2] =	stream.indirect.scatter.add.f32 [tilespmem:s21], [sflag:$0x8], $0x20, s1, s14, $0xb8;
	[tilespmem:$0xDF00] =	vst v63  }
0x9d: {  	_ =	swait.ge [sflag:s0], $0x1000  }
0x9e: {  	[sflag:s0] =	ssyncset.done $0x0  }
0x9f: {  	[sflag:s0] =	ssyncadd.s32 $0xFFFFF000  }
0xa0: {  	_ =	swait.ge [sflag:s17], $0x1000  }
0xa1: {  	s20 =	sadd.s32 $0x1, s20;
	[sflag:s17] =	ssyncset.done $0x0  }
0xa2: {  	p0 =	sne.s32 s20, s10;
	[sflag:s17] =	ssyncadd.s32 $0xFFFFF000  }
.Ltmp1:
0xa3: {  	[bflag:$0x0] =	sbarrier.arrive $0xFFFF;
	(pc) =	sbr.rel @p0 .LBB2_1-.Ltmp1, $4  }
0xa4: {  	[hbm:s9], [sflag:s6] =	dma.local [spmem:s11], $0x9E0  }
0xa5: {  	_ =	swait.ge [sflag:s12], $0x9E0  }
0xa6: {  	[sflag:s12] =	ssyncset.done $0x0  }
0xa7: {  	[sflag:s12] =	ssyncadd.s32 $0xFFFFF620  }
0xa8: {  	_ =	sfence.sel $0x180000  }
0xa9: {  	[bflag:$0x0] =	sbarrier.arrive $0xFFFF  }
0xaa: {  	_ =	strace $0x90000050  }
0xab: {  	s0 =	stileid.u32;
	[bflag:$0x2] =	sbarrier.arrive $0xFFFF  }
0xac: {  	p0 =	sne.s32 s0, $0x0;
	s0 =	rddreg [dreg:$0x2]  }
0xad: {  	s0 =	sadd.s32 @!p0 $0x100000, s0  }
0xae: {  	[sflag:s0] =	ssyncadd.tile.s32 @!p0 $0x1;
	_ =	shalt  }
.Lfunc_end2:
_tile_overlayer_lowered:
.L_overlay_start_2:
0xaf: {  	(tag) =	ssettag $0x2  }
0xb0: {  	s0 =	rddreg [dreg:$0x0];
	s2 =	stileid.u32  }
0xb1: {  	s1 =	rddreg [dreg:$0x1];
	p0 =	sne.s32 s2, $0x0  }
0xb2: {  	s3 =	rddreg [dreg:$0x2];
	[bflag:$0x3] =	sbarrier.arrive $0xFFFF;
	s2 =	simm.s32 @!p0 $0x1C09  }
0xb3: {  	[timem:s3], [sflag:s2] =	dma.local @!p0 [hbm:s0], s1  }
0xb4: {  	s0 =	simm.s32 @!p0 $0x9  }
0xb5: {  	_ =	swait.ge @!p0 [sflag:s0], s1  }
0xb6: {  	s1 =	ssub.s32 @!p0 $0x0, s1;
	[sflag:s0] =	ssyncset.done @!p0 $0x0  }
0xb7: {  	[sflag:s0] =	ssyncadd.s32 @!p0 s1  }
0xb8: {  	[bflag:$0x3] =	sbarrier.arrive $0xFFFF  }
0xb9: {  	_ =	shalt  }

</sc_bundles>
